<compile_context>
chip_gen: v7x
topology: tpu7x:2x2x1
jax: 0.10.2.dev20260603
libtpu: 0.0.44.dev20260713+nightly
codegen_flags: <defaults>
</compile_context>

<pallas_src>
import functools

import jax
import jax.numpy as jnp
from jax import lax
from jax.experimental import pallas as pl
from jax.experimental.pallas import tpu as pltpu
from jax.experimental.pallas import tpu_sc as plsc

B = 8
N = 2048
D = 3
K = 16
QB = 512
NS = 512
NT = N - NS
NW = 32
WPB = NW // B
QS = NS // WPB
L = 16

NEG_SCALE = 1e-33
NEG_OFF = 0.125
BIGF = 3e38
IMASK = ~(N - 1)


def _knn_tile(q_ref, pt_ref, dist_ref, src_ref, dst_ref):
    b = pl.program_id(0)
    qb = pl.program_id(1)

    q = q_ref[0]
    p = pt_ref[0]

    dots = jax.lax.dot_general(
        q.astype(jnp.bfloat16), p.astype(jnp.bfloat16),
        (((1,), (0,)), ((), ())),
        preferred_element_type=jnp.float32,
    )
    x2q = jnp.sum(q * q, axis=1, keepdims=True)
    x2p = jnp.sum(p * p, axis=0, keepdims=True)
    dist = x2q + x2p - 2.0 * dots

    cols = jax.lax.broadcasted_iota(jnp.int32, (QB, N), 1)
    rows = jax.lax.broadcasted_iota(jnp.int32, (QB, 1), 0)
    q_glob = rows + qb * QB

    dk = jnp.where(dist < 0.0, (dist + NEG_OFF) * NEG_SCALE, dist)
    keys = ((dk.view(jnp.int32) & IMASK) | cols).view(jnp.float32)
    keys = jnp.where(cols == q_glob, BIGF, keys)

    offset = b * N
    ms = []
    for _ in range(K):
        m = jnp.min(keys, axis=1, keepdims=True)
        ms.append(m)
        keys = jnp.where(keys == m, BIGF, keys)

    mk = jnp.concatenate(ms, axis=1).view(jnp.int32)
    idx = mk & jnp.int32(N - 1)
    val = (mk & jnp.int32(~(N - 1))).view(jnp.float32)
    val = jnp.where((val > 0.0) & (val < jnp.float32(1e-30)),
                    val / NEG_SCALE - NEG_OFF, val)

    dist_ref[0] = val
    src_ref[0] = idx + offset
    dst_ref[0] = jnp.broadcast_to(q_glob + offset, (QB, K))


def _bf16_round(v):
    bits = lax.bitcast_convert_type(v, jnp.int32)
    rbits = (bits + 0x7FFF + (lax.shift_right_logical(bits, 16) & 1)) & ~0xFFFF
    return lax.bitcast_convert_type(rbits, jnp.float32)


def _sc_knn(pts_ref, outd_ref, outs_ref, pf, pb, x2b, resd, ress):
    wid = lax.axis_index("s") * 2 + lax.axis_index("c")
    b = wid // WPB
    part = wid % WPB
    qstart = NT + part * QS

    pltpu.sync_copy(pts_ref.at[b], pf)

    lane = lax.iota(jnp.int32, L)

    def stage(c, _):
        sl = pl.ds(c * L, L)
        vx = pf[0, sl]
        vy = pf[1, sl]
        vz = pf[2, sl]
        pb[0, sl] = _bf16_round(vx)
        pb[1, sl] = _bf16_round(vy)
        pb[2, sl] = _bf16_round(vz)
        x2b[sl] = vx * vx + vy * vy + vz * vz
        return 0

    lax.fori_loop(0, N // L, stage, 0)

    def per_query(qi, _):
        q = qstart + qi
        qsl = pl.ds((q // L) * L, L)
        lsel = jnp.full((L,), q % L, jnp.int32)

        def bcast(v):
            return v.at[lsel].get(mode="promise_in_bounds")

        qx = bcast(pf[0, qsl])
        qy = bcast(pf[1, qsl])
        qz = bcast(pf[2, qsl])
        x2q = bcast(x2b[qsl])
        qxb = _bf16_round(qx)
        qyb = _bf16_round(qy)
        qzb = _bf16_round(qz)

        def chunk(c, state):
            sl = pl.ds(c * L, L)
            dots = qxb * pb[0, sl]
            dots = dots + qyb * pb[1, sl]
            dots = dots + qzb * pb[2, sl]
            dist = (x2q + x2b[sl]) - 2.0 * dots
            dk = jnp.where(dist < 0.0, (dist + NEG_OFF) * NEG_SCALE, dist)
            col = lane + c * L
            keys = lax.bitcast_convert_type(
                (lax.bitcast_convert_type(dk, jnp.int32) & IMASK) | col,
                jnp.float32)
            v = jnp.where(col == q, BIGF, keys)
            out = []
            for s in state:
                lo = jnp.minimum(s, v)
                v = jnp.maximum(s, v)
                out.append(lo)
            return tuple(out)

        init = tuple(jnp.full((L,), BIGF, jnp.float32) for _ in range(K))
        state = lax.fori_loop(0, N // L, chunk, init)

        cur = list(state)
        res = jnp.full((L,), BIGF, jnp.float32)
        for k in range(K):
            m = cur[0]
            for s in cur[1:]:
                m = jnp.minimum(m, s)
            for h in (8, 4, 2, 1):
                m = jnp.minimum(m, m.at[lane ^ h].get(mode="promise_in_bounds"))
            res = jnp.where(lane == k, m, res)
            cur = [jnp.where(s == m, BIGF, s) for s in cur]

        kb = lax.bitcast_convert_type(res, jnp.int32)
        idx = kb & (N - 1)
        vb = lax.bitcast_convert_type(kb & IMASK, jnp.float32)
        val = jnp.where((vb > 0.0) & (vb < 1e-30),
                        vb / NEG_SCALE - NEG_OFF, vb)
        osl = pl.ds(qi * K, K)
        resd[osl] = val
        ress[osl] = idx + b * N
        return 0

    lax.fori_loop(0, QS, per_query, 0)

    off = (b * NS + part * QS) * K
    pltpu.sync_copy(resd, outd_ref.at[pl.ds(off, QS * K)])
    pltpu.sync_copy(ress, outs_ref.at[pl.ds(off, QS * K)])


_sc_call = functools.partial(
    pl.kernel,
    out_type=[
        jax.ShapeDtypeStruct((B * NS * K,), jnp.float32),
        jax.ShapeDtypeStruct((B * NS * K,), jnp.int32),
    ],
    mesh=plsc.VectorSubcoreMesh(core_axis_name="c", subcore_axis_name="s"),
    scratch_types=[
        pltpu.VMEM((D, N), jnp.float32),
        pltpu.VMEM((D, N), jnp.float32),
        pltpu.VMEM((N,), jnp.float32),
        pltpu.VMEM((QS * K,), jnp.float32),
        pltpu.VMEM((QS * K,), jnp.int32),
    ],
)(_sc_knn)


@jax.jit
def kernel(points):
    pts_t = jnp.transpose(points, (0, 2, 1))
    dist_sc, src_sc = _sc_call(pts_t)
    grid = (B, NT // QB)
    dist_tc, src_tc, dst_tc = pl.pallas_call(
        _knn_tile,
        grid=grid,
        in_specs=[
            pl.BlockSpec((1, QB, D), lambda b, q: (b, q, 0)),
            pl.BlockSpec((1, D, N), lambda b, q: (b, 0, 0)),
        ],
        out_specs=[
            pl.BlockSpec((1, QB, K), lambda b, q: (b, q, 0)),
            pl.BlockSpec((1, QB, K), lambda b, q: (b, q, 0)),
            pl.BlockSpec((1, QB, K), lambda b, q: (b, q, 0)),
        ],
        out_shape=[
            jax.ShapeDtypeStruct((B, NT, K), jnp.float32),
            jax.ShapeDtypeStruct((B, NT, K), jnp.int32),
            jax.ShapeDtypeStruct((B, NT, K), jnp.int32),
        ],
    )(points, pts_t)

    dist_sc = dist_sc.reshape(B, NS, K)
    src_sc = src_sc.reshape(B, NS, K)
    dst_sc = (jnp.arange(NT, N, dtype=jnp.int32)[None, :, None]
              + (jnp.arange(B, dtype=jnp.int32) * N)[:, None, None])
    dst_sc = jnp.broadcast_to(dst_sc, (B, NS, K))

    dist = jnp.concatenate([dist_tc, dist_sc], axis=1)
    src = jnp.concatenate([src_tc, src_sc], axis=1)
    dst = jnp.concatenate([dst_tc, dst_sc], axis=1)
    edge_index = jnp.stack([src.reshape(-1), dst.reshape(-1)], axis=0)
    return (dist, edge_index)

# --- scband reference (transcript-rebuilt; emitter-appended) ---
"""Pipeline reference for scband-graph-creator-46488726012262 (READ-ONLY COPY).

The authoritative reference and input builder live on the scoring server;
editing this copy changes nothing except your own understanding.
"""

import jax, jax.numpy as jnp
import numpy as np

K = 16  # neighbors (self.n in GraphCreator, used as k for knn_graph)

def setup_inputs(seed: int = 0) -> dict:
    key = jax.random.key(seed)
    # irregular spatial coordinates per batch entry: [B, nx, pos_dim]
    points = jax.random.uniform(key, (8, 2048, 3), dtype=jnp.float32)
    return {"points": points}

def reference(points):
    # Faithful kernel of GraphCreator.create_graph for grid_type='irregular':
    # edge_index = knn_graph(x_pos, k=self.n, batch=batch, loop=False)
    # Implemented as batched brute-force kNN (each batch entry is an
    # independent point cloud, matching the `batch` vector semantics).
    B, N, _ = points.shape
    x2 = jnp.sum(points * points, axis=-1)                      # [B, N]
    dots = jnp.einsum('bnd,bmd->bnm', points, points)           # [B, N, N]
    dist2 = x2[:, :, None] + x2[:, None, :] - 2.0 * dots        # [B, N, N]
    eye = jnp.eye(N, dtype=bool)
    dist2 = jnp.where(eye[None, :, :], jnp.inf, dist2)          # loop=False: exclude self
    neg_topk, idx = jax.lax.top_k(-dist2, K)                    # [B, N, K]
    topk_dist = -neg_topk                                       # smallest squared distances
    # global node ids (knn_graph flattens batched point clouds with offsets)
    offsets = (jnp.arange(B, dtype=jnp.int32) * N)[:, None, None]
    src = (idx.astype(jnp.int32) + offsets).reshape(-1)          # neighbor (source) nodes
    dst = (jnp.broadcast_to(jnp.arange(N, dtype=jnp.int32)[None, :, None], (B, N, K)) + offsets).reshape(-1)
    edge_index = jnp.stack([src, dst], axis=0)                  # [2, B*N*K]
    return (topk_dist, edge_index)

if __name__ == "__main__":
    import jax
    _d = setup_inputs()
    print(jax.jit(kernel)(*tuple(_d.values())))

</pallas_src>

<mosaic_0001>
#map = affine_map<(d0, d1) -> (0, 0, 0)>
#map1 = affine_map<(d0, d1) -> (0)>
module attributes {stable_mosaic.version = 14 : i64} {
  func.func @_sc_knn(%arg0: i32, %arg1: i32, %arg2: memref<8x3x2048xf32, #tpu.memory_space<hbm>>, %arg3: memref<65536xf32, #tpu.memory_space<hbm>>, %arg4: memref<65536xi32, #tpu.memory_space<hbm>>, %arg5: memref<3x2048xf32, #tpu.memory_space<vmem>>, %arg6: memref<3x2048xf32, #tpu.memory_space<vmem>>, %arg7: memref<2048xf32, #tpu.memory_space<vmem>>, %arg8: memref<2048xf32, #tpu.memory_space<vmem>>, %arg9: memref<2048xi32, #tpu.memory_space<vmem>>) attributes {dimension_semantics = [#tpu.dimension_semantics<core_parallel>, #tpu.dimension_semantics<subcore_parallel>], iteration_bounds = array<i64: 2, 16>, scalar_prefetch = 0 : i64, scratch_operands = 5 : i64, tpu.core_type = #tpu.core_type<sc_vector_subcore>, window_params = [{transform_indices = #map}, {transform_indices = #map1}, {transform_indices = #map1}]} {
    %mul3A = arith.constant 2 : i32
    %mul3A_0 = arith.muli %arg1, %mul3A : i32
    %add3A = arith.addi %mul3A_0, %arg0 : i32
    %jit3A = arith.constant 4 : i32
    %div3A = arith.divsi %add3A, %jit3A : i32
    %sign3A = arith.constant 0 : i32
    %sign3A_1 = arith.cmpi sgt, %add3A, %sign3A : i32
    %sign3A_2 = arith.extui %sign3A_1 : i1 to i32
    %sign3A_3 = arith.constant 0 : i32
    %sign3A_4 = arith.cmpi slt, %add3A, %sign3A_3 : i32
    %sign3A_5 = arith.extui %sign3A_4 : i1 to i32
    %sign3A_6 = arith.subi %sign3A_2, %sign3A_5 : i32
    %sign3A_7 = arith.constant 0 : i32
    %sign3A_8 = arith.cmpi sgt, %jit3A, %sign3A_7 : i32
    %sign3A_9 = arith.extui %sign3A_8 : i1 to i32
    %sign3A_10 = arith.constant 0 : i32
    %sign3A_11 = arith.cmpi slt, %jit3A, %sign3A_10 : i32
    %sign3A_12 = arith.extui %sign3A_11 : i1 to i32
    %sign3A_13 = arith.subi %sign3A_9, %sign3A_12 : i32
    %ne3A = arith.cmpi ne, %sign3A_6, %sign3A_13 : i32
    %rem3A = arith.remsi %add3A, %jit3A : i32
    %ne3A_14 = arith.constant 0 : i32
    %ne3A_15 = arith.cmpi ne, %rem3A, %ne3A_14 : i32
    %and3A = arith.andi %ne3A, %ne3A_15 : i1
    %sub3A = arith.constant 1 : i32
    %sub3A_16 = arith.subi %div3A, %sub3A : i32
    %select_n3A = arith.select %and3A, %sub3A_16, %div3A : i32
    %jit3A_17 = arith.constant 4 : i32
    %eq3A = arith.constant 0 : i32
    %eq3A_18 = arith.cmpi eq, %jit3A_17, %eq3A : i32
    %jit3A_19 = arith.constant 1 : i32
    %select_n3A_20 = arith.select %eq3A_18, %jit3A_19, %jit3A_17 : i32
    %rem3A_21 = arith.remsi %add3A, %select_n3A_20 : i32
    %ne3A_22 = arith.constant 0 : i32
    %ne3A_23 = arith.cmpi ne, %rem3A_21, %ne3A_22 : i32
    %lt3A = arith.constant 0 : i32
    %lt3A_24 = arith.cmpi slt, %rem3A_21, %lt3A : i32
    %lt3A_25 = arith.constant 0 : i32
    %lt3A_26 = arith.cmpi slt, %select_n3A_20, %lt3A_25 : i32
    %ne3A_27 = arith.xori %lt3A_24, %lt3A_26 : i1
    %and3A_28 = arith.andi %ne3A_27, %ne3A_23 : i1
    %add3A_29 = arith.addi %rem3A_21, %select_n3A_20 : i32
    %select_n3A_30 = arith.select %and3A_28, %add3A_29, %rem3A_21 : i32
    %mul3A_31 = arith.constant 128 : i32
    %mul3A_32 = arith.muli %select_n3A_30, %mul3A_31 : i32
    %add3A_33 = arith.constant 1536 : i32
    %add3A_34 = arith.addi %add3A_33, %mul3A_32 : i32
    "tpu.region"() ({
      %run_scoped3A = tpu.sem_alloc : memref<!tpu.dma_semaphore, #tpu.memory_space<semaphore_mem>>
      %dma_start3A = arith.constant 0 : i32
      %dma_start3A_55 = arith.constant 0 : i32
      %dma_start3A_56 = tpu.memref_slice %arg2[%select_n3A, %dma_start3A, %dma_start3A_55] : memref<8x3x2048xf32, #tpu.memory_space<hbm>> -> memref<1x3x2048xf32, #tpu.memory_space<hbm>>
      %dma_start3A_57 = tpu.memref_squeeze %dma_start3A_56 : memref<1x3x2048xf32, #tpu.memory_space<hbm>> -> memref<3x2048xf32, #tpu.memory_space<hbm>>
      %dma_start3A_58 = arith.constant 0 : i32
      %dma_start3A_59 = arith.constant 0 : i32
      %dma_start3A_60 = tpu.memref_slice %arg2[%select_n3A, %dma_start3A_58, %dma_start3A_59] : memref<8x3x2048xf32, #tpu.memory_space<hbm>> -> memref<1x3x2048xf32, #tpu.memory_space<hbm>>
      %dma_start3A_61 = tpu.memref_squeeze %dma_start3A_60 : memref<1x3x2048xf32, #tpu.memory_space<hbm>> -> memref<3x2048xf32, #tpu.memory_space<hbm>>
      tpu.enqueue_dma source(%dma_start3A_61 : memref<3x2048xf32, #tpu.memory_space<hbm>>) target(%arg5 : memref<3x2048xf32, #tpu.memory_space<vmem>>) target_semaphore(%run_scoped3A : memref<!tpu.dma_semaphore, #tpu.memory_space<semaphore_mem>>)
      %dma_wait3A = arith.constant 0 : i32
      %dma_wait3A_62 = arith.constant 0 : i32
      %dma_wait3A_63 = tpu.memref_slice %arg2[%select_n3A, %dma_wait3A, %dma_wait3A_62] : memref<8x3x2048xf32, #tpu.memory_space<hbm>> -> memref<1x3x2048xf32, #tpu.memory_space<hbm>>
      %dma_wait3A_64 = tpu.memref_squeeze %dma_wait3A_63 : memref<1x3x2048xf32, #tpu.memory_space<hbm>> -> memref<3x2048xf32, #tpu.memory_space<hbm>>
      %dma_wait3A_65 = arith.constant 0 : i32
      %dma_wait3A_66 = arith.constant 0 : i32
      %dma_wait3A_67 = tpu.memref_slice %arg2[%select_n3A, %dma_wait3A_65, %dma_wait3A_66] : memref<8x3x2048xf32, #tpu.memory_space<hbm>> -> memref<1x3x2048xf32, #tpu.memory_space<hbm>>
      %dma_wait3A_68 = tpu.memref_squeeze %dma_wait3A_67 : memref<1x3x2048xf32, #tpu.memory_space<hbm>> -> memref<3x2048xf32, #tpu.memory_space<hbm>>
      tpu.wait_dma2 semaphore(%run_scoped3A : memref<!tpu.dma_semaphore, #tpu.memory_space<semaphore_mem>>) src(%dma_wait3A_68 : memref<3x2048xf32, #tpu.memory_space<hbm>>) dst(%arg5 : memref<3x2048xf32, #tpu.memory_space<vmem>>)
      tpu.yield
    }) : () -> ()
    %iota3A = tpu.iota {dimensions = array<i32: 0>} : vector<16xi32>
    %scan3A = arith.constant 0 : i32
    %scan3A_35 = arith.constant 0 : i32
    %scan3A_36 = arith.constant 128 : i32
    %scan3A_37 = arith.addi %scan3A_35, %scan3A_36 : i32
    %scan3A_38 = arith.constant 1 : i32
    %scan3A_39 = scf.for %scan3A_55 = %scan3A_35 to %scan3A_37 step %scan3A_38 iter_args(%scan3A_56 = %scan3A) -> (i32)  : i32 {
      %mul3A_57 = arith.constant 16 : i32
      %mul3A_58 = arith.muli %scan3A_55, %mul3A_57 : i32
      %get3A = arith.constant 0 : i32
      %get3A_59 = arith.index_cast %get3A : i32 to index
      %get3A_60 = arith.index_cast %mul3A_58 : i32 to index
      %get3A_61 = tpu.vector_load %arg5[%get3A_59, %get3A_60] {strides = array<i32>} : memref<3x2048xf32, #tpu.memory_space<vmem>>, vector<1x16xf32>,
      %get3A_62 = vector.shape_cast %get3A_61 : vector<1x16xf32> to vector<16xf32>
      %get3A_63 = arith.constant 1 : i32
      %get3A_64 = arith.index_cast %get3A_63 : i32 to index
      %get3A_65 = arith.index_cast %mul3A_58 : i32 to index
      %get3A_66 = tpu.vector_load %arg5[%get3A_64, %get3A_65] {strides = array<i32>} : memref<3x2048xf32, #tpu.memory_space<vmem>>, vector<1x16xf32>,
      %get3A_67 = vector.shape_cast %get3A_66 : vector<1x16xf32> to vector<16xf32>
      %get3A_68 = arith.constant 2 : i32
      %get3A_69 = arith.index_cast %get3A_68 : i32 to index
      %get3A_70 = arith.index_cast %mul3A_58 : i32 to index
      %get3A_71 = tpu.vector_load %arg5[%get3A_69, %get3A_70] {strides = array<i32>} : memref<3x2048xf32, #tpu.memory_space<vmem>>, vector<1x16xf32>,
      %get3A_72 = vector.shape_cast %get3A_71 : vector<1x16xf32> to vector<16xf32>
      %bitcast_convert_type3A = tpu.bitcast %get3A_62 : vector<16xf32> -> vector<16xi32>
      %add3A_73 = arith.constant 32767 : i32
      %add3A_74 = vector.broadcast %add3A_73 : i32 to vector<16xi32>
      %add3A_75 = arith.addi %bitcast_convert_type3A, %add3A_74 : vector<16xi32>
      %shift_right_logical3A = arith.constant 16 : i32
      %shift_right_logical3A_76 = vector.broadcast %shift_right_logical3A : i32 to vector<16xi32>
      %shift_right_logical3A_77 = arith.shrui %bitcast_convert_type3A, %shift_right_logical3A_76 : vector<16xi32>
      %and3A_78 = arith.constant 1 : i32
      %and3A_79 = vector.broadcast %and3A_78 : i32 to vector<16xi32>
      %and3A_80 = arith.andi %shift_right_logical3A_77, %and3A_79 : vector<16xi32>
      %add3A_81 = arith.addi %add3A_75, %and3A_80 : vector<16xi32>
      %and3A_82 = arith.constant -65536 : i32
      %and3A_83 = vector.broadcast %and3A_82 : i32 to vector<16xi32>
      %and3A_84 = arith.andi %add3A_81, %and3A_83 : vector<16xi32>
      %bitcast_convert_type3A_85 = tpu.bitcast %and3A_84 : vector<16xi32> -> vector<16xf32>
      %swap3A = arith.constant 0 : i32
      %swap3A_86 = arith.index_cast %swap3A : i32 to index
      %swap3A_87 = arith.index_cast %mul3A_58 : i32 to index
      %swap3A_88 = tpu.vector_load %arg6[%swap3A_86, %swap3A_87] {strides = array<i32>} : memref<3x2048xf32, #tpu.memory_space<vmem>>, vector<1x16xf32>,
      %swap3A_89 = vector.shape_cast %swap3A_88 : vector<1x16xf32> to vector<16xf32>
      %swap3A_90 = vector.shape_cast %bitcast_convert_type3A_85 : vector<16xf32> to vector<1x16xf32>
      tpu.vector_store %arg6[%swap3A_86, %swap3A_87], %swap3A_90 {strides = array<i32>} : memref<3x2048xf32, #tpu.memory_space<vmem>>, vector<1x16xf32>,
      %bitcast_convert_type3A_91 = tpu.bitcast %get3A_67 : vector<16xf32> -> vector<16xi32>
      %add3A_92 = arith.constant 32767 : i32
      %add3A_93 = vector.broadcast %add3A_92 : i32 to vector<16xi32>
      %add3A_94 = arith.addi %bitcast_convert_type3A_91, %add3A_93 : vector<16xi32>
      %shift_right_logical3A_95 = arith.constant 16 : i32
      %shift_right_logical3A_96 = vector.broadcast %shift_right_logical3A_95 : i32 to vector<16xi32>
      %shift_right_logical3A_97 = arith.shrui %bitcast_convert_type3A_91, %shift_right_logical3A_96 : vector<16xi32>
      %and3A_98 = arith.constant 1 : i32
      %and3A_99 = vector.broadcast %and3A_98 : i32 to vector<16xi32>
      %and3A_100 = arith.andi %shift_right_logical3A_97, %and3A_99 : vector<16xi32>
      %add3A_101 = arith.addi %add3A_94, %and3A_100 : vector<16xi32>
      %and3A_102 = arith.constant -65536 : i32
      %and3A_103 = vector.broadcast %and3A_102 : i32 to vector<16xi32>
      %and3A_104 = arith.andi %add3A_101, %and3A_103 : vector<16xi32>
      %bitcast_convert_type3A_105 = tpu.bitcast %and3A_104 : vector<16xi32> -> vector<16xf32>
      %swap3A_106 = arith.constant 1 : i32
      %swap3A_107 = arith.index_cast %swap3A_106 : i32 to index
      %swap3A_108 = arith.index_cast %mul3A_58 : i32 to index
      %swap3A_109 = tpu.vector_load %arg6[%swap3A_107, %swap3A_108] {strides = array<i32>} : memref<3x2048xf32, #tpu.memory_space<vmem>>, vector<1x16xf32>,
      %swap3A_110 = vector.shape_cast %swap3A_109 : vector<1x16xf32> to vector<16xf32>
      %swap3A_111 = vector.shape_cast %bitcast_convert_type3A_105 : vector<16xf32> to vector<1x16xf32>
      tpu.vector_store %arg6[%swap3A_107, %swap3A_108], %swap3A_111 {strides = array<i32>} : memref<3x2048xf32, #tpu.memory_space<vmem>>, vector<1x16xf32>,
      %bitcast_convert_type3A_112 = tpu.bitcast %get3A_72 : vector<16xf32> -> vector<16xi32>
      %add3A_113 = arith.constant 32767 : i32
      %add3A_114 = vector.broadcast %add3A_113 : i32 to vector<16xi32>
      %add3A_115 = arith.addi %bitcast_convert_type3A_112, %add3A_114 : vector<16xi32>
      %shift_right_logical3A_116 = arith.constant 16 : i32
      %shift_right_logical3A_117 = vector.broadcast %shift_right_logical3A_116 : i32 to vector<16xi32>
      %shift_right_logical3A_118 = arith.shrui %bitcast_convert_type3A_112, %shift_right_logical3A_117 : vector<16xi32>
      %and3A_119 = arith.constant 1 : i32
      %and3A_120 = vector.broadcast %and3A_119 : i32 to vector<16xi32>
      %and3A_121 = arith.andi %shift_right_logical3A_118, %and3A_120 : vector<16xi32>
      %add3A_122 = arith.addi %add3A_115, %and3A_121 : vector<16xi32>
      %and3A_123 = arith.constant -65536 : i32
      %and3A_124 = vector.broadcast %and3A_123 : i32 to vector<16xi32>
      %and3A_125 = arith.andi %add3A_122, %and3A_124 : vector<16xi32>
      %bitcast_convert_type3A_126 = tpu.bitcast %and3A_125 : vector<16xi32> -> vector<16xf32>
      %swap3A_127 = arith.constant 2 : i32
      %swap3A_128 = arith.index_cast %swap3A_127 : i32 to index
      %swap3A_129 = arith.index_cast %mul3A_58 : i32 to index
      %swap3A_130 = tpu.vector_load %arg6[%swap3A_128, %swap3A_129] {strides = array<i32>} : memref<3x2048xf32, #tpu.memory_space<vmem>>, vector<1x16xf32>,
      %swap3A_131 = vector.shape_cast %swap3A_130 : vector<1x16xf32> to vector<16xf32>
      %swap3A_132 = vector.shape_cast %bitcast_convert_type3A_126 : vector<16xf32> to vector<1x16xf32>
      tpu.vector_store %arg6[%swap3A_128, %swap3A_129], %swap3A_132 {strides = array<i32>} : memref<3x2048xf32, #tpu.memory_space<vmem>>, vector<1x16xf32>,
      %mul3A_133 = arith.mulf %get3A_62, %get3A_62 : vector<16xf32>
      %mul3A_134 = arith.mulf %get3A_67, %get3A_67 : vector<16xf32>
      %add3A_135 = arith.addf %mul3A_133, %mul3A_134 : vector<16xf32>
      %mul3A_136 = arith.mulf %get3A_72, %get3A_72 : vector<16xf32>
      %add3A_137 = arith.addf %add3A_135, %mul3A_136 : vector<16xf32>
      %swap3A_138 = arith.index_cast %mul3A_58 : i32 to index
      %swap3A_139 = tpu.vector_load %arg7[%swap3A_138] {strides = array<i32>} : memref<2048xf32, #tpu.memory_space<vmem>>, vector<16xf32>,
      %swap3A_140 = vector.shape_cast %swap3A_139 : vector<16xf32> to vector<16xf32>
      %swap3A_141 = vector.shape_cast %add3A_137 : vector<16xf32> to vector<16xf32>
      tpu.vector_store %arg7[%swap3A_138], %swap3A_141 {strides = array<i32>} : memref<2048xf32, #tpu.memory_space<vmem>>, vector<16xf32>,
      %scan3A_142 = arith.constant 0 : i32
      scf.yield %scan3A_142 : i32
    }
    %scan3A_40 = arith.constant 128 : i32
    %scan3A_41 = arith.constant 0 : i32
    %scan3A_42 = arith.constant 0 : i32
    %scan3A_43 = arith.constant 128 : i32
    %scan3A_44 = arith.addi %scan3A_42, %scan3A_43 : i32
    %scan3A_45 = arith.constant 1 : i32
    %scan3A_46 = scf.for %scan3A_55 = %scan3A_42 to %scan3A_44 step %scan3A_45 iter_args(%scan3A_56 = %scan3A_41) -> (i32)  : i32 {
      %add3A_57 = arith.addi %add3A_34, %scan3A_55 : i32
      %jit3A_58 = arith.constant 16 : i32
      %div3A_59 = arith.divsi %add3A_57, %jit3A_58 : i32
      %sign3A_60 = arith.constant 0 : i32
      %sign3A_61 = arith.cmpi sgt, %add3A_57, %sign3A_60 : i32
      %sign3A_62 = arith.extui %sign3A_61 : i1 to i32
      %sign3A_63 = arith.constant 0 : i32
      %sign3A_64 = arith.cmpi slt, %add3A_57, %sign3A_63 : i32
      %sign3A_65 = arith.extui %sign3A_64 : i1 to i32
      %sign3A_66 = arith.subi %sign3A_62, %sign3A_65 : i32
      %sign3A_67 = arith.constant 0 : i32
      %sign3A_68 = arith.cmpi sgt, %jit3A_58, %sign3A_67 : i32
      %sign3A_69 = arith.extui %sign3A_68 : i1 to i32
      %sign3A_70 = arith.constant 0 : i32
      %sign3A_71 = arith.cmpi slt, %jit3A_58, %sign3A_70 : i32
      %sign3A_72 = arith.extui %sign3A_71 : i1 to i32
      %sign3A_73 = arith.subi %sign3A_69, %sign3A_72 : i32
      %ne3A_74 = arith.cmpi ne, %sign3A_66, %sign3A_73 : i32
      %rem3A_75 = arith.remsi %add3A_57, %jit3A_58 : i32
      %ne3A_76 = arith.constant 0 : i32
      %ne3A_77 = arith.cmpi ne, %rem3A_75, %ne3A_76 : i32
      %and3A_78 = arith.andi %ne3A_74, %ne3A_77 : i1
      %sub3A_79 = arith.constant 1 : i32
      %sub3A_80 = arith.subi %div3A_59, %sub3A_79 : i32
      %select_n3A_81 = arith.select %and3A_78, %sub3A_80, %div3A_59 : i32
      %mul3A_82 = arith.constant 16 : i32
      %mul3A_83 = arith.muli %select_n3A_81, %mul3A_82 : i32
      %jit3A_84 = arith.constant 16 : i32
      %eq3A_85 = arith.constant 0 : i32
      %eq3A_86 = arith.cmpi eq, %jit3A_84, %eq3A_85 : i32
      %jit3A_87 = arith.constant 1 : i32
      %select_n3A_88 = arith.select %eq3A_86, %jit3A_87, %jit3A_84 : i32
      %rem3A_89 = arith.remsi %add3A_57, %select_n3A_88 : i32
      %ne3A_90 = arith.constant 0 : i32
      %ne3A_91 = arith.cmpi ne, %rem3A_89, %ne3A_90 : i32
      %lt3A_92 = arith.constant 0 : i32
      %lt3A_93 = arith.cmpi slt, %rem3A_89, %lt3A_92 : i32
      %lt3A_94 = arith.constant 0 : i32
      %lt3A_95 = arith.cmpi slt, %select_n3A_88, %lt3A_94 : i32
      %ne3A_96 = arith.xori %lt3A_93, %lt3A_95 : i1
      %and3A_97 = arith.andi %ne3A_96, %ne3A_91 : i1
      %add3A_98 = arith.addi %rem3A_89, %select_n3A_88 : i32
      %select_n3A_99 = arith.select %and3A_97, %add3A_98, %rem3A_89 : i32
      %broadcast_in_dim3A = vector.broadcast %select_n3A_99 : i32 to vector<16xi32>
      %get3A = arith.constant 0 : i32
      %get3A_100 = arith.index_cast %get3A : i32 to index
      %get3A_101 = arith.index_cast %mul3A_83 : i32 to index
      %get3A_102 = tpu.vector_load %arg5[%get3A_100, %get3A_101] {strides = array<i32>} : memref<3x2048xf32, #tpu.memory_space<vmem>>, vector<1x16xf32>,
      %get3A_103 = vector.shape_cast %get3A_102 : vector<1x16xf32> to vector<16xf32>
      %lt3A_104 = arith.constant 0 : i32
      %lt3A_105 = vector.broadcast %lt3A_104 : i32 to vector<16xi32>
      %lt3A_106 = arith.cmpi slt, %broadcast_in_dim3A, %lt3A_105 : vector<16xi32>
      %add3A_107 = arith.constant 16 : i32
      %add3A_108 = vector.broadcast %add3A_107 : i32 to vector<16xi32>
      %add3A_109 = arith.addi %broadcast_in_dim3A, %add3A_108 : vector<16xi32>
      %select_n3A_110 = arith.select %lt3A_106, %add3A_109, %broadcast_in_dim3A : vector<16xi1>, vector<16xi32>
      %broadcast_in_dim3A_111 = vector.shape_cast %select_n3A_110 : vector<16xi32> to vector<16x1xi32>
      %gather3A = vector.shape_cast %broadcast_in_dim3A_111 : vector<16x1xi32> to vector<16xi32>
      %gather3A_112 = tpu.dynamic_gather %get3A_103[%gather3A] in [0] : vector<16xf32>, vector<16xi32> -> vector<16xf32>
      %get3A_113 = arith.constant 1 : i32
      %get3A_114 = arith.index_cast %get3A_113 : i32 to index
      %get3A_115 = arith.index_cast %mul3A_83 : i32 to index
      %get3A_116 = tpu.vector_load %arg5[%get3A_114, %get3A_115] {strides = array<i32>} : memref<3x2048xf32, #tpu.memory_space<vmem>>, vector<1x16xf32>,
      %get3A_117 = vector.shape_cast %get3A_116 : vector<1x16xf32> to vector<16xf32>
      %lt3A_118 = arith.constant 0 : i32
      %lt3A_119 = vector.broadcast %lt3A_118 : i32 to vector<16xi32>
      %lt3A_120 = arith.cmpi slt, %broadcast_in_dim3A, %lt3A_119 : vector<16xi32>
      %add3A_121 = arith.constant 16 : i32
      %add3A_122 = vector.broadcast %add3A_121 : i32 to vector<16xi32>
      %add3A_123 = arith.addi %broadcast_in_dim3A, %add3A_122 : vector<16xi32>
      %select_n3A_124 = arith.select %lt3A_120, %add3A_123, %broadcast_in_dim3A : vector<16xi1>, vector<16xi32>
      %broadcast_in_dim3A_125 = vector.shape_cast %select_n3A_124 : vector<16xi32> to vector<16x1xi32>
      %gather3A_126 = vector.shape_cast %broadcast_in_dim3A_125 : vector<16x1xi32> to vector<16xi32>
      %gather3A_127 = tpu.dynamic_gather %get3A_117[%gather3A_126] in [0] : vector<16xf32>, vector<16xi32> -> vector<16xf32>
      %get3A_128 = arith.constant 2 : i32
      %get3A_129 = arith.index_cast %get3A_128 : i32 to index
      %get3A_130 = arith.index_cast %mul3A_83 : i32 to index
      %get3A_131 = tpu.vector_load %arg5[%get3A_129, %get3A_130] {strides = array<i32>} : memref<3x2048xf32, #tpu.memory_space<vmem>>, vector<1x16xf32>,
      %get3A_132 = vector.shape_cast %get3A_131 : vector<1x16xf32> to vector<16xf32>
      %lt3A_133 = arith.constant 0 : i32
      %lt3A_134 = vector.broadcast %lt3A_133 : i32 to vector<16xi32>
      %lt3A_135 = arith.cmpi slt, %broadcast_in_dim3A, %lt3A_134 : vector<16xi32>
      %add3A_136 = arith.constant 16 : i32
      %add3A_137 = vector.broadcast %add3A_136 : i32 to vector<16xi32>
      %add3A_138 = arith.addi %broadcast_in_dim3A, %add3A_137 : vector<16xi32>
      %select_n3A_139 = arith.select %lt3A_135, %add3A_138, %broadcast_in_dim3A : vector<16xi1>, vector<16xi32>
      %broadcast_in_dim3A_140 = vector.shape_cast %select_n3A_139 : vector<16xi32> to vector<16x1xi32>
      %gather3A_141 = vector.shape_cast %broadcast_in_dim3A_140 : vector<16x1xi32> to vector<16xi32>
      %gather3A_142 = tpu.dynamic_gather %get3A_132[%gather3A_141] in [0] : vector<16xf32>, vector<16xi32> -> vector<16xf32>
      %get3A_143 = arith.index_cast %mul3A_83 : i32 to index
      %get3A_144 = tpu.vector_load %arg7[%get3A_143] {strides = array<i32>} : memref<2048xf32, #tpu.memory_space<vmem>>, vector<16xf32>,
      %get3A_145 = vector.shape_cast %get3A_144 : vector<16xf32> to vector<16xf32>
      %lt3A_146 = arith.constant 0 : i32
      %lt3A_147 = vector.broadcast %lt3A_146 : i32 to vector<16xi32>
      %lt3A_148 = arith.cmpi slt, %broadcast_in_dim3A, %lt3A_147 : vector<16xi32>
      %add3A_149 = arith.constant 16 : i32
      %add3A_150 = vector.broadcast %add3A_149 : i32 to vector<16xi32>
      %add3A_151 = arith.addi %broadcast_in_dim3A, %add3A_150 : vector<16xi32>
      %select_n3A_152 = arith.select %lt3A_148, %add3A_151, %broadcast_in_dim3A : vector<16xi1>, vector<16xi32>
      %broadcast_in_dim3A_153 = vector.shape_cast %select_n3A_152 : vector<16xi32> to vector<16x1xi32>
      %gather3A_154 = vector.shape_cast %broadcast_in_dim3A_153 : vector<16x1xi32> to vector<16xi32>
      %gather3A_155 = tpu.dynamic_gather %get3A_145[%gather3A_154] in [0] : vector<16xf32>, vector<16xi32> -> vector<16xf32>
      %bitcast_convert_type3A = tpu.bitcast %gather3A_112 : vector<16xf32> -> vector<16xi32>
      %add3A_156 = arith.constant 32767 : i32
      %add3A_157 = vector.broadcast %add3A_156 : i32 to vector<16xi32>
      %add3A_158 = arith.addi %bitcast_convert_type3A, %add3A_157 : vector<16xi32>
      %shift_right_logical3A = arith.constant 16 : i32
      %shift_right_logical3A_159 = vector.broadcast %shift_right_logical3A : i32 to vector<16xi32>
      %shift_right_logical3A_160 = arith.shrui %bitcast_convert_type3A, %shift_right_logical3A_159 : vector<16xi32>
      %and3A_161 = arith.constant 1 : i32
      %and3A_162 = vector.broadcast %and3A_161 : i32 to vector<16xi32>
      %and3A_163 = arith.andi %shift_right_logical3A_160, %and3A_162 : vector<16xi32>
      %add3A_164 = arith.addi %add3A_158, %and3A_163 : vector<16xi32>
      %and3A_165 = arith.constant -65536 : i32
      %and3A_166 = vector.broadcast %and3A_165 : i32 to vector<16xi32>
      %and3A_167 = arith.andi %add3A_164, %and3A_166 : vector<16xi32>
      %bitcast_convert_type3A_168 = tpu.bitcast %and3A_167 : vector<16xi32> -> vector<16xf32>
      %bitcast_convert_type3A_169 = tpu.bitcast %gather3A_127 : vector<16xf32> -> vector<16xi32>
      %add3A_170 = arith.constant 32767 : i32
      %add3A_171 = vector.broadcast %add3A_170 : i32 to vector<16xi32>
      %add3A_172 = arith.addi %bitcast_convert_type3A_169, %add3A_171 : vector<16xi32>
      %shift_right_logical3A_173 = arith.constant 16 : i32
      %shift_right_logical3A_174 = vector.broadcast %shift_right_logical3A_173 : i32 to vector<16xi32>
      %shift_right_logical3A_175 = arith.shrui %bitcast_convert_type3A_169, %shift_right_logical3A_174 : vector<16xi32>
      %and3A_176 = arith.constant 1 : i32
      %and3A_177 = vector.broadcast %and3A_176 : i32 to vector<16xi32>
      %and3A_178 = arith.andi %shift_right_logical3A_175, %and3A_177 : vector<16xi32>
      %add3A_179 = arith.addi %add3A_172, %and3A_178 : vector<16xi32>
      %and3A_180 = arith.constant -65536 : i32
      %and3A_181 = vector.broadcast %and3A_180 : i32 to vector<16xi32>
      %and3A_182 = arith.andi %add3A_179, %and3A_181 : vector<16xi32>
      %bitcast_convert_type3A_183 = tpu.bitcast %and3A_182 : vector<16xi32> -> vector<16xf32>
      %bitcast_convert_type3A_184 = tpu.bitcast %gather3A_142 : vector<16xf32> -> vector<16xi32>
      %add3A_185 = arith.constant 32767 : i32
      %add3A_186 = vector.broadcast %add3A_185 : i32 to vector<16xi32>
      %add3A_187 = arith.addi %bitcast_convert_type3A_184, %add3A_186 : vector<16xi32>
      %shift_right_logical3A_188 = arith.constant 16 : i32
      %shift_right_logical3A_189 = vector.broadcast %shift_right_logical3A_188 : i32 to vector<16xi32>
      %shift_right_logical3A_190 = arith.shrui %bitcast_convert_type3A_184, %shift_right_logical3A_189 : vector<16xi32>
      %and3A_191 = arith.constant 1 : i32
      %and3A_192 = vector.broadcast %and3A_191 : i32 to vector<16xi32>
      %and3A_193 = arith.andi %shift_right_logical3A_190, %and3A_192 : vector<16xi32>
      %add3A_194 = arith.addi %add3A_187, %and3A_193 : vector<16xi32>
      %and3A_195 = arith.constant -65536 : i32
      %and3A_196 = vector.broadcast %and3A_195 : i32 to vector<16xi32>
      %and3A_197 = arith.andi %add3A_194, %and3A_196 : vector<16xi32>
      %bitcast_convert_type3A_198 = tpu.bitcast %and3A_197 : vector<16xi32> -> vector<16xf32>
      %broadcast_in_dim3A_199 = arith.constant 3.000000e+38 : f32
      %broadcast_in_dim3A_200 = vector.broadcast %broadcast_in_dim3A_199 : f32 to vector<16xf32>
      %broadcast_in_dim3A_201 = arith.constant 3.000000e+38 : f32
      %broadcast_in_dim3A_202 = vector.broadcast %broadcast_in_dim3A_201 : f32 to vector<16xf32>
      %broadcast_in_dim3A_203 = arith.constant 3.000000e+38 : f32
      %broadcast_in_dim3A_204 = vector.broadcast %broadcast_in_dim3A_203 : f32 to vector<16xf32>
      %broadcast_in_dim3A_205 = arith.constant 3.000000e+38 : f32
      %broadcast_in_dim3A_206 = vector.broadcast %broadcast_in_dim3A_205 : f32 to vector<16xf32>
      %broadcast_in_dim3A_207 = arith.constant 3.000000e+38 : f32
      %broadcast_in_dim3A_208 = vector.broadcast %broadcast_in_dim3A_207 : f32 to vector<16xf32>
      %broadcast_in_dim3A_209 = arith.constant 3.000000e+38 : f32
      %broadcast_in_dim3A_210 = vector.broadcast %broadcast_in_dim3A_209 : f32 to vector<16xf32>
      %broadcast_in_dim3A_211 = arith.constant 3.000000e+38 : f32
      %broadcast_in_dim3A_212 = vector.broadcast %broadcast_in_dim3A_211 : f32 to vector<16xf32>
      %broadcast_in_dim3A_213 = arith.constant 3.000000e+38 : f32
      %broadcast_in_dim3A_214 = vector.broadcast %broadcast_in_dim3A_213 : f32 to vector<16xf32>
      %broadcast_in_dim3A_215 = arith.constant 3.000000e+38 : f32
      %broadcast_in_dim3A_216 = vector.broadcast %broadcast_in_dim3A_215 : f32 to vector<16xf32>
      %broadcast_in_dim3A_217 = arith.constant 3.000000e+38 : f32
      %broadcast_in_dim3A_218 = vector.broadcast %broadcast_in_dim3A_217 : f32 to vector<16xf32>
      %broadcast_in_dim3A_219 = arith.constant 3.000000e+38 : f32
      %broadcast_in_dim3A_220 = vector.broadcast %broadcast_in_dim3A_219 : f32 to vector<16xf32>
      %broadcast_in_dim3A_221 = arith.constant 3.000000e+38 : f32
      %broadcast_in_dim3A_222 = vector.broadcast %broadcast_in_dim3A_221 : f32 to vector<16xf32>
      %broadcast_in_dim3A_223 = arith.constant 3.000000e+38 : f32
      %broadcast_in_dim3A_224 = vector.broadcast %broadcast_in_dim3A_223 : f32 to vector<16xf32>
      %broadcast_in_dim3A_225 = arith.constant 3.000000e+38 : f32
      %broadcast_in_dim3A_226 = vector.broadcast %broadcast_in_dim3A_225 : f32 to vector<16xf32>
      %broadcast_in_dim3A_227 = arith.constant 3.000000e+38 : f32
      %broadcast_in_dim3A_228 = vector.broadcast %broadcast_in_dim3A_227 : f32 to vector<16xf32>
      %broadcast_in_dim3A_229 = arith.constant 3.000000e+38 : f32
      %broadcast_in_dim3A_230 = vector.broadcast %broadcast_in_dim3A_229 : f32 to vector<16xf32>
      %scan3A_231 = arith.constant 0 : i32
      %scan3A_232 = arith.constant 128 : i32
      %scan3A_233 = arith.addi %scan3A_231, %scan3A_232 : i32
      %scan3A_234 = arith.constant 1 : i32
      %scan3A_235:16 = scf.for %scan3A_2496 = %scan3A_231 to %scan3A_233 step %scan3A_234 iter_args(%scan3A_2497 = %broadcast_in_dim3A_200, %scan3A_2498 = %broadcast_in_dim3A_202, %scan3A_2499 = %broadcast_in_dim3A_204, %scan3A_2500 = %broadcast_in_dim3A_206, %scan3A_2501 = %broadcast_in_dim3A_208, %scan3A_2502 = %broadcast_in_dim3A_210, %scan3A_2503 = %broadcast_in_dim3A_212, %scan3A_2504 = %broadcast_in_dim3A_214, %scan3A_2505 = %broadcast_in_dim3A_216, %scan3A_2506 = %broadcast_in_dim3A_218, %scan3A_2507 = %broadcast_in_dim3A_220, %scan3A_2508 = %broadcast_in_dim3A_222, %scan3A_2509 = %broadcast_in_dim3A_224, %scan3A_2510 = %broadcast_in_dim3A_226, %scan3A_2511 = %broadcast_in_dim3A_228, %scan3A_2512 = %broadcast_in_dim3A_230) -> (vector<16xf32>, vector<16xf32>, vector<16xf32>, vector<16xf32>, vector<16xf32>, vector<16xf32>, vector<16xf32>, vector<16xf32>, vector<16xf32>, vector<16xf32>, vector<16xf32>, vector<16xf32>, vector<16xf32>, vector<16xf32>, vector<16xf32>, vector<16xf32>)  : i32 {
        %mul3A_2513 = arith.constant 16 : i32
        %mul3A_2514 = arith.muli %scan3A_2496, %mul3A_2513 : i32
        %get3A_2515 = arith.constant 0 : i32
        %get3A_2516 = arith.index_cast %get3A_2515 : i32 to index
        %get3A_2517 = arith.index_cast %mul3A_2514 : i32 to index
        %get3A_2518 = tpu.vector_load %arg6[%get3A_2516, %get3A_2517] {strides = array<i32>} : memref<3x2048xf32, #tpu.memory_space<vmem>>, vector<1x16xf32>,
        %get3A_2519 = vector.shape_cast %get3A_2518 : vector<1x16xf32> to vector<16xf32>
        %mul3A_2520 = arith.mulf %bitcast_convert_type3A_168, %get3A_2519 : vector<16xf32>
        %get3A_2521 = arith.constant 1 : i32
        %get3A_2522 = arith.index_cast %get3A_2521 : i32 to index
        %get3A_2523 = arith.index_cast %mul3A_2514 : i32 to index
        %get3A_2524 = tpu.vector_load %arg6[%get3A_2522, %get3A_2523] {strides = array<i32>} : memref<3x2048xf32, #tpu.memory_space<vmem>>, vector<1x16xf32>,
        %get3A_2525 = vector.shape_cast %get3A_2524 : vector<1x16xf32> to vector<16xf32>
        %mul3A_2526 = arith.mulf %bitcast_convert_type3A_183, %get3A_2525 : vector<16xf32>
        %add3A_2527 = arith.addf %mul3A_2520, %mul3A_2526 : vector<16xf32>
        %get3A_2528 = arith.constant 2 : i32
        %get3A_2529 = arith.index_cast %get3A_2528 : i32 to index
        %get3A_2530 = arith.index_cast %mul3A_2514 : i32 to index
        %get3A_2531 = tpu.vector_load %arg6[%get3A_2529, %get3A_2530] {strides = array<i32>} : memref<3x2048xf32, #tpu.memory_space<vmem>>, vector<1x16xf32>,
        %get3A_2532 = vector.shape_cast %get3A_2531 : vector<1x16xf32> to vector<16xf32>
        %mul3A_2533 = arith.mulf %bitcast_convert_type3A_198, %get3A_2532 : vector<16xf32>
        %add3A_2534 = arith.addf %add3A_2527, %mul3A_2533 : vector<16xf32>
        %get3A_2535 = arith.index_cast %mul3A_2514 : i32 to index
        %get3A_2536 = tpu.vector_load %arg7[%get3A_2535] {strides = array<i32>} : memref<2048xf32, #tpu.memory_space<vmem>>, vector<16xf32>,
        %get3A_2537 = vector.shape_cast %get3A_2536 : vector<16xf32> to vector<16xf32>
        %add3A_2538 = arith.addf %gather3A_155, %get3A_2537 : vector<16xf32>
        %mul3A_2539 = arith.constant 2.000000e+00 : f32
        %mul3A_2540 = vector.broadcast %mul3A_2539 : f32 to vector<16xf32>
        %mul3A_2541 = arith.mulf %mul3A_2540, %add3A_2534 : vector<16xf32>
        %sub3A_2542 = arith.subf %add3A_2538, %mul3A_2541 : vector<16xf32>
        %lt3A_2543 = arith.constant 0.000000e+00 : f32
        %lt3A_2544 = vector.broadcast %lt3A_2543 : f32 to vector<16xf32>
        %lt3A_2545 = arith.cmpf olt, %sub3A_2542, %lt3A_2544 : vector<16xf32>
        %add3A_2546 = arith.constant 1.250000e-01 : f32
        %add3A_2547 = vector.broadcast %add3A_2546 : f32 to vector<16xf32>
        %add3A_2548 = arith.addf %sub3A_2542, %add3A_2547 : vector<16xf32>
        %mul3A_2549 = arith.constant 1.000000e-33 : f32
        %mul3A_2550 = vector.broadcast %mul3A_2549 : f32 to vector<16xf32>
        %mul3A_2551 = arith.mulf %add3A_2548, %mul3A_2550 : vector<16xf32>
        %select_n3A_2552 = arith.select %lt3A_2545, %mul3A_2551, %sub3A_2542 : vector<16xi1>, vector<16xf32>
        %mul3A_2553 = arith.constant 16 : i32
        %mul3A_2554 = arith.muli %scan3A_2496, %mul3A_2553 : i32
        %add3A_2555 = vector.broadcast %mul3A_2554 : i32 to vector<16xi32>
        %add3A_2556 = arith.addi %iota3A, %add3A_2555 : vector<16xi32>
        %bitcast_convert_type3A_2557 = tpu.bitcast %select_n3A_2552 : vector<16xf32> -> vector<16xi32>
        %and3A_2558 = arith.constant -2048 : i32
        %and3A_2559 = vector.broadcast %and3A_2558 : i32 to vector<16xi32>
        %and3A_2560 = arith.andi %bitcast_convert_type3A_2557, %and3A_2559 : vector<16xi32>
        %or3A = arith.ori %and3A_2560, %add3A_2556 : vector<16xi32>
        %bitcast_convert_type3A_2561 = tpu.bitcast %or3A : vector<16xi32> -> vector<16xf32>
        %eq3A_2562 = vector.broadcast %add3A_57 : i32 to vector<16xi32>
        %eq3A_2563 = arith.cmpi eq, %add3A_2556, %eq3A_2562 : vector<16xi32>
        %jit3A_2564 = arith.constant 3.000000e+38 : f32
        %broadcast_in_dim3A_2565 = vector.broadcast %jit3A_2564 : f32 to vector<16xf32>
        %select_n3A_2566 = arith.select %eq3A_2563, %broadcast_in_dim3A_2565, %bitcast_convert_type3A_2561 : vector<16xi1>, vector<16xf32>
        %min3A_2567 = arith.minimumf %scan3A_2497, %select_n3A_2566 : vector<16xf32>
        %max3A = arith.maximumf %scan3A_2497, %select_n3A_2566 : vector<16xf32>
        %min3A_2568 = arith.minimumf %scan3A_2498, %max3A : vector<16xf32>
        %max3A_2569 = arith.maximumf %scan3A_2498, %max3A : vector<16xf32>
        %min3A_2570 = arith.minimumf %scan3A_2499, %max3A_2569 : vector<16xf32>
        %max3A_2571 = arith.maximumf %scan3A_2499, %max3A_2569 : vector<16xf32>
        %min3A_2572 = arith.minimumf %scan3A_2500, %max3A_2571 : vector<16xf32>
        %max3A_2573 = arith.maximumf %scan3A_2500, %max3A_2571 : vector<16xf32>
        %min3A_2574 = arith.minimumf %scan3A_2501, %max3A_2573 : vector<16xf32>
        %max3A_2575 = arith.maximumf %scan3A_2501, %max3A_2573 : vector<16xf32>
        %min3A_2576 = arith.minimumf %scan3A_2502, %max3A_2575 : vector<16xf32>
        %max3A_2577 = arith.maximumf %scan3A_2502, %max3A_2575 : vector<16xf32>
        %min3A_2578 = arith.minimumf %scan3A_2503, %max3A_2577 : vector<16xf32>
        %max3A_2579 = arith.maximumf %scan3A_2503, %max3A_2577 : vector<16xf32>
        %min3A_2580 = arith.minimumf %scan3A_2504, %max3A_2579 : vector<16xf32>
        %max3A_2581 = arith.maximumf %scan3A_2504, %max3A_2579 : vector<16xf32>
        %min3A_2582 = arith.minimumf %scan3A_2505, %max3A_2581 : vector<16xf32>
        %max3A_2583 = arith.maximumf %scan3A_2505, %max3A_2581 : vector<16xf32>
        %min3A_2584 = arith.minimumf %scan3A_2506, %max3A_2583 : vector<16xf32>
        %max3A_2585 = arith.maximumf %scan3A_2506, %max3A_2583 : vector<16xf32>
        %min3A_2586 = arith.minimumf %scan3A_2507, %max3A_2585 : vector<16xf32>
        %max3A_2587 = arith.maximumf %scan3A_2507, %max3A_2585 : vector<16xf32>
        %min3A_2588 = arith.minimumf %scan3A_2508, %max3A_2587 : vector<16xf32>
        %max3A_2589 = arith.maximumf %scan3A_2508, %max3A_2587 : vector<16xf32>
        %min3A_2590 = arith.minimumf %scan3A_2509, %max3A_2589 : vector<16xf32>
        %max3A_2591 = arith.maximumf %scan3A_2509, %max3A_2589 : vector<16xf32>
        %min3A_2592 = arith.minimumf %scan3A_2510, %max3A_2591 : vector<16xf32>
        %max3A_2593 = arith.maximumf %scan3A_2510, %max3A_2591 : vector<16xf32>
        %min3A_2594 = arith.minimumf %scan3A_2511, %max3A_2593 : vector<16xf32>
        %max3A_2595 = arith.maximumf %scan3A_2511, %max3A_2593 : vector<16xf32>
        %min3A_2596 = arith.minimumf %scan3A_2512, %max3A_2595 : vector<16xf32>
        %max3A_2597 = arith.maximumf %scan3A_2512, %max3A_2595 : vector<16xf32>
        scf.yield %min3A_2567, %min3A_2568, %min3A_2570, %min3A_2572, %min3A_2574, %min3A_2576, %min3A_2578, %min3A_2580, %min3A_2582, %min3A_2584, %min3A_2586, %min3A_2588, %min3A_2590, %min3A_2592, %min3A_2594, %min3A_2596 : vector<16xf32>, vector<16xf32>, vector<16xf32>, vector<16xf32>, vector<16xf32>, vector<16xf32>, vector<16xf32>, vector<16xf32>, vector<16xf32>, vector<16xf32>, vector<16xf32>, vector<16xf32>, vector<16xf32>, vector<16xf32>, vector<16xf32>, vector<16xf32>
      }
      %scan3A_236 = arith.constant 128 : i32
      %broadcast_in_dim3A_237 = arith.constant 3.000000e+38 : f32
      %broadcast_in_dim3A_238 = vector.broadcast %broadcast_in_dim3A_237 : f32 to vector<16xf32>
      %min3A = arith.minimumf %scan3A_235#0, %scan3A_235#1 : vector<16xf32>
      %min3A_239 = arith.minimumf %min3A, %scan3A_235#2 : vector<16xf32>
      %min3A_240 = arith.minimumf %min3A_239, %scan3A_235#3 : vector<16xf32>
      %min3A_241 = arith.minimumf %min3A_240, %scan3A_235#4 : vector<16xf32>
      %min3A_242 = arith.minimumf %min3A_241, %scan3A_235#5 : vector<16xf32>
      %min3A_243 = arith.minimumf %min3A_242, %scan3A_235#6 : vector<16xf32>
      %min3A_244 = arith.minimumf %min3A_243, %scan3A_235#7 : vector<16xf32>
      %min3A_245 = arith.minimumf %min3A_244, %scan3A_235#8 : vector<16xf32>
      %min3A_246 = arith.minimumf %min3A_245, %scan3A_235#9 : vector<16xf32>
      %min3A_247 = arith.minimumf %min3A_246, %scan3A_235#10 : vector<16xf32>
      %min3A_248 = arith.minimumf %min3A_247, %scan3A_235#11 : vector<16xf32>
      %min3A_249 = arith.minimumf %min3A_248, %scan3A_235#12 : vector<16xf32>
      %min3A_250 = arith.minimumf %min3A_249, %scan3A_235#13 : vector<16xf32>
      %min3A_251 = arith.minimumf %min3A_250, %scan3A_235#14 : vector<16xf32>
      %min3A_252 = arith.minimumf %min3A_251, %scan3A_235#15 : vector<16xf32>
      %xor3A = arith.constant 8 : i32
      %xor3A_253 = vector.broadcast %xor3A : i32 to vector<16xi32>
      %xor3A_254 = arith.xori %iota3A, %xor3A_253 : vector<16xi32>
      %lt3A_255 = arith.constant 0 : i32
      %lt3A_256 = vector.broadcast %lt3A_255 : i32 to vector<16xi32>
      %lt3A_257 = arith.cmpi slt, %xor3A_254, %lt3A_256 : vector<16xi32>
      %add3A_258 = arith.constant 16 : i32
      %add3A_259 = vector.broadcast %add3A_258 : i32 to vector<16xi32>
      %add3A_260 = arith.addi %xor3A_254, %add3A_259 : vector<16xi32>
      %select_n3A_261 = arith.select %lt3A_257, %add3A_260, %xor3A_254 : vector<16xi1>, vector<16xi32>
      %broadcast_in_dim3A_262 = vector.shape_cast %select_n3A_261 : vector<16xi32> to vector<16x1xi32>
      %gather3A_263 = vector.shape_cast %broadcast_in_dim3A_262 : vector<16x1xi32> to vector<16xi32>
      %gather3A_264 = tpu.dynamic_gather %min3A_252[%gather3A_263] in [0] : vector<16xf32>, vector<16xi32> -> vector<16xf32>
      %min3A_265 = arith.minimumf %min3A_252, %gather3A_264 : vector<16xf32>
      %xor3A_266 = arith.constant 4 : i32
      %xor3A_267 = vector.broadcast %xor3A_266 : i32 to vector<16xi32>
      %xor3A_268 = arith.xori %iota3A, %xor3A_267 : vector<16xi32>
      %lt3A_269 = arith.constant 0 : i32
      %lt3A_270 = vector.broadcast %lt3A_269 : i32 to vector<16xi32>
      %lt3A_271 = arith.cmpi slt, %xor3A_268, %lt3A_270 : vector<16xi32>
      %add3A_272 = arith.constant 16 : i32
      %add3A_273 = vector.broadcast %add3A_272 : i32 to vector<16xi32>
      %add3A_274 = arith.addi %xor3A_268, %add3A_273 : vector<16xi32>
      %select_n3A_275 = arith.select %lt3A_271, %add3A_274, %xor3A_268 : vector<16xi1>, vector<16xi32>
      %broadcast_in_dim3A_276 = vector.shape_cast %select_n3A_275 : vector<16xi32> to vector<16x1xi32>
      %gather3A_277 = vector.shape_cast %broadcast_in_dim3A_276 : vector<16x1xi32> to vector<16xi32>
      %gather3A_278 = tpu.dynamic_gather %min3A_265[%gather3A_277] in [0] : vector<16xf32>, vector<16xi32> -> vector<16xf32>
      %min3A_279 = arith.minimumf %min3A_265, %gather3A_278 : vector<16xf32>
      %xor3A_280 = arith.constant 2 : i32
      %xor3A_281 = vector.broadcast %xor3A_280 : i32 to vector<16xi32>
      %xor3A_282 = arith.xori %iota3A, %xor3A_281 : vector<16xi32>
      %lt3A_283 = arith.constant 0 : i32
      %lt3A_284 = vector.broadcast %lt3A_283 : i32 to vector<16xi32>
      %lt3A_285 = arith.cmpi slt, %xor3A_282, %lt3A_284 : vector<16xi32>
      %add3A_286 = arith.constant 16 : i32
      %add3A_287 = vector.broadcast %add3A_286 : i32 to vector<16xi32>
      %add3A_288 = arith.addi %xor3A_282, %add3A_287 : vector<16xi32>
      %select_n3A_289 = arith.select %lt3A_285, %add3A_288, %xor3A_282 : vector<16xi1>, vector<16xi32>
      %broadcast_in_dim3A_290 = vector.shape_cast %select_n3A_289 : vector<16xi32> to vector<16x1xi32>
      %gather3A_291 = vector.shape_cast %broadcast_in_dim3A_290 : vector<16x1xi32> to vector<16xi32>
      %gather3A_292 = tpu.dynamic_gather %min3A_279[%gather3A_291] in [0] : vector<16xf32>, vector<16xi32> -> vector<16xf32>
      %min3A_293 = arith.minimumf %min3A_279, %gather3A_292 : vector<16xf32>
      %xor3A_294 = arith.constant 1 : i32
      %xor3A_295 = vector.broadcast %xor3A_294 : i32 to vector<16xi32>
      %xor3A_296 = arith.xori %iota3A, %xor3A_295 : vector<16xi32>
      %lt3A_297 = arith.constant 0 : i32
      %lt3A_298 = vector.broadcast %lt3A_297 : i32 to vector<16xi32>
      %lt3A_299 = arith.cmpi slt, %xor3A_296, %lt3A_298 : vector<16xi32>
      %add3A_300 = arith.constant 16 : i32
      %add3A_301 = vector.broadcast %add3A_300 : i32 to vector<16xi32>
      %add3A_302 = arith.addi %xor3A_296, %add3A_301 : vector<16xi32>
      %select_n3A_303 = arith.select %lt3A_299, %add3A_302, %xor3A_296 : vector<16xi1>, vector<16xi32>
      %broadcast_in_dim3A_304 = vector.shape_cast %select_n3A_303 : vector<16xi32> to vector<16x1xi32>
      %gather3A_305 = vector.shape_cast %broadcast_in_dim3A_304 : vector<16x1xi32> to vector<16xi32>
      %gather3A_306 = tpu.dynamic_gather %min3A_293[%gather3A_305] in [0] : vector<16xf32>, vector<16xi32> -> vector<16xf32>
      %min3A_307 = arith.minimumf %min3A_293, %gather3A_306 : vector<16xf32>
      %eq3A_308 = arith.constant 0 : i32
      %eq3A_309 = vector.broadcast %eq3A_308 : i32 to vector<16xi32>
      %eq3A_310 = arith.cmpi eq, %iota3A, %eq3A_309 : vector<16xi32>
      %select_n3A_311 = arith.select %eq3A_310, %min3A_307, %broadcast_in_dim3A_238 : vector<16xi1>, vector<16xf32>
      %eq3A_312 = arith.cmpf oeq, %scan3A_235#0, %min3A_307 : vector<16xf32>
      %jit3A_313 = arith.constant 3.000000e+38 : f32
      %broadcast_in_dim3A_314 = vector.broadcast %jit3A_313 : f32 to vector<16xf32>
      %select_n3A_315 = arith.select %eq3A_312, %broadcast_in_dim3A_314, %scan3A_235#0 : vector<16xi1>, vector<16xf32>
      %eq3A_316 = arith.cmpf oeq, %scan3A_235#1, %min3A_307 : vector<16xf32>
      %jit3A_317 = arith.constant 3.000000e+38 : f32
      %broadcast_in_dim3A_318 = vector.broadcast %jit3A_317 : f32 to vector<16xf32>
      %select_n3A_319 = arith.select %eq3A_316, %broadcast_in_dim3A_318, %scan3A_235#1 : vector<16xi1>, vector<16xf32>
      %eq3A_320 = arith.cmpf oeq, %scan3A_235#2, %min3A_307 : vector<16xf32>
      %jit3A_321 = arith.constant 3.000000e+38 : f32
      %broadcast_in_dim3A_322 = vector.broadcast %jit3A_321 : f32 to vector<16xf32>
      %select_n3A_323 = arith.select %eq3A_320, %broadcast_in_dim3A_322, %scan3A_235#2 : vector<16xi1>, vector<16xf32>
      %eq3A_324 = arith.cmpf oeq, %scan3A_235#3, %min3A_307 : vector<16xf32>
      %jit3A_325 = arith.constant 3.000000e+38 : f32
      %broadcast_in_dim3A_326 = vector.broadcast %jit3A_325 : f32 to vector<16xf32>
      %select_n3A_327 = arith.select %eq3A_324, %broadcast_in_dim3A_326, %scan3A_235#3 : vector<16xi1>, vector<16xf32>
      %eq3A_328 = arith.cmpf oeq, %scan3A_235#4, %min3A_307 : vector<16xf32>
      %jit3A_329 = arith.constant 3.000000e+38 : f32
      %broadcast_in_dim3A_330 = vector.broadcast %jit3A_329 : f32 to vector<16xf32>
      %select_n3A_331 = arith.select %eq3A_328, %broadcast_in_dim3A_330, %scan3A_235#4 : vector<16xi1>, vector<16xf32>
      %eq3A_332 = arith.cmpf oeq, %scan3A_235#5, %min3A_307 : vector<16xf32>
      %jit3A_333 = arith.constant 3.000000e+38 : f32
      %broadcast_in_dim3A_334 = vector.broadcast %jit3A_333 : f32 to vector<16xf32>
      %select_n3A_335 = arith.select %eq3A_332, %broadcast_in_dim3A_334, %scan3A_235#5 : vector<16xi1>, vector<16xf32>
      %eq3A_336 = arith.cmpf oeq, %scan3A_235#6, %min3A_307 : vector<16xf32>
      %jit3A_337 = arith.constant 3.000000e+38 : f32
      %broadcast_in_dim3A_338 = vector.broadcast %jit3A_337 : f32 to vector<16xf32>
      %select_n3A_339 = arith.select %eq3A_336, %broadcast_in_dim3A_338, %scan3A_235#6 : vector<16xi1>, vector<16xf32>
      %eq3A_340 = arith.cmpf oeq, %scan3A_235#7, %min3A_307 : vector<16xf32>
      %jit3A_341 = arith.constant 3.000000e+38 : f32
      %broadcast_in_dim3A_342 = vector.broadcast %jit3A_341 : f32 to vector<16xf32>
      %select_n3A_343 = arith.select %eq3A_340, %broadcast_in_dim3A_342, %scan3A_235#7 : vector<16xi1>, vector<16xf32>
      %eq3A_344 = arith.cmpf oeq, %scan3A_235#8, %min3A_307 : vector<16xf32>
      %jit3A_345 = arith.constant 3.000000e+38 : f32
      %broadcast_in_dim3A_346 = vector.broadcast %jit3A_345 : f32 to vector<16xf32>
      %select_n3A_347 = arith.select %eq3A_344, %broadcast_in_dim3A_346, %scan3A_235#8 : vector<16xi1>, vector<16xf32>
      %eq3A_348 = arith.cmpf oeq, %scan3A_235#9, %min3A_307 : vector<16xf32>
      %jit3A_349 = arith.constant 3.000000e+38 : f32
      %broadcast_in_dim3A_350 = vector.broadcast %jit3A_349 : f32 to vector<16xf32>
      %select_n3A_351 = arith.select %eq3A_348, %broadcast_in_dim3A_350, %scan3A_235#9 : vector<16xi1>, vector<16xf32>
      %eq3A_352 = arith.cmpf oeq, %scan3A_235#10, %min3A_307 : vector<16xf32>
      %jit3A_353 = arith.constant 3.000000e+38 : f32
      %broadcast_in_dim3A_354 = vector.broadcast %jit3A_353 : f32 to vector<16xf32>
      %select_n3A_355 = arith.select %eq3A_352, %broadcast_in_dim3A_354, %scan3A_235#10 : vector<16xi1>, vector<16xf32>
      %eq3A_356 = arith.cmpf oeq, %scan3A_235#11, %min3A_307 : vector<16xf32>
      %jit3A_357 = arith.constant 3.000000e+38 : f32
      %broadcast_in_dim3A_358 = vector.broadcast %jit3A_357 : f32 to vector<16xf32>
      %select_n3A_359 = arith.select %eq3A_356, %broadcast_in_dim3A_358, %scan3A_235#11 : vector<16xi1>, vector<16xf32>
      %eq3A_360 = arith.cmpf oeq, %scan3A_235#12, %min3A_307 : vector<16xf32>
      %jit3A_361 = arith.constant 3.000000e+38 : f32
      %broadcast_in_dim3A_362 = vector.broadcast %jit3A_361 : f32 to vector<16xf32>
      %select_n3A_363 = arith.select %eq3A_360, %broadcast_in_dim3A_362, %scan3A_235#12 : vector<16xi1>, vector<16xf32>
      %eq3A_364 = arith.cmpf oeq, %scan3A_235#13, %min3A_307 : vector<16xf32>
      %jit3A_365 = arith.constant 3.000000e+38 : f32
      %broadcast_in_dim3A_366 = vector.broadcast %jit3A_365 : f32 to vector<16xf32>
      %select_n3A_367 = arith.select %eq3A_364, %broadcast_in_dim3A_366, %scan3A_235#13 : vector<16xi1>, vector<16xf32>
      %eq3A_368 = arith.cmpf oeq, %scan3A_235#14, %min3A_307 : vector<16xf32>
      %jit3A_369 = arith.constant 3.000000e+38 : f32
      %broadcast_in_dim3A_370 = vector.broadcast %jit3A_369 : f32 to vector<16xf32>
      %select_n3A_371 = arith.select %eq3A_368, %broadcast_in_dim3A_370, %scan3A_235#14 : vector<16xi1>, vector<16xf32>
      %eq3A_372 = arith.cmpf oeq, %scan3A_235#15, %min3A_307 : vector<16xf32>
      %jit3A_373 = arith.constant 3.000000e+38 : f32
      %broadcast_in_dim3A_374 = vector.broadcast %jit3A_373 : f32 to vector<16xf32>
      %select_n3A_375 = arith.select %eq3A_372, %broadcast_in_dim3A_374, %scan3A_235#15 : vector<16xi1>, vector<16xf32>
      %min3A_376 = arith.minimumf %select_n3A_315, %select_n3A_319 : vector<16xf32>
      %min3A_377 = arith.minimumf %min3A_376, %select_n3A_323 : vector<16xf32>
      %min3A_378 = arith.minimumf %min3A_377, %select_n3A_327 : vector<16xf32>
      %min3A_379 = arith.minimumf %min3A_378, %select_n3A_331 : vector<16xf32>
      %min3A_380 = arith.minimumf %min3A_379, %select_n3A_335 : vector<16xf32>
      %min3A_381 = arith.minimumf %min3A_380, %select_n3A_339 : vector<16xf32>
      %min3A_382 = arith.minimumf %min3A_381, %select_n3A_343 : vector<16xf32>
      %min3A_383 = arith.minimumf %min3A_382, %select_n3A_347 : vector<16xf32>
      %min3A_384 = arith.minimumf %min3A_383, %select_n3A_351 : vector<16xf32>
      %min3A_385 = arith.minimumf %min3A_384, %select_n3A_355 : vector<16xf32>
      %min3A_386 = arith.minimumf %min3A_385, %select_n3A_359 : vector<16xf32>
      %min3A_387 = arith.minimumf %min3A_386, %select_n3A_363 : vector<16xf32>
      %min3A_388 = arith.minimumf %min3A_387, %select_n3A_367 : vector<16xf32>
      %min3A_389 = arith.minimumf %min3A_388, %select_n3A_371 : vector<16xf32>
      %min3A_390 = arith.minimumf %min3A_389, %select_n3A_375 : vector<16xf32>
      %xor3A_391 = arith.constant 8 : i32
      %xor3A_392 = vector.broadcast %xor3A_391 : i32 to vector<16xi32>
      %xor3A_393 = arith.xori %iota3A, %xor3A_392 : vector<16xi32>
      %lt3A_394 = arith.constant 0 : i32
      %lt3A_395 = vector.broadcast %lt3A_394 : i32 to vector<16xi32>
      %lt3A_396 = arith.cmpi slt, %xor3A_393, %lt3A_395 : vector<16xi32>
      %add3A_397 = arith.constant 16 : i32
      %add3A_398 = vector.broadcast %add3A_397 : i32 to vector<16xi32>
      %add3A_399 = arith.addi %xor3A_393, %add3A_398 : vector<16xi32>
      %select_n3A_400 = arith.select %lt3A_396, %add3A_399, %xor3A_393 : vector<16xi1>, vector<16xi32>
      %broadcast_in_dim3A_401 = vector.shape_cast %select_n3A_400 : vector<16xi32> to vector<16x1xi32>
      %gather3A_402 = vector.shape_cast %broadcast_in_dim3A_401 : vector<16x1xi32> to vector<16xi32>
      %gather3A_403 = tpu.dynamic_gather %min3A_390[%gather3A_402] in [0] : vector<16xf32>, vector<16xi32> -> vector<16xf32>
      %min3A_404 = arith.minimumf %min3A_390, %gather3A_403 : vector<16xf32>
      %xor3A_405 = arith.constant 4 : i32
      %xor3A_406 = vector.broadcast %xor3A_405 : i32 to vector<16xi32>
      %xor3A_407 = arith.xori %iota3A, %xor3A_406 : vector<16xi32>
      %lt3A_408 = arith.constant 0 : i32
      %lt3A_409 = vector.broadcast %lt3A_408 : i32 to vector<16xi32>
      %lt3A_410 = arith.cmpi slt, %xor3A_407, %lt3A_409 : vector<16xi32>
      %add3A_411 = arith.constant 16 : i32
      %add3A_412 = vector.broadcast %add3A_411 : i32 to vector<16xi32>
      %add3A_413 = arith.addi %xor3A_407, %add3A_412 : vector<16xi32>
      %select_n3A_414 = arith.select %lt3A_410, %add3A_413, %xor3A_407 : vector<16xi1>, vector<16xi32>
      %broadcast_in_dim3A_415 = vector.shape_cast %select_n3A_414 : vector<16xi32> to vector<16x1xi32>
      %gather3A_416 = vector.shape_cast %broadcast_in_dim3A_415 : vector<16x1xi32> to vector<16xi32>
      %gather3A_417 = tpu.dynamic_gather %min3A_404[%gather3A_416] in [0] : vector<16xf32>, vector<16xi32> -> vector<16xf32>
      %min3A_418 = arith.minimumf %min3A_404, %gather3A_417 : vector<16xf32>
      %xor3A_419 = arith.constant 2 : i32
      %xor3A_420 = vector.broadcast %xor3A_419 : i32 to vector<16xi32>
      %xor3A_421 = arith.xori %iota3A, %xor3A_420 : vector<16xi32>
      %lt3A_422 = arith.constant 0 : i32
      %lt3A_423 = vector.broadcast %lt3A_422 : i32 to vector<16xi32>
      %lt3A_424 = arith.cmpi slt, %xor3A_421, %lt3A_423 : vector<16xi32>
      %add3A_425 = arith.constant 16 : i32
      %add3A_426 = vector.broadcast %add3A_425 : i32 to vector<16xi32>
      %add3A_427 = arith.addi %xor3A_421, %add3A_426 : vector<16xi32>
      %select_n3A_428 = arith.select %lt3A_424, %add3A_427, %xor3A_421 : vector<16xi1>, vector<16xi32>
      %broadcast_in_dim3A_429 = vector.shape_cast %select_n3A_428 : vector<16xi32> to vector<16x1xi32>
      %gather3A_430 = vector.shape_cast %broadcast_in_dim3A_429 : vector<16x1xi32> to vector<16xi32>
      %gather3A_431 = tpu.dynamic_gather %min3A_418[%gather3A_430] in [0] : vector<16xf32>, vector<16xi32> -> vector<16xf32>
      %min3A_432 = arith.minimumf %min3A_418, %gather3A_431 : vector<16xf32>
      %xor3A_433 = arith.constant 1 : i32
      %xor3A_434 = vector.broadcast %xor3A_433 : i32 to vector<16xi32>
      %xor3A_435 = arith.xori %iota3A, %xor3A_434 : vector<16xi32>
      %lt3A_436 = arith.constant 0 : i32
      %lt3A_437 = vector.broadcast %lt3A_436 : i32 to vector<16xi32>
      %lt3A_438 = arith.cmpi slt, %xor3A_435, %lt3A_437 : vector<16xi32>
      %add3A_439 = arith.constant 16 : i32
      %add3A_440 = vector.broadcast %add3A_439 : i32 to vector<16xi32>
      %add3A_441 = arith.addi %xor3A_435, %add3A_440 : vector<16xi32>
      %select_n3A_442 = arith.select %lt3A_438, %add3A_441, %xor3A_435 : vector<16xi1>, vector<16xi32>
      %broadcast_in_dim3A_443 = vector.shape_cast %select_n3A_442 : vector<16xi32> to vector<16x1xi32>
      %gather3A_444 = vector.shape_cast %broadcast_in_dim3A_443 : vector<16x1xi32> to vector<16xi32>
      %gather3A_445 = tpu.dynamic_gather %min3A_432[%gather3A_444] in [0] : vector<16xf32>, vector<16xi32> -> vector<16xf32>
      %min3A_446 = arith.minimumf %min3A_432, %gather3A_445 : vector<16xf32>
      %eq3A_447 = arith.constant 1 : i32
      %eq3A_448 = vector.broadcast %eq3A_447 : i32 to vector<16xi32>
      %eq3A_449 = arith.cmpi eq, %iota3A, %eq3A_448 : vector<16xi32>
      %select_n3A_450 = arith.select %eq3A_449, %min3A_446, %select_n3A_311 : vector<16xi1>, vector<16xf32>
      %eq3A_451 = arith.cmpf oeq, %select_n3A_315, %min3A_446 : vector<16xf32>
      %jit3A_452 = arith.constant 3.000000e+38 : f32
      %broadcast_in_dim3A_453 = vector.broadcast %jit3A_452 : f32 to vector<16xf32>
      %select_n3A_454 = arith.select %eq3A_451, %broadcast_in_dim3A_453, %select_n3A_315 : vector<16xi1>, vector<16xf32>
      %eq3A_455 = arith.cmpf oeq, %select_n3A_319, %min3A_446 : vector<16xf32>
      %jit3A_456 = arith.constant 3.000000e+38 : f32
      %broadcast_in_dim3A_457 = vector.broadcast %jit3A_456 : f32 to vector<16xf32>
      %select_n3A_458 = arith.select %eq3A_455, %broadcast_in_dim3A_457, %select_n3A_319 : vector<16xi1>, vector<16xf32>
      %eq3A_459 = arith.cmpf oeq, %select_n3A_323, %min3A_446 : vector<16xf32>
      %jit3A_460 = arith.constant 3.000000e+38 : f32
      %broadcast_in_dim3A_461 = vector.broadcast %jit3A_460 : f32 to vector<16xf32>
      %select_n3A_462 = arith.select %eq3A_459, %broadcast_in_dim3A_461, %select_n3A_323 : vector<16xi1>, vector<16xf32>
      %eq3A_463 = arith.cmpf oeq, %select_n3A_327, %min3A_446 : vector<16xf32>
      %jit3A_464 = arith.constant 3.000000e+38 : f32
      %broadcast_in_dim3A_465 = vector.broadcast %jit3A_464 : f32 to vector<16xf32>
      %select_n3A_466 = arith.select %eq3A_463, %broadcast_in_dim3A_465, %select_n3A_327 : vector<16xi1>, vector<16xf32>
      %eq3A_467 = arith.cmpf oeq, %select_n3A_331, %min3A_446 : vector<16xf32>
      %jit3A_468 = arith.constant 3.000000e+38 : f32
      %broadcast_in_dim3A_469 = vector.broadcast %jit3A_468 : f32 to vector<16xf32>
      %select_n3A_470 = arith.select %eq3A_467, %broadcast_in_dim3A_469, %select_n3A_331 : vector<16xi1>, vector<16xf32>
      %eq3A_471 = arith.cmpf oeq, %select_n3A_335, %min3A_446 : vector<16xf32>
      %jit3A_472 = arith.constant 3.000000e+38 : f32
      %broadcast_in_dim3A_473 = vector.broadcast %jit3A_472 : f32 to vector<16xf32>
      %select_n3A_474 = arith.select %eq3A_471, %broadcast_in_dim3A_473, %select_n3A_335 : vector<16xi1>, vector<16xf32>
      %eq3A_475 = arith.cmpf oeq, %select_n3A_339, %min3A_446 : vector<16xf32>
      %jit3A_476 = arith.constant 3.000000e+38 : f32
      %broadcast_in_dim3A_477 = vector.broadcast %jit3A_476 : f32 to vector<16xf32>
      %select_n3A_478 = arith.select %eq3A_475, %broadcast_in_dim3A_477, %select_n3A_339 : vector<16xi1>, vector<16xf32>
      %eq3A_479 = arith.cmpf oeq, %select_n3A_343, %min3A_446 : vector<16xf32>
      %jit3A_480 = arith.constant 3.000000e+38 : f32
      %broadcast_in_dim3A_481 = vector.broadcast %jit3A_480 : f32 to vector<16xf32>
      %select_n3A_482 = arith.select %eq3A_479, %broadcast_in_dim3A_481, %select_n3A_343 : vector<16xi1>, vector<16xf32>
      %eq3A_483 = arith.cmpf oeq, %select_n3A_347, %min3A_446 : vector<16xf32>
      %jit3A_484 = arith.constant 3.000000e+38 : f32
      %broadcast_in_dim3A_485 = vector.broadcast %jit3A_484 : f32 to vector<16xf32>
      %select_n3A_486 = arith.select %eq3A_483, %broadcast_in_dim3A_485, %select_n3A_347 : vector<16xi1>, vector<16xf32>
      %eq3A_487 = arith.cmpf oeq, %select_n3A_351, %min3A_446 : vector<16xf32>
      %jit3A_488 = arith.constant 3.000000e+38 : f32
      %broadcast_in_dim3A_489 = vector.broadcast %jit3A_488 : f32 to vector<16xf32>
      %select_n3A_490 = arith.select %eq3A_487, %broadcast_in_dim3A_489, %select_n3A_351 : vector<16xi1>, vector<16xf32>
      %eq3A_491 = arith.cmpf oeq, %select_n3A_355, %min3A_446 : vector<16xf32>
      %jit3A_492 = arith.constant 3.000000e+38 : f32
      %broadcast_in_dim3A_493 = vector.broadcast %jit3A_492 : f32 to vector<16xf32>
      %select_n3A_494 = arith.select %eq3A_491, %broadcast_in_dim3A_493, %select_n3A_355 : vector<16xi1>, vector<16xf32>
      %eq3A_495 = arith.cmpf oeq, %select_n3A_359, %min3A_446 : vector<16xf32>
      %jit3A_496 = arith.constant 3.000000e+38 : f32
      %broadcast_in_dim3A_497 = vector.broadcast %jit3A_496 : f32 to vector<16xf32>
      %select_n3A_498 = arith.select %eq3A_495, %broadcast_in_dim3A_497, %select_n3A_359 : vector<16xi1>, vector<16xf32>
      %eq3A_499 = arith.cmpf oeq, %select_n3A_363, %min3A_446 : vector<16xf32>
      %jit3A_500 = arith.constant 3.000000e+38 : f32
      %broadcast_in_dim3A_501 = vector.broadcast %jit3A_500 : f32 to vector<16xf32>
      %select_n3A_502 = arith.select %eq3A_499, %broadcast_in_dim3A_501, %select_n3A_363 : vector<16xi1>, vector<16xf32>
      %eq3A_503 = arith.cmpf oeq, %select_n3A_367, %min3A_446 : vector<16xf32>
      %jit3A_504 = arith.constant 3.000000e+38 : f32
      %broadcast_in_dim3A_505 = vector.broadcast %jit3A_504 : f32 to vector<16xf32>
      %select_n3A_506 = arith.select %eq3A_503, %broadcast_in_dim3A_505, %select_n3A_367 : vector<16xi1>, vector<16xf32>
      %eq3A_507 = arith.cmpf oeq, %select_n3A_371, %min3A_446 : vector<16xf32>
      %jit3A_508 = arith.constant 3.000000e+38 : f32
      %broadcast_in_dim3A_509 = vector.broadcast %jit3A_508 : f32 to vector<16xf32>
      %select_n3A_510 = arith.select %eq3A_507, %broadcast_in_dim3A_509, %select_n3A_371 : vector<16xi1>, vector<16xf32>
      %eq3A_511 = arith.cmpf oeq, %select_n3A_375, %min3A_446 : vector<16xf32>
      %jit3A_512 = arith.constant 3.000000e+38 : f32
      %broadcast_in_dim3A_513 = vector.broadcast %jit3A_512 : f32 to vector<16xf32>
      %select_n3A_514 = arith.select %eq3A_511, %broadcast_in_dim3A_513, %select_n3A_375 : vector<16xi1>, vector<16xf32>
      %min3A_515 = arith.minimumf %select_n3A_454, %select_n3A_458 : vector<16xf32>
      %min3A_516 = arith.minimumf %min3A_515, %select_n3A_462 : vector<16xf32>
      %min3A_517 = arith.minimumf %min3A_516, %select_n3A_466 : vector<16xf32>
      %min3A_518 = arith.minimumf %min3A_517, %select_n3A_470 : vector<16xf32>
      %min3A_519 = arith.minimumf %min3A_518, %select_n3A_474 : vector<16xf32>
      %min3A_520 = arith.minimumf %min3A_519, %select_n3A_478 : vector<16xf32>
      %min3A_521 = arith.minimumf %min3A_520, %select_n3A_482 : vector<16xf32>
      %min3A_522 = arith.minimumf %min3A_521, %select_n3A_486 : vector<16xf32>
      %min3A_523 = arith.minimumf %min3A_522, %select_n3A_490 : vector<16xf32>
      %min3A_524 = arith.minimumf %min3A_523, %select_n3A_494 : vector<16xf32>
      %min3A_525 = arith.minimumf %min3A_524, %select_n3A_498 : vector<16xf32>
      %min3A_526 = arith.minimumf %min3A_525, %select_n3A_502 : vector<16xf32>
      %min3A_527 = arith.minimumf %min3A_526, %select_n3A_506 : vector<16xf32>
      %min3A_528 = arith.minimumf %min3A_527, %select_n3A_510 : vector<16xf32>
      %min3A_529 = arith.minimumf %min3A_528, %select_n3A_514 : vector<16xf32>
      %xor3A_530 = arith.constant 8 : i32
      %xor3A_531 = vector.broadcast %xor3A_530 : i32 to vector<16xi32>
      %xor3A_532 = arith.xori %iota3A, %xor3A_531 : vector<16xi32>
      %lt3A_533 = arith.constant 0 : i32
      %lt3A_534 = vector.broadcast %lt3A_533 : i32 to vector<16xi32>
      %lt3A_535 = arith.cmpi slt, %xor3A_532, %lt3A_534 : vector<16xi32>
      %add3A_536 = arith.constant 16 : i32
      %add3A_537 = vector.broadcast %add3A_536 : i32 to vector<16xi32>
      %add3A_538 = arith.addi %xor3A_532, %add3A_537 : vector<16xi32>
      %select_n3A_539 = arith.select %lt3A_535, %add3A_538, %xor3A_532 : vector<16xi1>, vector<16xi32>
      %broadcast_in_dim3A_540 = vector.shape_cast %select_n3A_539 : vector<16xi32> to vector<16x1xi32>
      %gather3A_541 = vector.shape_cast %broadcast_in_dim3A_540 : vector<16x1xi32> to vector<16xi32>
      %gather3A_542 = tpu.dynamic_gather %min3A_529[%gather3A_541] in [0] : vector<16xf32>, vector<16xi32> -> vector<16xf32>
      %min3A_543 = arith.minimumf %min3A_529, %gather3A_542 : vector<16xf32>
      %xor3A_544 = arith.constant 4 : i32
      %xor3A_545 = vector.broadcast %xor3A_544 : i32 to vector<16xi32>
      %xor3A_546 = arith.xori %iota3A, %xor3A_545 : vector<16xi32>
      %lt3A_547 = arith.constant 0 : i32
      %lt3A_548 = vector.broadcast %lt3A_547 : i32 to vector<16xi32>
      %lt3A_549 = arith.cmpi slt, %xor3A_546, %lt3A_548 : vector<16xi32>
      %add3A_550 = arith.constant 16 : i32
      %add3A_551 = vector.broadcast %add3A_550 : i32 to vector<16xi32>
      %add3A_552 = arith.addi %xor3A_546, %add3A_551 : vector<16xi32>
      %select_n3A_553 = arith.select %lt3A_549, %add3A_552, %xor3A_546 : vector<16xi1>, vector<16xi32>
      %broadcast_in_dim3A_554 = vector.shape_cast %select_n3A_553 : vector<16xi32> to vector<16x1xi32>
      %gather3A_555 = vector.shape_cast %broadcast_in_dim3A_554 : vector<16x1xi32> to vector<16xi32>
      %gather3A_556 = tpu.dynamic_gather %min3A_543[%gather3A_555] in [0] : vector<16xf32>, vector<16xi32> -> vector<16xf32>
      %min3A_557 = arith.minimumf %min3A_543, %gather3A_556 : vector<16xf32>
      %xor3A_558 = arith.constant 2 : i32
      %xor3A_559 = vector.broadcast %xor3A_558 : i32 to vector<16xi32>
      %xor3A_560 = arith.xori %iota3A, %xor3A_559 : vector<16xi32>
      %lt3A_561 = arith.constant 0 : i32
      %lt3A_562 = vector.broadcast %lt3A_561 : i32 to vector<16xi32>
      %lt3A_563 = arith.cmpi slt, %xor3A_560, %lt3A_562 : vector<16xi32>
      %add3A_564 = arith.constant 16 : i32
      %add3A_565 = vector.broadcast %add3A_564 : i32 to vector<16xi32>
      %add3A_566 = arith.addi %xor3A_560, %add3A_565 : vector<16xi32>
      %select_n3A_567 = arith.select %lt3A_563, %add3A_566, %xor3A_560 : vector<16xi1>, vector<16xi32>
      %broadcast_in_dim3A_568 = vector.shape_cast %select_n3A_567 : vector<16xi32> to vector<16x1xi32>
      %gather3A_569 = vector.shape_cast %broadcast_in_dim3A_568 : vector<16x1xi32> to vector<16xi32>
      %gather3A_570 = tpu.dynamic_gather %min3A_557[%gather3A_569] in [0] : vector<16xf32>, vector<16xi32> -> vector<16xf32>
      %min3A_571 = arith.minimumf %min3A_557, %gather3A_570 : vector<16xf32>
      %xor3A_572 = arith.constant 1 : i32
      %xor3A_573 = vector.broadcast %xor3A_572 : i32 to vector<16xi32>
      %xor3A_574 = arith.xori %iota3A, %xor3A_573 : vector<16xi32>
      %lt3A_575 = arith.constant 0 : i32
      %lt3A_576 = vector.broadcast %lt3A_575 : i32 to vector<16xi32>
      %lt3A_577 = arith.cmpi slt, %xor3A_574, %lt3A_576 : vector<16xi32>
      %add3A_578 = arith.constant 16 : i32
      %add3A_579 = vector.broadcast %add3A_578 : i32 to vector<16xi32>
      %add3A_580 = arith.addi %xor3A_574, %add3A_579 : vector<16xi32>
      %select_n3A_581 = arith.select %lt3A_577, %add3A_580, %xor3A_574 : vector<16xi1>, vector<16xi32>
      %broadcast_in_dim3A_582 = vector.shape_cast %select_n3A_581 : vector<16xi32> to vector<16x1xi32>
      %gather3A_583 = vector.shape_cast %broadcast_in_dim3A_582 : vector<16x1xi32> to vector<16xi32>
      %gather3A_584 = tpu.dynamic_gather %min3A_571[%gather3A_583] in [0] : vector<16xf32>, vector<16xi32> -> vector<16xf32>
      %min3A_585 = arith.minimumf %min3A_571, %gather3A_584 : vector<16xf32>
      %eq3A_586 = arith.constant 2 : i32
      %eq3A_587 = vector.broadcast %eq3A_586 : i32 to vector<16xi32>
      %eq3A_588 = arith.cmpi eq, %iota3A, %eq3A_587 : vector<16xi32>
      %select_n3A_589 = arith.select %eq3A_588, %min3A_585, %select_n3A_450 : vector<16xi1>, vector<16xf32>
      %eq3A_590 = arith.cmpf oeq, %select_n3A_454, %min3A_585 : vector<16xf32>
      %jit3A_591 = arith.constant 3.000000e+38 : f32
      %broadcast_in_dim3A_592 = vector.broadcast %jit3A_591 : f32 to vector<16xf32>
      %select_n3A_593 = arith.select %eq3A_590, %broadcast_in_dim3A_592, %select_n3A_454 : vector<16xi1>, vector<16xf32>
      %eq3A_594 = arith.cmpf oeq, %select_n3A_458, %min3A_585 : vector<16xf32>
      %jit3A_595 = arith.constant 3.000000e+38 : f32
      %broadcast_in_dim3A_596 = vector.broadcast %jit3A_595 : f32 to vector<16xf32>
      %select_n3A_597 = arith.select %eq3A_594, %broadcast_in_dim3A_596, %select_n3A_458 : vector<16xi1>, vector<16xf32>
      %eq3A_598 = arith.cmpf oeq, %select_n3A_462, %min3A_585 : vector<16xf32>
      %jit3A_599 = arith.constant 3.000000e+38 : f32
      %broadcast_in_dim3A_600 = vector.broadcast %jit3A_599 : f32 to vector<16xf32>
      %select_n3A_601 = arith.select %eq3A_598, %broadcast_in_dim3A_600, %select_n3A_462 : vector<16xi1>, vector<16xf32>
      %eq3A_602 = arith.cmpf oeq, %select_n3A_466, %min3A_585 : vector<16xf32>
      %jit3A_603 = arith.constant 3.000000e+38 : f32
      %broadcast_in_dim3A_604 = vector.broadcast %jit3A_603 : f32 to vector<16xf32>
      %select_n3A_605 = arith.select %eq3A_602, %broadcast_in_dim3A_604, %select_n3A_466 : vector<16xi1>, vector<16xf32>
      %eq3A_606 = arith.cmpf oeq, %select_n3A_470, %min3A_585 : vector<16xf32>
      %jit3A_607 = arith.constant 3.000000e+38 : f32
      %broadcast_in_dim3A_608 = vector.broadcast %jit3A_607 : f32 to vector<16xf32>
      %select_n3A_609 = arith.select %eq3A_606, %broadcast_in_dim3A_608, %select_n3A_470 : vector<16xi1>, vector<16xf32>
      %eq3A_610 = arith.cmpf oeq, %select_n3A_474, %min3A_585 : vector<16xf32>
      %jit3A_611 = arith.constant 3.000000e+38 : f32
      %broadcast_in_dim3A_612 = vector.broadcast %jit3A_611 : f32 to vector<16xf32>
      %select_n3A_613 = arith.select %eq3A_610, %broadcast_in_dim3A_612, %select_n3A_474 : vector<16xi1>, vector<16xf32>
      %eq3A_614 = arith.cmpf oeq, %select_n3A_478, %min3A_585 : vector<16xf32>
      %jit3A_615 = arith.constant 3.000000e+38 : f32
      %broadcast_in_dim3A_616 = vector.broadcast %jit3A_615 : f32 to vector<16xf32>
      %select_n3A_617 = arith.select %eq3A_614, %broadcast_in_dim3A_616, %select_n3A_478 : vector<16xi1>, vector<16xf32>
      %eq3A_618 = arith.cmpf oeq, %select_n3A_482, %min3A_585 : vector<16xf32>
      %jit3A_619 = arith.constant 3.000000e+38 : f32
      %broadcast_in_dim3A_620 = vector.broadcast %jit3A_619 : f32 to vector<16xf32>
      %select_n3A_621 = arith.select %eq3A_618, %broadcast_in_dim3A_620, %select_n3A_482 : vector<16xi1>, vector<16xf32>
      %eq3A_622 = arith.cmpf oeq, %select_n3A_486, %min3A_585 : vector<16xf32>
      %jit3A_623 = arith.constant 3.000000e+38 : f32
      %broadcast_in_dim3A_624 = vector.broadcast %jit3A_623 : f32 to vector<16xf32>
      %select_n3A_625 = arith.select %eq3A_622, %broadcast_in_dim3A_624, %select_n3A_486 : vector<16xi1>, vector<16xf32>
      %eq3A_626 = arith.cmpf oeq, %select_n3A_490, %min3A_585 : vector<16xf32>
      %jit3A_627 = arith.constant 3.000000e+38 : f32
      %broadcast_in_dim3A_628 = vector.broadcast %jit3A_627 : f32 to vector<16xf32>
      %select_n3A_629 = arith.select %eq3A_626, %broadcast_in_dim3A_628, %select_n3A_490 : vector<16xi1>, vector<16xf32>
      %eq3A_630 = arith.cmpf oeq, %select_n3A_494, %min3A_585 : vector<16xf32>
      %jit3A_631 = arith.constant 3.000000e+38 : f32
      %broadcast_in_dim3A_632 = vector.broadcast %jit3A_631 : f32 to vector<16xf32>
      %select_n3A_633 = arith.select %eq3A_630, %broadcast_in_dim3A_632, %select_n3A_494 : vector<16xi1>, vector<16xf32>
      %eq3A_634 = arith.cmpf oeq, %select_n3A_498, %min3A_585 : vector<16xf32>
      %jit3A_635 = arith.constant 3.000000e+38 : f32
      %broadcast_in_dim3A_636 = vector.broadcast %jit3A_635 : f32 to vector<16xf32>
      %select_n3A_637 = arith.select %eq3A_634, %broadcast_in_dim3A_636, %select_n3A_498 : vector<16xi1>, vector<16xf32>
      %eq3A_638 = arith.cmpf oeq, %select_n3A_502, %min3A_585 : vector<16xf32>
      %jit3A_639 = arith.constant 3.000000e+38 : f32
      %broadcast_in_dim3A_640 = vector.broadcast %jit3A_639 : f32 to vector<16xf32>
      %select_n3A_641 = arith.select %eq3A_638, %broadcast_in_dim3A_640, %select_n3A_502 : vector<16xi1>, vector<16xf32>
      %eq3A_642 = arith.cmpf oeq, %select_n3A_506, %min3A_585 : vector<16xf32>
      %jit3A_643 = arith.constant 3.000000e+38 : f32
      %broadcast_in_dim3A_644 = vector.broadcast %jit3A_643 : f32 to vector<16xf32>
      %select_n3A_645 = arith.select %eq3A_642, %broadcast_in_dim3A_644, %select_n3A_506 : vector<16xi1>, vector<16xf32>
      %eq3A_646 = arith.cmpf oeq, %select_n3A_510, %min3A_585 : vector<16xf32>
      %jit3A_647 = arith.constant 3.000000e+38 : f32
      %broadcast_in_dim3A_648 = vector.broadcast %jit3A_647 : f32 to vector<16xf32>
      %select_n3A_649 = arith.select %eq3A_646, %broadcast_in_dim3A_648, %select_n3A_510 : vector<16xi1>, vector<16xf32>
      %eq3A_650 = arith.cmpf oeq, %select_n3A_514, %min3A_585 : vector<16xf32>
      %jit3A_651 = arith.constant 3.000000e+38 : f32
      %broadcast_in_dim3A_652 = vector.broadcast %jit3A_651 : f32 to vector<16xf32>
      %select_n3A_653 = arith.select %eq3A_650, %broadcast_in_dim3A_652, %select_n3A_514 : vector<16xi1>, vector<16xf32>
      %min3A_654 = arith.minimumf %select_n3A_593, %select_n3A_597 : vector<16xf32>
      %min3A_655 = arith.minimumf %min3A_654, %select_n3A_601 : vector<16xf32>
      %min3A_656 = arith.minimumf %min3A_655, %select_n3A_605 : vector<16xf32>
      %min3A_657 = arith.minimumf %min3A_656, %select_n3A_609 : vector<16xf32>
      %min3A_658 = arith.minimumf %min3A_657, %select_n3A_613 : vector<16xf32>
      %min3A_659 = arith.minimumf %min3A_658, %select_n3A_617 : vector<16xf32>
      %min3A_660 = arith.minimumf %min3A_659, %select_n3A_621 : vector<16xf32>
      %min3A_661 = arith.minimumf %min3A_660, %select_n3A_625 : vector<16xf32>
      %min3A_662 = arith.minimumf %min3A_661, %select_n3A_629 : vector<16xf32>
      %min3A_663 = arith.minimumf %min3A_662, %select_n3A_633 : vector<16xf32>
      %min3A_664 = arith.minimumf %min3A_663, %select_n3A_637 : vector<16xf32>
      %min3A_665 = arith.minimumf %min3A_664, %select_n3A_641 : vector<16xf32>
      %min3A_666 = arith.minimumf %min3A_665, %select_n3A_645 : vector<16xf32>
      %min3A_667 = arith.minimumf %min3A_666, %select_n3A_649 : vector<16xf32>
      %min3A_668 = arith.minimumf %min3A_667, %select_n3A_653 : vector<16xf32>
      %xor3A_669 = arith.constant 8 : i32
      %xor3A_670 = vector.broadcast %xor3A_669 : i32 to vector<16xi32>
      %xor3A_671 = arith.xori %iota3A, %xor3A_670 : vector<16xi32>
      %lt3A_672 = arith.constant 0 : i32
      %lt3A_673 = vector.broadcast %lt3A_672 : i32 to vector<16xi32>
      %lt3A_674 = arith.cmpi slt, %xor3A_671, %lt3A_673 : vector<16xi32>
      %add3A_675 = arith.constant 16 : i32
      %add3A_676 = vector.broadcast %add3A_675 : i32 to vector<16xi32>
      %add3A_677 = arith.addi %xor3A_671, %add3A_676 : vector<16xi32>
      %select_n3A_678 = arith.select %lt3A_674, %add3A_677, %xor3A_671 : vector<16xi1>, vector<16xi32>
      %broadcast_in_dim3A_679 = vector.shape_cast %select_n3A_678 : vector<16xi32> to vector<16x1xi32>
      %gather3A_680 = vector.shape_cast %broadcast_in_dim3A_679 : vector<16x1xi32> to vector<16xi32>
      %gather3A_681 = tpu.dynamic_gather %min3A_668[%gather3A_680] in [0] : vector<16xf32>, vector<16xi32> -> vector<16xf32>
      %min3A_682 = arith.minimumf %min3A_668, %gather3A_681 : vector<16xf32>
      %xor3A_683 = arith.constant 4 : i32
      %xor3A_684 = vector.broadcast %xor3A_683 : i32 to vector<16xi32>
      %xor3A_685 = arith.xori %iota3A, %xor3A_684 : vector<16xi32>
      %lt3A_686 = arith.constant 0 : i32
      %lt3A_687 = vector.broadcast %lt3A_686 : i32 to vector<16xi32>
      %lt3A_688 = arith.cmpi slt, %xor3A_685, %lt3A_687 : vector<16xi32>
      %add3A_689 = arith.constant 16 : i32
      %add3A_690 = vector.broadcast %add3A_689 : i32 to vector<16xi32>
      %add3A_691 = arith.addi %xor3A_685, %add3A_690 : vector<16xi32>
      %select_n3A_692 = arith.select %lt3A_688, %add3A_691, %xor3A_685 : vector<16xi1>, vector<16xi32>
      %broadcast_in_dim3A_693 = vector.shape_cast %select_n3A_692 : vector<16xi32> to vector<16x1xi32>
      %gather3A_694 = vector.shape_cast %broadcast_in_dim3A_693 : vector<16x1xi32> to vector<16xi32>
      %gather3A_695 = tpu.dynamic_gather %min3A_682[%gather3A_694] in [0] : vector<16xf32>, vector<16xi32> -> vector<16xf32>
      %min3A_696 = arith.minimumf %min3A_682, %gather3A_695 : vector<16xf32>
      %xor3A_697 = arith.constant 2 : i32
      %xor3A_698 = vector.broadcast %xor3A_697 : i32 to vector<16xi32>
      %xor3A_699 = arith.xori %iota3A, %xor3A_698 : vector<16xi32>
      %lt3A_700 = arith.constant 0 : i32
      %lt3A_701 = vector.broadcast %lt3A_700 : i32 to vector<16xi32>
      %lt3A_702 = arith.cmpi slt, %xor3A_699, %lt3A_701 : vector<16xi32>
      %add3A_703 = arith.constant 16 : i32
      %add3A_704 = vector.broadcast %add3A_703 : i32 to vector<16xi32>
      %add3A_705 = arith.addi %xor3A_699, %add3A_704 : vector<16xi32>
      %select_n3A_706 = arith.select %lt3A_702, %add3A_705, %xor3A_699 : vector<16xi1>, vector<16xi32>
      %broadcast_in_dim3A_707 = vector.shape_cast %select_n3A_706 : vector<16xi32> to vector<16x1xi32>
      %gather3A_708 = vector.shape_cast %broadcast_in_dim3A_707 : vector<16x1xi32> to vector<16xi32>
      %gather3A_709 = tpu.dynamic_gather %min3A_696[%gather3A_708] in [0] : vector<16xf32>, vector<16xi32> -> vector<16xf32>
      %min3A_710 = arith.minimumf %min3A_696, %gather3A_709 : vector<16xf32>
      %xor3A_711 = arith.constant 1 : i32
      %xor3A_712 = vector.broadcast %xor3A_711 : i32 to vector<16xi32>
      %xor3A_713 = arith.xori %iota3A, %xor3A_712 : vector<16xi32>
      %lt3A_714 = arith.constant 0 : i32
      %lt3A_715 = vector.broadcast %lt3A_714 : i32 to vector<16xi32>
      %lt3A_716 = arith.cmpi slt, %xor3A_713, %lt3A_715 : vector<16xi32>
      %add3A_717 = arith.constant 16 : i32
      %add3A_718 = vector.broadcast %add3A_717 : i32 to vector<16xi32>
      %add3A_719 = arith.addi %xor3A_713, %add3A_718 : vector<16xi32>
      %select_n3A_720 = arith.select %lt3A_716, %add3A_719, %xor3A_713 : vector<16xi1>, vector<16xi32>
      %broadcast_in_dim3A_721 = vector.shape_cast %select_n3A_720 : vector<16xi32> to vector<16x1xi32>
      %gather3A_722 = vector.shape_cast %broadcast_in_dim3A_721 : vector<16x1xi32> to vector<16xi32>
      %gather3A_723 = tpu.dynamic_gather %min3A_710[%gather3A_722] in [0] : vector<16xf32>, vector<16xi32> -> vector<16xf32>
      %min3A_724 = arith.minimumf %min3A_710, %gather3A_723 : vector<16xf32>
      %eq3A_725 = arith.constant 3 : i32
      %eq3A_726 = vector.broadcast %eq3A_725 : i32 to vector<16xi32>
      %eq3A_727 = arith.cmpi eq, %iota3A, %eq3A_726 : vector<16xi32>
      %select_n3A_728 = arith.select %eq3A_727, %min3A_724, %select_n3A_589 : vector<16xi1>, vector<16xf32>
      %eq3A_729 = arith.cmpf oeq, %select_n3A_593, %min3A_724 : vector<16xf32>
      %jit3A_730 = arith.constant 3.000000e+38 : f32
      %broadcast_in_dim3A_731 = vector.broadcast %jit3A_730 : f32 to vector<16xf32>
      %select_n3A_732 = arith.select %eq3A_729, %broadcast_in_dim3A_731, %select_n3A_593 : vector<16xi1>, vector<16xf32>
      %eq3A_733 = arith.cmpf oeq, %select_n3A_597, %min3A_724 : vector<16xf32>
      %jit3A_734 = arith.constant 3.000000e+38 : f32
      %broadcast_in_dim3A_735 = vector.broadcast %jit3A_734 : f32 to vector<16xf32>
      %select_n3A_736 = arith.select %eq3A_733, %broadcast_in_dim3A_735, %select_n3A_597 : vector<16xi1>, vector<16xf32>
      %eq3A_737 = arith.cmpf oeq, %select_n3A_601, %min3A_724 : vector<16xf32>
      %jit3A_738 = arith.constant 3.000000e+38 : f32
      %broadcast_in_dim3A_739 = vector.broadcast %jit3A_738 : f32 to vector<16xf32>
      %select_n3A_740 = arith.select %eq3A_737, %broadcast_in_dim3A_739, %select_n3A_601 : vector<16xi1>, vector<16xf32>
      %eq3A_741 = arith.cmpf oeq, %select_n3A_605, %min3A_724 : vector<16xf32>
      %jit3A_742 = arith.constant 3.000000e+38 : f32
      %broadcast_in_dim3A_743 = vector.broadcast %jit3A_742 : f32 to vector<16xf32>
      %select_n3A_744 = arith.select %eq3A_741, %broadcast_in_dim3A_743, %select_n3A_605 : vector<16xi1>, vector<16xf32>
      %eq3A_745 = arith.cmpf oeq, %select_n3A_609, %min3A_724 : vector<16xf32>
      %jit3A_746 = arith.constant 3.000000e+38 : f32
      %broadcast_in_dim3A_747 = vector.broadcast %jit3A_746 : f32 to vector<16xf32>
      %select_n3A_748 = arith.select %eq3A_745, %broadcast_in_dim3A_747, %select_n3A_609 : vector<16xi1>, vector<16xf32>
      %eq3A_749 = arith.cmpf oeq, %select_n3A_613, %min3A_724 : vector<16xf32>
      %jit3A_750 = arith.constant 3.000000e+38 : f32
      %broadcast_in_dim3A_751 = vector.broadcast %jit3A_750 : f32 to vector<16xf32>
      %select_n3A_752 = arith.select %eq3A_749, %broadcast_in_dim3A_751, %select_n3A_613 : vector<16xi1>, vector<16xf32>
      %eq3A_753 = arith.cmpf oeq, %select_n3A_617, %min3A_724 : vector<16xf32>
      %jit3A_754 = arith.constant 3.000000e+38 : f32
      %broadcast_in_dim3A_755 = vector.broadcast %jit3A_754 : f32 to vector<16xf32>
      %select_n3A_756 = arith.select %eq3A_753, %broadcast_in_dim3A_755, %select_n3A_617 : vector<16xi1>, vector<16xf32>
      %eq3A_757 = arith.cmpf oeq, %select_n3A_621, %min3A_724 : vector<16xf32>
      %jit3A_758 = arith.constant 3.000000e+38 : f32
      %broadcast_in_dim3A_759 = vector.broadcast %jit3A_758 : f32 to vector<16xf32>
      %select_n3A_760 = arith.select %eq3A_757, %broadcast_in_dim3A_759, %select_n3A_621 : vector<16xi1>, vector<16xf32>
      %eq3A_761 = arith.cmpf oeq, %select_n3A_625, %min3A_724 : vector<16xf32>
      %jit3A_762 = arith.constant 3.000000e+38 : f32
      %broadcast_in_dim3A_763 = vector.broadcast %jit3A_762 : f32 to vector<16xf32>
      %select_n3A_764 = arith.select %eq3A_761, %broadcast_in_dim3A_763, %select_n3A_625 : vector<16xi1>, vector<16xf32>
      %eq3A_765 = arith.cmpf oeq, %select_n3A_629, %min3A_724 : vector<16xf32>
      %jit3A_766 = arith.constant 3.000000e+38 : f32
      %broadcast_in_dim3A_767 = vector.broadcast %jit3A_766 : f32 to vector<16xf32>
      %select_n3A_768 = arith.select %eq3A_765, %broadcast_in_dim3A_767, %select_n3A_629 : vector<16xi1>, vector<16xf32>
      %eq3A_769 = arith.cmpf oeq, %select_n3A_633, %min3A_724 : vector<16xf32>
      %jit3A_770 = arith.constant 3.000000e+38 : f32
      %broadcast_in_dim3A_771 = vector.broadcast %jit3A_770 : f32 to vector<16xf32>
      %select_n3A_772 = arith.select %eq3A_769, %broadcast_in_dim3A_771, %select_n3A_633 : vector<16xi1>, vector<16xf32>
      %eq3A_773 = arith.cmpf oeq, %select_n3A_637, %min3A_724 : vector<16xf32>
      %jit3A_774 = arith.constant 3.000000e+38 : f32
      %broadcast_in_dim3A_775 = vector.broadcast %jit3A_774 : f32 to vector<16xf32>
      %select_n3A_776 = arith.select %eq3A_773, %broadcast_in_dim3A_775, %select_n3A_637 : vector<16xi1>, vector<16xf32>
      %eq3A_777 = arith.cmpf oeq, %select_n3A_641, %min3A_724 : vector<16xf32>
      %jit3A_778 = arith.constant 3.000000e+38 : f32
      %broadcast_in_dim3A_779 = vector.broadcast %jit3A_778 : f32 to vector<16xf32>
      %select_n3A_780 = arith.select %eq3A_777, %broadcast_in_dim3A_779, %select_n3A_641 : vector<16xi1>, vector<16xf32>
      %eq3A_781 = arith.cmpf oeq, %select_n3A_645, %min3A_724 : vector<16xf32>
      %jit3A_782 = arith.constant 3.000000e+38 : f32
      %broadcast_in_dim3A_783 = vector.broadcast %jit3A_782 : f32 to vector<16xf32>
      %select_n3A_784 = arith.select %eq3A_781, %broadcast_in_dim3A_783, %select_n3A_645 : vector<16xi1>, vector<16xf32>
      %eq3A_785 = arith.cmpf oeq, %select_n3A_649, %min3A_724 : vector<16xf32>
      %jit3A_786 = arith.constant 3.000000e+38 : f32
      %broadcast_in_dim3A_787 = vector.broadcast %jit3A_786 : f32 to vector<16xf32>
      %select_n3A_788 = arith.select %eq3A_785, %broadcast_in_dim3A_787, %select_n3A_649 : vector<16xi1>, vector<16xf32>
      %eq3A_789 = arith.cmpf oeq, %select_n3A_653, %min3A_724 : vector<16xf32>
      %jit3A_790 = arith.constant 3.000000e+38 : f32
      %broadcast_in_dim3A_791 = vector.broadcast %jit3A_790 : f32 to vector<16xf32>
      %select_n3A_792 = arith.select %eq3A_789, %broadcast_in_dim3A_791, %select_n3A_653 : vector<16xi1>, vector<16xf32>
      %min3A_793 = arith.minimumf %select_n3A_732, %select_n3A_736 : vector<16xf32>
      %min3A_794 = arith.minimumf %min3A_793, %select_n3A_740 : vector<16xf32>
      %min3A_795 = arith.minimumf %min3A_794, %select_n3A_744 : vector<16xf32>
      %min3A_796 = arith.minimumf %min3A_795, %select_n3A_748 : vector<16xf32>
      %min3A_797 = arith.minimumf %min3A_796, %select_n3A_752 : vector<16xf32>
      %min3A_798 = arith.minimumf %min3A_797, %select_n3A_756 : vector<16xf32>
      %min3A_799 = arith.minimumf %min3A_798, %select_n3A_760 : vector<16xf32>
      %min3A_800 = arith.minimumf %min3A_799, %select_n3A_764 : vector<16xf32>
      %min3A_801 = arith.minimumf %min3A_800, %select_n3A_768 : vector<16xf32>
      %min3A_802 = arith.minimumf %min3A_801, %select_n3A_772 : vector<16xf32>
      %min3A_803 = arith.minimumf %min3A_802, %select_n3A_776 : vector<16xf32>
      %min3A_804 = arith.minimumf %min3A_803, %select_n3A_780 : vector<16xf32>
      %min3A_805 = arith.minimumf %min3A_804, %select_n3A_784 : vector<16xf32>
      %min3A_806 = arith.minimumf %min3A_805, %select_n3A_788 : vector<16xf32>
      %min3A_807 = arith.minimumf %min3A_806, %select_n3A_792 : vector<16xf32>
      %xor3A_808 = arith.constant 8 : i32
      %xor3A_809 = vector.broadcast %xor3A_808 : i32 to vector<16xi32>
      %xor3A_810 = arith.xori %iota3A, %xor3A_809 : vector<16xi32>
      %lt3A_811 = arith.constant 0 : i32
      %lt3A_812 = vector.broadcast %lt3A_811 : i32 to vector<16xi32>
      %lt3A_813 = arith.cmpi slt, %xor3A_810, %lt3A_812 : vector<16xi32>
      %add3A_814 = arith.constant 16 : i32
      %add3A_815 = vector.broadcast %add3A_814 : i32 to vector<16xi32>
      %add3A_816 = arith.addi %xor3A_810, %add3A_815 : vector<16xi32>
      %select_n3A_817 = arith.select %lt3A_813, %add3A_816, %xor3A_810 : vector<16xi1>, vector<16xi32>
      %broadcast_in_dim3A_818 = vector.shape_cast %select_n3A_817 : vector<16xi32> to vector<16x1xi32>
      %gather3A_819 = vector.shape_cast %broadcast_in_dim3A_818 : vector<16x1xi32> to vector<16xi32>
      %gather3A_820 = tpu.dynamic_gather %min3A_807[%gather3A_819] in [0] : vector<16xf32>, vector<16xi32> -> vector<16xf32>
      %min3A_821 = arith.minimumf %min3A_807, %gather3A_820 : vector<16xf32>
      %xor3A_822 = arith.constant 4 : i32
      %xor3A_823 = vector.broadcast %xor3A_822 : i32 to vector<16xi32>
      %xor3A_824 = arith.xori %iota3A, %xor3A_823 : vector<16xi32>
      %lt3A_825 = arith.constant 0 : i32
      %lt3A_826 = vector.broadcast %lt3A_825 : i32 to vector<16xi32>
      %lt3A_827 = arith.cmpi slt, %xor3A_824, %lt3A_826 : vector<16xi32>
      %add3A_828 = arith.constant 16 : i32
      %add3A_829 = vector.broadcast %add3A_828 : i32 to vector<16xi32>
      %add3A_830 = arith.addi %xor3A_824, %add3A_829 : vector<16xi32>
      %select_n3A_831 = arith.select %lt3A_827, %add3A_830, %xor3A_824 : vector<16xi1>, vector<16xi32>
      %broadcast_in_dim3A_832 = vector.shape_cast %select_n3A_831 : vector<16xi32> to vector<16x1xi32>
      %gather3A_833 = vector.shape_cast %broadcast_in_dim3A_832 : vector<16x1xi32> to vector<16xi32>
      %gather3A_834 = tpu.dynamic_gather %min3A_821[%gather3A_833] in [0] : vector<16xf32>, vector<16xi32> -> vector<16xf32>
      %min3A_835 = arith.minimumf %min3A_821, %gather3A_834 : vector<16xf32>
      %xor3A_836 = arith.constant 2 : i32
      %xor3A_837 = vector.broadcast %xor3A_836 : i32 to vector<16xi32>
      %xor3A_838 = arith.xori %iota3A, %xor3A_837 : vector<16xi32>
      %lt3A_839 = arith.constant 0 : i32
      %lt3A_840 = vector.broadcast %lt3A_839 : i32 to vector<16xi32>
      %lt3A_841 = arith.cmpi slt, %xor3A_838, %lt3A_840 : vector<16xi32>
      %add3A_842 = arith.constant 16 : i32
      %add3A_843 = vector.broadcast %add3A_842 : i32 to vector<16xi32>
      %add3A_844 = arith.addi %xor3A_838, %add3A_843 : vector<16xi32>
      %select_n3A_845 = arith.select %lt3A_841, %add3A_844, %xor3A_838 : vector<16xi1>, vector<16xi32>
      %broadcast_in_dim3A_846 = vector.shape_cast %select_n3A_845 : vector<16xi32> to vector<16x1xi32>
      %gather3A_847 = vector.shape_cast %broadcast_in_dim3A_846 : vector<16x1xi32> to vector<16xi32>
      %gather3A_848 = tpu.dynamic_gather %min3A_835[%gather3A_847] in [0] : vector<16xf32>, vector<16xi32> -> vector<16xf32>
      %min3A_849 = arith.minimumf %min3A_835, %gather3A_848 : vector<16xf32>
      %xor3A_850 = arith.constant 1 : i32
      %xor3A_851 = vector.broadcast %xor3A_850 : i32 to vector<16xi32>
      %xor3A_852 = arith.xori %iota3A, %xor3A_851 : vector<16xi32>
      %lt3A_853 = arith.constant 0 : i32
      %lt3A_854 = vector.broadcast %lt3A_853 : i32 to vector<16xi32>
      %lt3A_855 = arith.cmpi slt, %xor3A_852, %lt3A_854 : vector<16xi32>
      %add3A_856 = arith.constant 16 : i32
      %add3A_857 = vector.broadcast %add3A_856 : i32 to vector<16xi32>
      %add3A_858 = arith.addi %xor3A_852, %add3A_857 : vector<16xi32>
      %select_n3A_859 = arith.select %lt3A_855, %add3A_858, %xor3A_852 : vector<16xi1>, vector<16xi32>
      %broadcast_in_dim3A_860 = vector.shape_cast %select_n3A_859 : vector<16xi32> to vector<16x1xi32>
      %gather3A_861 = vector.shape_cast %broadcast_in_dim3A_860 : vector<16x1xi32> to vector<16xi32>
      %gather3A_862 = tpu.dynamic_gather %min3A_849[%gather3A_861] in [0] : vector<16xf32>, vector<16xi32> -> vector<16xf32>
      %min3A_863 = arith.minimumf %min3A_849, %gather3A_862 : vector<16xf32>
      %eq3A_864 = arith.constant 4 : i32
      %eq3A_865 = vector.broadcast %eq3A_864 : i32 to vector<16xi32>
      %eq3A_866 = arith.cmpi eq, %iota3A, %eq3A_865 : vector<16xi32>
      %select_n3A_867 = arith.select %eq3A_866, %min3A_863, %select_n3A_728 : vector<16xi1>, vector<16xf32>
      %eq3A_868 = arith.cmpf oeq, %select_n3A_732, %min3A_863 : vector<16xf32>
      %jit3A_869 = arith.constant 3.000000e+38 : f32
      %broadcast_in_dim3A_870 = vector.broadcast %jit3A_869 : f32 to vector<16xf32>
      %select_n3A_871 = arith.select %eq3A_868, %broadcast_in_dim3A_870, %select_n3A_732 : vector<16xi1>, vector<16xf32>
      %eq3A_872 = arith.cmpf oeq, %select_n3A_736, %min3A_863 : vector<16xf32>
      %jit3A_873 = arith.constant 3.000000e+38 : f32
      %broadcast_in_dim3A_874 = vector.broadcast %jit3A_873 : f32 to vector<16xf32>
      %select_n3A_875 = arith.select %eq3A_872, %broadcast_in_dim3A_874, %select_n3A_736 : vector<16xi1>, vector<16xf32>
      %eq3A_876 = arith.cmpf oeq, %select_n3A_740, %min3A_863 : vector<16xf32>
      %jit3A_877 = arith.constant 3.000000e+38 : f32
      %broadcast_in_dim3A_878 = vector.broadcast %jit3A_877 : f32 to vector<16xf32>
      %select_n3A_879 = arith.select %eq3A_876, %broadcast_in_dim3A_878, %select_n3A_740 : vector<16xi1>, vector<16xf32>
      %eq3A_880 = arith.cmpf oeq, %select_n3A_744, %min3A_863 : vector<16xf32>
      %jit3A_881 = arith.constant 3.000000e+38 : f32
      %broadcast_in_dim3A_882 = vector.broadcast %jit3A_881 : f32 to vector<16xf32>
      %select_n3A_883 = arith.select %eq3A_880, %broadcast_in_dim3A_882, %select_n3A_744 : vector<16xi1>, vector<16xf32>
      %eq3A_884 = arith.cmpf oeq, %select_n3A_748, %min3A_863 : vector<16xf32>
      %jit3A_885 = arith.constant 3.000000e+38 : f32
      %broadcast_in_dim3A_886 = vector.broadcast %jit3A_885 : f32 to vector<16xf32>
      %select_n3A_887 = arith.select %eq3A_884, %broadcast_in_dim3A_886, %select_n3A_748 : vector<16xi1>, vector<16xf32>
      %eq3A_888 = arith.cmpf oeq, %select_n3A_752, %min3A_863 : vector<16xf32>
      %jit3A_889 = arith.constant 3.000000e+38 : f32
      %broadcast_in_dim3A_890 = vector.broadcast %jit3A_889 : f32 to vector<16xf32>
      %select_n3A_891 = arith.select %eq3A_888, %broadcast_in_dim3A_890, %select_n3A_752 : vector<16xi1>, vector<16xf32>
      %eq3A_892 = arith.cmpf oeq, %select_n3A_756, %min3A_863 : vector<16xf32>
      %jit3A_893 = arith.constant 3.000000e+38 : f32
      %broadcast_in_dim3A_894 = vector.broadcast %jit3A_893 : f32 to vector<16xf32>
      %select_n3A_895 = arith.select %eq3A_892, %broadcast_in_dim3A_894, %select_n3A_756 : vector<16xi1>, vector<16xf32>
      %eq3A_896 = arith.cmpf oeq, %select_n3A_760, %min3A_863 : vector<16xf32>
      %jit3A_897 = arith.constant 3.000000e+38 : f32
      %broadcast_in_dim3A_898 = vector.broadcast %jit3A_897 : f32 to vector<16xf32>
      %select_n3A_899 = arith.select %eq3A_896, %broadcast_in_dim3A_898, %select_n3A_760 : vector<16xi1>, vector<16xf32>
      %eq3A_900 = arith.cmpf oeq, %select_n3A_764, %min3A_863 : vector<16xf32>
      %jit3A_901 = arith.constant 3.000000e+38 : f32
      %broadcast_in_dim3A_902 = vector.broadcast %jit3A_901 : f32 to vector<16xf32>
      %select_n3A_903 = arith.select %eq3A_900, %broadcast_in_dim3A_902, %select_n3A_764 : vector<16xi1>, vector<16xf32>
      %eq3A_904 = arith.cmpf oeq, %select_n3A_768, %min3A_863 : vector<16xf32>
      %jit3A_905 = arith.constant 3.000000e+38 : f32
      %broadcast_in_dim3A_906 = vector.broadcast %jit3A_905 : f32 to vector<16xf32>
      %select_n3A_907 = arith.select %eq3A_904, %broadcast_in_dim3A_906, %select_n3A_768 : vector<16xi1>, vector<16xf32>
      %eq3A_908 = arith.cmpf oeq, %select_n3A_772, %min3A_863 : vector<16xf32>
      %jit3A_909 = arith.constant 3.000000e+38 : f32
      %broadcast_in_dim3A_910 = vector.broadcast %jit3A_909 : f32 to vector<16xf32>
      %select_n3A_911 = arith.select %eq3A_908, %broadcast_in_dim3A_910, %select_n3A_772 : vector<16xi1>, vector<16xf32>
      %eq3A_912 = arith.cmpf oeq, %select_n3A_776, %min3A_863 : vector<16xf32>
      %jit3A_913 = arith.constant 3.000000e+38 : f32
      %broadcast_in_dim3A_914 = vector.broadcast %jit3A_913 : f32 to vector<16xf32>
      %select_n3A_915 = arith.select %eq3A_912, %broadcast_in_dim3A_914, %select_n3A_776 : vector<16xi1>, vector<16xf32>
      %eq3A_916 = arith.cmpf oeq, %select_n3A_780, %min3A_863 : vector<16xf32>
      %jit3A_917 = arith.constant 3.000000e+38 : f32
      %broadcast_in_dim3A_918 = vector.broadcast %jit3A_917 : f32 to vector<16xf32>
      %select_n3A_919 = arith.select %eq3A_916, %broadcast_in_dim3A_918, %select_n3A_780 : vector<16xi1>, vector<16xf32>
      %eq3A_920 = arith.cmpf oeq, %select_n3A_784, %min3A_863 : vector<16xf32>
      %jit3A_921 = arith.constant 3.000000e+38 : f32
      %broadcast_in_dim3A_922 = vector.broadcast %jit3A_921 : f32 to vector<16xf32>
      %select_n3A_923 = arith.select %eq3A_920, %broadcast_in_dim3A_922, %select_n3A_784 : vector<16xi1>, vector<16xf32>
      %eq3A_924 = arith.cmpf oeq, %select_n3A_788, %min3A_863 : vector<16xf32>
      %jit3A_925 = arith.constant 3.000000e+38 : f32
      %broadcast_in_dim3A_926 = vector.broadcast %jit3A_925 : f32 to vector<16xf32>
      %select_n3A_927 = arith.select %eq3A_924, %broadcast_in_dim3A_926, %select_n3A_788 : vector<16xi1>, vector<16xf32>
      %eq3A_928 = arith.cmpf oeq, %select_n3A_792, %min3A_863 : vector<16xf32>
      %jit3A_929 = arith.constant 3.000000e+38 : f32
      %broadcast_in_dim3A_930 = vector.broadcast %jit3A_929 : f32 to vector<16xf32>
      %select_n3A_931 = arith.select %eq3A_928, %broadcast_in_dim3A_930, %select_n3A_792 : vector<16xi1>, vector<16xf32>
      %min3A_932 = arith.minimumf %select_n3A_871, %select_n3A_875 : vector<16xf32>
      %min3A_933 = arith.minimumf %min3A_932, %select_n3A_879 : vector<16xf32>
      %min3A_934 = arith.minimumf %min3A_933, %select_n3A_883 : vector<16xf32>
      %min3A_935 = arith.minimumf %min3A_934, %select_n3A_887 : vector<16xf32>
      %min3A_936 = arith.minimumf %min3A_935, %select_n3A_891 : vector<16xf32>
      %min3A_937 = arith.minimumf %min3A_936, %select_n3A_895 : vector<16xf32>
      %min3A_938 = arith.minimumf %min3A_937, %select_n3A_899 : vector<16xf32>
      %min3A_939 = arith.minimumf %min3A_938, %select_n3A_903 : vector<16xf32>
      %min3A_940 = arith.minimumf %min3A_939, %select_n3A_907 : vector<16xf32>
      %min3A_941 = arith.minimumf %min3A_940, %select_n3A_911 : vector<16xf32>
      %min3A_942 = arith.minimumf %min3A_941, %select_n3A_915 : vector<16xf32>
      %min3A_943 = arith.minimumf %min3A_942, %select_n3A_919 : vector<16xf32>
      %min3A_944 = arith.minimumf %min3A_943, %select_n3A_923 : vector<16xf32>
      %min3A_945 = arith.minimumf %min3A_944, %select_n3A_927 : vector<16xf32>
      %min3A_946 = arith.minimumf %min3A_945, %select_n3A_931 : vector<16xf32>
      %xor3A_947 = arith.constant 8 : i32
      %xor3A_948 = vector.broadcast %xor3A_947 : i32 to vector<16xi32>
      %xor3A_949 = arith.xori %iota3A, %xor3A_948 : vector<16xi32>
      %lt3A_950 = arith.constant 0 : i32
      %lt3A_951 = vector.broadcast %lt3A_950 : i32 to vector<16xi32>
      %lt3A_952 = arith.cmpi slt, %xor3A_949, %lt3A_951 : vector<16xi32>
      %add3A_953 = arith.constant 16 : i32
      %add3A_954 = vector.broadcast %add3A_953 : i32 to vector<16xi32>
      %add3A_955 = arith.addi %xor3A_949, %add3A_954 : vector<16xi32>
      %select_n3A_956 = arith.select %lt3A_952, %add3A_955, %xor3A_949 : vector<16xi1>, vector<16xi32>
      %broadcast_in_dim3A_957 = vector.shape_cast %select_n3A_956 : vector<16xi32> to vector<16x1xi32>
      %gather3A_958 = vector.shape_cast %broadcast_in_dim3A_957 : vector<16x1xi32> to vector<16xi32>
      %gather3A_959 = tpu.dynamic_gather %min3A_946[%gather3A_958] in [0] : vector<16xf32>, vector<16xi32> -> vector<16xf32>
      %min3A_960 = arith.minimumf %min3A_946, %gather3A_959 : vector<16xf32>
      %xor3A_961 = arith.constant 4 : i32
      %xor3A_962 = vector.broadcast %xor3A_961 : i32 to vector<16xi32>
      %xor3A_963 = arith.xori %iota3A, %xor3A_962 : vector<16xi32>
      %lt3A_964 = arith.constant 0 : i32
      %lt3A_965 = vector.broadcast %lt3A_964 : i32 to vector<16xi32>
      %lt3A_966 = arith.cmpi slt, %xor3A_963, %lt3A_965 : vector<16xi32>
      %add3A_967 = arith.constant 16 : i32
      %add3A_968 = vector.broadcast %add3A_967 : i32 to vector<16xi32>
      %add3A_969 = arith.addi %xor3A_963, %add3A_968 : vector<16xi32>
      %select_n3A_970 = arith.select %lt3A_966, %add3A_969, %xor3A_963 : vector<16xi1>, vector<16xi32>
      %broadcast_in_dim3A_971 = vector.shape_cast %select_n3A_970 : vector<16xi32> to vector<16x1xi32>
      %gather3A_972 = vector.shape_cast %broadcast_in_dim3A_971 : vector<16x1xi32> to vector<16xi32>
      %gather3A_973 = tpu.dynamic_gather %min3A_960[%gather3A_972] in [0] : vector<16xf32>, vector<16xi32> -> vector<16xf32>
      %min3A_974 = arith.minimumf %min3A_960, %gather3A_973 : vector<16xf32>
      %xor3A_975 = arith.constant 2 : i32
      %xor3A_976 = vector.broadcast %xor3A_975 : i32 to vector<16xi32>
      %xor3A_977 = arith.xori %iota3A, %xor3A_976 : vector<16xi32>
      %lt3A_978 = arith.constant 0 : i32
      %lt3A_979 = vector.broadcast %lt3A_978 : i32 to vector<16xi32>
      %lt3A_980 = arith.cmpi slt, %xor3A_977, %lt3A_979 : vector<16xi32>
      %add3A_981 = arith.constant 16 : i32
      %add3A_982 = vector.broadcast %add3A_981 : i32 to vector<16xi32>
      %add3A_983 = arith.addi %xor3A_977, %add3A_982 : vector<16xi32>
      %select_n3A_984 = arith.select %lt3A_980, %add3A_983, %xor3A_977 : vector<16xi1>, vector<16xi32>
      %broadcast_in_dim3A_985 = vector.shape_cast %select_n3A_984 : vector<16xi32> to vector<16x1xi32>
      %gather3A_986 = vector.shape_cast %broadcast_in_dim3A_985 : vector<16x1xi32> to vector<16xi32>
      %gather3A_987 = tpu.dynamic_gather %min3A_974[%gather3A_986] in [0] : vector<16xf32>, vector<16xi32> -> vector<16xf32>
      %min3A_988 = arith.minimumf %min3A_974, %gather3A_987 : vector<16xf32>
      %xor3A_989 = arith.constant 1 : i32
      %xor3A_990 = vector.broadcast %xor3A_989 : i32 to vector<16xi32>
      %xor3A_991 = arith.xori %iota3A, %xor3A_990 : vector<16xi32>
      %lt3A_992 = arith.constant 0 : i32
      %lt3A_993 = vector.broadcast %lt3A_992 : i32 to vector<16xi32>
      %lt3A_994 = arith.cmpi slt, %xor3A_991, %lt3A_993 : vector<16xi32>
      %add3A_995 = arith.constant 16 : i32
      %add3A_996 = vector.broadcast %add3A_995 : i32 to vector<16xi32>
      %add3A_997 = arith.addi %xor3A_991, %add3A_996 : vector<16xi32>
      %select_n3A_998 = arith.select %lt3A_994, %add3A_997, %xor3A_991 : vector<16xi1>, vector<16xi32>
      %broadcast_in_dim3A_999 = vector.shape_cast %select_n3A_998 : vector<16xi32> to vector<16x1xi32>
      %gather3A_1000 = vector.shape_cast %broadcast_in_dim3A_999 : vector<16x1xi32> to vector<16xi32>
      %gather3A_1001 = tpu.dynamic_gather %min3A_988[%gather3A_1000] in [0] : vector<16xf32>, vector<16xi32> -> vector<16xf32>
      %min3A_1002 = arith.minimumf %min3A_988, %gather3A_1001 : vector<16xf32>
      %eq3A_1003 = arith.constant 5 : i32
      %eq3A_1004 = vector.broadcast %eq3A_1003 : i32 to vector<16xi32>
      %eq3A_1005 = arith.cmpi eq, %iota3A, %eq3A_1004 : vector<16xi32>
      %select_n3A_1006 = arith.select %eq3A_1005, %min3A_1002, %select_n3A_867 : vector<16xi1>, vector<16xf32>
      %eq3A_1007 = arith.cmpf oeq, %select_n3A_871, %min3A_1002 : vector<16xf32>
      %jit3A_1008 = arith.constant 3.000000e+38 : f32
      %broadcast_in_dim3A_1009 = vector.broadcast %jit3A_1008 : f32 to vector<16xf32>
      %select_n3A_1010 = arith.select %eq3A_1007, %broadcast_in_dim3A_1009, %select_n3A_871 : vector<16xi1>, vector<16xf32>
      %eq3A_1011 = arith.cmpf oeq, %select_n3A_875, %min3A_1002 : vector<16xf32>
      %jit3A_1012 = arith.constant 3.000000e+38 : f32
      %broadcast_in_dim3A_1013 = vector.broadcast %jit3A_1012 : f32 to vector<16xf32>
      %select_n3A_1014 = arith.select %eq3A_1011, %broadcast_in_dim3A_1013, %select_n3A_875 : vector<16xi1>, vector<16xf32>
      %eq3A_1015 = arith.cmpf oeq, %select_n3A_879, %min3A_1002 : vector<16xf32>
      %jit3A_1016 = arith.constant 3.000000e+38 : f32
      %broadcast_in_dim3A_1017 = vector.broadcast %jit3A_1016 : f32 to vector<16xf32>
      %select_n3A_1018 = arith.select %eq3A_1015, %broadcast_in_dim3A_1017, %select_n3A_879 : vector<16xi1>, vector<16xf32>
      %eq3A_1019 = arith.cmpf oeq, %select_n3A_883, %min3A_1002 : vector<16xf32>
      %jit3A_1020 = arith.constant 3.000000e+38 : f32
      %broadcast_in_dim3A_1021 = vector.broadcast %jit3A_1020 : f32 to vector<16xf32>
      %select_n3A_1022 = arith.select %eq3A_1019, %broadcast_in_dim3A_1021, %select_n3A_883 : vector<16xi1>, vector<16xf32>
      %eq3A_1023 = arith.cmpf oeq, %select_n3A_887, %min3A_1002 : vector<16xf32>
      %jit3A_1024 = arith.constant 3.000000e+38 : f32
      %broadcast_in_dim3A_1025 = vector.broadcast %jit3A_1024 : f32 to vector<16xf32>
      %select_n3A_1026 = arith.select %eq3A_1023, %broadcast_in_dim3A_1025, %select_n3A_887 : vector<16xi1>, vector<16xf32>
      %eq3A_1027 = arith.cmpf oeq, %select_n3A_891, %min3A_1002 : vector<16xf32>
      %jit3A_1028 = arith.constant 3.000000e+38 : f32
      %broadcast_in_dim3A_1029 = vector.broadcast %jit3A_1028 : f32 to vector<16xf32>
      %select_n3A_1030 = arith.select %eq3A_1027, %broadcast_in_dim3A_1029, %select_n3A_891 : vector<16xi1>, vector<16xf32>
      %eq3A_1031 = arith.cmpf oeq, %select_n3A_895, %min3A_1002 : vector<16xf32>
      %jit3A_1032 = arith.constant 3.000000e+38 : f32
      %broadcast_in_dim3A_1033 = vector.broadcast %jit3A_1032 : f32 to vector<16xf32>
      %select_n3A_1034 = arith.select %eq3A_1031, %broadcast_in_dim3A_1033, %select_n3A_895 : vector<16xi1>, vector<16xf32>
      %eq3A_1035 = arith.cmpf oeq, %select_n3A_899, %min3A_1002 : vector<16xf32>
      %jit3A_1036 = arith.constant 3.000000e+38 : f32
      %broadcast_in_dim3A_1037 = vector.broadcast %jit3A_1036 : f32 to vector<16xf32>
      %select_n3A_1038 = arith.select %eq3A_1035, %broadcast_in_dim3A_1037, %select_n3A_899 : vector<16xi1>, vector<16xf32>
      %eq3A_1039 = arith.cmpf oeq, %select_n3A_903, %min3A_1002 : vector<16xf32>
      %jit3A_1040 = arith.constant 3.000000e+38 : f32
      %broadcast_in_dim3A_1041 = vector.broadcast %jit3A_1040 : f32 to vector<16xf32>
      %select_n3A_1042 = arith.select %eq3A_1039, %broadcast_in_dim3A_1041, %select_n3A_903 : vector<16xi1>, vector<16xf32>
      %eq3A_1043 = arith.cmpf oeq, %select_n3A_907, %min3A_1002 : vector<16xf32>
      %jit3A_1044 = arith.constant 3.000000e+38 : f32
      %broadcast_in_dim3A_1045 = vector.broadcast %jit3A_1044 : f32 to vector<16xf32>
      %select_n3A_1046 = arith.select %eq3A_1043, %broadcast_in_dim3A_1045, %select_n3A_907 : vector<16xi1>, vector<16xf32>
      %eq3A_1047 = arith.cmpf oeq, %select_n3A_911, %min3A_1002 : vector<16xf32>
      %jit3A_1048 = arith.constant 3.000000e+38 : f32
      %broadcast_in_dim3A_1049 = vector.broadcast %jit3A_1048 : f32 to vector<16xf32>
      %select_n3A_1050 = arith.select %eq3A_1047, %broadcast_in_dim3A_1049, %select_n3A_911 : vector<16xi1>, vector<16xf32>
      %eq3A_1051 = arith.cmpf oeq, %select_n3A_915, %min3A_1002 : vector<16xf32>
      %jit3A_1052 = arith.constant 3.000000e+38 : f32
      %broadcast_in_dim3A_1053 = vector.broadcast %jit3A_1052 : f32 to vector<16xf32>
      %select_n3A_1054 = arith.select %eq3A_1051, %broadcast_in_dim3A_1053, %select_n3A_915 : vector<16xi1>, vector<16xf32>
      %eq3A_1055 = arith.cmpf oeq, %select_n3A_919, %min3A_1002 : vector<16xf32>
      %jit3A_1056 = arith.constant 3.000000e+38 : f32
      %broadcast_in_dim3A_1057 = vector.broadcast %jit3A_1056 : f32 to vector<16xf32>
      %select_n3A_1058 = arith.select %eq3A_1055, %broadcast_in_dim3A_1057, %select_n3A_919 : vector<16xi1>, vector<16xf32>
      %eq3A_1059 = arith.cmpf oeq, %select_n3A_923, %min3A_1002 : vector<16xf32>
      %jit3A_1060 = arith.constant 3.000000e+38 : f32
      %broadcast_in_dim3A_1061 = vector.broadcast %jit3A_1060 : f32 to vector<16xf32>
      %select_n3A_1062 = arith.select %eq3A_1059, %broadcast_in_dim3A_1061, %select_n3A_923 : vector<16xi1>, vector<16xf32>
      %eq3A_1063 = arith.cmpf oeq, %select_n3A_927, %min3A_1002 : vector<16xf32>
      %jit3A_1064 = arith.constant 3.000000e+38 : f32
      %broadcast_in_dim3A_1065 = vector.broadcast %jit3A_1064 : f32 to vector<16xf32>
      %select_n3A_1066 = arith.select %eq3A_1063, %broadcast_in_dim3A_1065, %select_n3A_927 : vector<16xi1>, vector<16xf32>
      %eq3A_1067 = arith.cmpf oeq, %select_n3A_931, %min3A_1002 : vector<16xf32>
      %jit3A_1068 = arith.constant 3.000000e+38 : f32
      %broadcast_in_dim3A_1069 = vector.broadcast %jit3A_1068 : f32 to vector<16xf32>
      %select_n3A_1070 = arith.select %eq3A_1067, %broadcast_in_dim3A_1069, %select_n3A_931 : vector<16xi1>, vector<16xf32>
      %min3A_1071 = arith.minimumf %select_n3A_1010, %select_n3A_1014 : vector<16xf32>
      %min3A_1072 = arith.minimumf %min3A_1071, %select_n3A_1018 : vector<16xf32>
      %min3A_1073 = arith.minimumf %min3A_1072, %select_n3A_1022 : vector<16xf32>
      %min3A_1074 = arith.minimumf %min3A_1073, %select_n3A_1026 : vector<16xf32>
      %min3A_1075 = arith.minimumf %min3A_1074, %select_n3A_1030 : vector<16xf32>
      %min3A_1076 = arith.minimumf %min3A_1075, %select_n3A_1034 : vector<16xf32>
      %min3A_1077 = arith.minimumf %min3A_1076, %select_n3A_1038 : vector<16xf32>
      %min3A_1078 = arith.minimumf %min3A_1077, %select_n3A_1042 : vector<16xf32>
      %min3A_1079 = arith.minimumf %min3A_1078, %select_n3A_1046 : vector<16xf32>
      %min3A_1080 = arith.minimumf %min3A_1079, %select_n3A_1050 : vector<16xf32>
      %min3A_1081 = arith.minimumf %min3A_1080, %select_n3A_1054 : vector<16xf32>
      %min3A_1082 = arith.minimumf %min3A_1081, %select_n3A_1058 : vector<16xf32>
      %min3A_1083 = arith.minimumf %min3A_1082, %select_n3A_1062 : vector<16xf32>
      %min3A_1084 = arith.minimumf %min3A_1083, %select_n3A_1066 : vector<16xf32>
      %min3A_1085 = arith.minimumf %min3A_1084, %select_n3A_1070 : vector<16xf32>
      %xor3A_1086 = arith.constant 8 : i32
      %xor3A_1087 = vector.broadcast %xor3A_1086 : i32 to vector<16xi32>
      %xor3A_1088 = arith.xori %iota3A, %xor3A_1087 : vector<16xi32>
      %lt3A_1089 = arith.constant 0 : i32
      %lt3A_1090 = vector.broadcast %lt3A_1089 : i32 to vector<16xi32>
      %lt3A_1091 = arith.cmpi slt, %xor3A_1088, %lt3A_1090 : vector<16xi32>
      %add3A_1092 = arith.constant 16 : i32
      %add3A_1093 = vector.broadcast %add3A_1092 : i32 to vector<16xi32>
      %add3A_1094 = arith.addi %xor3A_1088, %add3A_1093 : vector<16xi32>
      %select_n3A_1095 = arith.select %lt3A_1091, %add3A_1094, %xor3A_1088 : vector<16xi1>, vector<16xi32>
      %broadcast_in_dim3A_1096 = vector.shape_cast %select_n3A_1095 : vector<16xi32> to vector<16x1xi32>
      %gather3A_1097 = vector.shape_cast %broadcast_in_dim3A_1096 : vector<16x1xi32> to vector<16xi32>
      %gather3A_1098 = tpu.dynamic_gather %min3A_1085[%gather3A_1097] in [0] : vector<16xf32>, vector<16xi32> -> vector<16xf32>
      %min3A_1099 = arith.minimumf %min3A_1085, %gather3A_1098 : vector<16xf32>
      %xor3A_1100 = arith.constant 4 : i32
      %xor3A_1101 = vector.broadcast %xor3A_1100 : i32 to vector<16xi32>
      %xor3A_1102 = arith.xori %iota3A, %xor3A_1101 : vector<16xi32>
      %lt3A_1103 = arith.constant 0 : i32
      %lt3A_1104 = vector.broadcast %lt3A_1103 : i32 to vector<16xi32>
      %lt3A_1105 = arith.cmpi slt, %xor3A_1102, %lt3A_1104 : vector<16xi32>
      %add3A_1106 = arith.constant 16 : i32
      %add3A_1107 = vector.broadcast %add3A_1106 : i32 to vector<16xi32>
      %add3A_1108 = arith.addi %xor3A_1102, %add3A_1107 : vector<16xi32>
      %select_n3A_1109 = arith.select %lt3A_1105, %add3A_1108, %xor3A_1102 : vector<16xi1>, vector<16xi32>
      %broadcast_in_dim3A_1110 = vector.shape_cast %select_n3A_1109 : vector<16xi32> to vector<16x1xi32>
      %gather3A_1111 = vector.shape_cast %broadcast_in_dim3A_1110 : vector<16x1xi32> to vector<16xi32>
      %gather3A_1112 = tpu.dynamic_gather %min3A_1099[%gather3A_1111] in [0] : vector<16xf32>, vector<16xi32> -> vector<16xf32>
      %min3A_1113 = arith.minimumf %min3A_1099, %gather3A_1112 : vector<16xf32>
      %xor3A_1114 = arith.constant 2 : i32
      %xor3A_1115 = vector.broadcast %xor3A_1114 : i32 to vector<16xi32>
      %xor3A_1116 = arith.xori %iota3A, %xor3A_1115 : vector<16xi32>
      %lt3A_1117 = arith.constant 0 : i32
      %lt3A_1118 = vector.broadcast %lt3A_1117 : i32 to vector<16xi32>
      %lt3A_1119 = arith.cmpi slt, %xor3A_1116, %lt3A_1118 : vector<16xi32>
      %add3A_1120 = arith.constant 16 : i32
      %add3A_1121 = vector.broadcast %add3A_1120 : i32 to vector<16xi32>
      %add3A_1122 = arith.addi %xor3A_1116, %add3A_1121 : vector<16xi32>
      %select_n3A_1123 = arith.select %lt3A_1119, %add3A_1122, %xor3A_1116 : vector<16xi1>, vector<16xi32>
      %broadcast_in_dim3A_1124 = vector.shape_cast %select_n3A_1123 : vector<16xi32> to vector<16x1xi32>
      %gather3A_1125 = vector.shape_cast %broadcast_in_dim3A_1124 : vector<16x1xi32> to vector<16xi32>
      %gather3A_1126 = tpu.dynamic_gather %min3A_1113[%gather3A_1125] in [0] : vector<16xf32>, vector<16xi32> -> vector<16xf32>
      %min3A_1127 = arith.minimumf %min3A_1113, %gather3A_1126 : vector<16xf32>
      %xor3A_1128 = arith.constant 1 : i32
      %xor3A_1129 = vector.broadcast %xor3A_1128 : i32 to vector<16xi32>
      %xor3A_1130 = arith.xori %iota3A, %xor3A_1129 : vector<16xi32>
      %lt3A_1131 = arith.constant 0 : i32
      %lt3A_1132 = vector.broadcast %lt3A_1131 : i32 to vector<16xi32>
      %lt3A_1133 = arith.cmpi slt, %xor3A_1130, %lt3A_1132 : vector<16xi32>
      %add3A_1134 = arith.constant 16 : i32
      %add3A_1135 = vector.broadcast %add3A_1134 : i32 to vector<16xi32>
      %add3A_1136 = arith.addi %xor3A_1130, %add3A_1135 : vector<16xi32>
      %select_n3A_1137 = arith.select %lt3A_1133, %add3A_1136, %xor3A_1130 : vector<16xi1>, vector<16xi32>
      %broadcast_in_dim3A_1138 = vector.shape_cast %select_n3A_1137 : vector<16xi32> to vector<16x1xi32>
      %gather3A_1139 = vector.shape_cast %broadcast_in_dim3A_1138 : vector<16x1xi32> to vector<16xi32>
      %gather3A_1140 = tpu.dynamic_gather %min3A_1127[%gather3A_1139] in [0] : vector<16xf32>, vector<16xi32> -> vector<16xf32>
      %min3A_1141 = arith.minimumf %min3A_1127, %gather3A_1140 : vector<16xf32>
      %eq3A_1142 = arith.constant 6 : i32
      %eq3A_1143 = vector.broadcast %eq3A_1142 : i32 to vector<16xi32>
      %eq3A_1144 = arith.cmpi eq, %iota3A, %eq3A_1143 : vector<16xi32>
      %select_n3A_1145 = arith.select %eq3A_1144, %min3A_1141, %select_n3A_1006 : vector<16xi1>, vector<16xf32>
      %eq3A_1146 = arith.cmpf oeq, %select_n3A_1010, %min3A_1141 : vector<16xf32>
      %jit3A_1147 = arith.constant 3.000000e+38 : f32
      %broadcast_in_dim3A_1148 = vector.broadcast %jit3A_1147 : f32 to vector<16xf32>
      %select_n3A_1149 = arith.select %eq3A_1146, %broadcast_in_dim3A_1148, %select_n3A_1010 : vector<16xi1>, vector<16xf32>
      %eq3A_1150 = arith.cmpf oeq, %select_n3A_1014, %min3A_1141 : vector<16xf32>
      %jit3A_1151 = arith.constant 3.000000e+38 : f32
      %broadcast_in_dim3A_1152 = vector.broadcast %jit3A_1151 : f32 to vector<16xf32>
      %select_n3A_1153 = arith.select %eq3A_1150, %broadcast_in_dim3A_1152, %select_n3A_1014 : vector<16xi1>, vector<16xf32>
      %eq3A_1154 = arith.cmpf oeq, %select_n3A_1018, %min3A_1141 : vector<16xf32>
      %jit3A_1155 = arith.constant 3.000000e+38 : f32
      %broadcast_in_dim3A_1156 = vector.broadcast %jit3A_1155 : f32 to vector<16xf32>
      %select_n3A_1157 = arith.select %eq3A_1154, %broadcast_in_dim3A_1156, %select_n3A_1018 : vector<16xi1>, vector<16xf32>
      %eq3A_1158 = arith.cmpf oeq, %select_n3A_1022, %min3A_1141 : vector<16xf32>
      %jit3A_1159 = arith.constant 3.000000e+38 : f32
      %broadcast_in_dim3A_1160 = vector.broadcast %jit3A_1159 : f32 to vector<16xf32>
      %select_n3A_1161 = arith.select %eq3A_1158, %broadcast_in_dim3A_1160, %select_n3A_1022 : vector<16xi1>, vector<16xf32>
      %eq3A_1162 = arith.cmpf oeq, %select_n3A_1026, %min3A_1141 : vector<16xf32>
      %jit3A_1163 = arith.constant 3.000000e+38 : f32
      %broadcast_in_dim3A_1164 = vector.broadcast %jit3A_1163 : f32 to vector<16xf32>
      %select_n3A_1165 = arith.select %eq3A_1162, %broadcast_in_dim3A_1164, %select_n3A_1026 : vector<16xi1>, vector<16xf32>
      %eq3A_1166 = arith.cmpf oeq, %select_n3A_1030, %min3A_1141 : vector<16xf32>
      %jit3A_1167 = arith.constant 3.000000e+38 : f32
      %broadcast_in_dim3A_1168 = vector.broadcast %jit3A_1167 : f32 to vector<16xf32>
      %select_n3A_1169 = arith.select %eq3A_1166, %broadcast_in_dim3A_1168, %select_n3A_1030 : vector<16xi1>, vector<16xf32>
      %eq3A_1170 = arith.cmpf oeq, %select_n3A_1034, %min3A_1141 : vector<16xf32>
      %jit3A_1171 = arith.constant 3.000000e+38 : f32
      %broadcast_in_dim3A_1172 = vector.broadcast %jit3A_1171 : f32 to vector<16xf32>
      %select_n3A_1173 = arith.select %eq3A_1170, %broadcast_in_dim3A_1172, %select_n3A_1034 : vector<16xi1>, vector<16xf32>
      %eq3A_1174 = arith.cmpf oeq, %select_n3A_1038, %min3A_1141 : vector<16xf32>
      %jit3A_1175 = arith.constant 3.000000e+38 : f32
      %broadcast_in_dim3A_1176 = vector.broadcast %jit3A_1175 : f32 to vector<16xf32>
      %select_n3A_1177 = arith.select %eq3A_1174, %broadcast_in_dim3A_1176, %select_n3A_1038 : vector<16xi1>, vector<16xf32>
      %eq3A_1178 = arith.cmpf oeq, %select_n3A_1042, %min3A_1141 : vector<16xf32>
      %jit3A_1179 = arith.constant 3.000000e+38 : f32
      %broadcast_in_dim3A_1180 = vector.broadcast %jit3A_1179 : f32 to vector<16xf32>
      %select_n3A_1181 = arith.select %eq3A_1178, %broadcast_in_dim3A_1180, %select_n3A_1042 : vector<16xi1>, vector<16xf32>
      %eq3A_1182 = arith.cmpf oeq, %select_n3A_1046, %min3A_1141 : vector<16xf32>
      %jit3A_1183 = arith.constant 3.000000e+38 : f32
      %broadcast_in_dim3A_1184 = vector.broadcast %jit3A_1183 : f32 to vector<16xf32>
      %select_n3A_1185 = arith.select %eq3A_1182, %broadcast_in_dim3A_1184, %select_n3A_1046 : vector<16xi1>, vector<16xf32>
      %eq3A_1186 = arith.cmpf oeq, %select_n3A_1050, %min3A_1141 : vector<16xf32>
      %jit3A_1187 = arith.constant 3.000000e+38 : f32
      %broadcast_in_dim3A_1188 = vector.broadcast %jit3A_1187 : f32 to vector<16xf32>
      %select_n3A_1189 = arith.select %eq3A_1186, %broadcast_in_dim3A_1188, %select_n3A_1050 : vector<16xi1>, vector<16xf32>
      %eq3A_1190 = arith.cmpf oeq, %select_n3A_1054, %min3A_1141 : vector<16xf32>
      %jit3A_1191 = arith.constant 3.000000e+38 : f32
      %broadcast_in_dim3A_1192 = vector.broadcast %jit3A_1191 : f32 to vector<16xf32>
      %select_n3A_1193 = arith.select %eq3A_1190, %broadcast_in_dim3A_1192, %select_n3A_1054 : vector<16xi1>, vector<16xf32>
      %eq3A_1194 = arith.cmpf oeq, %select_n3A_1058, %min3A_1141 : vector<16xf32>
      %jit3A_1195 = arith.constant 3.000000e+38 : f32
      %broadcast_in_dim3A_1196 = vector.broadcast %jit3A_1195 : f32 to vector<16xf32>
      %select_n3A_1197 = arith.select %eq3A_1194, %broadcast_in_dim3A_1196, %select_n3A_1058 : vector<16xi1>, vector<16xf32>
      %eq3A_1198 = arith.cmpf oeq, %select_n3A_1062, %min3A_1141 : vector<16xf32>
      %jit3A_1199 = arith.constant 3.000000e+38 : f32
      %broadcast_in_dim3A_1200 = vector.broadcast %jit3A_1199 : f32 to vector<16xf32>
      %select_n3A_1201 = arith.select %eq3A_1198, %broadcast_in_dim3A_1200, %select_n3A_1062 : vector<16xi1>, vector<16xf32>
      %eq3A_1202 = arith.cmpf oeq, %select_n3A_1066, %min3A_1141 : vector<16xf32>
      %jit3A_1203 = arith.constant 3.000000e+38 : f32
      %broadcast_in_dim3A_1204 = vector.broadcast %jit3A_1203 : f32 to vector<16xf32>
      %select_n3A_1205 = arith.select %eq3A_1202, %broadcast_in_dim3A_1204, %select_n3A_1066 : vector<16xi1>, vector<16xf32>
      %eq3A_1206 = arith.cmpf oeq, %select_n3A_1070, %min3A_1141 : vector<16xf32>
      %jit3A_1207 = arith.constant 3.000000e+38 : f32
      %broadcast_in_dim3A_1208 = vector.broadcast %jit3A_1207 : f32 to vector<16xf32>
      %select_n3A_1209 = arith.select %eq3A_1206, %broadcast_in_dim3A_1208, %select_n3A_1070 : vector<16xi1>, vector<16xf32>
      %min3A_1210 = arith.minimumf %select_n3A_1149, %select_n3A_1153 : vector<16xf32>
      %min3A_1211 = arith.minimumf %min3A_1210, %select_n3A_1157 : vector<16xf32>
      %min3A_1212 = arith.minimumf %min3A_1211, %select_n3A_1161 : vector<16xf32>
      %min3A_1213 = arith.minimumf %min3A_1212, %select_n3A_1165 : vector<16xf32>
      %min3A_1214 = arith.minimumf %min3A_1213, %select_n3A_1169 : vector<16xf32>
      %min3A_1215 = arith.minimumf %min3A_1214, %select_n3A_1173 : vector<16xf32>
      %min3A_1216 = arith.minimumf %min3A_1215, %select_n3A_1177 : vector<16xf32>
      %min3A_1217 = arith.minimumf %min3A_1216, %select_n3A_1181 : vector<16xf32>
      %min3A_1218 = arith.minimumf %min3A_1217, %select_n3A_1185 : vector<16xf32>
      %min3A_1219 = arith.minimumf %min3A_1218, %select_n3A_1189 : vector<16xf32>
      %min3A_1220 = arith.minimumf %min3A_1219, %select_n3A_1193 : vector<16xf32>
      %min3A_1221 = arith.minimumf %min3A_1220, %select_n3A_1197 : vector<16xf32>
      %min3A_1222 = arith.minimumf %min3A_1221, %select_n3A_1201 : vector<16xf32>
      %min3A_1223 = arith.minimumf %min3A_1222, %select_n3A_1205 : vector<16xf32>
      %min3A_1224 = arith.minimumf %min3A_1223, %select_n3A_1209 : vector<16xf32>
      %xor3A_1225 = arith.constant 8 : i32
      %xor3A_1226 = vector.broadcast %xor3A_1225 : i32 to vector<16xi32>
      %xor3A_1227 = arith.xori %iota3A, %xor3A_1226 : vector<16xi32>
      %lt3A_1228 = arith.constant 0 : i32
      %lt3A_1229 = vector.broadcast %lt3A_1228 : i32 to vector<16xi32>
      %lt3A_1230 = arith.cmpi slt, %xor3A_1227, %lt3A_1229 : vector<16xi32>
      %add3A_1231 = arith.constant 16 : i32
      %add3A_1232 = vector.broadcast %add3A_1231 : i32 to vector<16xi32>
      %add3A_1233 = arith.addi %xor3A_1227, %add3A_1232 : vector<16xi32>
      %select_n3A_1234 = arith.select %lt3A_1230, %add3A_1233, %xor3A_1227 : vector<16xi1>, vector<16xi32>
      %broadcast_in_dim3A_1235 = vector.shape_cast %select_n3A_1234 : vector<16xi32> to vector<16x1xi32>
      %gather3A_1236 = vector.shape_cast %broadcast_in_dim3A_1235 : vector<16x1xi32> to vector<16xi32>
      %gather3A_1237 = tpu.dynamic_gather %min3A_1224[%gather3A_1236] in [0] : vector<16xf32>, vector<16xi32> -> vector<16xf32>
      %min3A_1238 = arith.minimumf %min3A_1224, %gather3A_1237 : vector<16xf32>
      %xor3A_1239 = arith.constant 4 : i32
      %xor3A_1240 = vector.broadcast %xor3A_1239 : i32 to vector<16xi32>
      %xor3A_1241 = arith.xori %iota3A, %xor3A_1240 : vector<16xi32>
      %lt3A_1242 = arith.constant 0 : i32
      %lt3A_1243 = vector.broadcast %lt3A_1242 : i32 to vector<16xi32>
      %lt3A_1244 = arith.cmpi slt, %xor3A_1241, %lt3A_1243 : vector<16xi32>
      %add3A_1245 = arith.constant 16 : i32
      %add3A_1246 = vector.broadcast %add3A_1245 : i32 to vector<16xi32>
      %add3A_1247 = arith.addi %xor3A_1241, %add3A_1246 : vector<16xi32>
      %select_n3A_1248 = arith.select %lt3A_1244, %add3A_1247, %xor3A_1241 : vector<16xi1>, vector<16xi32>
      %broadcast_in_dim3A_1249 = vector.shape_cast %select_n3A_1248 : vector<16xi32> to vector<16x1xi32>
      %gather3A_1250 = vector.shape_cast %broadcast_in_dim3A_1249 : vector<16x1xi32> to vector<16xi32>
      %gather3A_1251 = tpu.dynamic_gather %min3A_1238[%gather3A_1250] in [0] : vector<16xf32>, vector<16xi32> -> vector<16xf32>
      %min3A_1252 = arith.minimumf %min3A_1238, %gather3A_1251 : vector<16xf32>
      %xor3A_1253 = arith.constant 2 : i32
      %xor3A_1254 = vector.broadcast %xor3A_1253 : i32 to vector<16xi32>
      %xor3A_1255 = arith.xori %iota3A, %xor3A_1254 : vector<16xi32>
      %lt3A_1256 = arith.constant 0 : i32
      %lt3A_1257 = vector.broadcast %lt3A_1256 : i32 to vector<16xi32>
      %lt3A_1258 = arith.cmpi slt, %xor3A_1255, %lt3A_1257 : vector<16xi32>
      %add3A_1259 = arith.constant 16 : i32
      %add3A_1260 = vector.broadcast %add3A_1259 : i32 to vector<16xi32>
      %add3A_1261 = arith.addi %xor3A_1255, %add3A_1260 : vector<16xi32>
      %select_n3A_1262 = arith.select %lt3A_1258, %add3A_1261, %xor3A_1255 : vector<16xi1>, vector<16xi32>
      %broadcast_in_dim3A_1263 = vector.shape_cast %select_n3A_1262 : vector<16xi32> to vector<16x1xi32>
      %gather3A_1264 = vector.shape_cast %broadcast_in_dim3A_1263 : vector<16x1xi32> to vector<16xi32>
      %gather3A_1265 = tpu.dynamic_gather %min3A_1252[%gather3A_1264] in [0] : vector<16xf32>, vector<16xi32> -> vector<16xf32>
      %min3A_1266 = arith.minimumf %min3A_1252, %gather3A_1265 : vector<16xf32>
      %xor3A_1267 = arith.constant 1 : i32
      %xor3A_1268 = vector.broadcast %xor3A_1267 : i32 to vector<16xi32>
      %xor3A_1269 = arith.xori %iota3A, %xor3A_1268 : vector<16xi32>
      %lt3A_1270 = arith.constant 0 : i32
      %lt3A_1271 = vector.broadcast %lt3A_1270 : i32 to vector<16xi32>
      %lt3A_1272 = arith.cmpi slt, %xor3A_1269, %lt3A_1271 : vector<16xi32>
      %add3A_1273 = arith.constant 16 : i32
      %add3A_1274 = vector.broadcast %add3A_1273 : i32 to vector<16xi32>
      %add3A_1275 = arith.addi %xor3A_1269, %add3A_1274 : vector<16xi32>
      %select_n3A_1276 = arith.select %lt3A_1272, %add3A_1275, %xor3A_1269 : vector<16xi1>, vector<16xi32>
      %broadcast_in_dim3A_1277 = vector.shape_cast %select_n3A_1276 : vector<16xi32> to vector<16x1xi32>
      %gather3A_1278 = vector.shape_cast %broadcast_in_dim3A_1277 : vector<16x1xi32> to vector<16xi32>
      %gather3A_1279 = tpu.dynamic_gather %min3A_1266[%gather3A_1278] in [0] : vector<16xf32>, vector<16xi32> -> vector<16xf32>
      %min3A_1280 = arith.minimumf %min3A_1266, %gather3A_1279 : vector<16xf32>
      %eq3A_1281 = arith.constant 7 : i32
      %eq3A_1282 = vector.broadcast %eq3A_1281 : i32 to vector<16xi32>
      %eq3A_1283 = arith.cmpi eq, %iota3A, %eq3A_1282 : vector<16xi32>
      %select_n3A_1284 = arith.select %eq3A_1283, %min3A_1280, %select_n3A_1145 : vector<16xi1>, vector<16xf32>
      %eq3A_1285 = arith.cmpf oeq, %select_n3A_1149, %min3A_1280 : vector<16xf32>
      %jit3A_1286 = arith.constant 3.000000e+38 : f32
      %broadcast_in_dim3A_1287 = vector.broadcast %jit3A_1286 : f32 to vector<16xf32>
      %select_n3A_1288 = arith.select %eq3A_1285, %broadcast_in_dim3A_1287, %select_n3A_1149 : vector<16xi1>, vector<16xf32>
      %eq3A_1289 = arith.cmpf oeq, %select_n3A_1153, %min3A_1280 : vector<16xf32>
      %jit3A_1290 = arith.constant 3.000000e+38 : f32
      %broadcast_in_dim3A_1291 = vector.broadcast %jit3A_1290 : f32 to vector<16xf32>
      %select_n3A_1292 = arith.select %eq3A_1289, %broadcast_in_dim3A_1291, %select_n3A_1153 : vector<16xi1>, vector<16xf32>
      %eq3A_1293 = arith.cmpf oeq, %select_n3A_1157, %min3A_1280 : vector<16xf32>
      %jit3A_1294 = arith.constant 3.000000e+38 : f32
      %broadcast_in_dim3A_1295 = vector.broadcast %jit3A_1294 : f32 to vector<16xf32>
      %select_n3A_1296 = arith.select %eq3A_1293, %broadcast_in_dim3A_1295, %select_n3A_1157 : vector<16xi1>, vector<16xf32>
      %eq3A_1297 = arith.cmpf oeq, %select_n3A_1161, %min3A_1280 : vector<16xf32>
      %jit3A_1298 = arith.constant 3.000000e+38 : f32
      %broadcast_in_dim3A_1299 = vector.broadcast %jit3A_1298 : f32 to vector<16xf32>
      %select_n3A_1300 = arith.select %eq3A_1297, %broadcast_in_dim3A_1299, %select_n3A_1161 : vector<16xi1>, vector<16xf32>
      %eq3A_1301 = arith.cmpf oeq, %select_n3A_1165, %min3A_1280 : vector<16xf32>
      %jit3A_1302 = arith.constant 3.000000e+38 : f32
      %broadcast_in_dim3A_1303 = vector.broadcast %jit3A_1302 : f32 to vector<16xf32>
      %select_n3A_1304 = arith.select %eq3A_1301, %broadcast_in_dim3A_1303, %select_n3A_1165 : vector<16xi1>, vector<16xf32>
      %eq3A_1305 = arith.cmpf oeq, %select_n3A_1169, %min3A_1280 : vector<16xf32>
      %jit3A_1306 = arith.constant 3.000000e+38 : f32
      %broadcast_in_dim3A_1307 = vector.broadcast %jit3A_1306 : f32 to vector<16xf32>
      %select_n3A_1308 = arith.select %eq3A_1305, %broadcast_in_dim3A_1307, %select_n3A_1169 : vector<16xi1>, vector<16xf32>
      %eq3A_1309 = arith.cmpf oeq, %select_n3A_1173, %min3A_1280 : vector<16xf32>
      %jit3A_1310 = arith.constant 3.000000e+38 : f32
      %broadcast_in_dim3A_1311 = vector.broadcast %jit3A_1310 : f32 to vector<16xf32>
      %select_n3A_1312 = arith.select %eq3A_1309, %broadcast_in_dim3A_1311, %select_n3A_1173 : vector<16xi1>, vector<16xf32>
      %eq3A_1313 = arith.cmpf oeq, %select_n3A_1177, %min3A_1280 : vector<16xf32>
      %jit3A_1314 = arith.constant 3.000000e+38 : f32
      %broadcast_in_dim3A_1315 = vector.broadcast %jit3A_1314 : f32 to vector<16xf32>
      %select_n3A_1316 = arith.select %eq3A_1313, %broadcast_in_dim3A_1315, %select_n3A_1177 : vector<16xi1>, vector<16xf32>
      %eq3A_1317 = arith.cmpf oeq, %select_n3A_1181, %min3A_1280 : vector<16xf32>
      %jit3A_1318 = arith.constant 3.000000e+38 : f32
      %broadcast_in_dim3A_1319 = vector.broadcast %jit3A_1318 : f32 to vector<16xf32>
      %select_n3A_1320 = arith.select %eq3A_1317, %broadcast_in_dim3A_1319, %select_n3A_1181 : vector<16xi1>, vector<16xf32>
      %eq3A_1321 = arith.cmpf oeq, %select_n3A_1185, %min3A_1280 : vector<16xf32>
      %jit3A_1322 = arith.constant 3.000000e+38 : f32
      %broadcast_in_dim3A_1323 = vector.broadcast %jit3A_1322 : f32 to vector<16xf32>
      %select_n3A_1324 = arith.select %eq3A_1321, %broadcast_in_dim3A_1323, %select_n3A_1185 : vector<16xi1>, vector<16xf32>
      %eq3A_1325 = arith.cmpf oeq, %select_n3A_1189, %min3A_1280 : vector<16xf32>
      %jit3A_1326 = arith.constant 3.000000e+38 : f32
      %broadcast_in_dim3A_1327 = vector.broadcast %jit3A_1326 : f32 to vector<16xf32>
      %select_n3A_1328 = arith.select %eq3A_1325, %broadcast_in_dim3A_1327, %select_n3A_1189 : vector<16xi1>, vector<16xf32>
      %eq3A_1329 = arith.cmpf oeq, %select_n3A_1193, %min3A_1280 : vector<16xf32>
      %jit3A_1330 = arith.constant 3.000000e+38 : f32
      %broadcast_in_dim3A_1331 = vector.broadcast %jit3A_1330 : f32 to vector<16xf32>
      %select_n3A_1332 = arith.select %eq3A_1329, %broadcast_in_dim3A_1331, %select_n3A_1193 : vector<16xi1>, vector<16xf32>
      %eq3A_1333 = arith.cmpf oeq, %select_n3A_1197, %min3A_1280 : vector<16xf32>
      %jit3A_1334 = arith.constant 3.000000e+38 : f32
      %broadcast_in_dim3A_1335 = vector.broadcast %jit3A_1334 : f32 to vector<16xf32>
      %select_n3A_1336 = arith.select %eq3A_1333, %broadcast_in_dim3A_1335, %select_n3A_1197 : vector<16xi1>, vector<16xf32>
      %eq3A_1337 = arith.cmpf oeq, %select_n3A_1201, %min3A_1280 : vector<16xf32>
      %jit3A_1338 = arith.constant 3.000000e+38 : f32
      %broadcast_in_dim3A_1339 = vector.broadcast %jit3A_1338 : f32 to vector<16xf32>
      %select_n3A_1340 = arith.select %eq3A_1337, %broadcast_in_dim3A_1339, %select_n3A_1201 : vector<16xi1>, vector<16xf32>
      %eq3A_1341 = arith.cmpf oeq, %select_n3A_1205, %min3A_1280 : vector<16xf32>
      %jit3A_1342 = arith.constant 3.000000e+38 : f32
      %broadcast_in_dim3A_1343 = vector.broadcast %jit3A_1342 : f32 to vector<16xf32>
      %select_n3A_1344 = arith.select %eq3A_1341, %broadcast_in_dim3A_1343, %select_n3A_1205 : vector<16xi1>, vector<16xf32>
      %eq3A_1345 = arith.cmpf oeq, %select_n3A_1209, %min3A_1280 : vector<16xf32>
      %jit3A_1346 = arith.constant 3.000000e+38 : f32
      %broadcast_in_dim3A_1347 = vector.broadcast %jit3A_1346 : f32 to vector<16xf32>
      %select_n3A_1348 = arith.select %eq3A_1345, %broadcast_in_dim3A_1347, %select_n3A_1209 : vector<16xi1>, vector<16xf32>
      %min3A_1349 = arith.minimumf %select_n3A_1288, %select_n3A_1292 : vector<16xf32>
      %min3A_1350 = arith.minimumf %min3A_1349, %select_n3A_1296 : vector<16xf32>
      %min3A_1351 = arith.minimumf %min3A_1350, %select_n3A_1300 : vector<16xf32>
      %min3A_1352 = arith.minimumf %min3A_1351, %select_n3A_1304 : vector<16xf32>
      %min3A_1353 = arith.minimumf %min3A_1352, %select_n3A_1308 : vector<16xf32>
      %min3A_1354 = arith.minimumf %min3A_1353, %select_n3A_1312 : vector<16xf32>
      %min3A_1355 = arith.minimumf %min3A_1354, %select_n3A_1316 : vector<16xf32>
      %min3A_1356 = arith.minimumf %min3A_1355, %select_n3A_1320 : vector<16xf32>
      %min3A_1357 = arith.minimumf %min3A_1356, %select_n3A_1324 : vector<16xf32>
      %min3A_1358 = arith.minimumf %min3A_1357, %select_n3A_1328 : vector<16xf32>
      %min3A_1359 = arith.minimumf %min3A_1358, %select_n3A_1332 : vector<16xf32>
      %min3A_1360 = arith.minimumf %min3A_1359, %select_n3A_1336 : vector<16xf32>
      %min3A_1361 = arith.minimumf %min3A_1360, %select_n3A_1340 : vector<16xf32>
      %min3A_1362 = arith.minimumf %min3A_1361, %select_n3A_1344 : vector<16xf32>
      %min3A_1363 = arith.minimumf %min3A_1362, %select_n3A_1348 : vector<16xf32>
      %xor3A_1364 = arith.constant 8 : i32
      %xor3A_1365 = vector.broadcast %xor3A_1364 : i32 to vector<16xi32>
      %xor3A_1366 = arith.xori %iota3A, %xor3A_1365 : vector<16xi32>
      %lt3A_1367 = arith.constant 0 : i32
      %lt3A_1368 = vector.broadcast %lt3A_1367 : i32 to vector<16xi32>
      %lt3A_1369 = arith.cmpi slt, %xor3A_1366, %lt3A_1368 : vector<16xi32>
      %add3A_1370 = arith.constant 16 : i32
      %add3A_1371 = vector.broadcast %add3A_1370 : i32 to vector<16xi32>
      %add3A_1372 = arith.addi %xor3A_1366, %add3A_1371 : vector<16xi32>
      %select_n3A_1373 = arith.select %lt3A_1369, %add3A_1372, %xor3A_1366 : vector<16xi1>, vector<16xi32>
      %broadcast_in_dim3A_1374 = vector.shape_cast %select_n3A_1373 : vector<16xi32> to vector<16x1xi32>
      %gather3A_1375 = vector.shape_cast %broadcast_in_dim3A_1374 : vector<16x1xi32> to vector<16xi32>
      %gather3A_1376 = tpu.dynamic_gather %min3A_1363[%gather3A_1375] in [0] : vector<16xf32>, vector<16xi32> -> vector<16xf32>
      %min3A_1377 = arith.minimumf %min3A_1363, %gather3A_1376 : vector<16xf32>
      %xor3A_1378 = arith.constant 4 : i32
      %xor3A_1379 = vector.broadcast %xor3A_1378 : i32 to vector<16xi32>
      %xor3A_1380 = arith.xori %iota3A, %xor3A_1379 : vector<16xi32>
      %lt3A_1381 = arith.constant 0 : i32
      %lt3A_1382 = vector.broadcast %lt3A_1381 : i32 to vector<16xi32>
      %lt3A_1383 = arith.cmpi slt, %xor3A_1380, %lt3A_1382 : vector<16xi32>
      %add3A_1384 = arith.constant 16 : i32
      %add3A_1385 = vector.broadcast %add3A_1384 : i32 to vector<16xi32>
      %add3A_1386 = arith.addi %xor3A_1380, %add3A_1385 : vector<16xi32>
      %select_n3A_1387 = arith.select %lt3A_1383, %add3A_1386, %xor3A_1380 : vector<16xi1>, vector<16xi32>
      %broadcast_in_dim3A_1388 = vector.shape_cast %select_n3A_1387 : vector<16xi32> to vector<16x1xi32>
      %gather3A_1389 = vector.shape_cast %broadcast_in_dim3A_1388 : vector<16x1xi32> to vector<16xi32>
      %gather3A_1390 = tpu.dynamic_gather %min3A_1377[%gather3A_1389] in [0] : vector<16xf32>, vector<16xi32> -> vector<16xf32>
      %min3A_1391 = arith.minimumf %min3A_1377, %gather3A_1390 : vector<16xf32>
      %xor3A_1392 = arith.constant 2 : i32
      %xor3A_1393 = vector.broadcast %xor3A_1392 : i32 to vector<16xi32>
      %xor3A_1394 = arith.xori %iota3A, %xor3A_1393 : vector<16xi32>
      %lt3A_1395 = arith.constant 0 : i32
      %lt3A_1396 = vector.broadcast %lt3A_1395 : i32 to vector<16xi32>
      %lt3A_1397 = arith.cmpi slt, %xor3A_1394, %lt3A_1396 : vector<16xi32>
      %add3A_1398 = arith.constant 16 : i32
      %add3A_1399 = vector.broadcast %add3A_1398 : i32 to vector<16xi32>
      %add3A_1400 = arith.addi %xor3A_1394, %add3A_1399 : vector<16xi32>
      %select_n3A_1401 = arith.select %lt3A_1397, %add3A_1400, %xor3A_1394 : vector<16xi1>, vector<16xi32>
      %broadcast_in_dim3A_1402 = vector.shape_cast %select_n3A_1401 : vector<16xi32> to vector<16x1xi32>
      %gather3A_1403 = vector.shape_cast %broadcast_in_dim3A_1402 : vector<16x1xi32> to vector<16xi32>
      %gather3A_1404 = tpu.dynamic_gather %min3A_1391[%gather3A_1403] in [0] : vector<16xf32>, vector<16xi32> -> vector<16xf32>
      %min3A_1405 = arith.minimumf %min3A_1391, %gather3A_1404 : vector<16xf32>
      %xor3A_1406 = arith.constant 1 : i32
      %xor3A_1407 = vector.broadcast %xor3A_1406 : i32 to vector<16xi32>
      %xor3A_1408 = arith.xori %iota3A, %xor3A_1407 : vector<16xi32>
      %lt3A_1409 = arith.constant 0 : i32
      %lt3A_1410 = vector.broadcast %lt3A_1409 : i32 to vector<16xi32>
      %lt3A_1411 = arith.cmpi slt, %xor3A_1408, %lt3A_1410 : vector<16xi32>
      %add3A_1412 = arith.constant 16 : i32
      %add3A_1413 = vector.broadcast %add3A_1412 : i32 to vector<16xi32>
      %add3A_1414 = arith.addi %xor3A_1408, %add3A_1413 : vector<16xi32>
      %select_n3A_1415 = arith.select %lt3A_1411, %add3A_1414, %xor3A_1408 : vector<16xi1>, vector<16xi32>
      %broadcast_in_dim3A_1416 = vector.shape_cast %select_n3A_1415 : vector<16xi32> to vector<16x1xi32>
      %gather3A_1417 = vector.shape_cast %broadcast_in_dim3A_1416 : vector<16x1xi32> to vector<16xi32>
      %gather3A_1418 = tpu.dynamic_gather %min3A_1405[%gather3A_1417] in [0] : vector<16xf32>, vector<16xi32> -> vector<16xf32>
      %min3A_1419 = arith.minimumf %min3A_1405, %gather3A_1418 : vector<16xf32>
      %eq3A_1420 = arith.constant 8 : i32
      %eq3A_1421 = vector.broadcast %eq3A_1420 : i32 to vector<16xi32>
      %eq3A_1422 = arith.cmpi eq, %iota3A, %eq3A_1421 : vector<16xi32>
      %select_n3A_1423 = arith.select %eq3A_1422, %min3A_1419, %select_n3A_1284 : vector<16xi1>, vector<16xf32>
      %eq3A_1424 = arith.cmpf oeq, %select_n3A_1288, %min3A_1419 : vector<16xf32>
      %jit3A_1425 = arith.constant 3.000000e+38 : f32
      %broadcast_in_dim3A_1426 = vector.broadcast %jit3A_1425 : f32 to vector<16xf32>
      %select_n3A_1427 = arith.select %eq3A_1424, %broadcast_in_dim3A_1426, %select_n3A_1288 : vector<16xi1>, vector<16xf32>
      %eq3A_1428 = arith.cmpf oeq, %select_n3A_1292, %min3A_1419 : vector<16xf32>
      %jit3A_1429 = arith.constant 3.000000e+38 : f32
      %broadcast_in_dim3A_1430 = vector.broadcast %jit3A_1429 : f32 to vector<16xf32>
      %select_n3A_1431 = arith.select %eq3A_1428, %broadcast_in_dim3A_1430, %select_n3A_1292 : vector<16xi1>, vector<16xf32>
      %eq3A_1432 = arith.cmpf oeq, %select_n3A_1296, %min3A_1419 : vector<16xf32>
      %jit3A_1433 = arith.constant 3.000000e+38 : f32
      %broadcast_in_dim3A_1434 = vector.broadcast %jit3A_1433 : f32 to vector<16xf32>
      %select_n3A_1435 = arith.select %eq3A_1432, %broadcast_in_dim3A_1434, %select_n3A_1296 : vector<16xi1>, vector<16xf32>
      %eq3A_1436 = arith.cmpf oeq, %select_n3A_1300, %min3A_1419 : vector<16xf32>
      %jit3A_1437 = arith.constant 3.000000e+38 : f32
      %broadcast_in_dim3A_1438 = vector.broadcast %jit3A_1437 : f32 to vector<16xf32>
      %select_n3A_1439 = arith.select %eq3A_1436, %broadcast_in_dim3A_1438, %select_n3A_1300 : vector<16xi1>, vector<16xf32>
      %eq3A_1440 = arith.cmpf oeq, %select_n3A_1304, %min3A_1419 : vector<16xf32>
      %jit3A_1441 = arith.constant 3.000000e+38 : f32
      %broadcast_in_dim3A_1442 = vector.broadcast %jit3A_1441 : f32 to vector<16xf32>
      %select_n3A_1443 = arith.select %eq3A_1440, %broadcast_in_dim3A_1442, %select_n3A_1304 : vector<16xi1>, vector<16xf32>
      %eq3A_1444 = arith.cmpf oeq, %select_n3A_1308, %min3A_1419 : vector<16xf32>
      %jit3A_1445 = arith.constant 3.000000e+38 : f32
      %broadcast_in_dim3A_1446 = vector.broadcast %jit3A_1445 : f32 to vector<16xf32>
      %select_n3A_1447 = arith.select %eq3A_1444, %broadcast_in_dim3A_1446, %select_n3A_1308 : vector<16xi1>, vector<16xf32>
      %eq3A_1448 = arith.cmpf oeq, %select_n3A_1312, %min3A_1419 : vector<16xf32>
      %jit3A_1449 = arith.constant 3.000000e+38 : f32
      %broadcast_in_dim3A_1450 = vector.broadcast %jit3A_1449 : f32 to vector<16xf32>
      %select_n3A_1451 = arith.select %eq3A_1448, %broadcast_in_dim3A_1450, %select_n3A_1312 : vector<16xi1>, vector<16xf32>
      %eq3A_1452 = arith.cmpf oeq, %select_n3A_1316, %min3A_1419 : vector<16xf32>
      %jit3A_1453 = arith.constant 3.000000e+38 : f32
      %broadcast_in_dim3A_1454 = vector.broadcast %jit3A_1453 : f32 to vector<16xf32>
      %select_n3A_1455 = arith.select %eq3A_1452, %broadcast_in_dim3A_1454, %select_n3A_1316 : vector<16xi1>, vector<16xf32>
      %eq3A_1456 = arith.cmpf oeq, %select_n3A_1320, %min3A_1419 : vector<16xf32>
      %jit3A_1457 = arith.constant 3.000000e+38 : f32
      %broadcast_in_dim3A_1458 = vector.broadcast %jit3A_1457 : f32 to vector<16xf32>
      %select_n3A_1459 = arith.select %eq3A_1456, %broadcast_in_dim3A_1458, %select_n3A_1320 : vector<16xi1>, vector<16xf32>
      %eq3A_1460 = arith.cmpf oeq, %select_n3A_1324, %min3A_1419 : vector<16xf32>
      %jit3A_1461 = arith.constant 3.000000e+38 : f32
      %broadcast_in_dim3A_1462 = vector.broadcast %jit3A_1461 : f32 to vector<16xf32>
      %select_n3A_1463 = arith.select %eq3A_1460, %broadcast_in_dim3A_1462, %select_n3A_1324 : vector<16xi1>, vector<16xf32>
      %eq3A_1464 = arith.cmpf oeq, %select_n3A_1328, %min3A_1419 : vector<16xf32>
      %jit3A_1465 = arith.constant 3.000000e+38 : f32
      %broadcast_in_dim3A_1466 = vector.broadcast %jit3A_1465 : f32 to vector<16xf32>
      %select_n3A_1467 = arith.select %eq3A_1464, %broadcast_in_dim3A_1466, %select_n3A_1328 : vector<16xi1>, vector<16xf32>
      %eq3A_1468 = arith.cmpf oeq, %select_n3A_1332, %min3A_1419 : vector<16xf32>
      %jit3A_1469 = arith.constant 3.000000e+38 : f32
      %broadcast_in_dim3A_1470 = vector.broadcast %jit3A_1469 : f32 to vector<16xf32>
      %select_n3A_1471 = arith.select %eq3A_1468, %broadcast_in_dim3A_1470, %select_n3A_1332 : vector<16xi1>, vector<16xf32>
      %eq3A_1472 = arith.cmpf oeq, %select_n3A_1336, %min3A_1419 : vector<16xf32>
      %jit3A_1473 = arith.constant 3.000000e+38 : f32
      %broadcast_in_dim3A_1474 = vector.broadcast %jit3A_1473 : f32 to vector<16xf32>
      %select_n3A_1475 = arith.select %eq3A_1472, %broadcast_in_dim3A_1474, %select_n3A_1336 : vector<16xi1>, vector<16xf32>
      %eq3A_1476 = arith.cmpf oeq, %select_n3A_1340, %min3A_1419 : vector<16xf32>
      %jit3A_1477 = arith.constant 3.000000e+38 : f32
      %broadcast_in_dim3A_1478 = vector.broadcast %jit3A_1477 : f32 to vector<16xf32>
      %select_n3A_1479 = arith.select %eq3A_1476, %broadcast_in_dim3A_1478, %select_n3A_1340 : vector<16xi1>, vector<16xf32>
      %eq3A_1480 = arith.cmpf oeq, %select_n3A_1344, %min3A_1419 : vector<16xf32>
      %jit3A_1481 = arith.constant 3.000000e+38 : f32
      %broadcast_in_dim3A_1482 = vector.broadcast %jit3A_1481 : f32 to vector<16xf32>
      %select_n3A_1483 = arith.select %eq3A_1480, %broadcast_in_dim3A_1482, %select_n3A_1344 : vector<16xi1>, vector<16xf32>
      %eq3A_1484 = arith.cmpf oeq, %select_n3A_1348, %min3A_1419 : vector<16xf32>
      %jit3A_1485 = arith.constant 3.000000e+38 : f32
      %broadcast_in_dim3A_1486 = vector.broadcast %jit3A_1485 : f32 to vector<16xf32>
      %select_n3A_1487 = arith.select %eq3A_1484, %broadcast_in_dim3A_1486, %select_n3A_1348 : vector<16xi1>, vector<16xf32>
      %min3A_1488 = arith.minimumf %select_n3A_1427, %select_n3A_1431 : vector<16xf32>
      %min3A_1489 = arith.minimumf %min3A_1488, %select_n3A_1435 : vector<16xf32>
      %min3A_1490 = arith.minimumf %min3A_1489, %select_n3A_1439 : vector<16xf32>
      %min3A_1491 = arith.minimumf %min3A_1490, %select_n3A_1443 : vector<16xf32>
      %min3A_1492 = arith.minimumf %min3A_1491, %select_n3A_1447 : vector<16xf32>
      %min3A_1493 = arith.minimumf %min3A_1492, %select_n3A_1451 : vector<16xf32>
      %min3A_1494 = arith.minimumf %min3A_1493, %select_n3A_1455 : vector<16xf32>
      %min3A_1495 = arith.minimumf %min3A_1494, %select_n3A_1459 : vector<16xf32>
      %min3A_1496 = arith.minimumf %min3A_1495, %select_n3A_1463 : vector<16xf32>
      %min3A_1497 = arith.minimumf %min3A_1496, %select_n3A_1467 : vector<16xf32>
      %min3A_1498 = arith.minimumf %min3A_1497, %select_n3A_1471 : vector<16xf32>
      %min3A_1499 = arith.minimumf %min3A_1498, %select_n3A_1475 : vector<16xf32>
      %min3A_1500 = arith.minimumf %min3A_1499, %select_n3A_1479 : vector<16xf32>
      %min3A_1501 = arith.minimumf %min3A_1500, %select_n3A_1483 : vector<16xf32>
      %min3A_1502 = arith.minimumf %min3A_1501, %select_n3A_1487 : vector<16xf32>
      %xor3A_1503 = arith.constant 8 : i32
      %xor3A_1504 = vector.broadcast %xor3A_1503 : i32 to vector<16xi32>
      %xor3A_1505 = arith.xori %iota3A, %xor3A_1504 : vector<16xi32>
      %lt3A_1506 = arith.constant 0 : i32
      %lt3A_1507 = vector.broadcast %lt3A_1506 : i32 to vector<16xi32>
      %lt3A_1508 = arith.cmpi slt, %xor3A_1505, %lt3A_1507 : vector<16xi32>
      %add3A_1509 = arith.constant 16 : i32
      %add3A_1510 = vector.broadcast %add3A_1509 : i32 to vector<16xi32>
      %add3A_1511 = arith.addi %xor3A_1505, %add3A_1510 : vector<16xi32>
      %select_n3A_1512 = arith.select %lt3A_1508, %add3A_1511, %xor3A_1505 : vector<16xi1>, vector<16xi32>
      %broadcast_in_dim3A_1513 = vector.shape_cast %select_n3A_1512 : vector<16xi32> to vector<16x1xi32>
      %gather3A_1514 = vector.shape_cast %broadcast_in_dim3A_1513 : vector<16x1xi32> to vector<16xi32>
      %gather3A_1515 = tpu.dynamic_gather %min3A_1502[%gather3A_1514] in [0] : vector<16xf32>, vector<16xi32> -> vector<16xf32>
      %min3A_1516 = arith.minimumf %min3A_1502, %gather3A_1515 : vector<16xf32>
      %xor3A_1517 = arith.constant 4 : i32
      %xor3A_1518 = vector.broadcast %xor3A_1517 : i32 to vector<16xi32>
      %xor3A_1519 = arith.xori %iota3A, %xor3A_1518 : vector<16xi32>
      %lt3A_1520 = arith.constant 0 : i32
      %lt3A_1521 = vector.broadcast %lt3A_1520 : i32 to vector<16xi32>
      %lt3A_1522 = arith.cmpi slt, %xor3A_1519, %lt3A_1521 : vector<16xi32>
      %add3A_1523 = arith.constant 16 : i32
      %add3A_1524 = vector.broadcast %add3A_1523 : i32 to vector<16xi32>
      %add3A_1525 = arith.addi %xor3A_1519, %add3A_1524 : vector<16xi32>
      %select_n3A_1526 = arith.select %lt3A_1522, %add3A_1525, %xor3A_1519 : vector<16xi1>, vector<16xi32>
      %broadcast_in_dim3A_1527 = vector.shape_cast %select_n3A_1526 : vector<16xi32> to vector<16x1xi32>
      %gather3A_1528 = vector.shape_cast %broadcast_in_dim3A_1527 : vector<16x1xi32> to vector<16xi32>
      %gather3A_1529 = tpu.dynamic_gather %min3A_1516[%gather3A_1528] in [0] : vector<16xf32>, vector<16xi32> -> vector<16xf32>
      %min3A_1530 = arith.minimumf %min3A_1516, %gather3A_1529 : vector<16xf32>
      %xor3A_1531 = arith.constant 2 : i32
      %xor3A_1532 = vector.broadcast %xor3A_1531 : i32 to vector<16xi32>
      %xor3A_1533 = arith.xori %iota3A, %xor3A_1532 : vector<16xi32>
      %lt3A_1534 = arith.constant 0 : i32
      %lt3A_1535 = vector.broadcast %lt3A_1534 : i32 to vector<16xi32>
      %lt3A_1536 = arith.cmpi slt, %xor3A_1533, %lt3A_1535 : vector<16xi32>
      %add3A_1537 = arith.constant 16 : i32
      %add3A_1538 = vector.broadcast %add3A_1537 : i32 to vector<16xi32>
      %add3A_1539 = arith.addi %xor3A_1533, %add3A_1538 : vector<16xi32>
      %select_n3A_1540 = arith.select %lt3A_1536, %add3A_1539, %xor3A_1533 : vector<16xi1>, vector<16xi32>
      %broadcast_in_dim3A_1541 = vector.shape_cast %select_n3A_1540 : vector<16xi32> to vector<16x1xi32>
      %gather3A_1542 = vector.shape_cast %broadcast_in_dim3A_1541 : vector<16x1xi32> to vector<16xi32>
      %gather3A_1543 = tpu.dynamic_gather %min3A_1530[%gather3A_1542] in [0] : vector<16xf32>, vector<16xi32> -> vector<16xf32>
      %min3A_1544 = arith.minimumf %min3A_1530, %gather3A_1543 : vector<16xf32>
      %xor3A_1545 = arith.constant 1 : i32
      %xor3A_1546 = vector.broadcast %xor3A_1545 : i32 to vector<16xi32>
      %xor3A_1547 = arith.xori %iota3A, %xor3A_1546 : vector<16xi32>
      %lt3A_1548 = arith.constant 0 : i32
      %lt3A_1549 = vector.broadcast %lt3A_1548 : i32 to vector<16xi32>
      %lt3A_1550 = arith.cmpi slt, %xor3A_1547, %lt3A_1549 : vector<16xi32>
      %add3A_1551 = arith.constant 16 : i32
      %add3A_1552 = vector.broadcast %add3A_1551 : i32 to vector<16xi32>
      %add3A_1553 = arith.addi %xor3A_1547, %add3A_1552 : vector<16xi32>
      %select_n3A_1554 = arith.select %lt3A_1550, %add3A_1553, %xor3A_1547 : vector<16xi1>, vector<16xi32>
      %broadcast_in_dim3A_1555 = vector.shape_cast %select_n3A_1554 : vector<16xi32> to vector<16x1xi32>
      %gather3A_1556 = vector.shape_cast %broadcast_in_dim3A_1555 : vector<16x1xi32> to vector<16xi32>
      %gather3A_1557 = tpu.dynamic_gather %min3A_1544[%gather3A_1556] in [0] : vector<16xf32>, vector<16xi32> -> vector<16xf32>
      %min3A_1558 = arith.minimumf %min3A_1544, %gather3A_1557 : vector<16xf32>
      %eq3A_1559 = arith.constant 9 : i32
      %eq3A_1560 = vector.broadcast %eq3A_1559 : i32 to vector<16xi32>
      %eq3A_1561 = arith.cmpi eq, %iota3A, %eq3A_1560 : vector<16xi32>
      %select_n3A_1562 = arith.select %eq3A_1561, %min3A_1558, %select_n3A_1423 : vector<16xi1>, vector<16xf32>
      %eq3A_1563 = arith.cmpf oeq, %select_n3A_1427, %min3A_1558 : vector<16xf32>
      %jit3A_1564 = arith.constant 3.000000e+38 : f32
      %broadcast_in_dim3A_1565 = vector.broadcast %jit3A_1564 : f32 to vector<16xf32>
      %select_n3A_1566 = arith.select %eq3A_1563, %broadcast_in_dim3A_1565, %select_n3A_1427 : vector<16xi1>, vector<16xf32>
      %eq3A_1567 = arith.cmpf oeq, %select_n3A_1431, %min3A_1558 : vector<16xf32>
      %jit3A_1568 = arith.constant 3.000000e+38 : f32
      %broadcast_in_dim3A_1569 = vector.broadcast %jit3A_1568 : f32 to vector<16xf32>
      %select_n3A_1570 = arith.select %eq3A_1567, %broadcast_in_dim3A_1569, %select_n3A_1431 : vector<16xi1>, vector<16xf32>
      %eq3A_1571 = arith.cmpf oeq, %select_n3A_1435, %min3A_1558 : vector<16xf32>
      %jit3A_1572 = arith.constant 3.000000e+38 : f32
      %broadcast_in_dim3A_1573 = vector.broadcast %jit3A_1572 : f32 to vector<16xf32>
      %select_n3A_1574 = arith.select %eq3A_1571, %broadcast_in_dim3A_1573, %select_n3A_1435 : vector<16xi1>, vector<16xf32>
      %eq3A_1575 = arith.cmpf oeq, %select_n3A_1439, %min3A_1558 : vector<16xf32>
      %jit3A_1576 = arith.constant 3.000000e+38 : f32
      %broadcast_in_dim3A_1577 = vector.broadcast %jit3A_1576 : f32 to vector<16xf32>
      %select_n3A_1578 = arith.select %eq3A_1575, %broadcast_in_dim3A_1577, %select_n3A_1439 : vector<16xi1>, vector<16xf32>
      %eq3A_1579 = arith.cmpf oeq, %select_n3A_1443, %min3A_1558 : vector<16xf32>
      %jit3A_1580 = arith.constant 3.000000e+38 : f32
      %broadcast_in_dim3A_1581 = vector.broadcast %jit3A_1580 : f32 to vector<16xf32>
      %select_n3A_1582 = arith.select %eq3A_1579, %broadcast_in_dim3A_1581, %select_n3A_1443 : vector<16xi1>, vector<16xf32>
      %eq3A_1583 = arith.cmpf oeq, %select_n3A_1447, %min3A_1558 : vector<16xf32>
      %jit3A_1584 = arith.constant 3.000000e+38 : f32
      %broadcast_in_dim3A_1585 = vector.broadcast %jit3A_1584 : f32 to vector<16xf32>
      %select_n3A_1586 = arith.select %eq3A_1583, %broadcast_in_dim3A_1585, %select_n3A_1447 : vector<16xi1>, vector<16xf32>
      %eq3A_1587 = arith.cmpf oeq, %select_n3A_1451, %min3A_1558 : vector<16xf32>
      %jit3A_1588 = arith.constant 3.000000e+38 : f32
      %broadcast_in_dim3A_1589 = vector.broadcast %jit3A_1588 : f32 to vector<16xf32>
      %select_n3A_1590 = arith.select %eq3A_1587, %broadcast_in_dim3A_1589, %select_n3A_1451 : vector<16xi1>, vector<16xf32>
      %eq3A_1591 = arith.cmpf oeq, %select_n3A_1455, %min3A_1558 : vector<16xf32>
      %jit3A_1592 = arith.constant 3.000000e+38 : f32
      %broadcast_in_dim3A_1593 = vector.broadcast %jit3A_1592 : f32 to vector<16xf32>
      %select_n3A_1594 = arith.select %eq3A_1591, %broadcast_in_dim3A_1593, %select_n3A_1455 : vector<16xi1>, vector<16xf32>
      %eq3A_1595 = arith.cmpf oeq, %select_n3A_1459, %min3A_1558 : vector<16xf32>
      %jit3A_1596 = arith.constant 3.000000e+38 : f32
      %broadcast_in_dim3A_1597 = vector.broadcast %jit3A_1596 : f32 to vector<16xf32>
      %select_n3A_1598 = arith.select %eq3A_1595, %broadcast_in_dim3A_1597, %select_n3A_1459 : vector<16xi1>, vector<16xf32>
      %eq3A_1599 = arith.cmpf oeq, %select_n3A_1463, %min3A_1558 : vector<16xf32>
      %jit3A_1600 = arith.constant 3.000000e+38 : f32
      %broadcast_in_dim3A_1601 = vector.broadcast %jit3A_1600 : f32 to vector<16xf32>
      %select_n3A_1602 = arith.select %eq3A_1599, %broadcast_in_dim3A_1601, %select_n3A_1463 : vector<16xi1>, vector<16xf32>
      %eq3A_1603 = arith.cmpf oeq, %select_n3A_1467, %min3A_1558 : vector<16xf32>
      %jit3A_1604 = arith.constant 3.000000e+38 : f32
      %broadcast_in_dim3A_1605 = vector.broadcast %jit3A_1604 : f32 to vector<16xf32>
      %select_n3A_1606 = arith.select %eq3A_1603, %broadcast_in_dim3A_1605, %select_n3A_1467 : vector<16xi1>, vector<16xf32>
      %eq3A_1607 = arith.cmpf oeq, %select_n3A_1471, %min3A_1558 : vector<16xf32>
      %jit3A_1608 = arith.constant 3.000000e+38 : f32
      %broadcast_in_dim3A_1609 = vector.broadcast %jit3A_1608 : f32 to vector<16xf32>
      %select_n3A_1610 = arith.select %eq3A_1607, %broadcast_in_dim3A_1609, %select_n3A_1471 : vector<16xi1>, vector<16xf32>
      %eq3A_1611 = arith.cmpf oeq, %select_n3A_1475, %min3A_1558 : vector<16xf32>
      %jit3A_1612 = arith.constant 3.000000e+38 : f32
      %broadcast_in_dim3A_1613 = vector.broadcast %jit3A_1612 : f32 to vector<16xf32>
      %select_n3A_1614 = arith.select %eq3A_1611, %broadcast_in_dim3A_1613, %select_n3A_1475 : vector<16xi1>, vector<16xf32>
      %eq3A_1615 = arith.cmpf oeq, %select_n3A_1479, %min3A_1558 : vector<16xf32>
      %jit3A_1616 = arith.constant 3.000000e+38 : f32
      %broadcast_in_dim3A_1617 = vector.broadcast %jit3A_1616 : f32 to vector<16xf32>
      %select_n3A_1618 = arith.select %eq3A_1615, %broadcast_in_dim3A_1617, %select_n3A_1479 : vector<16xi1>, vector<16xf32>
      %eq3A_1619 = arith.cmpf oeq, %select_n3A_1483, %min3A_1558 : vector<16xf32>
      %jit3A_1620 = arith.constant 3.000000e+38 : f32
      %broadcast_in_dim3A_1621 = vector.broadcast %jit3A_1620 : f32 to vector<16xf32>
      %select_n3A_1622 = arith.select %eq3A_1619, %broadcast_in_dim3A_1621, %select_n3A_1483 : vector<16xi1>, vector<16xf32>
      %eq3A_1623 = arith.cmpf oeq, %select_n3A_1487, %min3A_1558 : vector<16xf32>
      %jit3A_1624 = arith.constant 3.000000e+38 : f32
      %broadcast_in_dim3A_1625 = vector.broadcast %jit3A_1624 : f32 to vector<16xf32>
      %select_n3A_1626 = arith.select %eq3A_1623, %broadcast_in_dim3A_1625, %select_n3A_1487 : vector<16xi1>, vector<16xf32>
      %min3A_1627 = arith.minimumf %select_n3A_1566, %select_n3A_1570 : vector<16xf32>
      %min3A_1628 = arith.minimumf %min3A_1627, %select_n3A_1574 : vector<16xf32>
      %min3A_1629 = arith.minimumf %min3A_1628, %select_n3A_1578 : vector<16xf32>
      %min3A_1630 = arith.minimumf %min3A_1629, %select_n3A_1582 : vector<16xf32>
      %min3A_1631 = arith.minimumf %min3A_1630, %select_n3A_1586 : vector<16xf32>
      %min3A_1632 = arith.minimumf %min3A_1631, %select_n3A_1590 : vector<16xf32>
      %min3A_1633 = arith.minimumf %min3A_1632, %select_n3A_1594 : vector<16xf32>
      %min3A_1634 = arith.minimumf %min3A_1633, %select_n3A_1598 : vector<16xf32>
      %min3A_1635 = arith.minimumf %min3A_1634, %select_n3A_1602 : vector<16xf32>
      %min3A_1636 = arith.minimumf %min3A_1635, %select_n3A_1606 : vector<16xf32>
      %min3A_1637 = arith.minimumf %min3A_1636, %select_n3A_1610 : vector<16xf32>
      %min3A_1638 = arith.minimumf %min3A_1637, %select_n3A_1614 : vector<16xf32>
      %min3A_1639 = arith.minimumf %min3A_1638, %select_n3A_1618 : vector<16xf32>
      %min3A_1640 = arith.minimumf %min3A_1639, %select_n3A_1622 : vector<16xf32>
      %min3A_1641 = arith.minimumf %min3A_1640, %select_n3A_1626 : vector<16xf32>
      %xor3A_1642 = arith.constant 8 : i32
      %xor3A_1643 = vector.broadcast %xor3A_1642 : i32 to vector<16xi32>
      %xor3A_1644 = arith.xori %iota3A, %xor3A_1643 : vector<16xi32>
      %lt3A_1645 = arith.constant 0 : i32
      %lt3A_1646 = vector.broadcast %lt3A_1645 : i32 to vector<16xi32>
      %lt3A_1647 = arith.cmpi slt, %xor3A_1644, %lt3A_1646 : vector<16xi32>
      %add3A_1648 = arith.constant 16 : i32
      %add3A_1649 = vector.broadcast %add3A_1648 : i32 to vector<16xi32>
      %add3A_1650 = arith.addi %xor3A_1644, %add3A_1649 : vector<16xi32>
      %select_n3A_1651 = arith.select %lt3A_1647, %add3A_1650, %xor3A_1644 : vector<16xi1>, vector<16xi32>
      %broadcast_in_dim3A_1652 = vector.shape_cast %select_n3A_1651 : vector<16xi32> to vector<16x1xi32>
      %gather3A_1653 = vector.shape_cast %broadcast_in_dim3A_1652 : vector<16x1xi32> to vector<16xi32>
      %gather3A_1654 = tpu.dynamic_gather %min3A_1641[%gather3A_1653] in [0] : vector<16xf32>, vector<16xi32> -> vector<16xf32>
      %min3A_1655 = arith.minimumf %min3A_1641, %gather3A_1654 : vector<16xf32>
      %xor3A_1656 = arith.constant 4 : i32
      %xor3A_1657 = vector.broadcast %xor3A_1656 : i32 to vector<16xi32>
      %xor3A_1658 = arith.xori %iota3A, %xor3A_1657 : vector<16xi32>
      %lt3A_1659 = arith.constant 0 : i32
      %lt3A_1660 = vector.broadcast %lt3A_1659 : i32 to vector<16xi32>
      %lt3A_1661 = arith.cmpi slt, %xor3A_1658, %lt3A_1660 : vector<16xi32>
      %add3A_1662 = arith.constant 16 : i32
      %add3A_1663 = vector.broadcast %add3A_1662 : i32 to vector<16xi32>
      %add3A_1664 = arith.addi %xor3A_1658, %add3A_1663 : vector<16xi32>
      %select_n3A_1665 = arith.select %lt3A_1661, %add3A_1664, %xor3A_1658 : vector<16xi1>, vector<16xi32>
      %broadcast_in_dim3A_1666 = vector.shape_cast %select_n3A_1665 : vector<16xi32> to vector<16x1xi32>
      %gather3A_1667 = vector.shape_cast %broadcast_in_dim3A_1666 : vector<16x1xi32> to vector<16xi32>
      %gather3A_1668 = tpu.dynamic_gather %min3A_1655[%gather3A_1667] in [0] : vector<16xf32>, vector<16xi32> -> vector<16xf32>
      %min3A_1669 = arith.minimumf %min3A_1655, %gather3A_1668 : vector<16xf32>
      %xor3A_1670 = arith.constant 2 : i32
      %xor3A_1671 = vector.broadcast %xor3A_1670 : i32 to vector<16xi32>
      %xor3A_1672 = arith.xori %iota3A, %xor3A_1671 : vector<16xi32>
      %lt3A_1673 = arith.constant 0 : i32
      %lt3A_1674 = vector.broadcast %lt3A_1673 : i32 to vector<16xi32>
      %lt3A_1675 = arith.cmpi slt, %xor3A_1672, %lt3A_1674 : vector<16xi32>
      %add3A_1676 = arith.constant 16 : i32
      %add3A_1677 = vector.broadcast %add3A_1676 : i32 to vector<16xi32>
      %add3A_1678 = arith.addi %xor3A_1672, %add3A_1677 : vector<16xi32>
      %select_n3A_1679 = arith.select %lt3A_1675, %add3A_1678, %xor3A_1672 : vector<16xi1>, vector<16xi32>
      %broadcast_in_dim3A_1680 = vector.shape_cast %select_n3A_1679 : vector<16xi32> to vector<16x1xi32>
      %gather3A_1681 = vector.shape_cast %broadcast_in_dim3A_1680 : vector<16x1xi32> to vector<16xi32>
      %gather3A_1682 = tpu.dynamic_gather %min3A_1669[%gather3A_1681] in [0] : vector<16xf32>, vector<16xi32> -> vector<16xf32>
      %min3A_1683 = arith.minimumf %min3A_1669, %gather3A_1682 : vector<16xf32>
      %xor3A_1684 = arith.constant 1 : i32
      %xor3A_1685 = vector.broadcast %xor3A_1684 : i32 to vector<16xi32>
      %xor3A_1686 = arith.xori %iota3A, %xor3A_1685 : vector<16xi32>
      %lt3A_1687 = arith.constant 0 : i32
      %lt3A_1688 = vector.broadcast %lt3A_1687 : i32 to vector<16xi32>
      %lt3A_1689 = arith.cmpi slt, %xor3A_1686, %lt3A_1688 : vector<16xi32>
      %add3A_1690 = arith.constant 16 : i32
      %add3A_1691 = vector.broadcast %add3A_1690 : i32 to vector<16xi32>
      %add3A_1692 = arith.addi %xor3A_1686, %add3A_1691 : vector<16xi32>
      %select_n3A_1693 = arith.select %lt3A_1689, %add3A_1692, %xor3A_1686 : vector<16xi1>, vector<16xi32>
      %broadcast_in_dim3A_1694 = vector.shape_cast %select_n3A_1693 : vector<16xi32> to vector<16x1xi32>
      %gather3A_1695 = vector.shape_cast %broadcast_in_dim3A_1694 : vector<16x1xi32> to vector<16xi32>
      %gather3A_1696 = tpu.dynamic_gather %min3A_1683[%gather3A_1695] in [0] : vector<16xf32>, vector<16xi32> -> vector<16xf32>
      %min3A_1697 = arith.minimumf %min3A_1683, %gather3A_1696 : vector<16xf32>
      %eq3A_1698 = arith.constant 10 : i32
      %eq3A_1699 = vector.broadcast %eq3A_1698 : i32 to vector<16xi32>
      %eq3A_1700 = arith.cmpi eq, %iota3A, %eq3A_1699 : vector<16xi32>
      %select_n3A_1701 = arith.select %eq3A_1700, %min3A_1697, %select_n3A_1562 : vector<16xi1>, vector<16xf32>
      %eq3A_1702 = arith.cmpf oeq, %select_n3A_1566, %min3A_1697 : vector<16xf32>
      %jit3A_1703 = arith.constant 3.000000e+38 : f32
      %broadcast_in_dim3A_1704 = vector.broadcast %jit3A_1703 : f32 to vector<16xf32>
      %select_n3A_1705 = arith.select %eq3A_1702, %broadcast_in_dim3A_1704, %select_n3A_1566 : vector<16xi1>, vector<16xf32>
      %eq3A_1706 = arith.cmpf oeq, %select_n3A_1570, %min3A_1697 : vector<16xf32>
      %jit3A_1707 = arith.constant 3.000000e+38 : f32
      %broadcast_in_dim3A_1708 = vector.broadcast %jit3A_1707 : f32 to vector<16xf32>
      %select_n3A_1709 = arith.select %eq3A_1706, %broadcast_in_dim3A_1708, %select_n3A_1570 : vector<16xi1>, vector<16xf32>
      %eq3A_1710 = arith.cmpf oeq, %select_n3A_1574, %min3A_1697 : vector<16xf32>
      %jit3A_1711 = arith.constant 3.000000e+38 : f32
      %broadcast_in_dim3A_1712 = vector.broadcast %jit3A_1711 : f32 to vector<16xf32>
      %select_n3A_1713 = arith.select %eq3A_1710, %broadcast_in_dim3A_1712, %select_n3A_1574 : vector<16xi1>, vector<16xf32>
      %eq3A_1714 = arith.cmpf oeq, %select_n3A_1578, %min3A_1697 : vector<16xf32>
      %jit3A_1715 = arith.constant 3.000000e+38 : f32
      %broadcast_in_dim3A_1716 = vector.broadcast %jit3A_1715 : f32 to vector<16xf32>
      %select_n3A_1717 = arith.select %eq3A_1714, %broadcast_in_dim3A_1716, %select_n3A_1578 : vector<16xi1>, vector<16xf32>
      %eq3A_1718 = arith.cmpf oeq, %select_n3A_1582, %min3A_1697 : vector<16xf32>
      %jit3A_1719 = arith.constant 3.000000e+38 : f32
      %broadcast_in_dim3A_1720 = vector.broadcast %jit3A_1719 : f32 to vector<16xf32>
      %select_n3A_1721 = arith.select %eq3A_1718, %broadcast_in_dim3A_1720, %select_n3A_1582 : vector<16xi1>, vector<16xf32>
      %eq3A_1722 = arith.cmpf oeq, %select_n3A_1586, %min3A_1697 : vector<16xf32>
      %jit3A_1723 = arith.constant 3.000000e+38 : f32
      %broadcast_in_dim3A_1724 = vector.broadcast %jit3A_1723 : f32 to vector<16xf32>
      %select_n3A_1725 = arith.select %eq3A_1722, %broadcast_in_dim3A_1724, %select_n3A_1586 : vector<16xi1>, vector<16xf32>
      %eq3A_1726 = arith.cmpf oeq, %select_n3A_1590, %min3A_1697 : vector<16xf32>
      %jit3A_1727 = arith.constant 3.000000e+38 : f32
      %broadcast_in_dim3A_1728 = vector.broadcast %jit3A_1727 : f32 to vector<16xf32>
      %select_n3A_1729 = arith.select %eq3A_1726, %broadcast_in_dim3A_1728, %select_n3A_1590 : vector<16xi1>, vector<16xf32>
      %eq3A_1730 = arith.cmpf oeq, %select_n3A_1594, %min3A_1697 : vector<16xf32>
      %jit3A_1731 = arith.constant 3.000000e+38 : f32
      %broadcast_in_dim3A_1732 = vector.broadcast %jit3A_1731 : f32 to vector<16xf32>
      %select_n3A_1733 = arith.select %eq3A_1730, %broadcast_in_dim3A_1732, %select_n3A_1594 : vector<16xi1>, vector<16xf32>
      %eq3A_1734 = arith.cmpf oeq, %select_n3A_1598, %min3A_1697 : vector<16xf32>
      %jit3A_1735 = arith.constant 3.000000e+38 : f32
      %broadcast_in_dim3A_1736 = vector.broadcast %jit3A_1735 : f32 to vector<16xf32>
      %select_n3A_1737 = arith.select %eq3A_1734, %broadcast_in_dim3A_1736, %select_n3A_1598 : vector<16xi1>, vector<16xf32>
      %eq3A_1738 = arith.cmpf oeq, %select_n3A_1602, %min3A_1697 : vector<16xf32>
      %jit3A_1739 = arith.constant 3.000000e+38 : f32
      %broadcast_in_dim3A_1740 = vector.broadcast %jit3A_1739 : f32 to vector<16xf32>
      %select_n3A_1741 = arith.select %eq3A_1738, %broadcast_in_dim3A_1740, %select_n3A_1602 : vector<16xi1>, vector<16xf32>
      %eq3A_1742 = arith.cmpf oeq, %select_n3A_1606, %min3A_1697 : vector<16xf32>
      %jit3A_1743 = arith.constant 3.000000e+38 : f32
      %broadcast_in_dim3A_1744 = vector.broadcast %jit3A_1743 : f32 to vector<16xf32>
      %select_n3A_1745 = arith.select %eq3A_1742, %broadcast_in_dim3A_1744, %select_n3A_1606 : vector<16xi1>, vector<16xf32>
      %eq3A_1746 = arith.cmpf oeq, %select_n3A_1610, %min3A_1697 : vector<16xf32>
      %jit3A_1747 = arith.constant 3.000000e+38 : f32
      %broadcast_in_dim3A_1748 = vector.broadcast %jit3A_1747 : f32 to vector<16xf32>
      %select_n3A_1749 = arith.select %eq3A_1746, %broadcast_in_dim3A_1748, %select_n3A_1610 : vector<16xi1>, vector<16xf32>
      %eq3A_1750 = arith.cmpf oeq, %select_n3A_1614, %min3A_1697 : vector<16xf32>
      %jit3A_1751 = arith.constant 3.000000e+38 : f32
      %broadcast_in_dim3A_1752 = vector.broadcast %jit3A_1751 : f32 to vector<16xf32>
      %select_n3A_1753 = arith.select %eq3A_1750, %broadcast_in_dim3A_1752, %select_n3A_1614 : vector<16xi1>, vector<16xf32>
      %eq3A_1754 = arith.cmpf oeq, %select_n3A_1618, %min3A_1697 : vector<16xf32>
      %jit3A_1755 = arith.constant 3.000000e+38 : f32
      %broadcast_in_dim3A_1756 = vector.broadcast %jit3A_1755 : f32 to vector<16xf32>
      %select_n3A_1757 = arith.select %eq3A_1754, %broadcast_in_dim3A_1756, %select_n3A_1618 : vector<16xi1>, vector<16xf32>
      %eq3A_1758 = arith.cmpf oeq, %select_n3A_1622, %min3A_1697 : vector<16xf32>
      %jit3A_1759 = arith.constant 3.000000e+38 : f32
      %broadcast_in_dim3A_1760 = vector.broadcast %jit3A_1759 : f32 to vector<16xf32>
      %select_n3A_1761 = arith.select %eq3A_1758, %broadcast_in_dim3A_1760, %select_n3A_1622 : vector<16xi1>, vector<16xf32>
      %eq3A_1762 = arith.cmpf oeq, %select_n3A_1626, %min3A_1697 : vector<16xf32>
      %jit3A_1763 = arith.constant 3.000000e+38 : f32
      %broadcast_in_dim3A_1764 = vector.broadcast %jit3A_1763 : f32 to vector<16xf32>
      %select_n3A_1765 = arith.select %eq3A_1762, %broadcast_in_dim3A_1764, %select_n3A_1626 : vector<16xi1>, vector<16xf32>
      %min3A_1766 = arith.minimumf %select_n3A_1705, %select_n3A_1709 : vector<16xf32>
      %min3A_1767 = arith.minimumf %min3A_1766, %select_n3A_1713 : vector<16xf32>
      %min3A_1768 = arith.minimumf %min3A_1767, %select_n3A_1717 : vector<16xf32>
      %min3A_1769 = arith.minimumf %min3A_1768, %select_n3A_1721 : vector<16xf32>
      %min3A_1770 = arith.minimumf %min3A_1769, %select_n3A_1725 : vector<16xf32>
      %min3A_1771 = arith.minimumf %min3A_1770, %select_n3A_1729 : vector<16xf32>
      %min3A_1772 = arith.minimumf %min3A_1771, %select_n3A_1733 : vector<16xf32>
      %min3A_1773 = arith.minimumf %min3A_1772, %select_n3A_1737 : vector<16xf32>
      %min3A_1774 = arith.minimumf %min3A_1773, %select_n3A_1741 : vector<16xf32>
      %min3A_1775 = arith.minimumf %min3A_1774, %select_n3A_1745 : vector<16xf32>
      %min3A_1776 = arith.minimumf %min3A_1775, %select_n3A_1749 : vector<16xf32>
      %min3A_1777 = arith.minimumf %min3A_1776, %select_n3A_1753 : vector<16xf32>
      %min3A_1778 = arith.minimumf %min3A_1777, %select_n3A_1757 : vector<16xf32>
      %min3A_1779 = arith.minimumf %min3A_1778, %select_n3A_1761 : vector<16xf32>
      %min3A_1780 = arith.minimumf %min3A_1779, %select_n3A_1765 : vector<16xf32>
      %xor3A_1781 = arith.constant 8 : i32
      %xor3A_1782 = vector.broadcast %xor3A_1781 : i32 to vector<16xi32>
      %xor3A_1783 = arith.xori %iota3A, %xor3A_1782 : vector<16xi32>
      %lt3A_1784 = arith.constant 0 : i32
      %lt3A_1785 = vector.broadcast %lt3A_1784 : i32 to vector<16xi32>
      %lt3A_1786 = arith.cmpi slt, %xor3A_1783, %lt3A_1785 : vector<16xi32>
      %add3A_1787 = arith.constant 16 : i32
      %add3A_1788 = vector.broadcast %add3A_1787 : i32 to vector<16xi32>
      %add3A_1789 = arith.addi %xor3A_1783, %add3A_1788 : vector<16xi32>
      %select_n3A_1790 = arith.select %lt3A_1786, %add3A_1789, %xor3A_1783 : vector<16xi1>, vector<16xi32>
      %broadcast_in_dim3A_1791 = vector.shape_cast %select_n3A_1790 : vector<16xi32> to vector<16x1xi32>
      %gather3A_1792 = vector.shape_cast %broadcast_in_dim3A_1791 : vector<16x1xi32> to vector<16xi32>
      %gather3A_1793 = tpu.dynamic_gather %min3A_1780[%gather3A_1792] in [0] : vector<16xf32>, vector<16xi32> -> vector<16xf32>
      %min3A_1794 = arith.minimumf %min3A_1780, %gather3A_1793 : vector<16xf32>
      %xor3A_1795 = arith.constant 4 : i32
      %xor3A_1796 = vector.broadcast %xor3A_1795 : i32 to vector<16xi32>
      %xor3A_1797 = arith.xori %iota3A, %xor3A_1796 : vector<16xi32>
      %lt3A_1798 = arith.constant 0 : i32
      %lt3A_1799 = vector.broadcast %lt3A_1798 : i32 to vector<16xi32>
      %lt3A_1800 = arith.cmpi slt, %xor3A_1797, %lt3A_1799 : vector<16xi32>
      %add3A_1801 = arith.constant 16 : i32
      %add3A_1802 = vector.broadcast %add3A_1801 : i32 to vector<16xi32>
      %add3A_1803 = arith.addi %xor3A_1797, %add3A_1802 : vector<16xi32>
      %select_n3A_1804 = arith.select %lt3A_1800, %add3A_1803, %xor3A_1797 : vector<16xi1>, vector<16xi32>
      %broadcast_in_dim3A_1805 = vector.shape_cast %select_n3A_1804 : vector<16xi32> to vector<16x1xi32>
      %gather3A_1806 = vector.shape_cast %broadcast_in_dim3A_1805 : vector<16x1xi32> to vector<16xi32>
      %gather3A_1807 = tpu.dynamic_gather %min3A_1794[%gather3A_1806] in [0] : vector<16xf32>, vector<16xi32> -> vector<16xf32>
      %min3A_1808 = arith.minimumf %min3A_1794, %gather3A_1807 : vector<16xf32>
      %xor3A_1809 = arith.constant 2 : i32
      %xor3A_1810 = vector.broadcast %xor3A_1809 : i32 to vector<16xi32>
      %xor3A_1811 = arith.xori %iota3A, %xor3A_1810 : vector<16xi32>
      %lt3A_1812 = arith.constant 0 : i32
      %lt3A_1813 = vector.broadcast %lt3A_1812 : i32 to vector<16xi32>
      %lt3A_1814 = arith.cmpi slt, %xor3A_1811, %lt3A_1813 : vector<16xi32>
      %add3A_1815 = arith.constant 16 : i32
      %add3A_1816 = vector.broadcast %add3A_1815 : i32 to vector<16xi32>
      %add3A_1817 = arith.addi %xor3A_1811, %add3A_1816 : vector<16xi32>
      %select_n3A_1818 = arith.select %lt3A_1814, %add3A_1817, %xor3A_1811 : vector<16xi1>, vector<16xi32>
      %broadcast_in_dim3A_1819 = vector.shape_cast %select_n3A_1818 : vector<16xi32> to vector<16x1xi32>
      %gather3A_1820 = vector.shape_cast %broadcast_in_dim3A_1819 : vector<16x1xi32> to vector<16xi32>
      %gather3A_1821 = tpu.dynamic_gather %min3A_1808[%gather3A_1820] in [0] : vector<16xf32>, vector<16xi32> -> vector<16xf32>
      %min3A_1822 = arith.minimumf %min3A_1808, %gather3A_1821 : vector<16xf32>
      %xor3A_1823 = arith.constant 1 : i32
      %xor3A_1824 = vector.broadcast %xor3A_1823 : i32 to vector<16xi32>
      %xor3A_1825 = arith.xori %iota3A, %xor3A_1824 : vector<16xi32>
      %lt3A_1826 = arith.constant 0 : i32
      %lt3A_1827 = vector.broadcast %lt3A_1826 : i32 to vector<16xi32>
      %lt3A_1828 = arith.cmpi slt, %xor3A_1825, %lt3A_1827 : vector<16xi32>
      %add3A_1829 = arith.constant 16 : i32
      %add3A_1830 = vector.broadcast %add3A_1829 : i32 to vector<16xi32>
      %add3A_1831 = arith.addi %xor3A_1825, %add3A_1830 : vector<16xi32>
      %select_n3A_1832 = arith.select %lt3A_1828, %add3A_1831, %xor3A_1825 : vector<16xi1>, vector<16xi32>
      %broadcast_in_dim3A_1833 = vector.shape_cast %select_n3A_1832 : vector<16xi32> to vector<16x1xi32>
      %gather3A_1834 = vector.shape_cast %broadcast_in_dim3A_1833 : vector<16x1xi32> to vector<16xi32>
      %gather3A_1835 = tpu.dynamic_gather %min3A_1822[%gather3A_1834] in [0] : vector<16xf32>, vector<16xi32> -> vector<16xf32>
      %min3A_1836 = arith.minimumf %min3A_1822, %gather3A_1835 : vector<16xf32>
      %eq3A_1837 = arith.constant 11 : i32
      %eq3A_1838 = vector.broadcast %eq3A_1837 : i32 to vector<16xi32>
      %eq3A_1839 = arith.cmpi eq, %iota3A, %eq3A_1838 : vector<16xi32>
      %select_n3A_1840 = arith.select %eq3A_1839, %min3A_1836, %select_n3A_1701 : vector<16xi1>, vector<16xf32>
      %eq3A_1841 = arith.cmpf oeq, %select_n3A_1705, %min3A_1836 : vector<16xf32>
      %jit3A_1842 = arith.constant 3.000000e+38 : f32
      %broadcast_in_dim3A_1843 = vector.broadcast %jit3A_1842 : f32 to vector<16xf32>
      %select_n3A_1844 = arith.select %eq3A_1841, %broadcast_in_dim3A_1843, %select_n3A_1705 : vector<16xi1>, vector<16xf32>
      %eq3A_1845 = arith.cmpf oeq, %select_n3A_1709, %min3A_1836 : vector<16xf32>
      %jit3A_1846 = arith.constant 3.000000e+38 : f32
      %broadcast_in_dim3A_1847 = vector.broadcast %jit3A_1846 : f32 to vector<16xf32>
      %select_n3A_1848 = arith.select %eq3A_1845, %broadcast_in_dim3A_1847, %select_n3A_1709 : vector<16xi1>, vector<16xf32>
      %eq3A_1849 = arith.cmpf oeq, %select_n3A_1713, %min3A_1836 : vector<16xf32>
      %jit3A_1850 = arith.constant 3.000000e+38 : f32
      %broadcast_in_dim3A_1851 = vector.broadcast %jit3A_1850 : f32 to vector<16xf32>
      %select_n3A_1852 = arith.select %eq3A_1849, %broadcast_in_dim3A_1851, %select_n3A_1713 : vector<16xi1>, vector<16xf32>
      %eq3A_1853 = arith.cmpf oeq, %select_n3A_1717, %min3A_1836 : vector<16xf32>
      %jit3A_1854 = arith.constant 3.000000e+38 : f32
      %broadcast_in_dim3A_1855 = vector.broadcast %jit3A_1854 : f32 to vector<16xf32>
      %select_n3A_1856 = arith.select %eq3A_1853, %broadcast_in_dim3A_1855, %select_n3A_1717 : vector<16xi1>, vector<16xf32>
      %eq3A_1857 = arith.cmpf oeq, %select_n3A_1721, %min3A_1836 : vector<16xf32>
      %jit3A_1858 = arith.constant 3.000000e+38 : f32
      %broadcast_in_dim3A_1859 = vector.broadcast %jit3A_1858 : f32 to vector<16xf32>
      %select_n3A_1860 = arith.select %eq3A_1857, %broadcast_in_dim3A_1859, %select_n3A_1721 : vector<16xi1>, vector<16xf32>
      %eq3A_1861 = arith.cmpf oeq, %select_n3A_1725, %min3A_1836 : vector<16xf32>
      %jit3A_1862 = arith.constant 3.000000e+38 : f32
      %broadcast_in_dim3A_1863 = vector.broadcast %jit3A_1862 : f32 to vector<16xf32>
      %select_n3A_1864 = arith.select %eq3A_1861, %broadcast_in_dim3A_1863, %select_n3A_1725 : vector<16xi1>, vector<16xf32>
      %eq3A_1865 = arith.cmpf oeq, %select_n3A_1729, %min3A_1836 : vector<16xf32>
      %jit3A_1866 = arith.constant 3.000000e+38 : f32
      %broadcast_in_dim3A_1867 = vector.broadcast %jit3A_1866 : f32 to vector<16xf32>
      %select_n3A_1868 = arith.select %eq3A_1865, %broadcast_in_dim3A_1867, %select_n3A_1729 : vector<16xi1>, vector<16xf32>
      %eq3A_1869 = arith.cmpf oeq, %select_n3A_1733, %min3A_1836 : vector<16xf32>
      %jit3A_1870 = arith.constant 3.000000e+38 : f32
      %broadcast_in_dim3A_1871 = vector.broadcast %jit3A_1870 : f32 to vector<16xf32>
      %select_n3A_1872 = arith.select %eq3A_1869, %broadcast_in_dim3A_1871, %select_n3A_1733 : vector<16xi1>, vector<16xf32>
      %eq3A_1873 = arith.cmpf oeq, %select_n3A_1737, %min3A_1836 : vector<16xf32>
      %jit3A_1874 = arith.constant 3.000000e+38 : f32
      %broadcast_in_dim3A_1875 = vector.broadcast %jit3A_1874 : f32 to vector<16xf32>
      %select_n3A_1876 = arith.select %eq3A_1873, %broadcast_in_dim3A_1875, %select_n3A_1737 : vector<16xi1>, vector<16xf32>
      %eq3A_1877 = arith.cmpf oeq, %select_n3A_1741, %min3A_1836 : vector<16xf32>
      %jit3A_1878 = arith.constant 3.000000e+38 : f32
      %broadcast_in_dim3A_1879 = vector.broadcast %jit3A_1878 : f32 to vector<16xf32>
      %select_n3A_1880 = arith.select %eq3A_1877, %broadcast_in_dim3A_1879, %select_n3A_1741 : vector<16xi1>, vector<16xf32>
      %eq3A_1881 = arith.cmpf oeq, %select_n3A_1745, %min3A_1836 : vector<16xf32>
      %jit3A_1882 = arith.constant 3.000000e+38 : f32
      %broadcast_in_dim3A_1883 = vector.broadcast %jit3A_1882 : f32 to vector<16xf32>
      %select_n3A_1884 = arith.select %eq3A_1881, %broadcast_in_dim3A_1883, %select_n3A_1745 : vector<16xi1>, vector<16xf32>
      %eq3A_1885 = arith.cmpf oeq, %select_n3A_1749, %min3A_1836 : vector<16xf32>
      %jit3A_1886 = arith.constant 3.000000e+38 : f32
      %broadcast_in_dim3A_1887 = vector.broadcast %jit3A_1886 : f32 to vector<16xf32>
      %select_n3A_1888 = arith.select %eq3A_1885, %broadcast_in_dim3A_1887, %select_n3A_1749 : vector<16xi1>, vector<16xf32>
      %eq3A_1889 = arith.cmpf oeq, %select_n3A_1753, %min3A_1836 : vector<16xf32>
      %jit3A_1890 = arith.constant 3.000000e+38 : f32
      %broadcast_in_dim3A_1891 = vector.broadcast %jit3A_1890 : f32 to vector<16xf32>
      %select_n3A_1892 = arith.select %eq3A_1889, %broadcast_in_dim3A_1891, %select_n3A_1753 : vector<16xi1>, vector<16xf32>
      %eq3A_1893 = arith.cmpf oeq, %select_n3A_1757, %min3A_1836 : vector<16xf32>
      %jit3A_1894 = arith.constant 3.000000e+38 : f32
      %broadcast_in_dim3A_1895 = vector.broadcast %jit3A_1894 : f32 to vector<16xf32>
      %select_n3A_1896 = arith.select %eq3A_1893, %broadcast_in_dim3A_1895, %select_n3A_1757 : vector<16xi1>, vector<16xf32>
      %eq3A_1897 = arith.cmpf oeq, %select_n3A_1761, %min3A_1836 : vector<16xf32>
      %jit3A_1898 = arith.constant 3.000000e+38 : f32
      %broadcast_in_dim3A_1899 = vector.broadcast %jit3A_1898 : f32 to vector<16xf32>
      %select_n3A_1900 = arith.select %eq3A_1897, %broadcast_in_dim3A_1899, %select_n3A_1761 : vector<16xi1>, vector<16xf32>
      %eq3A_1901 = arith.cmpf oeq, %select_n3A_1765, %min3A_1836 : vector<16xf32>
      %jit3A_1902 = arith.constant 3.000000e+38 : f32
      %broadcast_in_dim3A_1903 = vector.broadcast %jit3A_1902 : f32 to vector<16xf32>
      %select_n3A_1904 = arith.select %eq3A_1901, %broadcast_in_dim3A_1903, %select_n3A_1765 : vector<16xi1>, vector<16xf32>
      %min3A_1905 = arith.minimumf %select_n3A_1844, %select_n3A_1848 : vector<16xf32>
      %min3A_1906 = arith.minimumf %min3A_1905, %select_n3A_1852 : vector<16xf32>
      %min3A_1907 = arith.minimumf %min3A_1906, %select_n3A_1856 : vector<16xf32>
      %min3A_1908 = arith.minimumf %min3A_1907, %select_n3A_1860 : vector<16xf32>
      %min3A_1909 = arith.minimumf %min3A_1908, %select_n3A_1864 : vector<16xf32>
      %min3A_1910 = arith.minimumf %min3A_1909, %select_n3A_1868 : vector<16xf32>
      %min3A_1911 = arith.minimumf %min3A_1910, %select_n3A_1872 : vector<16xf32>
      %min3A_1912 = arith.minimumf %min3A_1911, %select_n3A_1876 : vector<16xf32>
      %min3A_1913 = arith.minimumf %min3A_1912, %select_n3A_1880 : vector<16xf32>
      %min3A_1914 = arith.minimumf %min3A_1913, %select_n3A_1884 : vector<16xf32>
      %min3A_1915 = arith.minimumf %min3A_1914, %select_n3A_1888 : vector<16xf32>
      %min3A_1916 = arith.minimumf %min3A_1915, %select_n3A_1892 : vector<16xf32>
      %min3A_1917 = arith.minimumf %min3A_1916, %select_n3A_1896 : vector<16xf32>
      %min3A_1918 = arith.minimumf %min3A_1917, %select_n3A_1900 : vector<16xf32>
      %min3A_1919 = arith.minimumf %min3A_1918, %select_n3A_1904 : vector<16xf32>
      %xor3A_1920 = arith.constant 8 : i32
      %xor3A_1921 = vector.broadcast %xor3A_1920 : i32 to vector<16xi32>
      %xor3A_1922 = arith.xori %iota3A, %xor3A_1921 : vector<16xi32>
      %lt3A_1923 = arith.constant 0 : i32
      %lt3A_1924 = vector.broadcast %lt3A_1923 : i32 to vector<16xi32>
      %lt3A_1925 = arith.cmpi slt, %xor3A_1922, %lt3A_1924 : vector<16xi32>
      %add3A_1926 = arith.constant 16 : i32
      %add3A_1927 = vector.broadcast %add3A_1926 : i32 to vector<16xi32>
      %add3A_1928 = arith.addi %xor3A_1922, %add3A_1927 : vector<16xi32>
      %select_n3A_1929 = arith.select %lt3A_1925, %add3A_1928, %xor3A_1922 : vector<16xi1>, vector<16xi32>
      %broadcast_in_dim3A_1930 = vector.shape_cast %select_n3A_1929 : vector<16xi32> to vector<16x1xi32>
      %gather3A_1931 = vector.shape_cast %broadcast_in_dim3A_1930 : vector<16x1xi32> to vector<16xi32>
      %gather3A_1932 = tpu.dynamic_gather %min3A_1919[%gather3A_1931] in [0] : vector<16xf32>, vector<16xi32> -> vector<16xf32>
      %min3A_1933 = arith.minimumf %min3A_1919, %gather3A_1932 : vector<16xf32>
      %xor3A_1934 = arith.constant 4 : i32
      %xor3A_1935 = vector.broadcast %xor3A_1934 : i32 to vector<16xi32>
      %xor3A_1936 = arith.xori %iota3A, %xor3A_1935 : vector<16xi32>
      %lt3A_1937 = arith.constant 0 : i32
      %lt3A_1938 = vector.broadcast %lt3A_1937 : i32 to vector<16xi32>
      %lt3A_1939 = arith.cmpi slt, %xor3A_1936, %lt3A_1938 : vector<16xi32>
      %add3A_1940 = arith.constant 16 : i32
      %add3A_1941 = vector.broadcast %add3A_1940 : i32 to vector<16xi32>
      %add3A_1942 = arith.addi %xor3A_1936, %add3A_1941 : vector<16xi32>
      %select_n3A_1943 = arith.select %lt3A_1939, %add3A_1942, %xor3A_1936 : vector<16xi1>, vector<16xi32>
      %broadcast_in_dim3A_1944 = vector.shape_cast %select_n3A_1943 : vector<16xi32> to vector<16x1xi32>
      %gather3A_1945 = vector.shape_cast %broadcast_in_dim3A_1944 : vector<16x1xi32> to vector<16xi32>
      %gather3A_1946 = tpu.dynamic_gather %min3A_1933[%gather3A_1945] in [0] : vector<16xf32>, vector<16xi32> -> vector<16xf32>
      %min3A_1947 = arith.minimumf %min3A_1933, %gather3A_1946 : vector<16xf32>
      %xor3A_1948 = arith.constant 2 : i32
      %xor3A_1949 = vector.broadcast %xor3A_1948 : i32 to vector<16xi32>
      %xor3A_1950 = arith.xori %iota3A, %xor3A_1949 : vector<16xi32>
      %lt3A_1951 = arith.constant 0 : i32
      %lt3A_1952 = vector.broadcast %lt3A_1951 : i32 to vector<16xi32>
      %lt3A_1953 = arith.cmpi slt, %xor3A_1950, %lt3A_1952 : vector<16xi32>
      %add3A_1954 = arith.constant 16 : i32
      %add3A_1955 = vector.broadcast %add3A_1954 : i32 to vector<16xi32>
      %add3A_1956 = arith.addi %xor3A_1950, %add3A_1955 : vector<16xi32>
      %select_n3A_1957 = arith.select %lt3A_1953, %add3A_1956, %xor3A_1950 : vector<16xi1>, vector<16xi32>
      %broadcast_in_dim3A_1958 = vector.shape_cast %select_n3A_1957 : vector<16xi32> to vector<16x1xi32>
      %gather3A_1959 = vector.shape_cast %broadcast_in_dim3A_1958 : vector<16x1xi32> to vector<16xi32>
      %gather3A_1960 = tpu.dynamic_gather %min3A_1947[%gather3A_1959] in [0] : vector<16xf32>, vector<16xi32> -> vector<16xf32>
      %min3A_1961 = arith.minimumf %min3A_1947, %gather3A_1960 : vector<16xf32>
      %xor3A_1962 = arith.constant 1 : i32
      %xor3A_1963 = vector.broadcast %xor3A_1962 : i32 to vector<16xi32>
      %xor3A_1964 = arith.xori %iota3A, %xor3A_1963 : vector<16xi32>
      %lt3A_1965 = arith.constant 0 : i32
      %lt3A_1966 = vector.broadcast %lt3A_1965 : i32 to vector<16xi32>
      %lt3A_1967 = arith.cmpi slt, %xor3A_1964, %lt3A_1966 : vector<16xi32>
      %add3A_1968 = arith.constant 16 : i32
      %add3A_1969 = vector.broadcast %add3A_1968 : i32 to vector<16xi32>
      %add3A_1970 = arith.addi %xor3A_1964, %add3A_1969 : vector<16xi32>
      %select_n3A_1971 = arith.select %lt3A_1967, %add3A_1970, %xor3A_1964 : vector<16xi1>, vector<16xi32>
      %broadcast_in_dim3A_1972 = vector.shape_cast %select_n3A_1971 : vector<16xi32> to vector<16x1xi32>
      %gather3A_1973 = vector.shape_cast %broadcast_in_dim3A_1972 : vector<16x1xi32> to vector<16xi32>
      %gather3A_1974 = tpu.dynamic_gather %min3A_1961[%gather3A_1973] in [0] : vector<16xf32>, vector<16xi32> -> vector<16xf32>
      %min3A_1975 = arith.minimumf %min3A_1961, %gather3A_1974 : vector<16xf32>
      %eq3A_1976 = arith.constant 12 : i32
      %eq3A_1977 = vector.broadcast %eq3A_1976 : i32 to vector<16xi32>
      %eq3A_1978 = arith.cmpi eq, %iota3A, %eq3A_1977 : vector<16xi32>
      %select_n3A_1979 = arith.select %eq3A_1978, %min3A_1975, %select_n3A_1840 : vector<16xi1>, vector<16xf32>
      %eq3A_1980 = arith.cmpf oeq, %select_n3A_1844, %min3A_1975 : vector<16xf32>
      %jit3A_1981 = arith.constant 3.000000e+38 : f32
      %broadcast_in_dim3A_1982 = vector.broadcast %jit3A_1981 : f32 to vector<16xf32>
      %select_n3A_1983 = arith.select %eq3A_1980, %broadcast_in_dim3A_1982, %select_n3A_1844 : vector<16xi1>, vector<16xf32>
      %eq3A_1984 = arith.cmpf oeq, %select_n3A_1848, %min3A_1975 : vector<16xf32>
      %jit3A_1985 = arith.constant 3.000000e+38 : f32
      %broadcast_in_dim3A_1986 = vector.broadcast %jit3A_1985 : f32 to vector<16xf32>
      %select_n3A_1987 = arith.select %eq3A_1984, %broadcast_in_dim3A_1986, %select_n3A_1848 : vector<16xi1>, vector<16xf32>
      %eq3A_1988 = arith.cmpf oeq, %select_n3A_1852, %min3A_1975 : vector<16xf32>
      %jit3A_1989 = arith.constant 3.000000e+38 : f32
      %broadcast_in_dim3A_1990 = vector.broadcast %jit3A_1989 : f32 to vector<16xf32>
      %select_n3A_1991 = arith.select %eq3A_1988, %broadcast_in_dim3A_1990, %select_n3A_1852 : vector<16xi1>, vector<16xf32>
      %eq3A_1992 = arith.cmpf oeq, %select_n3A_1856, %min3A_1975 : vector<16xf32>
      %jit3A_1993 = arith.constant 3.000000e+38 : f32
      %broadcast_in_dim3A_1994 = vector.broadcast %jit3A_1993 : f32 to vector<16xf32>
      %select_n3A_1995 = arith.select %eq3A_1992, %broadcast_in_dim3A_1994, %select_n3A_1856 : vector<16xi1>, vector<16xf32>
      %eq3A_1996 = arith.cmpf oeq, %select_n3A_1860, %min3A_1975 : vector<16xf32>
      %jit3A_1997 = arith.constant 3.000000e+38 : f32
      %broadcast_in_dim3A_1998 = vector.broadcast %jit3A_1997 : f32 to vector<16xf32>
      %select_n3A_1999 = arith.select %eq3A_1996, %broadcast_in_dim3A_1998, %select_n3A_1860 : vector<16xi1>, vector<16xf32>
      %eq3A_2000 = arith.cmpf oeq, %select_n3A_1864, %min3A_1975 : vector<16xf32>
      %jit3A_2001 = arith.constant 3.000000e+38 : f32
      %broadcast_in_dim3A_2002 = vector.broadcast %jit3A_2001 : f32 to vector<16xf32>
      %select_n3A_2003 = arith.select %eq3A_2000, %broadcast_in_dim3A_2002, %select_n3A_1864 : vector<16xi1>, vector<16xf32>
      %eq3A_2004 = arith.cmpf oeq, %select_n3A_1868, %min3A_1975 : vector<16xf32>
      %jit3A_2005 = arith.constant 3.000000e+38 : f32
      %broadcast_in_dim3A_2006 = vector.broadcast %jit3A_2005 : f32 to vector<16xf32>
      %select_n3A_2007 = arith.select %eq3A_2004, %broadcast_in_dim3A_2006, %select_n3A_1868 : vector<16xi1>, vector<16xf32>
      %eq3A_2008 = arith.cmpf oeq, %select_n3A_1872, %min3A_1975 : vector<16xf32>
      %jit3A_2009 = arith.constant 3.000000e+38 : f32
      %broadcast_in_dim3A_2010 = vector.broadcast %jit3A_2009 : f32 to vector<16xf32>
      %select_n3A_2011 = arith.select %eq3A_2008, %broadcast_in_dim3A_2010, %select_n3A_1872 : vector<16xi1>, vector<16xf32>
      %eq3A_2012 = arith.cmpf oeq, %select_n3A_1876, %min3A_1975 : vector<16xf32>
      %jit3A_2013 = arith.constant 3.000000e+38 : f32
      %broadcast_in_dim3A_2014 = vector.broadcast %jit3A_2013 : f32 to vector<16xf32>
      %select_n3A_2015 = arith.select %eq3A_2012, %broadcast_in_dim3A_2014, %select_n3A_1876 : vector<16xi1>, vector<16xf32>
      %eq3A_2016 = arith.cmpf oeq, %select_n3A_1880, %min3A_1975 : vector<16xf32>
      %jit3A_2017 = arith.constant 3.000000e+38 : f32
      %broadcast_in_dim3A_2018 = vector.broadcast %jit3A_2017 : f32 to vector<16xf32>
      %select_n3A_2019 = arith.select %eq3A_2016, %broadcast_in_dim3A_2018, %select_n3A_1880 : vector<16xi1>, vector<16xf32>
      %eq3A_2020 = arith.cmpf oeq, %select_n3A_1884, %min3A_1975 : vector<16xf32>
      %jit3A_2021 = arith.constant 3.000000e+38 : f32
      %broadcast_in_dim3A_2022 = vector.broadcast %jit3A_2021 : f32 to vector<16xf32>
      %select_n3A_2023 = arith.select %eq3A_2020, %broadcast_in_dim3A_2022, %select_n3A_1884 : vector<16xi1>, vector<16xf32>
      %eq3A_2024 = arith.cmpf oeq, %select_n3A_1888, %min3A_1975 : vector<16xf32>
      %jit3A_2025 = arith.constant 3.000000e+38 : f32
      %broadcast_in_dim3A_2026 = vector.broadcast %jit3A_2025 : f32 to vector<16xf32>
      %select_n3A_2027 = arith.select %eq3A_2024, %broadcast_in_dim3A_2026, %select_n3A_1888 : vector<16xi1>, vector<16xf32>
      %eq3A_2028 = arith.cmpf oeq, %select_n3A_1892, %min3A_1975 : vector<16xf32>
      %jit3A_2029 = arith.constant 3.000000e+38 : f32
      %broadcast_in_dim3A_2030 = vector.broadcast %jit3A_2029 : f32 to vector<16xf32>
      %select_n3A_2031 = arith.select %eq3A_2028, %broadcast_in_dim3A_2030, %select_n3A_1892 : vector<16xi1>, vector<16xf32>
      %eq3A_2032 = arith.cmpf oeq, %select_n3A_1896, %min3A_1975 : vector<16xf32>
      %jit3A_2033 = arith.constant 3.000000e+38 : f32
      %broadcast_in_dim3A_2034 = vector.broadcast %jit3A_2033 : f32 to vector<16xf32>
      %select_n3A_2035 = arith.select %eq3A_2032, %broadcast_in_dim3A_2034, %select_n3A_1896 : vector<16xi1>, vector<16xf32>
      %eq3A_2036 = arith.cmpf oeq, %select_n3A_1900, %min3A_1975 : vector<16xf32>
      %jit3A_2037 = arith.constant 3.000000e+38 : f32
      %broadcast_in_dim3A_2038 = vector.broadcast %jit3A_2037 : f32 to vector<16xf32>
      %select_n3A_2039 = arith.select %eq3A_2036, %broadcast_in_dim3A_2038, %select_n3A_1900 : vector<16xi1>, vector<16xf32>
      %eq3A_2040 = arith.cmpf oeq, %select_n3A_1904, %min3A_1975 : vector<16xf32>
      %jit3A_2041 = arith.constant 3.000000e+38 : f32
      %broadcast_in_dim3A_2042 = vector.broadcast %jit3A_2041 : f32 to vector<16xf32>
      %select_n3A_2043 = arith.select %eq3A_2040, %broadcast_in_dim3A_2042, %select_n3A_1904 : vector<16xi1>, vector<16xf32>
      %min3A_2044 = arith.minimumf %select_n3A_1983, %select_n3A_1987 : vector<16xf32>
      %min3A_2045 = arith.minimumf %min3A_2044, %select_n3A_1991 : vector<16xf32>
      %min3A_2046 = arith.minimumf %min3A_2045, %select_n3A_1995 : vector<16xf32>
      %min3A_2047 = arith.minimumf %min3A_2046, %select_n3A_1999 : vector<16xf32>
      %min3A_2048 = arith.minimumf %min3A_2047, %select_n3A_2003 : vector<16xf32>
      %min3A_2049 = arith.minimumf %min3A_2048, %select_n3A_2007 : vector<16xf32>
      %min3A_2050 = arith.minimumf %min3A_2049, %select_n3A_2011 : vector<16xf32>
      %min3A_2051 = arith.minimumf %min3A_2050, %select_n3A_2015 : vector<16xf32>
      %min3A_2052 = arith.minimumf %min3A_2051, %select_n3A_2019 : vector<16xf32>
      %min3A_2053 = arith.minimumf %min3A_2052, %select_n3A_2023 : vector<16xf32>
      %min3A_2054 = arith.minimumf %min3A_2053, %select_n3A_2027 : vector<16xf32>
      %min3A_2055 = arith.minimumf %min3A_2054, %select_n3A_2031 : vector<16xf32>
      %min3A_2056 = arith.minimumf %min3A_2055, %select_n3A_2035 : vector<16xf32>
      %min3A_2057 = arith.minimumf %min3A_2056, %select_n3A_2039 : vector<16xf32>
      %min3A_2058 = arith.minimumf %min3A_2057, %select_n3A_2043 : vector<16xf32>
      %xor3A_2059 = arith.constant 8 : i32
      %xor3A_2060 = vector.broadcast %xor3A_2059 : i32 to vector<16xi32>
      %xor3A_2061 = arith.xori %iota3A, %xor3A_2060 : vector<16xi32>
      %lt3A_2062 = arith.constant 0 : i32
      %lt3A_2063 = vector.broadcast %lt3A_2062 : i32 to vector<16xi32>
      %lt3A_2064 = arith.cmpi slt, %xor3A_2061, %lt3A_2063 : vector<16xi32>
      %add3A_2065 = arith.constant 16 : i32
      %add3A_2066 = vector.broadcast %add3A_2065 : i32 to vector<16xi32>
      %add3A_2067 = arith.addi %xor3A_2061, %add3A_2066 : vector<16xi32>
      %select_n3A_2068 = arith.select %lt3A_2064, %add3A_2067, %xor3A_2061 : vector<16xi1>, vector<16xi32>
      %broadcast_in_dim3A_2069 = vector.shape_cast %select_n3A_2068 : vector<16xi32> to vector<16x1xi32>
      %gather3A_2070 = vector.shape_cast %broadcast_in_dim3A_2069 : vector<16x1xi32> to vector<16xi32>
      %gather3A_2071 = tpu.dynamic_gather %min3A_2058[%gather3A_2070] in [0] : vector<16xf32>, vector<16xi32> -> vector<16xf32>
      %min3A_2072 = arith.minimumf %min3A_2058, %gather3A_2071 : vector<16xf32>
      %xor3A_2073 = arith.constant 4 : i32
      %xor3A_2074 = vector.broadcast %xor3A_2073 : i32 to vector<16xi32>
      %xor3A_2075 = arith.xori %iota3A, %xor3A_2074 : vector<16xi32>
      %lt3A_2076 = arith.constant 0 : i32
      %lt3A_2077 = vector.broadcast %lt3A_2076 : i32 to vector<16xi32>
      %lt3A_2078 = arith.cmpi slt, %xor3A_2075, %lt3A_2077 : vector<16xi32>
      %add3A_2079 = arith.constant 16 : i32
      %add3A_2080 = vector.broadcast %add3A_2079 : i32 to vector<16xi32>
      %add3A_2081 = arith.addi %xor3A_2075, %add3A_2080 : vector<16xi32>
      %select_n3A_2082 = arith.select %lt3A_2078, %add3A_2081, %xor3A_2075 : vector<16xi1>, vector<16xi32>
      %broadcast_in_dim3A_2083 = vector.shape_cast %select_n3A_2082 : vector<16xi32> to vector<16x1xi32>
      %gather3A_2084 = vector.shape_cast %broadcast_in_dim3A_2083 : vector<16x1xi32> to vector<16xi32>
      %gather3A_2085 = tpu.dynamic_gather %min3A_2072[%gather3A_2084] in [0] : vector<16xf32>, vector<16xi32> -> vector<16xf32>
      %min3A_2086 = arith.minimumf %min3A_2072, %gather3A_2085 : vector<16xf32>
      %xor3A_2087 = arith.constant 2 : i32
      %xor3A_2088 = vector.broadcast %xor3A_2087 : i32 to vector<16xi32>
      %xor3A_2089 = arith.xori %iota3A, %xor3A_2088 : vector<16xi32>
      %lt3A_2090 = arith.constant 0 : i32
      %lt3A_2091 = vector.broadcast %lt3A_2090 : i32 to vector<16xi32>
      %lt3A_2092 = arith.cmpi slt, %xor3A_2089, %lt3A_2091 : vector<16xi32>
      %add3A_2093 = arith.constant 16 : i32
      %add3A_2094 = vector.broadcast %add3A_2093 : i32 to vector<16xi32>
      %add3A_2095 = arith.addi %xor3A_2089, %add3A_2094 : vector<16xi32>
      %select_n3A_2096 = arith.select %lt3A_2092, %add3A_2095, %xor3A_2089 : vector<16xi1>, vector<16xi32>
      %broadcast_in_dim3A_2097 = vector.shape_cast %select_n3A_2096 : vector<16xi32> to vector<16x1xi32>
      %gather3A_2098 = vector.shape_cast %broadcast_in_dim3A_2097 : vector<16x1xi32> to vector<16xi32>
      %gather3A_2099 = tpu.dynamic_gather %min3A_2086[%gather3A_2098] in [0] : vector<16xf32>, vector<16xi32> -> vector<16xf32>
      %min3A_2100 = arith.minimumf %min3A_2086, %gather3A_2099 : vector<16xf32>
      %xor3A_2101 = arith.constant 1 : i32
      %xor3A_2102 = vector.broadcast %xor3A_2101 : i32 to vector<16xi32>
      %xor3A_2103 = arith.xori %iota3A, %xor3A_2102 : vector<16xi32>
      %lt3A_2104 = arith.constant 0 : i32
      %lt3A_2105 = vector.broadcast %lt3A_2104 : i32 to vector<16xi32>
      %lt3A_2106 = arith.cmpi slt, %xor3A_2103, %lt3A_2105 : vector<16xi32>
      %add3A_2107 = arith.constant 16 : i32
      %add3A_2108 = vector.broadcast %add3A_2107 : i32 to vector<16xi32>
      %add3A_2109 = arith.addi %xor3A_2103, %add3A_2108 : vector<16xi32>
      %select_n3A_2110 = arith.select %lt3A_2106, %add3A_2109, %xor3A_2103 : vector<16xi1>, vector<16xi32>
      %broadcast_in_dim3A_2111 = vector.shape_cast %select_n3A_2110 : vector<16xi32> to vector<16x1xi32>
      %gather3A_2112 = vector.shape_cast %broadcast_in_dim3A_2111 : vector<16x1xi32> to vector<16xi32>
      %gather3A_2113 = tpu.dynamic_gather %min3A_2100[%gather3A_2112] in [0] : vector<16xf32>, vector<16xi32> -> vector<16xf32>
      %min3A_2114 = arith.minimumf %min3A_2100, %gather3A_2113 : vector<16xf32>
      %eq3A_2115 = arith.constant 13 : i32
      %eq3A_2116 = vector.broadcast %eq3A_2115 : i32 to vector<16xi32>
      %eq3A_2117 = arith.cmpi eq, %iota3A, %eq3A_2116 : vector<16xi32>
      %select_n3A_2118 = arith.select %eq3A_2117, %min3A_2114, %select_n3A_1979 : vector<16xi1>, vector<16xf32>
      %eq3A_2119 = arith.cmpf oeq, %select_n3A_1983, %min3A_2114 : vector<16xf32>
      %jit3A_2120 = arith.constant 3.000000e+38 : f32
      %broadcast_in_dim3A_2121 = vector.broadcast %jit3A_2120 : f32 to vector<16xf32>
      %select_n3A_2122 = arith.select %eq3A_2119, %broadcast_in_dim3A_2121, %select_n3A_1983 : vector<16xi1>, vector<16xf32>
      %eq3A_2123 = arith.cmpf oeq, %select_n3A_1987, %min3A_2114 : vector<16xf32>
      %jit3A_2124 = arith.constant 3.000000e+38 : f32
      %broadcast_in_dim3A_2125 = vector.broadcast %jit3A_2124 : f32 to vector<16xf32>
      %select_n3A_2126 = arith.select %eq3A_2123, %broadcast_in_dim3A_2125, %select_n3A_1987 : vector<16xi1>, vector<16xf32>
      %eq3A_2127 = arith.cmpf oeq, %select_n3A_1991, %min3A_2114 : vector<16xf32>
      %jit3A_2128 = arith.constant 3.000000e+38 : f32
      %broadcast_in_dim3A_2129 = vector.broadcast %jit3A_2128 : f32 to vector<16xf32>
      %select_n3A_2130 = arith.select %eq3A_2127, %broadcast_in_dim3A_2129, %select_n3A_1991 : vector<16xi1>, vector<16xf32>
      %eq3A_2131 = arith.cmpf oeq, %select_n3A_1995, %min3A_2114 : vector<16xf32>
      %jit3A_2132 = arith.constant 3.000000e+38 : f32
      %broadcast_in_dim3A_2133 = vector.broadcast %jit3A_2132 : f32 to vector<16xf32>
      %select_n3A_2134 = arith.select %eq3A_2131, %broadcast_in_dim3A_2133, %select_n3A_1995 : vector<16xi1>, vector<16xf32>
      %eq3A_2135 = arith.cmpf oeq, %select_n3A_1999, %min3A_2114 : vector<16xf32>
      %jit3A_2136 = arith.constant 3.000000e+38 : f32
      %broadcast_in_dim3A_2137 = vector.broadcast %jit3A_2136 : f32 to vector<16xf32>
      %select_n3A_2138 = arith.select %eq3A_2135, %broadcast_in_dim3A_2137, %select_n3A_1999 : vector<16xi1>, vector<16xf32>
      %eq3A_2139 = arith.cmpf oeq, %select_n3A_2003, %min3A_2114 : vector<16xf32>
      %jit3A_2140 = arith.constant 3.000000e+38 : f32
      %broadcast_in_dim3A_2141 = vector.broadcast %jit3A_2140 : f32 to vector<16xf32>
      %select_n3A_2142 = arith.select %eq3A_2139, %broadcast_in_dim3A_2141, %select_n3A_2003 : vector<16xi1>, vector<16xf32>
      %eq3A_2143 = arith.cmpf oeq, %select_n3A_2007, %min3A_2114 : vector<16xf32>
      %jit3A_2144 = arith.constant 3.000000e+38 : f32
      %broadcast_in_dim3A_2145 = vector.broadcast %jit3A_2144 : f32 to vector<16xf32>
      %select_n3A_2146 = arith.select %eq3A_2143, %broadcast_in_dim3A_2145, %select_n3A_2007 : vector<16xi1>, vector<16xf32>
      %eq3A_2147 = arith.cmpf oeq, %select_n3A_2011, %min3A_2114 : vector<16xf32>
      %jit3A_2148 = arith.constant 3.000000e+38 : f32
      %broadcast_in_dim3A_2149 = vector.broadcast %jit3A_2148 : f32 to vector<16xf32>
      %select_n3A_2150 = arith.select %eq3A_2147, %broadcast_in_dim3A_2149, %select_n3A_2011 : vector<16xi1>, vector<16xf32>
      %eq3A_2151 = arith.cmpf oeq, %select_n3A_2015, %min3A_2114 : vector<16xf32>
      %jit3A_2152 = arith.constant 3.000000e+38 : f32
      %broadcast_in_dim3A_2153 = vector.broadcast %jit3A_2152 : f32 to vector<16xf32>
      %select_n3A_2154 = arith.select %eq3A_2151, %broadcast_in_dim3A_2153, %select_n3A_2015 : vector<16xi1>, vector<16xf32>
      %eq3A_2155 = arith.cmpf oeq, %select_n3A_2019, %min3A_2114 : vector<16xf32>
      %jit3A_2156 = arith.constant 3.000000e+38 : f32
      %broadcast_in_dim3A_2157 = vector.broadcast %jit3A_2156 : f32 to vector<16xf32>
      %select_n3A_2158 = arith.select %eq3A_2155, %broadcast_in_dim3A_2157, %select_n3A_2019 : vector<16xi1>, vector<16xf32>
      %eq3A_2159 = arith.cmpf oeq, %select_n3A_2023, %min3A_2114 : vector<16xf32>
      %jit3A_2160 = arith.constant 3.000000e+38 : f32
      %broadcast_in_dim3A_2161 = vector.broadcast %jit3A_2160 : f32 to vector<16xf32>
      %select_n3A_2162 = arith.select %eq3A_2159, %broadcast_in_dim3A_2161, %select_n3A_2023 : vector<16xi1>, vector<16xf32>
      %eq3A_2163 = arith.cmpf oeq, %select_n3A_2027, %min3A_2114 : vector<16xf32>
      %jit3A_2164 = arith.constant 3.000000e+38 : f32
      %broadcast_in_dim3A_2165 = vector.broadcast %jit3A_2164 : f32 to vector<16xf32>
      %select_n3A_2166 = arith.select %eq3A_2163, %broadcast_in_dim3A_2165, %select_n3A_2027 : vector<16xi1>, vector<16xf32>
      %eq3A_2167 = arith.cmpf oeq, %select_n3A_2031, %min3A_2114 : vector<16xf32>
      %jit3A_2168 = arith.constant 3.000000e+38 : f32
      %broadcast_in_dim3A_2169 = vector.broadcast %jit3A_2168 : f32 to vector<16xf32>
      %select_n3A_2170 = arith.select %eq3A_2167, %broadcast_in_dim3A_2169, %select_n3A_2031 : vector<16xi1>, vector<16xf32>
      %eq3A_2171 = arith.cmpf oeq, %select_n3A_2035, %min3A_2114 : vector<16xf32>
      %jit3A_2172 = arith.constant 3.000000e+38 : f32
      %broadcast_in_dim3A_2173 = vector.broadcast %jit3A_2172 : f32 to vector<16xf32>
      %select_n3A_2174 = arith.select %eq3A_2171, %broadcast_in_dim3A_2173, %select_n3A_2035 : vector<16xi1>, vector<16xf32>
      %eq3A_2175 = arith.cmpf oeq, %select_n3A_2039, %min3A_2114 : vector<16xf32>
      %jit3A_2176 = arith.constant 3.000000e+38 : f32
      %broadcast_in_dim3A_2177 = vector.broadcast %jit3A_2176 : f32 to vector<16xf32>
      %select_n3A_2178 = arith.select %eq3A_2175, %broadcast_in_dim3A_2177, %select_n3A_2039 : vector<16xi1>, vector<16xf32>
      %eq3A_2179 = arith.cmpf oeq, %select_n3A_2043, %min3A_2114 : vector<16xf32>
      %jit3A_2180 = arith.constant 3.000000e+38 : f32
      %broadcast_in_dim3A_2181 = vector.broadcast %jit3A_2180 : f32 to vector<16xf32>
      %select_n3A_2182 = arith.select %eq3A_2179, %broadcast_in_dim3A_2181, %select_n3A_2043 : vector<16xi1>, vector<16xf32>
      %min3A_2183 = arith.minimumf %select_n3A_2122, %select_n3A_2126 : vector<16xf32>
      %min3A_2184 = arith.minimumf %min3A_2183, %select_n3A_2130 : vector<16xf32>
      %min3A_2185 = arith.minimumf %min3A_2184, %select_n3A_2134 : vector<16xf32>
      %min3A_2186 = arith.minimumf %min3A_2185, %select_n3A_2138 : vector<16xf32>
      %min3A_2187 = arith.minimumf %min3A_2186, %select_n3A_2142 : vector<16xf32>
      %min3A_2188 = arith.minimumf %min3A_2187, %select_n3A_2146 : vector<16xf32>
      %min3A_2189 = arith.minimumf %min3A_2188, %select_n3A_2150 : vector<16xf32>
      %min3A_2190 = arith.minimumf %min3A_2189, %select_n3A_2154 : vector<16xf32>
      %min3A_2191 = arith.minimumf %min3A_2190, %select_n3A_2158 : vector<16xf32>
      %min3A_2192 = arith.minimumf %min3A_2191, %select_n3A_2162 : vector<16xf32>
      %min3A_2193 = arith.minimumf %min3A_2192, %select_n3A_2166 : vector<16xf32>
      %min3A_2194 = arith.minimumf %min3A_2193, %select_n3A_2170 : vector<16xf32>
      %min3A_2195 = arith.minimumf %min3A_2194, %select_n3A_2174 : vector<16xf32>
      %min3A_2196 = arith.minimumf %min3A_2195, %select_n3A_2178 : vector<16xf32>
      %min3A_2197 = arith.minimumf %min3A_2196, %select_n3A_2182 : vector<16xf32>
      %xor3A_2198 = arith.constant 8 : i32
      %xor3A_2199 = vector.broadcast %xor3A_2198 : i32 to vector<16xi32>
      %xor3A_2200 = arith.xori %iota3A, %xor3A_2199 : vector<16xi32>
      %lt3A_2201 = arith.constant 0 : i32
      %lt3A_2202 = vector.broadcast %lt3A_2201 : i32 to vector<16xi32>
      %lt3A_2203 = arith.cmpi slt, %xor3A_2200, %lt3A_2202 : vector<16xi32>
      %add3A_2204 = arith.constant 16 : i32
      %add3A_2205 = vector.broadcast %add3A_2204 : i32 to vector<16xi32>
      %add3A_2206 = arith.addi %xor3A_2200, %add3A_2205 : vector<16xi32>
      %select_n3A_2207 = arith.select %lt3A_2203, %add3A_2206, %xor3A_2200 : vector<16xi1>, vector<16xi32>
      %broadcast_in_dim3A_2208 = vector.shape_cast %select_n3A_2207 : vector<16xi32> to vector<16x1xi32>
      %gather3A_2209 = vector.shape_cast %broadcast_in_dim3A_2208 : vector<16x1xi32> to vector<16xi32>
      %gather3A_2210 = tpu.dynamic_gather %min3A_2197[%gather3A_2209] in [0] : vector<16xf32>, vector<16xi32> -> vector<16xf32>
      %min3A_2211 = arith.minimumf %min3A_2197, %gather3A_2210 : vector<16xf32>
      %xor3A_2212 = arith.constant 4 : i32
      %xor3A_2213 = vector.broadcast %xor3A_2212 : i32 to vector<16xi32>
      %xor3A_2214 = arith.xori %iota3A, %xor3A_2213 : vector<16xi32>
      %lt3A_2215 = arith.constant 0 : i32
      %lt3A_2216 = vector.broadcast %lt3A_2215 : i32 to vector<16xi32>
      %lt3A_2217 = arith.cmpi slt, %xor3A_2214, %lt3A_2216 : vector<16xi32>
      %add3A_2218 = arith.constant 16 : i32
      %add3A_2219 = vector.broadcast %add3A_2218 : i32 to vector<16xi32>
      %add3A_2220 = arith.addi %xor3A_2214, %add3A_2219 : vector<16xi32>
      %select_n3A_2221 = arith.select %lt3A_2217, %add3A_2220, %xor3A_2214 : vector<16xi1>, vector<16xi32>
      %broadcast_in_dim3A_2222 = vector.shape_cast %select_n3A_2221 : vector<16xi32> to vector<16x1xi32>
      %gather3A_2223 = vector.shape_cast %broadcast_in_dim3A_2222 : vector<16x1xi32> to vector<16xi32>
      %gather3A_2224 = tpu.dynamic_gather %min3A_2211[%gather3A_2223] in [0] : vector<16xf32>, vector<16xi32> -> vector<16xf32>
      %min3A_2225 = arith.minimumf %min3A_2211, %gather3A_2224 : vector<16xf32>
      %xor3A_2226 = arith.constant 2 : i32
      %xor3A_2227 = vector.broadcast %xor3A_2226 : i32 to vector<16xi32>
      %xor3A_2228 = arith.xori %iota3A, %xor3A_2227 : vector<16xi32>
      %lt3A_2229 = arith.constant 0 : i32
      %lt3A_2230 = vector.broadcast %lt3A_2229 : i32 to vector<16xi32>
      %lt3A_2231 = arith.cmpi slt, %xor3A_2228, %lt3A_2230 : vector<16xi32>
      %add3A_2232 = arith.constant 16 : i32
      %add3A_2233 = vector.broadcast %add3A_2232 : i32 to vector<16xi32>
      %add3A_2234 = arith.addi %xor3A_2228, %add3A_2233 : vector<16xi32>
      %select_n3A_2235 = arith.select %lt3A_2231, %add3A_2234, %xor3A_2228 : vector<16xi1>, vector<16xi32>
      %broadcast_in_dim3A_2236 = vector.shape_cast %select_n3A_2235 : vector<16xi32> to vector<16x1xi32>
      %gather3A_2237 = vector.shape_cast %broadcast_in_dim3A_2236 : vector<16x1xi32> to vector<16xi32>
      %gather3A_2238 = tpu.dynamic_gather %min3A_2225[%gather3A_2237] in [0] : vector<16xf32>, vector<16xi32> -> vector<16xf32>
      %min3A_2239 = arith.minimumf %min3A_2225, %gather3A_2238 : vector<16xf32>
      %xor3A_2240 = arith.constant 1 : i32
      %xor3A_2241 = vector.broadcast %xor3A_2240 : i32 to vector<16xi32>
      %xor3A_2242 = arith.xori %iota3A, %xor3A_2241 : vector<16xi32>
      %lt3A_2243 = arith.constant 0 : i32
      %lt3A_2244 = vector.broadcast %lt3A_2243 : i32 to vector<16xi32>
      %lt3A_2245 = arith.cmpi slt, %xor3A_2242, %lt3A_2244 : vector<16xi32>
      %add3A_2246 = arith.constant 16 : i32
      %add3A_2247 = vector.broadcast %add3A_2246 : i32 to vector<16xi32>
      %add3A_2248 = arith.addi %xor3A_2242, %add3A_2247 : vector<16xi32>
      %select_n3A_2249 = arith.select %lt3A_2245, %add3A_2248, %xor3A_2242 : vector<16xi1>, vector<16xi32>
      %broadcast_in_dim3A_2250 = vector.shape_cast %select_n3A_2249 : vector<16xi32> to vector<16x1xi32>
      %gather3A_2251 = vector.shape_cast %broadcast_in_dim3A_2250 : vector<16x1xi32> to vector<16xi32>
      %gather3A_2252 = tpu.dynamic_gather %min3A_2239[%gather3A_2251] in [0] : vector<16xf32>, vector<16xi32> -> vector<16xf32>
      %min3A_2253 = arith.minimumf %min3A_2239, %gather3A_2252 : vector<16xf32>
      %eq3A_2254 = arith.constant 14 : i32
      %eq3A_2255 = vector.broadcast %eq3A_2254 : i32 to vector<16xi32>
      %eq3A_2256 = arith.cmpi eq, %iota3A, %eq3A_2255 : vector<16xi32>
      %select_n3A_2257 = arith.select %eq3A_2256, %min3A_2253, %select_n3A_2118 : vector<16xi1>, vector<16xf32>
      %eq3A_2258 = arith.cmpf oeq, %select_n3A_2122, %min3A_2253 : vector<16xf32>
      %jit3A_2259 = arith.constant 3.000000e+38 : f32
      %broadcast_in_dim3A_2260 = vector.broadcast %jit3A_2259 : f32 to vector<16xf32>
      %select_n3A_2261 = arith.select %eq3A_2258, %broadcast_in_dim3A_2260, %select_n3A_2122 : vector<16xi1>, vector<16xf32>
      %eq3A_2262 = arith.cmpf oeq, %select_n3A_2126, %min3A_2253 : vector<16xf32>
      %jit3A_2263 = arith.constant 3.000000e+38 : f32
      %broadcast_in_dim3A_2264 = vector.broadcast %jit3A_2263 : f32 to vector<16xf32>
      %select_n3A_2265 = arith.select %eq3A_2262, %broadcast_in_dim3A_2264, %select_n3A_2126 : vector<16xi1>, vector<16xf32>
      %eq3A_2266 = arith.cmpf oeq, %select_n3A_2130, %min3A_2253 : vector<16xf32>
      %jit3A_2267 = arith.constant 3.000000e+38 : f32
      %broadcast_in_dim3A_2268 = vector.broadcast %jit3A_2267 : f32 to vector<16xf32>
      %select_n3A_2269 = arith.select %eq3A_2266, %broadcast_in_dim3A_2268, %select_n3A_2130 : vector<16xi1>, vector<16xf32>
      %eq3A_2270 = arith.cmpf oeq, %select_n3A_2134, %min3A_2253 : vector<16xf32>
      %jit3A_2271 = arith.constant 3.000000e+38 : f32
      %broadcast_in_dim3A_2272 = vector.broadcast %jit3A_2271 : f32 to vector<16xf32>
      %select_n3A_2273 = arith.select %eq3A_2270, %broadcast_in_dim3A_2272, %select_n3A_2134 : vector<16xi1>, vector<16xf32>
      %eq3A_2274 = arith.cmpf oeq, %select_n3A_2138, %min3A_2253 : vector<16xf32>
      %jit3A_2275 = arith.constant 3.000000e+38 : f32
      %broadcast_in_dim3A_2276 = vector.broadcast %jit3A_2275 : f32 to vector<16xf32>
      %select_n3A_2277 = arith.select %eq3A_2274, %broadcast_in_dim3A_2276, %select_n3A_2138 : vector<16xi1>, vector<16xf32>
      %eq3A_2278 = arith.cmpf oeq, %select_n3A_2142, %min3A_2253 : vector<16xf32>
      %jit3A_2279 = arith.constant 3.000000e+38 : f32
      %broadcast_in_dim3A_2280 = vector.broadcast %jit3A_2279 : f32 to vector<16xf32>
      %select_n3A_2281 = arith.select %eq3A_2278, %broadcast_in_dim3A_2280, %select_n3A_2142 : vector<16xi1>, vector<16xf32>
      %eq3A_2282 = arith.cmpf oeq, %select_n3A_2146, %min3A_2253 : vector<16xf32>
      %jit3A_2283 = arith.constant 3.000000e+38 : f32
      %broadcast_in_dim3A_2284 = vector.broadcast %jit3A_2283 : f32 to vector<16xf32>
      %select_n3A_2285 = arith.select %eq3A_2282, %broadcast_in_dim3A_2284, %select_n3A_2146 : vector<16xi1>, vector<16xf32>
      %eq3A_2286 = arith.cmpf oeq, %select_n3A_2150, %min3A_2253 : vector<16xf32>
      %jit3A_2287 = arith.constant 3.000000e+38 : f32
      %broadcast_in_dim3A_2288 = vector.broadcast %jit3A_2287 : f32 to vector<16xf32>
      %select_n3A_2289 = arith.select %eq3A_2286, %broadcast_in_dim3A_2288, %select_n3A_2150 : vector<16xi1>, vector<16xf32>
      %eq3A_2290 = arith.cmpf oeq, %select_n3A_2154, %min3A_2253 : vector<16xf32>
      %jit3A_2291 = arith.constant 3.000000e+38 : f32
      %broadcast_in_dim3A_2292 = vector.broadcast %jit3A_2291 : f32 to vector<16xf32>
      %select_n3A_2293 = arith.select %eq3A_2290, %broadcast_in_dim3A_2292, %select_n3A_2154 : vector<16xi1>, vector<16xf32>
      %eq3A_2294 = arith.cmpf oeq, %select_n3A_2158, %min3A_2253 : vector<16xf32>
      %jit3A_2295 = arith.constant 3.000000e+38 : f32
      %broadcast_in_dim3A_2296 = vector.broadcast %jit3A_2295 : f32 to vector<16xf32>
      %select_n3A_2297 = arith.select %eq3A_2294, %broadcast_in_dim3A_2296, %select_n3A_2158 : vector<16xi1>, vector<16xf32>
      %eq3A_2298 = arith.cmpf oeq, %select_n3A_2162, %min3A_2253 : vector<16xf32>
      %jit3A_2299 = arith.constant 3.000000e+38 : f32
      %broadcast_in_dim3A_2300 = vector.broadcast %jit3A_2299 : f32 to vector<16xf32>
      %select_n3A_2301 = arith.select %eq3A_2298, %broadcast_in_dim3A_2300, %select_n3A_2162 : vector<16xi1>, vector<16xf32>
      %eq3A_2302 = arith.cmpf oeq, %select_n3A_2166, %min3A_2253 : vector<16xf32>
      %jit3A_2303 = arith.constant 3.000000e+38 : f32
      %broadcast_in_dim3A_2304 = vector.broadcast %jit3A_2303 : f32 to vector<16xf32>
      %select_n3A_2305 = arith.select %eq3A_2302, %broadcast_in_dim3A_2304, %select_n3A_2166 : vector<16xi1>, vector<16xf32>
      %eq3A_2306 = arith.cmpf oeq, %select_n3A_2170, %min3A_2253 : vector<16xf32>
      %jit3A_2307 = arith.constant 3.000000e+38 : f32
      %broadcast_in_dim3A_2308 = vector.broadcast %jit3A_2307 : f32 to vector<16xf32>
      %select_n3A_2309 = arith.select %eq3A_2306, %broadcast_in_dim3A_2308, %select_n3A_2170 : vector<16xi1>, vector<16xf32>
      %eq3A_2310 = arith.cmpf oeq, %select_n3A_2174, %min3A_2253 : vector<16xf32>
      %jit3A_2311 = arith.constant 3.000000e+38 : f32
      %broadcast_in_dim3A_2312 = vector.broadcast %jit3A_2311 : f32 to vector<16xf32>
      %select_n3A_2313 = arith.select %eq3A_2310, %broadcast_in_dim3A_2312, %select_n3A_2174 : vector<16xi1>, vector<16xf32>
      %eq3A_2314 = arith.cmpf oeq, %select_n3A_2178, %min3A_2253 : vector<16xf32>
      %jit3A_2315 = arith.constant 3.000000e+38 : f32
      %broadcast_in_dim3A_2316 = vector.broadcast %jit3A_2315 : f32 to vector<16xf32>
      %select_n3A_2317 = arith.select %eq3A_2314, %broadcast_in_dim3A_2316, %select_n3A_2178 : vector<16xi1>, vector<16xf32>
      %eq3A_2318 = arith.cmpf oeq, %select_n3A_2182, %min3A_2253 : vector<16xf32>
      %jit3A_2319 = arith.constant 3.000000e+38 : f32
      %broadcast_in_dim3A_2320 = vector.broadcast %jit3A_2319 : f32 to vector<16xf32>
      %select_n3A_2321 = arith.select %eq3A_2318, %broadcast_in_dim3A_2320, %select_n3A_2182 : vector<16xi1>, vector<16xf32>
      %min3A_2322 = arith.minimumf %select_n3A_2261, %select_n3A_2265 : vector<16xf32>
      %min3A_2323 = arith.minimumf %min3A_2322, %select_n3A_2269 : vector<16xf32>
      %min3A_2324 = arith.minimumf %min3A_2323, %select_n3A_2273 : vector<16xf32>
      %min3A_2325 = arith.minimumf %min3A_2324, %select_n3A_2277 : vector<16xf32>
      %min3A_2326 = arith.minimumf %min3A_2325, %select_n3A_2281 : vector<16xf32>
      %min3A_2327 = arith.minimumf %min3A_2326, %select_n3A_2285 : vector<16xf32>
      %min3A_2328 = arith.minimumf %min3A_2327, %select_n3A_2289 : vector<16xf32>
      %min3A_2329 = arith.minimumf %min3A_2328, %select_n3A_2293 : vector<16xf32>
      %min3A_2330 = arith.minimumf %min3A_2329, %select_n3A_2297 : vector<16xf32>
      %min3A_2331 = arith.minimumf %min3A_2330, %select_n3A_2301 : vector<16xf32>
      %min3A_2332 = arith.minimumf %min3A_2331, %select_n3A_2305 : vector<16xf32>
      %min3A_2333 = arith.minimumf %min3A_2332, %select_n3A_2309 : vector<16xf32>
      %min3A_2334 = arith.minimumf %min3A_2333, %select_n3A_2313 : vector<16xf32>
      %min3A_2335 = arith.minimumf %min3A_2334, %select_n3A_2317 : vector<16xf32>
      %min3A_2336 = arith.minimumf %min3A_2335, %select_n3A_2321 : vector<16xf32>
      %xor3A_2337 = arith.constant 8 : i32
      %xor3A_2338 = vector.broadcast %xor3A_2337 : i32 to vector<16xi32>
      %xor3A_2339 = arith.xori %iota3A, %xor3A_2338 : vector<16xi32>
      %lt3A_2340 = arith.constant 0 : i32
      %lt3A_2341 = vector.broadcast %lt3A_2340 : i32 to vector<16xi32>
      %lt3A_2342 = arith.cmpi slt, %xor3A_2339, %lt3A_2341 : vector<16xi32>
      %add3A_2343 = arith.constant 16 : i32
      %add3A_2344 = vector.broadcast %add3A_2343 : i32 to vector<16xi32>
      %add3A_2345 = arith.addi %xor3A_2339, %add3A_2344 : vector<16xi32>
      %select_n3A_2346 = arith.select %lt3A_2342, %add3A_2345, %xor3A_2339 : vector<16xi1>, vector<16xi32>
      %broadcast_in_dim3A_2347 = vector.shape_cast %select_n3A_2346 : vector<16xi32> to vector<16x1xi32>
      %gather3A_2348 = vector.shape_cast %broadcast_in_dim3A_2347 : vector<16x1xi32> to vector<16xi32>
      %gather3A_2349 = tpu.dynamic_gather %min3A_2336[%gather3A_2348] in [0] : vector<16xf32>, vector<16xi32> -> vector<16xf32>
      %min3A_2350 = arith.minimumf %min3A_2336, %gather3A_2349 : vector<16xf32>
      %xor3A_2351 = arith.constant 4 : i32
      %xor3A_2352 = vector.broadcast %xor3A_2351 : i32 to vector<16xi32>
      %xor3A_2353 = arith.xori %iota3A, %xor3A_2352 : vector<16xi32>
      %lt3A_2354 = arith.constant 0 : i32
      %lt3A_2355 = vector.broadcast %lt3A_2354 : i32 to vector<16xi32>
      %lt3A_2356 = arith.cmpi slt, %xor3A_2353, %lt3A_2355 : vector<16xi32>
      %add3A_2357 = arith.constant 16 : i32
      %add3A_2358 = vector.broadcast %add3A_2357 : i32 to vector<16xi32>
      %add3A_2359 = arith.addi %xor3A_2353, %add3A_2358 : vector<16xi32>
      %select_n3A_2360 = arith.select %lt3A_2356, %add3A_2359, %xor3A_2353 : vector<16xi1>, vector<16xi32>
      %broadcast_in_dim3A_2361 = vector.shape_cast %select_n3A_2360 : vector<16xi32> to vector<16x1xi32>
      %gather3A_2362 = vector.shape_cast %broadcast_in_dim3A_2361 : vector<16x1xi32> to vector<16xi32>
      %gather3A_2363 = tpu.dynamic_gather %min3A_2350[%gather3A_2362] in [0] : vector<16xf32>, vector<16xi32> -> vector<16xf32>
      %min3A_2364 = arith.minimumf %min3A_2350, %gather3A_2363 : vector<16xf32>
      %xor3A_2365 = arith.constant 2 : i32
      %xor3A_2366 = vector.broadcast %xor3A_2365 : i32 to vector<16xi32>
      %xor3A_2367 = arith.xori %iota3A, %xor3A_2366 : vector<16xi32>
      %lt3A_2368 = arith.constant 0 : i32
      %lt3A_2369 = vector.broadcast %lt3A_2368 : i32 to vector<16xi32>
      %lt3A_2370 = arith.cmpi slt, %xor3A_2367, %lt3A_2369 : vector<16xi32>
      %add3A_2371 = arith.constant 16 : i32
      %add3A_2372 = vector.broadcast %add3A_2371 : i32 to vector<16xi32>
      %add3A_2373 = arith.addi %xor3A_2367, %add3A_2372 : vector<16xi32>
      %select_n3A_2374 = arith.select %lt3A_2370, %add3A_2373, %xor3A_2367 : vector<16xi1>, vector<16xi32>
      %broadcast_in_dim3A_2375 = vector.shape_cast %select_n3A_2374 : vector<16xi32> to vector<16x1xi32>
      %gather3A_2376 = vector.shape_cast %broadcast_in_dim3A_2375 : vector<16x1xi32> to vector<16xi32>
      %gather3A_2377 = tpu.dynamic_gather %min3A_2364[%gather3A_2376] in [0] : vector<16xf32>, vector<16xi32> -> vector<16xf32>
      %min3A_2378 = arith.minimumf %min3A_2364, %gather3A_2377 : vector<16xf32>
      %xor3A_2379 = arith.constant 1 : i32
      %xor3A_2380 = vector.broadcast %xor3A_2379 : i32 to vector<16xi32>
      %xor3A_2381 = arith.xori %iota3A, %xor3A_2380 : vector<16xi32>
      %lt3A_2382 = arith.constant 0 : i32
      %lt3A_2383 = vector.broadcast %lt3A_2382 : i32 to vector<16xi32>
      %lt3A_2384 = arith.cmpi slt, %xor3A_2381, %lt3A_2383 : vector<16xi32>
      %add3A_2385 = arith.constant 16 : i32
      %add3A_2386 = vector.broadcast %add3A_2385 : i32 to vector<16xi32>
      %add3A_2387 = arith.addi %xor3A_2381, %add3A_2386 : vector<16xi32>
      %select_n3A_2388 = arith.select %lt3A_2384, %add3A_2387, %xor3A_2381 : vector<16xi1>, vector<16xi32>
      %broadcast_in_dim3A_2389 = vector.shape_cast %select_n3A_2388 : vector<16xi32> to vector<16x1xi32>
      %gather3A_2390 = vector.shape_cast %broadcast_in_dim3A_2389 : vector<16x1xi32> to vector<16xi32>
      %gather3A_2391 = tpu.dynamic_gather %min3A_2378[%gather3A_2390] in [0] : vector<16xf32>, vector<16xi32> -> vector<16xf32>
      %min3A_2392 = arith.minimumf %min3A_2378, %gather3A_2391 : vector<16xf32>
      %eq3A_2393 = arith.constant 15 : i32
      %eq3A_2394 = vector.broadcast %eq3A_2393 : i32 to vector<16xi32>
      %eq3A_2395 = arith.cmpi eq, %iota3A, %eq3A_2394 : vector<16xi32>
      %select_n3A_2396 = arith.select %eq3A_2395, %min3A_2392, %select_n3A_2257 : vector<16xi1>, vector<16xf32>
      %eq3A_2397 = arith.cmpf oeq, %select_n3A_2261, %min3A_2392 : vector<16xf32>
      %jit3A_2398 = arith.constant 3.000000e+38 : f32
      %broadcast_in_dim3A_2399 = vector.broadcast %jit3A_2398 : f32 to vector<16xf32>
      %select_n3A_2400 = arith.select %eq3A_2397, %broadcast_in_dim3A_2399, %select_n3A_2261 : vector<16xi1>, vector<16xf32>
      %eq3A_2401 = arith.cmpf oeq, %select_n3A_2265, %min3A_2392 : vector<16xf32>
      %jit3A_2402 = arith.constant 3.000000e+38 : f32
      %broadcast_in_dim3A_2403 = vector.broadcast %jit3A_2402 : f32 to vector<16xf32>
      %select_n3A_2404 = arith.select %eq3A_2401, %broadcast_in_dim3A_2403, %select_n3A_2265 : vector<16xi1>, vector<16xf32>
      %eq3A_2405 = arith.cmpf oeq, %select_n3A_2269, %min3A_2392 : vector<16xf32>
      %jit3A_2406 = arith.constant 3.000000e+38 : f32
      %broadcast_in_dim3A_2407 = vector.broadcast %jit3A_2406 : f32 to vector<16xf32>
      %select_n3A_2408 = arith.select %eq3A_2405, %broadcast_in_dim3A_2407, %select_n3A_2269 : vector<16xi1>, vector<16xf32>
      %eq3A_2409 = arith.cmpf oeq, %select_n3A_2273, %min3A_2392 : vector<16xf32>
      %jit3A_2410 = arith.constant 3.000000e+38 : f32
      %broadcast_in_dim3A_2411 = vector.broadcast %jit3A_2410 : f32 to vector<16xf32>
      %select_n3A_2412 = arith.select %eq3A_2409, %broadcast_in_dim3A_2411, %select_n3A_2273 : vector<16xi1>, vector<16xf32>
      %eq3A_2413 = arith.cmpf oeq, %select_n3A_2277, %min3A_2392 : vector<16xf32>
      %jit3A_2414 = arith.constant 3.000000e+38 : f32
      %broadcast_in_dim3A_2415 = vector.broadcast %jit3A_2414 : f32 to vector<16xf32>
      %select_n3A_2416 = arith.select %eq3A_2413, %broadcast_in_dim3A_2415, %select_n3A_2277 : vector<16xi1>, vector<16xf32>
      %eq3A_2417 = arith.cmpf oeq, %select_n3A_2281, %min3A_2392 : vector<16xf32>
      %jit3A_2418 = arith.constant 3.000000e+38 : f32
      %broadcast_in_dim3A_2419 = vector.broadcast %jit3A_2418 : f32 to vector<16xf32>
      %select_n3A_2420 = arith.select %eq3A_2417, %broadcast_in_dim3A_2419, %select_n3A_2281 : vector<16xi1>, vector<16xf32>
      %eq3A_2421 = arith.cmpf oeq, %select_n3A_2285, %min3A_2392 : vector<16xf32>
      %jit3A_2422 = arith.constant 3.000000e+38 : f32
      %broadcast_in_dim3A_2423 = vector.broadcast %jit3A_2422 : f32 to vector<16xf32>
      %select_n3A_2424 = arith.select %eq3A_2421, %broadcast_in_dim3A_2423, %select_n3A_2285 : vector<16xi1>, vector<16xf32>
      %eq3A_2425 = arith.cmpf oeq, %select_n3A_2289, %min3A_2392 : vector<16xf32>
      %jit3A_2426 = arith.constant 3.000000e+38 : f32
      %broadcast_in_dim3A_2427 = vector.broadcast %jit3A_2426 : f32 to vector<16xf32>
      %select_n3A_2428 = arith.select %eq3A_2425, %broadcast_in_dim3A_2427, %select_n3A_2289 : vector<16xi1>, vector<16xf32>
      %eq3A_2429 = arith.cmpf oeq, %select_n3A_2293, %min3A_2392 : vector<16xf32>
      %jit3A_2430 = arith.constant 3.000000e+38 : f32
      %broadcast_in_dim3A_2431 = vector.broadcast %jit3A_2430 : f32 to vector<16xf32>
      %select_n3A_2432 = arith.select %eq3A_2429, %broadcast_in_dim3A_2431, %select_n3A_2293 : vector<16xi1>, vector<16xf32>
      %eq3A_2433 = arith.cmpf oeq, %select_n3A_2297, %min3A_2392 : vector<16xf32>
      %jit3A_2434 = arith.constant 3.000000e+38 : f32
      %broadcast_in_dim3A_2435 = vector.broadcast %jit3A_2434 : f32 to vector<16xf32>
      %select_n3A_2436 = arith.select %eq3A_2433, %broadcast_in_dim3A_2435, %select_n3A_2297 : vector<16xi1>, vector<16xf32>
      %eq3A_2437 = arith.cmpf oeq, %select_n3A_2301, %min3A_2392 : vector<16xf32>
      %jit3A_2438 = arith.constant 3.000000e+38 : f32
      %broadcast_in_dim3A_2439 = vector.broadcast %jit3A_2438 : f32 to vector<16xf32>
      %select_n3A_2440 = arith.select %eq3A_2437, %broadcast_in_dim3A_2439, %select_n3A_2301 : vector<16xi1>, vector<16xf32>
      %eq3A_2441 = arith.cmpf oeq, %select_n3A_2305, %min3A_2392 : vector<16xf32>
      %jit3A_2442 = arith.constant 3.000000e+38 : f32
      %broadcast_in_dim3A_2443 = vector.broadcast %jit3A_2442 : f32 to vector<16xf32>
      %select_n3A_2444 = arith.select %eq3A_2441, %broadcast_in_dim3A_2443, %select_n3A_2305 : vector<16xi1>, vector<16xf32>
      %eq3A_2445 = arith.cmpf oeq, %select_n3A_2309, %min3A_2392 : vector<16xf32>
      %jit3A_2446 = arith.constant 3.000000e+38 : f32
      %broadcast_in_dim3A_2447 = vector.broadcast %jit3A_2446 : f32 to vector<16xf32>
      %select_n3A_2448 = arith.select %eq3A_2445, %broadcast_in_dim3A_2447, %select_n3A_2309 : vector<16xi1>, vector<16xf32>
      %eq3A_2449 = arith.cmpf oeq, %select_n3A_2313, %min3A_2392 : vector<16xf32>
      %jit3A_2450 = arith.constant 3.000000e+38 : f32
      %broadcast_in_dim3A_2451 = vector.broadcast %jit3A_2450 : f32 to vector<16xf32>
      %select_n3A_2452 = arith.select %eq3A_2449, %broadcast_in_dim3A_2451, %select_n3A_2313 : vector<16xi1>, vector<16xf32>
      %eq3A_2453 = arith.cmpf oeq, %select_n3A_2317, %min3A_2392 : vector<16xf32>
      %jit3A_2454 = arith.constant 3.000000e+38 : f32
      %broadcast_in_dim3A_2455 = vector.broadcast %jit3A_2454 : f32 to vector<16xf32>
      %select_n3A_2456 = arith.select %eq3A_2453, %broadcast_in_dim3A_2455, %select_n3A_2317 : vector<16xi1>, vector<16xf32>
      %eq3A_2457 = arith.cmpf oeq, %select_n3A_2321, %min3A_2392 : vector<16xf32>
      %jit3A_2458 = arith.constant 3.000000e+38 : f32
      %broadcast_in_dim3A_2459 = vector.broadcast %jit3A_2458 : f32 to vector<16xf32>
      %select_n3A_2460 = arith.select %eq3A_2457, %broadcast_in_dim3A_2459, %select_n3A_2321 : vector<16xi1>, vector<16xf32>
      %bitcast_convert_type3A_2461 = tpu.bitcast %select_n3A_2396 : vector<16xf32> -> vector<16xi32>
      %and3A_2462 = arith.constant 2047 : i32
      %and3A_2463 = vector.broadcast %and3A_2462 : i32 to vector<16xi32>
      %and3A_2464 = arith.andi %bitcast_convert_type3A_2461, %and3A_2463 : vector<16xi32>
      %and3A_2465 = arith.constant -2048 : i32
      %and3A_2466 = vector.broadcast %and3A_2465 : i32 to vector<16xi32>
      %and3A_2467 = arith.andi %bitcast_convert_type3A_2461, %and3A_2466 : vector<16xi32>
      %bitcast_convert_type3A_2468 = tpu.bitcast %and3A_2467 : vector<16xi32> -> vector<16xf32>
      %gt3A = arith.constant 0.000000e+00 : f32
      %gt3A_2469 = vector.broadcast %gt3A : f32 to vector<16xf32>
      %gt3A_2470 = arith.cmpf ogt, %bitcast_convert_type3A_2468, %gt3A_2469 : vector<16xf32>
      %lt3A_2471 = arith.constant 1.000000e-30 : f32
      %lt3A_2472 = vector.broadcast %lt3A_2471 : f32 to vector<16xf32>
      %lt3A_2473 = arith.cmpf olt, %bitcast_convert_type3A_2468, %lt3A_2472 : vector<16xf32>
      %and3A_2474 = arith.andi %gt3A_2470, %lt3A_2473 : vector<16xi1>
      %div3A_2475 = arith.constant 1.000000e-33 : f32
      %div3A_2476 = vector.broadcast %div3A_2475 : f32 to vector<16xf32>
      %div3A_2477 = arith.divf %bitcast_convert_type3A_2468, %div3A_2476 : vector<16xf32>
      %sub3A_2478 = arith.constant 1.250000e-01 : f32
      %sub3A_2479 = vector.broadcast %sub3A_2478 : f32 to vector<16xf32>
      %sub3A_2480 = arith.subf %div3A_2477, %sub3A_2479 : vector<16xf32>
      %select_n3A_2481 = arith.select %and3A_2474, %sub3A_2480, %bitcast_convert_type3A_2468 : vector<16xi1>, vector<16xf32>
      %mul3A_2482 = arith.constant 16 : i32
      %mul3A_2483 = arith.muli %scan3A_55, %mul3A_2482 : i32
      %swap3A = arith.index_cast %mul3A_2483 : i32 to index
      %swap3A_2484 = tpu.vector_load %arg8[%swap3A] {strides = array<i32>} : memref<2048xf32, #tpu.memory_space<vmem>>, vector<16xf32>,
      %swap3A_2485 = vector.shape_cast %swap3A_2484 : vector<16xf32> to vector<16xf32>
      %swap3A_2486 = vector.shape_cast %select_n3A_2481 : vector<16xf32> to vector<16xf32>
      tpu.vector_store %arg8[%swap3A], %swap3A_2486 {strides = array<i32>} : memref<2048xf32, #tpu.memory_space<vmem>>, vector<16xf32>,
      %mul3A_2487 = arith.constant 2048 : i32
      %mul3A_2488 = arith.muli %select_n3A, %mul3A_2487 : i32
      %add3A_2489 = vector.broadcast %mul3A_2488 : i32 to vector<16xi32>
      %add3A_2490 = arith.addi %and3A_2464, %add3A_2489 : vector<16xi32>
      %swap3A_2491 = arith.index_cast %mul3A_2483 : i32 to index
      %swap3A_2492 = tpu.vector_load %arg9[%swap3A_2491] {strides = array<i32>} : memref<2048xi32, #tpu.memory_space<vmem>>, vector<16xi32>,
      %swap3A_2493 = vector.shape_cast %swap3A_2492 : vector<16xi32> to vector<16xi32>
      %swap3A_2494 = vector.shape_cast %add3A_2490 : vector<16xi32> to vector<16xi32>
      tpu.vector_store %arg9[%swap3A_2491], %swap3A_2494 {strides = array<i32>} : memref<2048xi32, #tpu.memory_space<vmem>>, vector<16xi32>,
      %scan3A_2495 = arith.constant 0 : i32
      scf.yield %scan3A_2495 : i32
    }
    %scan3A_47 = arith.constant 128 : i32
    %mul3A_48 = arith.constant 512 : i32
    %mul3A_49 = arith.muli %select_n3A, %mul3A_48 : i32
    %mul3A_50 = arith.constant 128 : i32
    %mul3A_51 = arith.muli %select_n3A_30, %mul3A_50 : i32
    %add3A_52 = arith.addi %mul3A_49, %mul3A_51 : i32
    %mul3A_53 = arith.constant 16 : i32
    %mul3A_54 = arith.muli %add3A_52, %mul3A_53 : i32
    "tpu.region"() ({
      %run_scoped3A = tpu.sem_alloc : memref<!tpu.dma_semaphore, #tpu.memory_space<semaphore_mem>>
      %dma_start3A = tpu.memref_slice %arg3[%mul3A_54] : memref<65536xf32, #tpu.memory_space<hbm>> -> memref<2048xf32, #tpu.memory_space<hbm>>
      %dma_start3A_55 = tpu.memref_slice %arg3[%mul3A_54] : memref<65536xf32, #tpu.memory_space<hbm>> -> memref<2048xf32, #tpu.memory_space<hbm>>
      tpu.enqueue_dma source(%arg8 : memref<2048xf32, #tpu.memory_space<vmem>>) target(%dma_start3A_55 : memref<2048xf32, #tpu.memory_space<hbm>>) target_semaphore(%run_scoped3A : memref<!tpu.dma_semaphore, #tpu.memory_space<semaphore_mem>>)
      %dma_wait3A = tpu.memref_slice %arg3[%mul3A_54] : memref<65536xf32, #tpu.memory_space<hbm>> -> memref<2048xf32, #tpu.memory_space<hbm>>
      %dma_wait3A_56 = tpu.memref_slice %arg3[%mul3A_54] : memref<65536xf32, #tpu.memory_space<hbm>> -> memref<2048xf32, #tpu.memory_space<hbm>>
      tpu.wait_dma2 semaphore(%run_scoped3A : memref<!tpu.dma_semaphore, #tpu.memory_space<semaphore_mem>>) src(%arg8 : memref<2048xf32, #tpu.memory_space<vmem>>) dst(%dma_wait3A_56 : memref<2048xf32, #tpu.memory_space<hbm>>)
      tpu.yield
    }) : () -> ()
    "tpu.region"() ({
      %run_scoped3A = tpu.sem_alloc : memref<!tpu.dma_semaphore, #tpu.memory_space<semaphore_mem>>
      %dma_start3A = tpu.memref_slice %arg4[%mul3A_54] : memref<65536xi32, #tpu.memory_space<hbm>> -> memref<2048xi32, #tpu.memory_space<hbm>>
      %dma_start3A_55 = tpu.memref_slice %arg4[%mul3A_54] : memref<65536xi32, #tpu.memory_space<hbm>> -> memref<2048xi32, #tpu.memory_space<hbm>>
      tpu.enqueue_dma source(%arg9 : memref<2048xi32, #tpu.memory_space<vmem>>) target(%dma_start3A_55 : memref<2048xi32, #tpu.memory_space<hbm>>) target_semaphore(%run_scoped3A : memref<!tpu.dma_semaphore, #tpu.memory_space<semaphore_mem>>)
      %dma_wait3A = tpu.memref_slice %arg4[%mul3A_54] : memref<65536xi32, #tpu.memory_space<hbm>> -> memref<2048xi32, #tpu.memory_space<hbm>>
      %dma_wait3A_56 = tpu.memref_slice %arg4[%mul3A_54] : memref<65536xi32, #tpu.memory_space<hbm>> -> memref<2048xi32, #tpu.memory_space<hbm>>
      tpu.wait_dma2 semaphore(%run_scoped3A : memref<!tpu.dma_semaphore, #tpu.memory_space<semaphore_mem>>) src(%arg9 : memref<2048xi32, #tpu.memory_space<vmem>>) dst(%dma_wait3A_56 : memref<2048xi32, #tpu.memory_space<hbm>>)
      tpu.yield
    }) : () -> ()
    return
  }
}

module attributes {stable_mosaic.version = 14 : i64} {
  func.func @_knn_tile(%arg0: i32, %arg1: i32, %arg2: memref<1x512x3xf32, #tpu.memory_space<vmem>>, %arg3: memref<1x3x2048xf32, #tpu.memory_space<vmem>>, %arg4: memref<1x512x16xf32, #tpu.memory_space<vmem>>, %arg5: memref<1x512x16xi32, #tpu.memory_space<vmem>>, %arg6: memref<1x512x16xi32, #tpu.memory_space<vmem>>) attributes {dimension_semantics = [#tpu.dimension_semantics<arbitrary>, #tpu.dimension_semantics<arbitrary>], iteration_bounds = array<i64: 8, 3>, scalar_prefetch = 0 : i64, scratch_operands = 0 : i64, tpu.core_type = #tpu.core_type<tc>, window_params = [{transform_indices = @transform_0, window_bounds = array<i64: 1, 512, 3>}, {transform_indices = @transform_1, window_bounds = array<i64: 1, 3, 2048>}, {transform_indices = @transform_2, window_bounds = array<i64: 1, 512, 16>}, {transform_indices = @transform_3, window_bounds = array<i64: 1, 512, 16>}, {transform_indices = @transform_4, window_bounds = array<i64: 1, 512, 16>}]} {
    %get3A = arith.constant 0 : index
    %get3A_0 = arith.constant 0 : index
    %get3A_1 = arith.constant 0 : index
    %get3A_2 = vector.load %arg2[%get3A, %get3A_0, %get3A_1] : memref<1x512x3xf32, #tpu.memory_space<vmem>>, vector<1x512x3xf32>
    %get3A_3 = vector.shape_cast %get3A_2 : vector<1x512x3xf32> to vector<512x3xf32>
    %get3A_4 = arith.constant 0 : index
    %get3A_5 = arith.constant 0 : index
    %get3A_6 = arith.constant 0 : index
    %get3A_7 = vector.load %arg3[%get3A_4, %get3A_5, %get3A_6] : memref<1x3x2048xf32, #tpu.memory_space<vmem>>, vector<1x3x2048xf32>
    %get3A_8 = vector.shape_cast %get3A_7 : vector<1x3x2048xf32> to vector<3x2048xf32>
    %convert_element_type3A = arith.truncf %get3A_3 : vector<512x3xf32> to vector<512x3xbf16>
    %convert_element_type3A_9 = arith.truncf %get3A_8 : vector<3x2048xf32> to vector<3x2048xbf16>
    %dot_general3A = arith.constant dense<0.000000e+00> : vector<512x2048xf32>
    %dot_general3A_10 = tpu.matmul %convert_element_type3A, %convert_element_type3A_9, %dot_general3A {dimension_numbers = #tpu.dot_dimension_numbers<[1], [0], [0], [1], [0, 0, 1, 1], [], []>, transpose_lhs_hint = false} : vector<512x3xbf16>, vector<3x2048xbf16>, vector<512x2048xf32> -> vector<512x2048xf32>
    %mul3A = arith.mulf %get3A_3, %get3A_3 : vector<512x3xf32>
    %reduce_sum3A = arith.constant dense<0.000000e+00> : vector<512xf32>
    %reduce_sum3A_11 = vector.multi_reduction <add>, %mul3A, %reduce_sum3A [1] : vector<512x3xf32> to vector<512xf32>
    %broadcast_in_dim3A = vector.shape_cast %reduce_sum3A_11 : vector<512xf32> to vector<512x1xf32>
    %mul3A_12 = arith.mulf %get3A_8, %get3A_8 : vector<3x2048xf32>
    %reduce_sum3A_13 = arith.constant dense<0.000000e+00> : vector<2048xf32>
    %reduce_sum3A_14 = vector.multi_reduction <add>, %mul3A_12, %reduce_sum3A_13 [0] : vector<3x2048xf32> to vector<2048xf32>
    %broadcast_in_dim3A_15 = vector.shape_cast %reduce_sum3A_14 : vector<2048xf32> to vector<1x2048xf32>
    %add3A = vector.broadcast %broadcast_in_dim3A : vector<512x1xf32> to vector<512x2048xf32>
    %add3A_16 = vector.broadcast %broadcast_in_dim3A_15 : vector<1x2048xf32> to vector<512x2048xf32>
    %add3A_17 = arith.addf %add3A, %add3A_16 : vector<512x2048xf32>
    %mul3A_18 = arith.constant 2.000000e+00 : f32
    %mul3A_19 = vector.broadcast %mul3A_18 : f32 to vector<512x2048xf32>
    %mul3A_20 = arith.mulf %mul3A_19, %dot_general3A_10 : vector<512x2048xf32>
    %sub3A = arith.subf %add3A_17, %mul3A_20 : vector<512x2048xf32>
    %iota3A = tpu.iota {dimensions = array<i32: 1>} : vector<512x2048xi32>
    %iota3A_21 = tpu.iota {dimensions = array<i32: 0>} : vector<512x1xi32>
    %mul3A_22 = arith.constant 512 : i32
    %mul3A_23 = arith.muli %arg1, %mul3A_22 : i32
    %add3A_24 = vector.broadcast %mul3A_23 : i32 to vector<512x1xi32>
    %add3A_25 = arith.addi %iota3A_21, %add3A_24 : vector<512x1xi32>
    %lt3A = arith.constant 0.000000e+00 : f32
    %lt3A_26 = vector.broadcast %lt3A : f32 to vector<512x2048xf32>
    %lt3A_27 = arith.cmpf olt, %sub3A, %lt3A_26 : vector<512x2048xf32>
    %add3A_28 = arith.constant 1.250000e-01 : f32
    %add3A_29 = vector.broadcast %add3A_28 : f32 to vector<512x2048xf32>
    %add3A_30 = arith.addf %sub3A, %add3A_29 : vector<512x2048xf32>
    %mul3A_31 = arith.constant 1.000000e-33 : f32
    %mul3A_32 = vector.broadcast %mul3A_31 : f32 to vector<512x2048xf32>
    %mul3A_33 = arith.mulf %add3A_30, %mul3A_32 : vector<512x2048xf32>
    %select_n3A = arith.select %lt3A_27, %mul3A_33, %sub3A : vector<512x2048xi1>, vector<512x2048xf32>
    %bitcast_convert_type3A = tpu.bitcast %select_n3A : vector<512x2048xf32> -> vector<512x2048xi32>
    %and3A = arith.constant -2048 : i32
    %and3A_34 = vector.broadcast %and3A : i32 to vector<512x2048xi32>
    %and3A_35 = arith.andi %bitcast_convert_type3A, %and3A_34 : vector<512x2048xi32>
    %or3A = arith.ori %and3A_35, %iota3A : vector<512x2048xi32>
    %bitcast_convert_type3A_36 = tpu.bitcast %or3A : vector<512x2048xi32> -> vector<512x2048xf32>
    %eq3A = vector.broadcast %add3A_25 : vector<512x1xi32> to vector<512x2048xi32>
    %eq3A_37 = arith.cmpi eq, %iota3A, %eq3A : vector<512x2048xi32>
    %jit3A = arith.constant 3.000000e+38 : f32
    %broadcast_in_dim3A_38 = vector.broadcast %jit3A : f32 to vector<512x2048xf32>
    %select_n3A_39 = arith.select %eq3A_37, %broadcast_in_dim3A_38, %bitcast_convert_type3A_36 : vector<512x2048xi1>, vector<512x2048xf32>
    %mul3A_40 = arith.constant 2048 : i32
    %mul3A_41 = arith.muli %arg0, %mul3A_40 : i32
    %reduce_min3A = arith.constant dense<0x7F800000> : vector<512xf32>
    %reduce_min3A_42 = vector.multi_reduction <minimumf>, %select_n3A_39, %reduce_min3A [1] : vector<512x2048xf32> to vector<512xf32>
    %broadcast_in_dim3A_43 = vector.shape_cast %reduce_min3A_42 : vector<512xf32> to vector<512x1xf32>
    %eq3A_44 = vector.broadcast %broadcast_in_dim3A_43 : vector<512x1xf32> to vector<512x2048xf32>
    %eq3A_45 = arith.cmpf oeq, %select_n3A_39, %eq3A_44 : vector<512x2048xf32>
    %jit3A_46 = arith.constant 3.000000e+38 : f32
    %broadcast_in_dim3A_47 = vector.broadcast %jit3A_46 : f32 to vector<512x2048xf32>
    %select_n3A_48 = arith.select %eq3A_45, %broadcast_in_dim3A_47, %select_n3A_39 : vector<512x2048xi1>, vector<512x2048xf32>
    %reduce_min3A_49 = arith.constant dense<0x7F800000> : vector<512xf32>
    %reduce_min3A_50 = vector.multi_reduction <minimumf>, %select_n3A_48, %reduce_min3A_49 [1] : vector<512x2048xf32> to vector<512xf32>
    %broadcast_in_dim3A_51 = vector.shape_cast %reduce_min3A_50 : vector<512xf32> to vector<512x1xf32>
    %eq3A_52 = vector.broadcast %broadcast_in_dim3A_51 : vector<512x1xf32> to vector<512x2048xf32>
    %eq3A_53 = arith.cmpf oeq, %select_n3A_48, %eq3A_52 : vector<512x2048xf32>
    %jit3A_54 = arith.constant 3.000000e+38 : f32
    %broadcast_in_dim3A_55 = vector.broadcast %jit3A_54 : f32 to vector<512x2048xf32>
    %select_n3A_56 = arith.select %eq3A_53, %broadcast_in_dim3A_55, %select_n3A_48 : vector<512x2048xi1>, vector<512x2048xf32>
    %reduce_min3A_57 = arith.constant dense<0x7F800000> : vector<512xf32>
    %reduce_min3A_58 = vector.multi_reduction <minimumf>, %select_n3A_56, %reduce_min3A_57 [1] : vector<512x2048xf32> to vector<512xf32>
    %broadcast_in_dim3A_59 = vector.shape_cast %reduce_min3A_58 : vector<512xf32> to vector<512x1xf32>
    %eq3A_60 = vector.broadcast %broadcast_in_dim3A_59 : vector<512x1xf32> to vector<512x2048xf32>
    %eq3A_61 = arith.cmpf oeq, %select_n3A_56, %eq3A_60 : vector<512x2048xf32>
    %jit3A_62 = arith.constant 3.000000e+38 : f32
    %broadcast_in_dim3A_63 = vector.broadcast %jit3A_62 : f32 to vector<512x2048xf32>
    %select_n3A_64 = arith.select %eq3A_61, %broadcast_in_dim3A_63, %select_n3A_56 : vector<512x2048xi1>, vector<512x2048xf32>
    %reduce_min3A_65 = arith.constant dense<0x7F800000> : vector<512xf32>
    %reduce_min3A_66 = vector.multi_reduction <minimumf>, %select_n3A_64, %reduce_min3A_65 [1] : vector<512x2048xf32> to vector<512xf32>
    %broadcast_in_dim3A_67 = vector.shape_cast %reduce_min3A_66 : vector<512xf32> to vector<512x1xf32>
    %eq3A_68 = vector.broadcast %broadcast_in_dim3A_67 : vector<512x1xf32> to vector<512x2048xf32>
    %eq3A_69 = arith.cmpf oeq, %select_n3A_64, %eq3A_68 : vector<512x2048xf32>
    %jit3A_70 = arith.constant 3.000000e+38 : f32
    %broadcast_in_dim3A_71 = vector.broadcast %jit3A_70 : f32 to vector<512x2048xf32>
    %select_n3A_72 = arith.select %eq3A_69, %broadcast_in_dim3A_71, %select_n3A_64 : vector<512x2048xi1>, vector<512x2048xf32>
    %reduce_min3A_73 = arith.constant dense<0x7F800000> : vector<512xf32>
    %reduce_min3A_74 = vector.multi_reduction <minimumf>, %select_n3A_72, %reduce_min3A_73 [1] : vector<512x2048xf32> to vector<512xf32>
    %broadcast_in_dim3A_75 = vector.shape_cast %reduce_min3A_74 : vector<512xf32> to vector<512x1xf32>
    %eq3A_76 = vector.broadcast %broadcast_in_dim3A_75 : vector<512x1xf32> to vector<512x2048xf32>
    %eq3A_77 = arith.cmpf oeq, %select_n3A_72, %eq3A_76 : vector<512x2048xf32>
    %jit3A_78 = arith.constant 3.000000e+38 : f32
    %broadcast_in_dim3A_79 = vector.broadcast %jit3A_78 : f32 to vector<512x2048xf32>
    %select_n3A_80 = arith.select %eq3A_77, %broadcast_in_dim3A_79, %select_n3A_72 : vector<512x2048xi1>, vector<512x2048xf32>
    %reduce_min3A_81 = arith.constant dense<0x7F800000> : vector<512xf32>
    %reduce_min3A_82 = vector.multi_reduction <minimumf>, %select_n3A_80, %reduce_min3A_81 [1] : vector<512x2048xf32> to vector<512xf32>
    %broadcast_in_dim3A_83 = vector.shape_cast %reduce_min3A_82 : vector<512xf32> to vector<512x1xf32>
    %eq3A_84 = vector.broadcast %broadcast_in_dim3A_83 : vector<512x1xf32> to vector<512x2048xf32>
    %eq3A_85 = arith.cmpf oeq, %select_n3A_80, %eq3A_84 : vector<512x2048xf32>
    %jit3A_86 = arith.constant 3.000000e+38 : f32
    %broadcast_in_dim3A_87 = vector.broadcast %jit3A_86 : f32 to vector<512x2048xf32>
    %select_n3A_88 = arith.select %eq3A_85, %broadcast_in_dim3A_87, %select_n3A_80 : vector<512x2048xi1>, vector<512x2048xf32>
    %reduce_min3A_89 = arith.constant dense<0x7F800000> : vector<512xf32>
    %reduce_min3A_90 = vector.multi_reduction <minimumf>, %select_n3A_88, %reduce_min3A_89 [1] : vector<512x2048xf32> to vector<512xf32>
    %broadcast_in_dim3A_91 = vector.shape_cast %reduce_min3A_90 : vector<512xf32> to vector<512x1xf32>
    %eq3A_92 = vector.broadcast %broadcast_in_dim3A_91 : vector<512x1xf32> to vector<512x2048xf32>
    %eq3A_93 = arith.cmpf oeq, %select_n3A_88, %eq3A_92 : vector<512x2048xf32>
    %jit3A_94 = arith.constant 3.000000e+38 : f32
    %broadcast_in_dim3A_95 = vector.broadcast %jit3A_94 : f32 to vector<512x2048xf32>
    %select_n3A_96 = arith.select %eq3A_93, %broadcast_in_dim3A_95, %select_n3A_88 : vector<512x2048xi1>, vector<512x2048xf32>
    %reduce_min3A_97 = arith.constant dense<0x7F800000> : vector<512xf32>
    %reduce_min3A_98 = vector.multi_reduction <minimumf>, %select_n3A_96, %reduce_min3A_97 [1] : vector<512x2048xf32> to vector<512xf32>
    %broadcast_in_dim3A_99 = vector.shape_cast %reduce_min3A_98 : vector<512xf32> to vector<512x1xf32>
    %eq3A_100 = vector.broadcast %broadcast_in_dim3A_99 : vector<512x1xf32> to vector<512x2048xf32>
    %eq3A_101 = arith.cmpf oeq, %select_n3A_96, %eq3A_100 : vector<512x2048xf32>
    %jit3A_102 = arith.constant 3.000000e+38 : f32
    %broadcast_in_dim3A_103 = vector.broadcast %jit3A_102 : f32 to vector<512x2048xf32>
    %select_n3A_104 = arith.select %eq3A_101, %broadcast_in_dim3A_103, %select_n3A_96 : vector<512x2048xi1>, vector<512x2048xf32>
    %reduce_min3A_105 = arith.constant dense<0x7F800000> : vector<512xf32>
    %reduce_min3A_106 = vector.multi_reduction <minimumf>, %select_n3A_104, %reduce_min3A_105 [1] : vector<512x2048xf32> to vector<512xf32>
    %broadcast_in_dim3A_107 = vector.shape_cast %reduce_min3A_106 : vector<512xf32> to vector<512x1xf32>
    %eq3A_108 = vector.broadcast %broadcast_in_dim3A_107 : vector<512x1xf32> to vector<512x2048xf32>
    %eq3A_109 = arith.cmpf oeq, %select_n3A_104, %eq3A_108 : vector<512x2048xf32>
    %jit3A_110 = arith.constant 3.000000e+38 : f32
    %broadcast_in_dim3A_111 = vector.broadcast %jit3A_110 : f32 to vector<512x2048xf32>
    %select_n3A_112 = arith.select %eq3A_109, %broadcast_in_dim3A_111, %select_n3A_104 : vector<512x2048xi1>, vector<512x2048xf32>
    %reduce_min3A_113 = arith.constant dense<0x7F800000> : vector<512xf32>
    %reduce_min3A_114 = vector.multi_reduction <minimumf>, %select_n3A_112, %reduce_min3A_113 [1] : vector<512x2048xf32> to vector<512xf32>
    %broadcast_in_dim3A_115 = vector.shape_cast %reduce_min3A_114 : vector<512xf32> to vector<512x1xf32>
    %eq3A_116 = vector.broadcast %broadcast_in_dim3A_115 : vector<512x1xf32> to vector<512x2048xf32>
    %eq3A_117 = arith.cmpf oeq, %select_n3A_112, %eq3A_116 : vector<512x2048xf32>
    %jit3A_118 = arith.constant 3.000000e+38 : f32
    %broadcast_in_dim3A_119 = vector.broadcast %jit3A_118 : f32 to vector<512x2048xf32>
    %select_n3A_120 = arith.select %eq3A_117, %broadcast_in_dim3A_119, %select_n3A_112 : vector<512x2048xi1>, vector<512x2048xf32>
    %reduce_min3A_121 = arith.constant dense<0x7F800000> : vector<512xf32>
    %reduce_min3A_122 = vector.multi_reduction <minimumf>, %select_n3A_120, %reduce_min3A_121 [1] : vector<512x2048xf32> to vector<512xf32>
    %broadcast_in_dim3A_123 = vector.shape_cast %reduce_min3A_122 : vector<512xf32> to vector<512x1xf32>
    %eq3A_124 = vector.broadcast %broadcast_in_dim3A_123 : vector<512x1xf32> to vector<512x2048xf32>
    %eq3A_125 = arith.cmpf oeq, %select_n3A_120, %eq3A_124 : vector<512x2048xf32>
    %jit3A_126 = arith.constant 3.000000e+38 : f32
    %broadcast_in_dim3A_127 = vector.broadcast %jit3A_126 : f32 to vector<512x2048xf32>
    %select_n3A_128 = arith.select %eq3A_125, %broadcast_in_dim3A_127, %select_n3A_120 : vector<512x2048xi1>, vector<512x2048xf32>
    %reduce_min3A_129 = arith.constant dense<0x7F800000> : vector<512xf32>
    %reduce_min3A_130 = vector.multi_reduction <minimumf>, %select_n3A_128, %reduce_min3A_129 [1] : vector<512x2048xf32> to vector<512xf32>
    %broadcast_in_dim3A_131 = vector.shape_cast %reduce_min3A_130 : vector<512xf32> to vector<512x1xf32>
    %eq3A_132 = vector.broadcast %broadcast_in_dim3A_131 : vector<512x1xf32> to vector<512x2048xf32>
    %eq3A_133 = arith.cmpf oeq, %select_n3A_128, %eq3A_132 : vector<512x2048xf32>
    %jit3A_134 = arith.constant 3.000000e+38 : f32
    %broadcast_in_dim3A_135 = vector.broadcast %jit3A_134 : f32 to vector<512x2048xf32>
    %select_n3A_136 = arith.select %eq3A_133, %broadcast_in_dim3A_135, %select_n3A_128 : vector<512x2048xi1>, vector<512x2048xf32>
    %reduce_min3A_137 = arith.constant dense<0x7F800000> : vector<512xf32>
    %reduce_min3A_138 = vector.multi_reduction <minimumf>, %select_n3A_136, %reduce_min3A_137 [1] : vector<512x2048xf32> to vector<512xf32>
    %broadcast_in_dim3A_139 = vector.shape_cast %reduce_min3A_138 : vector<512xf32> to vector<512x1xf32>
    %eq3A_140 = vector.broadcast %broadcast_in_dim3A_139 : vector<512x1xf32> to vector<512x2048xf32>
    %eq3A_141 = arith.cmpf oeq, %select_n3A_136, %eq3A_140 : vector<512x2048xf32>
    %jit3A_142 = arith.constant 3.000000e+38 : f32
    %broadcast_in_dim3A_143 = vector.broadcast %jit3A_142 : f32 to vector<512x2048xf32>
    %select_n3A_144 = arith.select %eq3A_141, %broadcast_in_dim3A_143, %select_n3A_136 : vector<512x2048xi1>, vector<512x2048xf32>
    %reduce_min3A_145 = arith.constant dense<0x7F800000> : vector<512xf32>
    %reduce_min3A_146 = vector.multi_reduction <minimumf>, %select_n3A_144, %reduce_min3A_145 [1] : vector<512x2048xf32> to vector<512xf32>
    %broadcast_in_dim3A_147 = vector.shape_cast %reduce_min3A_146 : vector<512xf32> to vector<512x1xf32>
    %eq3A_148 = vector.broadcast %broadcast_in_dim3A_147 : vector<512x1xf32> to vector<512x2048xf32>
    %eq3A_149 = arith.cmpf oeq, %select_n3A_144, %eq3A_148 : vector<512x2048xf32>
    %jit3A_150 = arith.constant 3.000000e+38 : f32
    %broadcast_in_dim3A_151 = vector.broadcast %jit3A_150 : f32 to vector<512x2048xf32>
    %select_n3A_152 = arith.select %eq3A_149, %broadcast_in_dim3A_151, %select_n3A_144 : vector<512x2048xi1>, vector<512x2048xf32>
    %reduce_min3A_153 = arith.constant dense<0x7F800000> : vector<512xf32>
    %reduce_min3A_154 = vector.multi_reduction <minimumf>, %select_n3A_152, %reduce_min3A_153 [1] : vector<512x2048xf32> to vector<512xf32>
    %broadcast_in_dim3A_155 = vector.shape_cast %reduce_min3A_154 : vector<512xf32> to vector<512x1xf32>
    %eq3A_156 = vector.broadcast %broadcast_in_dim3A_155 : vector<512x1xf32> to vector<512x2048xf32>
    %eq3A_157 = arith.cmpf oeq, %select_n3A_152, %eq3A_156 : vector<512x2048xf32>
    %jit3A_158 = arith.constant 3.000000e+38 : f32
    %broadcast_in_dim3A_159 = vector.broadcast %jit3A_158 : f32 to vector<512x2048xf32>
    %select_n3A_160 = arith.select %eq3A_157, %broadcast_in_dim3A_159, %select_n3A_152 : vector<512x2048xi1>, vector<512x2048xf32>
    %reduce_min3A_161 = arith.constant dense<0x7F800000> : vector<512xf32>
    %reduce_min3A_162 = vector.multi_reduction <minimumf>, %select_n3A_160, %reduce_min3A_161 [1] : vector<512x2048xf32> to vector<512xf32>
    %broadcast_in_dim3A_163 = vector.shape_cast %reduce_min3A_162 : vector<512xf32> to vector<512x1xf32>
    %concatenate3A = tpu.concatenate %broadcast_in_dim3A_43, %broadcast_in_dim3A_51, %broadcast_in_dim3A_59, %broadcast_in_dim3A_67, %broadcast_in_dim3A_75, %broadcast_in_dim3A_83, %broadcast_in_dim3A_91, %broadcast_in_dim3A_99, %broadcast_in_dim3A_107, %broadcast_in_dim3A_115, %broadcast_in_dim3A_123, %broadcast_in_dim3A_131, %broadcast_in_dim3A_139, %broadcast_in_dim3A_147, %broadcast_in_dim3A_155, %broadcast_in_dim3A_163 in 1 : vector<512x1xf32>, vector<512x1xf32>, vector<512x1xf32>, vector<512x1xf32>, vector<512x1xf32>, vector<512x1xf32>, vector<512x1xf32>, vector<512x1xf32>, vector<512x1xf32>, vector<512x1xf32>, vector<512x1xf32>, vector<512x1xf32>, vector<512x1xf32>, vector<512x1xf32>, vector<512x1xf32>, vector<512x1xf32> -> vector<512x16xf32>
    %bitcast_convert_type3A_164 = tpu.bitcast %concatenate3A : vector<512x16xf32> -> vector<512x16xi32>
    %and3A_165 = arith.constant 2047 : i32
    %and3A_166 = vector.broadcast %and3A_165 : i32 to vector<512x16xi32>
    %and3A_167 = arith.andi %bitcast_convert_type3A_164, %and3A_166 : vector<512x16xi32>
    %and3A_168 = arith.constant -2048 : i32
    %and3A_169 = vector.broadcast %and3A_168 : i32 to vector<512x16xi32>
    %and3A_170 = arith.andi %bitcast_convert_type3A_164, %and3A_169 : vector<512x16xi32>
    %bitcast_convert_type3A_171 = tpu.bitcast %and3A_170 : vector<512x16xi32> -> vector<512x16xf32>
    %gt3A = arith.constant 0.000000e+00 : f32
    %gt3A_172 = vector.broadcast %gt3A : f32 to vector<512x16xf32>
    %gt3A_173 = arith.cmpf ogt, %bitcast_convert_type3A_171, %gt3A_172 : vector<512x16xf32>
    %lt3A_174 = arith.constant 1.000000e-30 : f32
    %lt3A_175 = vector.broadcast %lt3A_174 : f32 to vector<512x16xf32>
    %lt3A_176 = arith.cmpf olt, %bitcast_convert_type3A_171, %lt3A_175 : vector<512x16xf32>
    %and3A_177 = arith.andi %gt3A_173, %lt3A_176 : vector<512x16xi1>
    %div3A = arith.constant 1.000000e-33 : f32
    %div3A_178 = vector.broadcast %div3A : f32 to vector<512x16xf32>
    %div3A_179 = arith.divf %bitcast_convert_type3A_171, %div3A_178 : vector<512x16xf32>
    %sub3A_180 = arith.constant 1.250000e-01 : f32
    %sub3A_181 = vector.broadcast %sub3A_180 : f32 to vector<512x16xf32>
    %sub3A_182 = arith.subf %div3A_179, %sub3A_181 : vector<512x16xf32>
    %select_n3A_183 = arith.select %and3A_177, %sub3A_182, %bitcast_convert_type3A_171 : vector<512x16xi1>, vector<512x16xf32>
    %swap3A = arith.constant 0 : index
    %swap3A_184 = arith.constant 0 : index
    %swap3A_185 = arith.constant 0 : index
    %swap3A_186 = vector.load %arg4[%swap3A, %swap3A_184, %swap3A_185] : memref<1x512x16xf32, #tpu.memory_space<vmem>>, vector<1x512x16xf32>
    %swap3A_187 = vector.shape_cast %swap3A_186 : vector<1x512x16xf32> to vector<512x16xf32>
    %swap3A_188 = vector.shape_cast %select_n3A_183 : vector<512x16xf32> to vector<1x512x16xf32>
    tpu.vector_store %arg4[%swap3A, %swap3A_184, %swap3A_185], %swap3A_188 {strides = array<i32>} : memref<1x512x16xf32, #tpu.memory_space<vmem>>, vector<1x512x16xf32>,
    %add3A_189 = vector.broadcast %mul3A_41 : i32 to vector<512x16xi32>
    %add3A_190 = arith.addi %and3A_167, %add3A_189 : vector<512x16xi32>
    %swap3A_191 = arith.constant 0 : index
    %swap3A_192 = arith.constant 0 : index
    %swap3A_193 = arith.constant 0 : index
    %swap3A_194 = vector.load %arg5[%swap3A_191, %swap3A_192, %swap3A_193] : memref<1x512x16xi32, #tpu.memory_space<vmem>>, vector<1x512x16xi32>
    %swap3A_195 = vector.shape_cast %swap3A_194 : vector<1x512x16xi32> to vector<512x16xi32>
    %swap3A_196 = vector.shape_cast %add3A_190 : vector<512x16xi32> to vector<1x512x16xi32>
    tpu.vector_store %arg5[%swap3A_191, %swap3A_192, %swap3A_193], %swap3A_196 {strides = array<i32>} : memref<1x512x16xi32, #tpu.memory_space<vmem>>, vector<1x512x16xi32>,
    %add3A_197 = vector.broadcast %mul3A_41 : i32 to vector<512x1xi32>
    %add3A_198 = arith.addi %add3A_25, %add3A_197 : vector<512x1xi32>
    %broadcast_in_dim3A_199 = vector.shape_cast %add3A_198 : vector<512x1xi32> to vector<512x1xi32>
    %broadcast_in_dim3A_200 = vector.broadcast %broadcast_in_dim3A_199 : vector<512x1xi32> to vector<512x16xi32>
    %swap3A_201 = arith.constant 0 : index
    %swap3A_202 = arith.constant 0 : index
    %swap3A_203 = arith.constant 0 : index
    %swap3A_204 = vector.load %arg6[%swap3A_201, %swap3A_202, %swap3A_203] : memref<1x512x16xi32, #tpu.memory_space<vmem>>, vector<1x512x16xi32>
    %swap3A_205 = vector.shape_cast %swap3A_204 : vector<1x512x16xi32> to vector<512x16xi32>
    %swap3A_206 = vector.shape_cast %broadcast_in_dim3A_200 : vector<512x16xi32> to vector<1x512x16xi32>
    tpu.vector_store %arg6[%swap3A_201, %swap3A_202, %swap3A_203], %swap3A_206 {strides = array<i32>} : memref<1x512x16xi32, #tpu.memory_space<vmem>>, vector<1x512x16xi32>,
    return
  }
  func.func @transform_0(%arg0: i32, %arg1: i32) -> (i32, i32, i32) {
    %c0_i32 = arith.constant 0 : i32
    %c0_i32_0 = arith.constant 0 : i32
    return %arg0, %arg1, %c0_i32 : i32, i32, i32
  }
  func.func @transform_1(%arg0: i32, %arg1: i32) -> (i32, i32, i32) {
    %c0_i32 = arith.constant 0 : i32
    %c0_i32_0 = arith.constant 0 : i32
    %c0_i32_1 = arith.constant 0 : i32
    return %arg0, %c0_i32, %c0_i32_0 : i32, i32, i32
  }
  func.func @transform_2(%arg0: i32, %arg1: i32) -> (i32, i32, i32) {
    %c0_i32 = arith.constant 0 : i32
    %c0_i32_0 = arith.constant 0 : i32
    return %arg0, %arg1, %c0_i32 : i32, i32, i32
  }
  func.func @transform_3(%arg0: i32, %arg1: i32) -> (i32, i32, i32) {
    %c0_i32 = arith.constant 0 : i32
    %c0_i32_0 = arith.constant 0 : i32
    return %arg0, %arg1, %c0_i32 : i32, i32, i32
  }
  func.func @transform_4(%arg0: i32, %arg1: i32) -> (i32, i32, i32) {
    %c0_i32 = arith.constant 0 : i32
    %c0_i32_0 = arith.constant 0 : i32
    return %arg0, %arg1, %c0_i32 : i32, i32, i32
  }
}

</mosaic_0001>

<sc_bundles>
// kernel: kernel.4.cloned.1.call-start
scs
__scs_entry_jumppad:
0x0: {  	(pc) =	sbr.rel $0x88, $3  }
0x1: {  	(tag) =	ssettag $0x0;
	lr =	simm.s32 $0x1  }
0x2: {  	[smem:$0x3FA0] =	sst lr;
	_ =	strace $0xD0000000  }
0x3: {  	_ = 	snop  }
0x4: {  	_ = 	snop  }
0x5: {  	_ = 	snop  }
0x6: {  	_ = 	snop  }
0x7: {  	_ = 	snop  }
__scs_overlays_trampoline_lowered:
0x8: {  	[smem:$0x3FAF] =	sst s0  }
0x9: {  	[smem:$0x3FB0] =	sst s1  }
0xa: {  	[smem:$0x3FB1] =	sst s2  }
0xb: {  	[smem:$0x3FB2] =	sst s3  }
0xc: {  	[smem:$0x3FB3] =	sst s4  }
0xd: {  	[smem:$0x3FB4] =	sst s5  }
0xe: {  	[smem:$0x3FB5] =	sst s6  }
0xf: {  	[smem:$0x3FB6] =	sst s7  }
0x10: {  	[smem:$0x3FB7] =	sst s8  }
0x11: {  	[smem:$0x3FB8] =	sst s9;
	s0 =	simm.s32 @!p0 $0x0  }
0x12: {  	s1 =	sld [smem:$0x3F9E];
	s0 =	simm.s32 @p0 $0x1  }
0x13: {  	[smem:$0x3FB9] =	sst s0;
	s0 =	simm.s32 @!p1 $0x0  }
0x14: {  	s2 =	sld [smem:$0x3F9D];
	s0 =	simm.s32 @p1 $0x1  }
0x15: {  	[smem:$0x3FBA] =	sst s0;
	s0 =	simm.s32 @!p2 $0x0  }
0x16: {  	s3 =	sld [smem:$0x3FDB];
	s0 =	simm.s32 @p2 $0x1  }
0x17: {  	s4 =	simm.s32 $0x1BF5;
	[smem:$0x3FBC] =	sst s0  }
0x18: {  	s0 =	sld [smem:$0x3F9F];
	_ =	swait.ge [sflag:s4], $0x0  }
0x19: {  	s7 =	sld [smem:$0x3FA0]  }
0x1a: {  	s8 =	sadd.s32 $0xFFFFE003, lr  }
0x1b: {  	s9 =	sadd.s32 $0xFFFFFEF7, lr;
	s5 =	simm.s32 $0xFFFFFFFF;
	p2 =	slt.u32 s8, $0xFFFFF086  }
0x1c: {  	p1 =	slt.u32 s9, $0xF7A;
	s5 =	simm.s32 @!p2 $0x0  }
0x1d: {  	s5 =	simm.s32 @p1 $0x1;
	p0 =	seq.s32 s7, s2  }
0x1e: {  	s7 =	smul.u32 @!p0 $0xF7A, s2;
	p2 =	seq.s32 @!p0 s5, $0x0  }
0x1f: {  	s9 =	smul.u32 $0xF7A, s1;
	s8 =	simm.s32 @!p0 $0x1BF5;
	p2 =	por !p2, p0  }
0x20: {  	[sflag:s8] =	ssyncset.s32 @!p0 $0xFFFFF086;
	s6 =	sadd.s32 @!p0 s3, s7;
	s7 =	simm.s32 @!p0 $0x108  }
0x21: {  	s3 =	sadd.s32 s3, s9;
	s6 =	sadd.s32 @!p0 $0x88, s6;
	s7 =	simm.s32 @p2 $0x1082  }
0x22: {  	[simem:s7], [sflag:s8] =	dma.local @!p0 [hbm:s6], $0xF7A  }
0x23: {  	s9 =	sor.u32 $0xD0000000, s2;
	s6 =	simm.s32 $0x108;
	_ =	swait.ge @!p0 [sflag:s8], $0x0  }
0x24: {  	s3 =	sadd.s32 $0x88, s3;
	s6 =	simm.s32 @!p1 $0x1082;
	[sflag:s4] =	ssyncset.s32 $0xFFFFF086  }
0x25: {  	[simem:s6], [sflag:s4] =	dma.local [hbm:s3], $0xF7A  }
0x26: {  	[smem:$0x3FA0] =	sst s1;
	(tag) =	ssettag s2;
	_ =	strace s9  }
0x27: {  	s1 =	sld [smem:$0x3FB0]  }
0x28: {  	s2 =	sld [smem:$0x3FB1]  }
0x29: {  	s4 =	sld [smem:$0x3FB3]  }
0x2a: {  	p0 =	seq.s32 s5, $0x0;
	s5 =	sld [smem:$0x3FB4]  }
0x2b: {  	s6 =	sld [smem:$0x3FB5]  }
0x2c: {  	s7 =	sld [smem:$0x3FB6]  }
0x2d: {  	s3 =	simm.s32 $0x108;
	s8 =	sld [smem:$0x3FB7]  }
0x2e: {  	s3 =	simm.s32 @!p0 $0x1082;
	s9 =	sld [smem:$0x3FB8]  }
0x2f: {  	lr =	sadd.s32 s0, s3;
	s0 =	sld [smem:$0x3FAF]  }
0x30: {  	s3 =	sld [smem:$0x3FB2]  }
0x31: {  	[smem:$0x3FBB] =	sst s10  }
0x32: {  	s10 =	sld [smem:$0x3FB9];
	_ =	sdelay $0x3  }
0x33: {  	p0 =	seq.s32 s10, $0x1;
	s10 =	sld [smem:$0x3FBB];
	_ =	sdelay $0x3  }
0x34: {  	[smem:$0x3FBB] =	sst s10  }
0x35: {  	s10 =	sld [smem:$0x3FBA];
	_ =	sdelay $0x3  }
0x36: {  	p1 =	seq.s32 s10, $0x1;
	s10 =	sld [smem:$0x3FBB];
	_ =	sdelay $0x3  }
0x37: {  	[smem:$0x3FBB] =	sst s10  }
0x38: {  	s10 =	sld [smem:$0x3FBC]  }
0x39: {  	_ = 	snop;
	(pc) =	sbr.ind lr, $3  }
0x3a: {  	_ = 	snop  }
0x3b: {  	_ = 	snop  }
0x3c: {  	p2 =	seq.s32 s10, $0x1;
	s10 =	sld [smem:$0x3FBB]  }
0x3d: {  	_ =	shalt  }
0x3e: {  	_ =	shalt  }
0x3f: {  	_ =	shalt  }
0x40: {  	_ =	shalt  }
0x41: {  	_ =	shalt  }
0x42: {  	_ =	shalt  }
0x43: {  	_ =	shalt  }
0x44: {  	_ =	shalt  }
0x45: {  	_ =	shalt  }
0x46: {  	_ =	shalt  }
0x47: {  	_ =	shalt  }
0x48: {  	_ =	shalt  }
0x49: {  	_ =	shalt  }
0x4a: {  	_ =	shalt  }
0x4b: {  	_ =	shalt  }
0x4c: {  	_ =	shalt  }
0x4d: {  	_ =	shalt  }
0x4e: {  	_ =	shalt  }
0x4f: {  	_ =	shalt  }
0x50: {  	_ =	shalt  }
0x51: {  	_ =	shalt  }
0x52: {  	_ =	shalt  }
0x53: {  	_ =	shalt  }
0x54: {  	_ =	shalt  }
0x55: {  	_ =	shalt  }
0x56: {  	_ =	shalt  }
0x57: {  	_ =	shalt  }
0x58: {  	_ =	shalt  }
0x59: {  	_ =	shalt  }
0x5a: {  	_ =	shalt  }
0x5b: {  	_ =	shalt  }
0x5c: {  	_ =	shalt  }
0x5d: {  	_ =	shalt  }
0x5e: {  	_ =	shalt  }
0x5f: {  	_ =	shalt  }
0x60: {  	_ =	shalt  }
0x61: {  	_ =	shalt  }
0x62: {  	_ =	shalt  }
0x63: {  	_ =	shalt  }
0x64: {  	_ =	shalt  }
0x65: {  	_ =	shalt  }
0x66: {  	_ =	shalt  }
0x67: {  	_ =	shalt  }
0x68: {  	_ =	shalt  }
0x69: {  	_ =	shalt  }
0x6a: {  	_ =	shalt  }
0x6b: {  	_ =	shalt  }
0x6c: {  	_ =	shalt  }
0x6d: {  	_ =	shalt  }
0x6e: {  	_ =	shalt  }
0x6f: {  	_ =	shalt  }
0x70: {  	_ =	shalt  }
0x71: {  	_ =	shalt  }
0x72: {  	_ =	shalt  }
0x73: {  	_ =	shalt  }
0x74: {  	_ =	shalt  }
0x75: {  	_ =	shalt  }
0x76: {  	_ =	shalt  }
0x77: {  	_ =	shalt  }
0x78: {  	_ =	shalt  }
0x79: {  	_ =	shalt  }
0x7a: {  	_ =	shalt  }
0x7b: {  	_ =	shalt  }
0x7c: {  	_ =	shalt  }
0x7d: {  	_ =	shalt  }
0x7e: {  	_ =	shalt  }
0x7f: {  	_ =	shalt  }
0x80: {  	_ =	shalt  }
0x81: {  	_ =	shalt  }
0x82: {  	_ =	shalt  }
0x83: {  	_ =	shalt  }
0x84: {  	_ =	shalt  }
0x85: {  	_ =	shalt  }
0x86: {  	_ =	shalt  }
0x87: {  	_ =	shalt  }
.Lfunc_end0:
.L_simem_size_0:
called_computation_lowered:
.L_overlay_start_0:
0x88: {  	s2 =	sld [smem:$0x3FD9]  }
0x89: {  	s3 =	sld [smem:$0x3FFE];
	_ =	sdelay $0x1  }
0x8a: {  	s1 =	srdreg.scid  }
0x8b: {  	s0 =	sand.u32 $0x1, s1  }
0x8c: {  	s14 =	sshll.u32 s0, $0xA;
	s2 =	sadd.s32 s3, s2  }
0x8d: {  	s2 =	sadd.s32 s2, s14  }
0x8e: {  	[smem:$0x3FC7] =	sst s2  }
0x8f: {  	_ = 	snop  }
0x90: {  	s2 =	sld [smem:$0x3FD0];
	_ =	sdelay $0x2  }
0x91: {  	s15 =	simm.s32 $0xA;
	s4 =	simm.s32 $0x10  }
0x92: {  	[smem:s4], [sflag:s15] =	dma.local [hbm:s2], $0x1  }
0x93: {  	_ =	swait.eq [sflag:s15], $0x1  }
0x94: {  	[sflag:s15] =	ssyncset.done $0x0  }
0x95: {  	s16 =	sld [smem:$0x10];
	[sflag:s15] =	ssyncadd.s32 $0xFFFFFFFF  }
0x96: {  	s17 =	sld [smem:$0x11];
	(tm) =	ssettm $0x1  }
0x97: {  	s18 =	sld [smem:$0x3FFB];
	_ =	sdelay $0x3  }
0x98: {  	_ =	strace s18  }
0x99: {  	s4 =	sld [smem:$0x3FFC];
	_ =	sdelay $0x3  }
0x9a: {  	_ =	strace s4  }
0x9b: {  	s4 =	sld [smem:$0x3FFD];
	_ =	sdelay $0x3  }
0x9c: {  	_ =	strace s4  }
0x9d: {  	_ =	strace $0x8FFFFFFF  }
0x9e: {  	s19 =	sld [smem:$0x3FDB];
	_ =	sdelay $0x1  }
0x9f: {  	s5 =	simm.s32 $_scs_section_size  }
0xa0: {  	s6 =	simm.s32 $_size__tile_overlayer_lowered;
	s7 =	simm.s32 $_tile_overlayer_lowered  }
0xa1: {  	s22 =	simm.s32 $0x1BFF;
	s21 =	sshll.u32 s7, $0x1;
	s4 =	sadd.s32 s5, s19  }
0xa2: {  	s8 =	simm.s32 $0x0;
	s20 =	sshll.u32 s6, $0x1;
	s6 =	sadd.s32 s21, s4  }
0xa3: {  	[timem:s8], [sflag:s22] =	dma.local [hbm:s6], s20  }
0xa4: {  	_ =	swait.ge [sflag:s22], s20  }
0xa5: {  	s5 =	ssub.s32 $0x0, s20;
	[sflag:s22] =	ssyncset.done $0x0  }
0xa6: {  	[sflag:s22] =	ssyncadd.s32 s5;
	_ =	sdelay $0x1  }
0xa7: {  	s23 =	simm.s32 $0x1B8B  }
0xa8: {  	_ =	swait.ge [sflag:s23], $0x1  }
0xa9: {  	[sflag:s23] =	ssyncset.done $0x0  }
0xaa: {  	s25 =	simm.s32 $0x1B8E;
	s24 =	sld [smem:$0x3FFE];
	[sflag:s23] =	ssyncadd.s32 $0xFFFFFFFF  }
0xab: {  	s26 =	simm.s32 $execute0_lowered;
	[smem:$0x3FD2] =	sst s25  }
0xac: {  	s6 =	sshll.u32 s26, $0x1;
	_ =	strace $0x80000046;
	[dreg:$0x1] =	wrdreg $0xFFFFFFFF  }
0xad: {  	s28 =	simm.s32 $_size_execute0_lowered;
	s4 =	sadd.s32 s4, s6;
	[dreg:$0x0] =	wrdreg $0x0  }
0xae: {  	s6 =	sshll.u32 s28, $0x1;
	[dreg:$0x2] =	wrdreg s4  }
0xaf: {  	[dreg:$0x3] =	wrdreg s6  }
0xb0: {  	[dreg:$0x4] =	wrdreg $0xC0  }
0xb1: {  	_ =	task [dreg:s8], $0x5FFFF  }
0xb2: {  	[dreg:$0x1] =	wrdreg $0xFFFFFFFF  }
0xb3: {  	[dreg:$0x0] =	wrdreg $0x60  }
0xb4: {  	[dreg:$0x2] =	wrdreg s16  }
0xb5: {  	[dreg:$0x3] =	wrdreg s17  }
0xb6: {  	[dreg:$0x4] =	wrdreg s24  }
0xb7: {  	[dreg:$0x5] =	wrdreg $0x9  }
0xb8: {  	_ =	task.clear_ibuf [dreg:s8], $0x6FFFF;
	_ =	strace $0x90000046  }
0xb9: {  	s29 =	simm.s32 $0x9;
	_ =	strace $0x80000048  }
0xba: {  	_ =	swait.ge [sflag:s29], $0x1  }
0xbb: {  	[sflag:s29] =	ssyncadd.s32 $0xFFFFFFFF  }
0xbc: {  	_ =	strace $0x90000048  }
0xbd: {  	_ =	sfence  }
0xbe: {  	s30 =	sld [smem:$0x0];
	_ =	sdelay $0x2  }
0xbf: {  	s31 =	sshll.u32 s1, $0xD;
	s1 =	sshrl.u32 s1, $0x2  }
0xc0: {  	s3 =	sand.u32 $0x4000, s31;
	s1 =	sadd.s32 s1, s30  }
0xc1: {  	s0 =	sor.u32 s3, s0;
	s1 =	sshll.u32 s1, $0x11  }
0xc2: {  	s0 =	sor.u32 s1, s0  }
0xc3: {  	s0 =	sadd.s32 $0x8F2B, s0  }
0xc4: {  	[sflag:s0] =	ssyncadd.remote.s32 $0x1  }
0xc5: {  	_ =	sfence.sel $0xFFFF  }
0xc6: {  	[dreg:$0x0] =	wrdreg $0xFFFFFFFF;
	(pc) =	sbr.abs _section_cstart, $3  }
0xc7: {  	[dreg:$0x1] =	wrdreg $0xFFFFFFFF  }
0xc8: {  	_ =	task.clear_ibuf [dreg:s8], $0x2FFFF;
	_ =	strace $0x9FFFFFFF  }
0xc9: {  	(tm) =	ssettm $0x7FFFFFFF  }
tec
execute0_lowered:
.L_overlay_start_1:
0x0: {  	(tag) =	ssettag $0x1  }
0x1: {  	v0 =	vimm.s32 $0xFEDCBA98;
	v1 =	vimm.f32 $1.000000020e-33  }
0x2: {  	v2 =	vimm.s32 $0x76543210;
	v3 =	vimm.s32 $0x32107654;
	v4 =	vimm.s32 $0xDCFE98BA  }
0x3: {  	v5 =	vimm.s32 $0x54761032;
	v6 =	vimm.s32 $0xEFCDAB89;
	v7 =	vimm.s32 $0x67452301  }
0x4: {  	s3 =	rddreg [dreg:$0x0];
	vm0 =	vmmov $0x1;
	vm1 =	vmmov $0x3;
	vm2 =	vmmov $0x7  }
0x5: {  	s5 =	rddreg [dreg:$0x1];
	vm3 =	vmmov $0xf;
	vm4 =	vmmov $0x1f;
	vm5 =	vmmov $0x3f  }
0x6: {  	s4 =	rddreg [dreg:$0x2];
	s1 =	simm.s32 $0x0;
	vm6 =	vmmov $0x7f;
	vm7 =	vmmov $0xff;
	vm8 =	vmmov $0x1ff  }
0x7: {  	vm9 =	vmmov $0x3ff;
	vm10 =	vmmov $0x7ff;
	vm11 =	vmmov $0xfff;
	[smem:$0x7FF] =	sst s1  }
0x8: {  	s0 =	rddreg [dreg:$0x3];
	vm12 =	vmmov $0x1fff;
	v0 =	vunpack.c.l.s4.s8 v0;
	v3 =	vunpack.c.l.s4.s8 v3;
	_ =	strace $0x80000047  }
0x9: {  	s2 =	stileid.u32;
	v4 =	vunpack.c.l.s4.s8 v4;
	v5 =	vunpack.c.l.s4.s8 v5;
	(erf) = vrcp.f32 v1  }
0xa: {  	s6 =	srdreg.scid;
	v6 =	vunpack.c.l.s4.s8 v6;
	v7 =	vunpack.c.l.s4.s8 v7;
	s7 =	sshll.u32 s2, $0x1;
	v1 =	vunpack.c.l.s4.s8 v2  }
0xb: {  	s6 =	sand.u32 $0x1, s6;
	s7 =	sand.u32 $0x2, s7;
	v2 =	vimm.s32 $0xBA98FEDC;
	v4 =	vunpack.c.0.s8.s32 v4;
	v5 =	vunpack.c.0.s8.s32 v5  }
0xc: {  	s8 =	sshrl.u32 s2, $0x1;
	v6 =	vunpack.c.0.s8.s32 v6;
	v7 =	vunpack.c.0.s8.s32 v7;
	s7 =	sor.u32 s6, s7;
	s6 =	ssub.s32 $0x2, s6;
	v2 =	vunpack.c.l.s4.s8 v2  }
0xd: {  	s9 =	sshll.u32 s8, $0xB;
	s8 =	sshll.u32 s8, $0xA;
	v0 =	vunpack.c.0.s8.s32 v0;
	v3 =	vunpack.c.0.s8.s32 v3;
	s10 =	sshrl.u32 s6, $0x1;
	v4 =	vcombine.low v5, v4  }
0xe: {  	s3 =	sadd.s32 s3, s8;
	v5 =	vcombine.low v7, v6;
	v6 =	vimm.s32 $0x0;
	s10 =	ssub.s32 s6, s10;
	v2 =	vunpack.c.0.s8.s32 v2  }
0xf: {  	vm13 =	vmmov $0x3fff;
	s30 =	sshll.u32 s7, $0x8;
	s31 =	sshll.u32 s7, $0x7;
	v8 =	vunpack.c.0.s8.s32 v1;
	v6 =	vsel vm0, $0xFFFFFFFF, v6;
	s7 =	smax.u32 s10, $0x1  }
0x10: {  	s10 =	simm.s32 $0x5000;
	v3 =	vcombine.low v3, v2;
	v2 =	vand.u32 $0xF, v0;
	v0 =	vmov s9;
	s9 =	sor.u32 s8, s30;
	s8 =	simm.s32 $0x1  }
0x11: {  	vm14 =	vmmov $0x7fff;
	v1 =	vlaneseq.u32;
	v4 =	vand.u32 $0xF, v4;
	s11 =	sadd.s32 s9, s4;
	s4 =	sor.u32 $0x600, s31;
	s5 =	sadd.s32 s5, s9  }
0x12: {  	v5 =	vand.u32 $0xF, v5;
	[tilespmem:$0x1FFF0] =	vst v6;
	v2 =	vcombine.low v2, v8;
	s9 =	simm.s32 $0x4800;
	v3 =	vand.u32 $0xF, v3;
	s6 =	sadd.s32 $0xC00, s11;
	s11 =	simm.s32 $0x0;
	v6 =	vpop (erf)  }
.LBB2_1:
0x13: {  	[tilespmem:s1], [sflag:$0x1] =	stream.linear.gather [hbm4b:s3+s1], $0x2000, $0x38;
	[tilespmem:$0x5800] =	vst v63  }
0x14: {  	_ =	swait.ge [sflag:s8], $0x2000  }
0x15: {  	s12 =	sand.u32 $0x70, s1;
	s13 =	sand.u32 $0x1E00, s1;
	[sflag:s8] =	ssyncset.done $0x0  }
0x16: {  	s13 =	sor.u32 s12, s13;
	[sflag:s8] =	ssyncadd.s32 $0xFFFFE000  }
0x17: {  	v8 =	vld [tilespmem:s13+$0x100]  }
0x18: {  	v9 =	vld [tilespmem:s13+$0x80]  }
0x19: {  	v10 =	vld [tilespmem:s13+$0x0];
	_ =	sdelay $0x3  }
0x1a: {  	v11 =	vshrl.u32 v8, $0x10;
	v7 =	vmul.f32 v8, v8  }
0x1b: {  	v12 =	vshrl.u32 v9, $0x10;
	v13 =	vmul.f32 v9, v9;
	v14 =	vshrl.u32 v10, $0x10  }
0x1c: {  	v15 =	vmul.f32 v10, v10;
	v11 =	vand.u32 $0x1, v11;
	v12 =	vand.u32 $0x1, v12  }
0x1d: {  	v14 =	vand.u32 $0x1, v14;
	v9 =	vadd.s32 v12, v9;
	v11 =	vadd.s32 v11, v8  }
0x1e: {  	v10 =	vadd.s32 v14, v10;
	v8 =	vadd.f32 v13, v15;
	v12 =	vadd.s32 $0x7FFF, v9  }
0x1f: {  	s15 =	simm.s32 $0x10;
	s16 =	simm.s32 $0x0;
	s14 =	simm.s32 $0x0;
	v9 =	vadd.s32 $0x7FFF, v10;
	v11 =	vadd.s32 $0x7FFF, v11;
	v10 =	vand.u32 $0xFFFF0000, v12  }
.LBB2_2:
0x20: {  	p0 =	sne.s32 s15, $0x7F0  }
0x21: {  	v9 =	vand.u32 $0xFFFF0000, v9;
	[tilespmem:s13+$0x2080] =	vst v10;
	v10 =	vand.u32 $0xFFFF0000, v11;
	v7 =	vadd.f32 v7, v8;
	s16 =	sadd.s32 $0x40, s16;
	s12 =	smov.u32 s15;
	s15 =	sadd.s32 $0x10, s15  }
0x22: {  	s17 =	sshra.s32 s14, $0x2;
	[tilespmem:s13+$0x2000] =	vst v9;
	s14 =	smov.u32 s16  }
0x23: {  	s12 =	sand.u32 $0x70, s12;
	s18 =	sand.u32 $0x1E00, s16;
	[tilespmem:s13+$0x2100] =	vst v10  }
0x24: {  	s13 =	sor.u32 s12, s18;
	[tilespmem:s17+$0x4000] =	vst v7  }
0x25: {  	v8 =	vld [tilespmem:s13+$0x100]  }
0x26: {  	v9 =	vld [tilespmem:s13+$0x80]  }
0x27: {  	v10 =	vld [tilespmem:s13+$0x0];
	_ =	sdelay $0x2  }
0x28: {  	v11 =	vshrl.u32 v8, $0x10;
	v7 =	vmul.f32 v8, v8  }
.Ltmp0:
0x29: {  	v12 =	vshrl.u32 v9, $0x10;
	v11 =	vand.u32 $0x1, v11;
	v13 =	vmul.f32 v9, v9;
	(pc) =	sbr.rel @p0 .LBB2_2-.Ltmp0, $4  }
0x2a: {  	v14 =	vshrl.u32 v10, $0x10;
	v12 =	vand.u32 $0x1, v12;
	v15 =	vmul.f32 v10, v10  }
0x2b: {  	v11 =	vadd.s32 v11, v8;
	v14 =	vand.u32 $0x1, v14;
	v9 =	vadd.s32 v12, v9  }
0x2c: {  	v10 =	vadd.s32 v14, v10;
	v12 =	vadd.s32 $0x7FFF, v9;
	v8 =	vadd.f32 v13, v15  }
0x2d: {  	s12 =	simm.s32 $0x0;
	v11 =	vadd.s32 $0x7FFF, v11;
	v9 =	vadd.s32 $0x7FFF, v10;
	v10 =	vand.u32 $0xFFFF0000, v12  }
0x2e: {  	v9 =	vand.u32 $0xFFFF0000, v9;
	[tilespmem:s13+$0x2080] =	vst v10  }
0x2f: {  	v63 =	vand.u32 $0xFFFF0000, v11;
	v7 =	vadd.f32 v7, v8;
	[tilespmem:s13+$0x2000] =	vst v9  }
0x30: {  	s14 =	sshra.s32 s14, $0x2;
	[tilespmem:s13+$0x2100] =	vst v63  }
0x31: {  	s13 =	simm.s32 $0x0;
	[tilespmem:s14+$0x4000] =	vst v7  }
.LBB2_4:
0x32: {  	s14 =	sadd.s32 s4, s13  }
0x33: {  	s15 =	sshll.u32 s14, $0x2  }
0x34: {  	s16 =	sand.u32 $0x70, s13;
	s15 =	sand.u32 $0x7FFFFE00, s15  }
0x35: {  	s15 =	sor.u32 s16, s15  }
0x36: {  	v7 =	vld [tilespmem:s15+$0x0]  }
0x37: {  	v8 =	vld [tilespmem:s15+$0x80];
	_ =	sdelay $0x1  }
0x38: {  	v9 =	vld [tilespmem:s15+$0x100]  }
0x39: {  	s18 =	sand.u32 $0xF, s13  }
0x3a: {  	s19 =	sand.u32 $0x70, s12;
	s20 =	sand.u32 $0x1E00, s12;
	v12 =	vmov s18  }
0x3b: {  	s15 =	sor.u32 s19, s20;
	v7 =	vperm.xlane v7, v12;
	v8 =	vperm.xlane v8, v12  }
0x3c: {  	v11 =	vld [tilespmem:s15+$0x2000]  }
0x3d: {  	v14 =	vld [tilespmem:s15+$0x2080];
	v13 =	vperm.xlane v9, v12;
	v9 =	vshrl.u32 v7, $0x10;
	v10 =	vshrl.u32 v8, $0x10  }
0x3e: {  	v9 =	vand.u32 $0x1, v9;
	v10 =	vand.u32 $0x1, v10  }
0x3f: {  	v15 =	vld [tilespmem:s15+$0x2100];
	v7 =	vadd.s32 v9, v7;
	v8 =	vadd.s32 v10, v8;
	v9 =	vshrl.u32 v13, $0x10  }
0x40: {  	s21 =	sand.u32 $0x7F0, s14;
	v7 =	vadd.s32 $0x7FFF, v7;
	v8 =	vadd.s32 $0x7FFF, v8;
	v16 =	vand.u32 $0x1, v9  }
0x41: {  	v17 =	vld [tilespmem:s21+$0x4000];
	v10 =	vand.u32 $0xFFFF0000, v7;
	v9 =	vand.u32 $0xFFFF0000, v8;
	v7 =	vadd.s32 v16, v13  }
0x42: {  	s22 =	simm.s32 $0x0;
	v7 =	vadd.s32 $0x7FFF, v7;
	v8 =	vmul.f32 v10, v11;
	v13 =	vmul.f32 v9, v14  }
0x43: {  	v11 =	vand.u32 $0xFFFF0000, v7;
	v7 =	vld [tilespmem:s22+$0x4000]  }
0x44: {  	v14 =	vmul.f32 v11, v15;
	v13 =	vadd.f32 v13, v8;
	_ =	sdelay $0x1  }
0x45: {  	v8 =	vperm.xlane v17, v12;
	v12 =	vadd.f32 v14, v13;
	_ =	sdelay $0x1  }
0x46: {  	s23 =	simm.s32 $0x10;
	s24 =	simm.s32 $0x40;
	v7 =	vadd.f32 v7, v8;
	v12 =	vadd.f32 v12, v12  }
0x47: {  	s17 =	sand.u32 $0x70, s23;
	s16 =	sand.u32 $0x1E00, s24  }
0x48: {  	s16 =	sor.u32 s17, s16;
	v12 =	vsub.f32 v7, v12  }
0x49: {  	v13 =	vld [tilespmem:s16+$0x2000]  }
0x4a: {  	v14 =	vld [tilespmem:s16+$0x2080];
	v7 =	vadd.f32 $1.250000000e-01, v12  }
0x4b: {  	v15 =	vld [tilespmem:s16+$0x2100]  }
0x4c: {  	v16 =	vmul.f32 $1.000000020e-33, v7  }
0x4d: {  	vm15 =	vlt.f32 v12, $0.0e+00  }
0x4e: {  	v17 =	vor.u32 s12, v1;
	v13 =	vmul.f32 v10, v13;
	v12 =	vsel vm15, v16, v12  }
0x4f: {  	s25 =	simm.s32 $0x10;
	v14 =	vmul.f32 v9, v14;
	v7 =	vmov s14;
	v16 =	vand.u32 $0xFFFFF800, v12  }
0x50: {  	v18 =	vld [tilespmem:s25+$0x4000];
	v15 =	vmul.f32 v11, v15;
	vm15 =	veq.s32 v17, v7;
	v16 =	vor.u32 v17, v16  }
0x51: {  	v13 =	vadd.f32 v14, v13;
	v12 =	vimm.f32 $3.000000010e+38;
	v19 =	vsel vm15, $0x7F61B1E6, v16  }
0x52: {  	v20 =	vmax.f32 v12, v19  }
0x53: {  	s26 =	simm.s32 $0x20;
	s28 =	simm.s32 $0x80;
	v13 =	vadd.f32 v15, v13;
	v26 =	vmax.f32 v12, v20  }
0x54: {  	s30 =	simm.s32 $0x20;
	s29 =	sand.u32 $0x70, s26;
	s14 =	sand.u32 $0x1E00, s28;
	v27 =	vmax.f32 v12, v26  }
0x55: {  	v33 =	vld [tilespmem:s30+$0x4000];
	v14 =	vadd.f32 v18, v8;
	s14 =	sor.u32 s29, s14;
	v13 =	vadd.f32 v13, v13;
	v28 =	vmax.f32 v12, v27  }
0x56: {  	v15 =	vld [tilespmem:s14+$0x2000];
	v29 =	vmax.f32 v12, v28  }
0x57: {  	v44 =	vimm.f32 $3.000000010e+38;
	v22 =	vld [tilespmem:s14+$0x2080];
	v13 =	vsub.f32 v14, v13;
	v34 =	vmax.f32 v12, v29  }
0x58: {  	v42 =	vimm.f32 $3.000000010e+38;
	v23 =	vor.u32 s23, v1;
	v36 =	vmax.f32 v12, v34  }
0x59: {  	v38 =	vor.u32 s26, v1;
	v16 =	vadd.f32 $1.250000000e-01, v13;
	v39 =	vmax.f32 v12, v36  }
0x5a: {  	v40 =	vadd.f32 v33, v8;
	v14 =	vld [tilespmem:s14+$0x2100];
	vm15 =	veq.s32 v23, v7;
	v18 =	vmax.f32 v12, v39  }
0x5b: {  	vm0 =	vlt.f32 v13, $0.0e+00;
	v24 =	vmul.f32 $1.000000020e-33, v16;
	v21 =	vmax.f32 v12, v18  }
0x5c: {  	v30 =	vmul.f32 v10, v15;
	v31 =	vmul.f32 v9, v22;
	v17 =	vmax.f32 v12, v21  }
0x5d: {  	s15 =	simm.s32 $0xC0;
	s14 =	simm.s32 $0x30;
	v22 =	vmin.f32 v12, v19;
	v13 =	vsel vm0, v24, v13;
	v16 =	vmax.f32 v12, v17  }
0x5e: {  	s18 =	sand.u32 $0x1E00, s15;
	s31 =	sand.u32 $0x70, s14;
	v19 =	vmin.f32 v12, v26;
	v13 =	vand.u32 $0xFFFFF800, v13;
	v15 =	vmax.f32 v12, v16  }
0x5f: {  	s17 =	sor.u32 s31, s18;
	v32 =	vmul.f32 v11, v14;
	v13 =	vor.u32 v23, v13;
	v14 =	vmax.f32 v12, v15  }
0x60: {  	v37 =	vld [tilespmem:s17+$0x2100];
	v35 =	vadd.f32 v31, v30;
	v23 =	vsel vm15, $0x7F61B1E6, v13;
	v24 =	vmax.f32 v12, v14  }
0x61: {  	v25 =	vmax.f32 v22, v23;
	v13 =	vmin.f32 v12, v24;
	v24 =	vmin.f32 v12, v20  }
0x62: {  	v30 =	vmin.f32 v12, v27;
	v26 =	vmin.f32 v12, v28;
	v20 =	vmax.f32 v24, v25  }
0x63: {  	v35 =	vadd.f32 v32, v35;
	v32 =	vmin.f32 v12, v29;
	v31 =	vmax.f32 v19, v20  }
0x64: {  	v28 =	vmin.f32 v12, v34;
	v34 =	vmin.f32 v12, v36;
	v27 =	vmax.f32 v30, v31  }
0x65: {  	v46 =	vld [tilespmem:s17+$0x2000];
	v43 =	vmul.f32 v11, v37;
	v41 =	vadd.f32 v35, v35;
	v33 =	vmax.f32 v26, v27  }
0x66: {  	vm15 =	veq.s32 v38, v7;
	v36 =	vmin.f32 v12, v39;
	v29 =	vmax.f32 v32, v33  }
0x67: {  	v39 =	vimm.f32 $3.000000010e+38;
	v45 =	vsub.f32 v40, v41;
	v35 =	vmax.f32 v28, v29  }
0x68: {  	s16 =	simm.s32 $0x40;
	v41 =	vimm.f32 $3.000000010e+38;
	v40 =	vimm.f32 $3.000000010e+38;
	v37 =	vmax.f32 v34, v35  }
.LBB2_5:
0x69: {  	p0 =	sne.s32 s16, $0x7F0;
	v47 =	vadd.f32 $1.250000000e-01, v45;
	v12 =	vmin.f32 v12, v18;
	v18 =	vmax.f32 v36, v37  }
0x6a: {  	v44 =	vmin.f32 v44, v21;
	v46 =	vmul.f32 v10, v46;
	v48 =	vld [tilespmem:s17+$0x2080];
	v21 =	vmax.f32 v12, v18  }
0x6b: {  	v42 =	vmin.f32 v42, v17;
	v47 =	vmul.f32 $1.000000020e-33, v47;
	v17 =	vmax.f32 v44, v21  }
0x6c: {  	vm0 =	vlt.f32 v45, $0.0e+00;
	v41 =	vmin.f32 v41, v16;
	v16 =	vmax.f32 v42, v17  }
0x6d: {  	v40 =	vmin.f32 v40, v15;
	v45 =	vsel vm0, v47, v45;
	v15 =	vmax.f32 v41, v16  }
0x6e: {  	v39 =	vmin.f32 v39, v14;
	s17 =	sshra.s32 s15, $0x2;
	v45 =	vand.u32 $0xFFFFF800, v45;
	v14 =	vmax.f32 v40, v15  }
0x6f: {  	v47 =	vmul.f32 v9, v48;
	v48 =	vld [tilespmem:s17+$0x4000];
	v38 =	vor.u32 v38, v45;
	v45 =	vmax.f32 v39, v14  }
0x70: {  	v22 =	vmin.f32 v22, v23;
	s15 =	sadd.s32 $0x40, s15;
	v23 =	vsel vm15, $0x7F61B1E6, v38;
	v13 =	vmin.f32 v13, v45  }
0x71: {  	v24 =	vmin.f32 v24, v25;
	s18 =	sand.u32 $0x1E00, s15;
	s17 =	sand.u32 $0x70, s16;
	v45 =	vadd.f32 v47, v46;
	v25 =	vmax.f32 v22, v23  }
0x72: {  	v19 =	vmin.f32 v19, v20;
	s17 =	sor.u32 s17, s18;
	v38 =	vor.u32 s14, v1;
	s14 =	smov.u32 s16;
	v20 =	vmax.f32 v24, v25  }
0x73: {  	v30 =	vmin.f32 v30, v31;
	v47 =	vld [tilespmem:s17+$0x2100];
	v43 =	vadd.f32 v43, v45;
	v31 =	vmax.f32 v19, v20  }
.Ltmp1:
0x74: {  	v26 =	vmin.f32 v26, v27;
	v45 =	vadd.f32 v48, v8;
	v27 =	vmax.f32 v30, v31;
	(pc) =	sbr.rel @p0 .LBB2_5-.Ltmp1, $4  }
0x75: {  	v32 =	vmin.f32 v32, v33;
	v46 =	vld [tilespmem:s17+$0x2000];
	v43 =	vadd.f32 v43, v43;
	v33 =	vmax.f32 v26, v27  }
0x76: {  	v28 =	vmin.f32 v28, v29;
	vm15 =	veq.s32 v38, v7;
	v29 =	vmax.f32 v32, v33  }
0x77: {  	v34 =	vmin.f32 v34, v35;
	v45 =	vsub.f32 v45, v43;
	v35 =	vmax.f32 v28, v29  }
0x78: {  	v36 =	vmin.f32 v36, v37;
	s16 =	sadd.s32 $0x10, s16;
	v43 =	vmul.f32 v11, v47;
	v37 =	vmax.f32 v34, v35  }
0x79: {  	v47 =	vadd.f32 $1.250000000e-01, v45;
	v12 =	vmin.f32 v12, v18;
	v18 =	vmax.f32 v36, v37  }
0x7a: {  	v21 =	vmin.f32 v44, v21;
	v17 =	vmin.f32 v42, v17;
	vm0 =	vlt.f32 v45, $0.0e+00  }
0x7b: {  	v16 =	vmin.f32 v41, v16;
	v15 =	vmin.f32 v40, v15;
	v22 =	vmin.f32 v22, v23  }
0x7c: {  	v11 =	vld [tilespmem:s17+$0x2080];
	v14 =	vmin.f32 v39, v14;
	v24 =	vmin.f32 v24, v25;
	v19 =	vmin.f32 v19, v20  }
0x7d: {  	v30 =	vmin.f32 v30, v31;
	v48 =	vmin.f32 v26, v27;
	v49 =	vmin.f32 v32, v33  }
0x7e: {  	v51 =	vor.u32 s14, v1;
	v28 =	vmin.f32 v28, v29;
	v34 =	vmin.f32 v34, v35  }
0x7f: {  	s15 =	sshra.s32 s15, $0x2;
	v52 =	vmin.f32 v36, v37;
	v53 =	vmax.f32 v12, v18;
	v54 =	vmul.f32 $1.000000020e-33, v47  }
0x80: {  	v10 =	vmul.f32 v10, v46;
	v58 =	vld [tilespmem:s15+$0x4000];
	v12 =	vmin.f32 v12, v18;
	v55 =	vmax.f32 v21, v53  }
0x81: {  	v21 =	vmin.f32 v21, v53;
	v57 =	vsel vm0, v54, v45;
	v9 =	vmul.f32 v9, v11  }
0x82: {  	v56 =	vmax.f32 v17, v55;
	v17 =	vmin.f32 v17, v55;
	v59 =	vand.u32 $0xFFFFF800, v57  }
0x83: {  	v60 =	vmax.f32 v16, v56;
	v38 =	vor.u32 v38, v59;
	v9 =	vadd.f32 v9, v10  }
0x84: {  	v23 =	vmax.f32 v15, v60;
	v11 =	vmin.f32 v16, v56;
	v38 =	vsel vm15, $0x7F61B1E6, v38  }
0x85: {  	v8 =	vadd.f32 v58, v8;
	v61 =	vmax.f32 v22, v38;
	v9 =	vadd.f32 v43, v9  }
0x86: {  	v62 =	vmax.f32 v14, v23;
	v14 =	vmin.f32 v14, v23;
	v63 =	vmax.f32 v24, v61  }
0x87: {  	v45 =	vmin.f32 v13, v62;
	v20 =	vmax.f32 v19, v63;
	v9 =	vadd.f32 v9, v9  }
0x88: {  	v10 =	vmin.f32 v15, v60;
	v22 =	vmin.f32 v22, v38;
	v46 =	vmax.f32 v30, v20  }
0x89: {  	v24 =	vmin.f32 v24, v61;
	v26 =	vmax.f32 v48, v46;
	v8 =	vsub.f32 v8, v9  }
0x8a: {  	v19 =	vmin.f32 v19, v63;
	v20 =	vmin.f32 v30, v20;
	v33 =	vmax.f32 v49, v26  }
0x8b: {  	v13 =	vmin.f32 v48, v46;
	v29 =	vmax.f32 v28, v33;
	v50 =	vadd.f32 $1.250000000e-01, v8  }
0x8c: {  	v26 =	vmin.f32 v49, v26;
	v62 =	vmin.f32 v28, v33;
	v35 =	vmax.f32 v34, v29  }
0x8d: {  	vm0 =	vlt.f32 v8, $0.0e+00;
	v37 =	vmax.f32 v52, v35;
	v31 =	vmul.f32 $1.000000020e-33, v50  }
0x8e: {  	v29 =	vmin.f32 v34, v29;
	v41 =	vmin.f32 v52, v35;
	v18 =	vmax.f32 v12, v37  }
0x8f: {  	v12 =	vmin.f32 v12, v37;
	v8 =	vsel vm0, v31, v8;
	vm0 =	veq.s32 v51, v7  }
0x90: {  	v7 =	vmax.f32 v21, v18;
	v18 =	vmin.f32 v21, v18;
	v8 =	vand.u32 $0xFFFFF800, v8  }
0x91: {  	v53 =	vmax.f32 v17, v7;
	v7 =	vmin.f32 v17, v7;
	v8 =	vor.u32 v51, v8  }
0x92: {  	v56 =	vmax.f32 v11, v53;
	v11 =	vmin.f32 v11, v53;
	v8 =	vsel vm0, $0x7F61B1E6, v8  }
0x93: {  	v59 =	vmax.f32 v10, v56;
	v10 =	vmin.f32 v10, v56;
	v54 =	vmax.f32 v22, v8  }
0x94: {  	v63 =	vmax.f32 v14, v59;
	v8 =	vmin.f32 v22, v8;
	v14 =	vmin.f32 v14, v59  }
0x95: {  	v55 =	vmax.f32 v24, v54;
	v9 =	vmin.f32 v45, v63;
	v42 =	vmin.f32 v24, v54  }
0x96: {  	v57 =	vmax.f32 v19, v55;
	v16 =	vmin.f32 v19, v55;
	v44 =	vmin.f32 v8, v42  }
0x97: {  	v58 =	vmax.f32 v20, v57;
	v20 =	vmin.f32 v20, v57;
	v19 =	vmin.f32 v44, v16  }
0x98: {  	v60 =	vmax.f32 v13, v58;
	v13 =	vmin.f32 v13, v58;
	v46 =	vmin.f32 v19, v20  }
0x99: {  	v61 =	vmax.f32 v26, v60;
	v47 =	vmin.f32 v26, v60;
	v15 =	vmin.f32 v46, v13  }
0x9a: {  	v33 =	vmax.f32 v62, v61;
	v23 =	vmin.f32 v62, v61;
	v15 =	vmin.f32 v15, v47  }
0x9b: {  	v40 =	vmax.f32 v29, v33;
	v48 =	vmin.f32 v29, v33;
	v15 =	vmin.f32 v15, v23  }
0x9c: {  	v43 =	vmax.f32 v41, v40;
	v50 =	vmin.f32 v41, v40;
	v15 =	vmin.f32 v15, v48  }
0x9d: {  	v45 =	vmax.f32 v12, v43;
	v12 =	vmin.f32 v12, v43;
	v15 =	vmin.f32 v15, v50  }
0x9e: {  	v21 =	vmax.f32 v18, v45;
	v18 =	vmin.f32 v18, v45;
	v15 =	vmin.f32 v15, v12  }
0x9f: {  	v49 =	vmax.f32 v7, v21;
	v21 =	vmin.f32 v7, v21;
	v7 =	vmin.f32 v15, v18  }
0xa0: {  	v51 =	vmax.f32 v11, v49;
	v11 =	vmin.f32 v11, v49;
	v7 =	vmin.f32 v7, v21  }
0xa1: {  	v52 =	vmax.f32 v10, v51;
	v10 =	vmin.f32 v10, v51;
	v7 =	vmin.f32 v7, v11  }
0xa2: {  	v53 =	vmax.f32 v14, v52;
	v14 =	vmin.f32 v14, v52;
	v7 =	vmin.f32 v7, v10  }
0xa3: {  	v9 =	vmin.f32 v9, v53;
	v7 =	vmin.f32 v7, v14  }
0xa4: {  	v7 =	vmin.f32 v7, v9  }
0xa5: {  	v54 =	vperm.xlane v7, v2;
	_ =	sdelay $0x1  }
0xa6: {  	v7 =	vmin.f32 v7, v54  }
0xa7: {  	v15 =	vperm.xlane v7, v3;
	_ =	sdelay $0x1  }
0xa8: {  	v7 =	vmin.f32 v7, v15  }
0xa9: {  	v15 =	vperm.xlane v7, v4;
	_ =	sdelay $0x1  }
0xaa: {  	v7 =	vmin.f32 v7, v15  }
0xab: {  	v15 =	vperm.xlane v7, v5;
	_ =	sdelay $0x1  }
0xac: {  	v7 =	vmin.f32 v7, v15  }
0xad: {  	vm0 =	veq.f32 v8, v7;
	vm15 =	veq.f32 v42, v7  }
0xae: {  	v55 =	vsel vm0, $0x7F61B1E6, v8;
	v22 =	vsel vm15, $0x7F61B1E6, v42;
	vm0 =	veq.f32 v16, v7  }
0xaf: {  	v16 =	vsel vm0, $0x7F61B1E6, v16;
	vm0 =	veq.f32 v20, v7;
	v8 =	vmin.f32 v55, v22  }
0xb0: {  	v20 =	vsel vm0, $0x7F61B1E6, v20;
	vm0 =	veq.f32 v13, v7;
	v8 =	vmin.f32 v8, v16  }
0xb1: {  	v13 =	vsel vm0, $0x7F61B1E6, v13;
	vm0 =	veq.f32 v47, v7;
	v8 =	vmin.f32 v8, v20  }
0xb2: {  	v19 =	vsel vm0, $0x7F61B1E6, v47;
	vm0 =	veq.f32 v23, v7;
	v8 =	vmin.f32 v8, v13  }
0xb3: {  	v23 =	vsel vm0, $0x7F61B1E6, v23;
	vm0 =	veq.f32 v48, v7;
	v8 =	vmin.f32 v8, v19  }
0xb4: {  	v17 =	vsel vm0, $0x7F61B1E6, v48;
	vm0 =	veq.f32 v50, v7;
	v8 =	vmin.f32 v8, v23  }
0xb5: {  	v56 =	vsel vm0, $0x7F61B1E6, v50;
	vm0 =	veq.f32 v12, v7;
	v8 =	vmin.f32 v8, v17  }
0xb6: {  	v12 =	vsel vm0, $0x7F61B1E6, v12;
	vm0 =	veq.f32 v18, v7;
	v8 =	vmin.f32 v8, v56  }
0xb7: {  	v18 =	vsel vm0, $0x7F61B1E6, v18;
	vm0 =	veq.f32 v21, v7;
	v8 =	vmin.f32 v8, v12  }
0xb8: {  	v21 =	vsel vm0, $0x7F61B1E6, v21;
	vm0 =	veq.f32 v11, v7;
	v8 =	vmin.f32 v8, v18  }
0xb9: {  	v11 =	vsel vm0, $0x7F61B1E6, v11;
	vm0 =	veq.f32 v10, v7;
	v8 =	vmin.f32 v8, v21  }
0xba: {  	v10 =	vsel vm0, $0x7F61B1E6, v10;
	vm0 =	veq.f32 v14, v7;
	v8 =	vmin.f32 v8, v11  }
0xbb: {  	v14 =	vsel vm0, $0x7F61B1E6, v14;
	vm0 =	veq.f32 v9, v7;
	v8 =	vmin.f32 v8, v10  }
0xbc: {  	v9 =	vsel vm0, $0x7F61B1E6, v9;
	v8 =	vmin.f32 v8, v14  }
0xbd: {  	v8 =	vmin.f32 v8, v9  }
0xbe: {  	v57 =	vperm.xlane v8, v2;
	_ =	sdelay $0x1  }
0xbf: {  	v8 =	vmin.f32 v8, v57  }
0xc0: {  	v25 =	vperm.xlane v8, v3;
	_ =	sdelay $0x1  }
0xc1: {  	v8 =	vmin.f32 v8, v25  }
0xc2: {  	v25 =	vperm.xlane v8, v4;
	_ =	sdelay $0x1  }
0xc3: {  	v8 =	vmin.f32 v8, v25  }
0xc4: {  	v25 =	vperm.xlane v8, v5;
	_ =	sdelay $0x1  }
0xc5: {  	v8 =	vmin.f32 v8, v25  }
0xc6: {  	vm0 =	veq.f32 v55, v8;
	vm15 =	veq.f32 v22, v8  }
0xc7: {  	v15 =	vsel vm0, $0x7F61B1E6, v55;
	v22 =	vsel vm15, $0x7F61B1E6, v22;
	vm0 =	veq.f32 v16, v8  }
0xc8: {  	v16 =	vsel vm0, $0x7F61B1E6, v16;
	vm0 =	veq.f32 v20, v8;
	v58 =	vmin.f32 v15, v22  }
0xc9: {  	v20 =	vsel vm0, $0x7F61B1E6, v20;
	vm0 =	veq.f32 v13, v8;
	v25 =	vmin.f32 v58, v16  }
0xca: {  	v13 =	vsel vm0, $0x7F61B1E6, v13;
	vm0 =	veq.f32 v19, v8;
	v25 =	vmin.f32 v25, v20  }
0xcb: {  	v19 =	vsel vm0, $0x7F61B1E6, v19;
	vm0 =	veq.f32 v23, v8;
	v25 =	vmin.f32 v25, v13  }
0xcc: {  	v23 =	vsel vm0, $0x7F61B1E6, v23;
	vm0 =	veq.f32 v17, v8;
	v25 =	vmin.f32 v25, v19  }
0xcd: {  	v17 =	vsel vm0, $0x7F61B1E6, v17;
	vm0 =	veq.f32 v56, v8;
	v25 =	vmin.f32 v25, v23  }
0xce: {  	v24 =	vsel vm0, $0x7F61B1E6, v56;
	vm0 =	veq.f32 v12, v8;
	v25 =	vmin.f32 v25, v17  }
0xcf: {  	v12 =	vsel vm0, $0x7F61B1E6, v12;
	vm0 =	veq.f32 v18, v8;
	v25 =	vmin.f32 v25, v24  }
0xd0: {  	v18 =	vsel vm0, $0x7F61B1E6, v18;
	vm0 =	veq.f32 v21, v8;
	v25 =	vmin.f32 v25, v12  }
0xd1: {  	v21 =	vsel vm0, $0x7F61B1E6, v21;
	vm0 =	veq.f32 v11, v8;
	v25 =	vmin.f32 v25, v18  }
0xd2: {  	v11 =	vsel vm0, $0x7F61B1E6, v11;
	vm0 =	veq.f32 v10, v8;
	v25 =	vmin.f32 v25, v21  }
0xd3: {  	v10 =	vsel vm0, $0x7F61B1E6, v10;
	vm0 =	veq.f32 v14, v8;
	v25 =	vmin.f32 v25, v11  }
0xd4: {  	v14 =	vsel vm0, $0x7F61B1E6, v14;
	vm0 =	veq.f32 v9, v8;
	v25 =	vmin.f32 v25, v10  }
0xd5: {  	v59 =	vsel vm0, $0x7F61B1E6, v9;
	v60 =	vmin.f32 v25, v14  }
0xd6: {  	v9 =	vmin.f32 v60, v59  }
0xd7: {  	v61 =	vperm.xlane v9, v2;
	_ =	sdelay $0x1  }
0xd8: {  	v9 =	vmin.f32 v9, v61  }
0xd9: {  	v25 =	vperm.xlane v9, v3;
	_ =	sdelay $0x1  }
0xda: {  	v9 =	vmin.f32 v9, v25  }
0xdb: {  	v25 =	vperm.xlane v9, v4;
	_ =	sdelay $0x1  }
0xdc: {  	v9 =	vmin.f32 v9, v25  }
0xdd: {  	v25 =	vperm.xlane v9, v5;
	_ =	sdelay $0x1  }
0xde: {  	v9 =	vmin.f32 v9, v25  }
0xdf: {  	vm0 =	veq.f32 v15, v9;
	vm15 =	veq.f32 v22, v9  }
0xe0: {  	v15 =	vsel vm0, $0x7F61B1E6, v15;
	v22 =	vsel vm15, $0x7F61B1E6, v22;
	vm0 =	veq.f32 v16, v9  }
0xe1: {  	v16 =	vsel vm0, $0x7F61B1E6, v16;
	vm0 =	veq.f32 v20, v9;
	v62 =	vmin.f32 v15, v22  }
0xe2: {  	v20 =	vsel vm0, $0x7F61B1E6, v20;
	vm0 =	veq.f32 v13, v9;
	v25 =	vmin.f32 v62, v16  }
0xe3: {  	v13 =	vsel vm0, $0x7F61B1E6, v13;
	vm0 =	veq.f32 v19, v9;
	v25 =	vmin.f32 v25, v20  }
0xe4: {  	v19 =	vsel vm0, $0x7F61B1E6, v19;
	vm0 =	veq.f32 v23, v9;
	v25 =	vmin.f32 v25, v13  }
0xe5: {  	v23 =	vsel vm0, $0x7F61B1E6, v23;
	vm0 =	veq.f32 v17, v9;
	v25 =	vmin.f32 v25, v19  }
0xe6: {  	v17 =	vsel vm0, $0x7F61B1E6, v17;
	vm0 =	veq.f32 v24, v9;
	v25 =	vmin.f32 v25, v23  }
0xe7: {  	v24 =	vsel vm0, $0x7F61B1E6, v24;
	vm0 =	veq.f32 v12, v9;
	v25 =	vmin.f32 v25, v17  }
0xe8: {  	v12 =	vsel vm0, $0x7F61B1E6, v12;
	vm0 =	veq.f32 v18, v9;
	v25 =	vmin.f32 v25, v24  }
0xe9: {  	v18 =	vsel vm0, $0x7F61B1E6, v18;
	vm0 =	veq.f32 v21, v9;
	v25 =	vmin.f32 v25, v12  }
0xea: {  	v21 =	vsel vm0, $0x7F61B1E6, v21;
	vm0 =	veq.f32 v11, v9;
	v25 =	vmin.f32 v25, v18  }
0xeb: {  	v11 =	vsel vm0, $0x7F61B1E6, v11;
	vm0 =	veq.f32 v10, v9;
	v25 =	vmin.f32 v25, v21  }
0xec: {  	v63 =	vsel vm0, $0x7F61B1E6, v10;
	vm0 =	veq.f32 v14, v9;
	v31 =	vmin.f32 v25, v11  }
0xed: {  	v14 =	vsel vm0, $0x7F61B1E6, v14;
	vm0 =	veq.f32 v59, v9;
	v10 =	vmin.f32 v31, v63  }
0xee: {  	v32 =	vsel vm0, $0x7F61B1E6, v59;
	v10 =	vmin.f32 v10, v14  }
0xef: {  	v10 =	vmin.f32 v10, v32  }
0xf0: {  	v33 =	vperm.xlane v10, v2;
	_ =	sdelay $0x1  }
0xf1: {  	v10 =	vmin.f32 v10, v33  }
0xf2: {  	v26 =	vperm.xlane v10, v3;
	_ =	sdelay $0x1  }
0xf3: {  	v10 =	vmin.f32 v10, v26  }
0xf4: {  	v26 =	vperm.xlane v10, v4;
	_ =	sdelay $0x1  }
0xf5: {  	v10 =	vmin.f32 v10, v26  }
0xf6: {  	v26 =	vperm.xlane v10, v5;
	_ =	sdelay $0x1  }
0xf7: {  	v10 =	vmin.f32 v10, v26  }
0xf8: {  	vm0 =	veq.f32 v15, v10;
	vm15 =	veq.f32 v22, v10  }
0xf9: {  	v15 =	vsel vm0, $0x7F61B1E6, v15;
	v22 =	vsel vm15, $0x7F61B1E6, v22;
	vm0 =	veq.f32 v16, v10  }
0xfa: {  	v16 =	vsel vm0, $0x7F61B1E6, v16;
	vm0 =	veq.f32 v20, v10;
	v34 =	vmin.f32 v15, v22  }
0xfb: {  	v20 =	vsel vm0, $0x7F61B1E6, v20;
	vm0 =	veq.f32 v13, v10;
	v26 =	vmin.f32 v34, v16  }
0xfc: {  	v13 =	vsel vm0, $0x7F61B1E6, v13;
	vm0 =	veq.f32 v19, v10;
	v26 =	vmin.f32 v26, v20  }
0xfd: {  	v19 =	vsel vm0, $0x7F61B1E6, v19;
	vm0 =	veq.f32 v23, v10;
	v26 =	vmin.f32 v26, v13  }
0xfe: {  	v23 =	vsel vm0, $0x7F61B1E6, v23;
	vm0 =	veq.f32 v17, v10;
	v26 =	vmin.f32 v26, v19  }
0xff: {  	v17 =	vsel vm0, $0x7F61B1E6, v17;
	vm0 =	veq.f32 v24, v10;
	v26 =	vmin.f32 v26, v23  }
0x100: {  	v24 =	vsel vm0, $0x7F61B1E6, v24;
	vm0 =	veq.f32 v12, v10;
	v26 =	vmin.f32 v26, v17  }
0x101: {  	v12 =	vsel vm0, $0x7F61B1E6, v12;
	vm0 =	veq.f32 v18, v10;
	v26 =	vmin.f32 v26, v24  }
0x102: {  	v18 =	vsel vm0, $0x7F61B1E6, v18;
	vm0 =	veq.f32 v21, v10;
	v26 =	vmin.f32 v26, v12  }
0x103: {  	v21 =	vsel vm0, $0x7F61B1E6, v21;
	vm0 =	veq.f32 v11, v10;
	v26 =	vmin.f32 v26, v18  }
0x104: {  	v35 =	vsel vm0, $0x7F61B1E6, v11;
	vm0 =	veq.f32 v63, v10;
	v36 =	vmin.f32 v26, v21  }
0x105: {  	v37 =	vsel vm0, $0x7F61B1E6, v63;
	vm0 =	veq.f32 v14, v10;
	v11 =	vmin.f32 v36, v35  }
0x106: {  	v14 =	vsel vm0, $0x7F61B1E6, v14;
	vm0 =	veq.f32 v32, v10;
	v11 =	vmin.f32 v11, v37  }
0x107: {  	v25 =	vsel vm0, $0x7F61B1E6, v32;
	v11 =	vmin.f32 v11, v14  }
0x108: {  	v11 =	vmin.f32 v11, v25  }
0x109: {  	v38 =	vperm.xlane v11, v2;
	_ =	sdelay $0x1  }
0x10a: {  	v11 =	vmin.f32 v11, v38  }
0x10b: {  	v27 =	vperm.xlane v11, v3;
	_ =	sdelay $0x1  }
0x10c: {  	v11 =	vmin.f32 v11, v27  }
0x10d: {  	v27 =	vperm.xlane v11, v4;
	_ =	sdelay $0x1  }
0x10e: {  	v11 =	vmin.f32 v11, v27  }
0x10f: {  	v27 =	vperm.xlane v11, v5;
	_ =	sdelay $0x1  }
0x110: {  	v11 =	vmin.f32 v11, v27  }
0x111: {  	vm0 =	veq.f32 v15, v11;
	vm15 =	veq.f32 v22, v11  }
0x112: {  	v15 =	vsel vm0, $0x7F61B1E6, v15;
	v22 =	vsel vm15, $0x7F61B1E6, v22;
	vm0 =	veq.f32 v16, v11  }
0x113: {  	v16 =	vsel vm0, $0x7F61B1E6, v16;
	vm0 =	veq.f32 v20, v11;
	v39 =	vmin.f32 v15, v22  }
0x114: {  	v20 =	vsel vm0, $0x7F61B1E6, v20;
	vm0 =	veq.f32 v13, v11;
	v27 =	vmin.f32 v39, v16  }
0x115: {  	v13 =	vsel vm0, $0x7F61B1E6, v13;
	vm0 =	veq.f32 v19, v11;
	v27 =	vmin.f32 v27, v20  }
0x116: {  	v19 =	vsel vm0, $0x7F61B1E6, v19;
	vm0 =	veq.f32 v23, v11;
	v27 =	vmin.f32 v27, v13  }
0x117: {  	v23 =	vsel vm0, $0x7F61B1E6, v23;
	vm0 =	veq.f32 v17, v11;
	v27 =	vmin.f32 v27, v19  }
0x118: {  	v17 =	vsel vm0, $0x7F61B1E6, v17;
	vm0 =	veq.f32 v24, v11;
	v27 =	vmin.f32 v27, v23  }
0x119: {  	v24 =	vsel vm0, $0x7F61B1E6, v24;
	vm0 =	veq.f32 v12, v11;
	v27 =	vmin.f32 v27, v17  }
0x11a: {  	v40 =	vsel vm0, $0x7F61B1E6, v12;
	vm0 =	veq.f32 v18, v11;
	v41 =	vmin.f32 v27, v24  }
0x11b: {  	v18 =	vsel vm0, $0x7F61B1E6, v18;
	vm0 =	veq.f32 v21, v11;
	v12 =	vmin.f32 v41, v40  }
0x11c: {  	v21 =	vsel vm0, $0x7F61B1E6, v21;
	vm0 =	veq.f32 v35, v11;
	v12 =	vmin.f32 v12, v18  }
0x11d: {  	v42 =	vsel vm0, $0x7F61B1E6, v35;
	vm0 =	veq.f32 v37, v11;
	v12 =	vmin.f32 v12, v21  }
0x11e: {  	v26 =	vsel vm0, $0x7F61B1E6, v37;
	vm0 =	veq.f32 v14, v11;
	v12 =	vmin.f32 v12, v42  }
0x11f: {  	v14 =	vsel vm0, $0x7F61B1E6, v14;
	vm0 =	veq.f32 v25, v11;
	v12 =	vmin.f32 v12, v26  }
0x120: {  	v25 =	vsel vm0, $0x7F61B1E6, v25;
	v12 =	vmin.f32 v12, v14  }
0x121: {  	v12 =	vmin.f32 v12, v25  }
0x122: {  	v43 =	vperm.xlane v12, v2;
	_ =	sdelay $0x1  }
0x123: {  	v12 =	vmin.f32 v12, v43  }
0x124: {  	v28 =	vperm.xlane v12, v3;
	_ =	sdelay $0x1  }
0x125: {  	v12 =	vmin.f32 v12, v28  }
0x126: {  	v28 =	vperm.xlane v12, v4;
	_ =	sdelay $0x1  }
0x127: {  	v12 =	vmin.f32 v12, v28  }
0x128: {  	v28 =	vperm.xlane v12, v5;
	_ =	sdelay $0x1  }
0x129: {  	v12 =	vmin.f32 v12, v28  }
0x12a: {  	vm0 =	veq.f32 v15, v12;
	vm15 =	veq.f32 v22, v12  }
0x12b: {  	v15 =	vsel vm0, $0x7F61B1E6, v15;
	v22 =	vsel vm15, $0x7F61B1E6, v22;
	vm0 =	veq.f32 v16, v12  }
0x12c: {  	v16 =	vsel vm0, $0x7F61B1E6, v16;
	vm0 =	veq.f32 v20, v12;
	v44 =	vmin.f32 v15, v22  }
0x12d: {  	v20 =	vsel vm0, $0x7F61B1E6, v20;
	vm0 =	veq.f32 v13, v12;
	v28 =	vmin.f32 v44, v16  }
0x12e: {  	v45 =	vsel vm0, $0x7F61B1E6, v13;
	vm0 =	veq.f32 v19, v12;
	v46 =	vmin.f32 v28, v20  }
0x12f: {  	v19 =	vsel vm0, $0x7F61B1E6, v19;
	vm0 =	veq.f32 v23, v12;
	v13 =	vmin.f32 v46, v45  }
0x130: {  	v23 =	vsel vm0, $0x7F61B1E6, v23;
	vm0 =	veq.f32 v17, v12;
	v13 =	vmin.f32 v13, v19  }
0x131: {  	v17 =	vsel vm0, $0x7F61B1E6, v17;
	vm0 =	veq.f32 v24, v12;
	v13 =	vmin.f32 v13, v23  }
0x132: {  	v24 =	vsel vm0, $0x7F61B1E6, v24;
	vm0 =	veq.f32 v40, v12;
	v13 =	vmin.f32 v13, v17  }
0x133: {  	v47 =	vsel vm0, $0x7F61B1E6, v40;
	vm0 =	veq.f32 v18, v12;
	v13 =	vmin.f32 v13, v24  }
0x134: {  	v18 =	vsel vm0, $0x7F61B1E6, v18;
	vm0 =	veq.f32 v21, v12;
	v13 =	vmin.f32 v13, v47  }
0x135: {  	v21 =	vsel vm0, $0x7F61B1E6, v21;
	vm0 =	veq.f32 v42, v12;
	v13 =	vmin.f32 v13, v18  }
0x136: {  	v27 =	vsel vm0, $0x7F61B1E6, v42;
	vm0 =	veq.f32 v26, v12;
	v13 =	vmin.f32 v13, v21  }
0x137: {  	v26 =	vsel vm0, $0x7F61B1E6, v26;
	vm0 =	veq.f32 v14, v12;
	v13 =	vmin.f32 v13, v27  }
0x138: {  	v14 =	vsel vm0, $0x7F61B1E6, v14;
	vm0 =	veq.f32 v25, v12;
	v13 =	vmin.f32 v13, v26  }
0x139: {  	v25 =	vsel vm0, $0x7F61B1E6, v25;
	v13 =	vmin.f32 v13, v14  }
0x13a: {  	v13 =	vmin.f32 v13, v25  }
0x13b: {  	v48 =	vperm.xlane v13, v2;
	_ =	sdelay $0x1  }
0x13c: {  	v13 =	vmin.f32 v13, v48  }
0x13d: {  	v29 =	vperm.xlane v13, v3;
	_ =	sdelay $0x1  }
0x13e: {  	v13 =	vmin.f32 v13, v29  }
0x13f: {  	v29 =	vperm.xlane v13, v4;
	_ =	sdelay $0x1  }
0x140: {  	v13 =	vmin.f32 v13, v29  }
0x141: {  	v29 =	vperm.xlane v13, v5;
	_ =	sdelay $0x1  }
0x142: {  	v13 =	vmin.f32 v13, v29  }
0x143: {  	vm0 =	veq.f32 v15, v13;
	vm15 =	veq.f32 v22, v13  }
0x144: {  	v15 =	vsel vm0, $0x7F61B1E6, v15;
	v22 =	vsel vm15, $0x7F61B1E6, v22;
	vm0 =	veq.f32 v16, v13  }
0x145: {  	v16 =	vsel vm0, $0x7F61B1E6, v16;
	vm0 =	veq.f32 v20, v13;
	v49 =	vmin.f32 v15, v22  }
0x146: {  	v20 =	vsel vm0, $0x7F61B1E6, v20;
	vm0 =	veq.f32 v45, v13;
	v29 =	vmin.f32 v49, v16  }
0x147: {  	v30 =	vsel vm0, $0x7F61B1E6, v45;
	vm0 =	veq.f32 v19, v13;
	v29 =	vmin.f32 v29, v20  }
0x148: {  	v19 =	vsel vm0, $0x7F61B1E6, v19;
	vm0 =	veq.f32 v23, v13;
	v29 =	vmin.f32 v29, v30  }
0x149: {  	v23 =	vsel vm0, $0x7F61B1E6, v23;
	vm0 =	veq.f32 v17, v13;
	v29 =	vmin.f32 v29, v19  }
0x14a: {  	v17 =	vsel vm0, $0x7F61B1E6, v17;
	vm0 =	veq.f32 v24, v13;
	v29 =	vmin.f32 v29, v23  }
0x14b: {  	v24 =	vsel vm0, $0x7F61B1E6, v24;
	vm0 =	veq.f32 v47, v13;
	v29 =	vmin.f32 v29, v17  }
0x14c: {  	v28 =	vsel vm0, $0x7F61B1E6, v47;
	vm0 =	veq.f32 v18, v13;
	v29 =	vmin.f32 v29, v24  }
0x14d: {  	v18 =	vsel vm0, $0x7F61B1E6, v18;
	vm0 =	veq.f32 v21, v13;
	v29 =	vmin.f32 v29, v28  }
0x14e: {  	v21 =	vsel vm0, $0x7F61B1E6, v21;
	vm0 =	veq.f32 v27, v13;
	v29 =	vmin.f32 v29, v18  }
0x14f: {  	v27 =	vsel vm0, $0x7F61B1E6, v27;
	vm0 =	veq.f32 v26, v13;
	v29 =	vmin.f32 v29, v21  }
0x150: {  	v26 =	vsel vm0, $0x7F61B1E6, v26;
	vm0 =	veq.f32 v14, v13;
	v29 =	vmin.f32 v29, v27  }
0x151: {  	v50 =	vsel vm0, $0x7F61B1E6, v14;
	vm0 =	veq.f32 v25, v13;
	v51 =	vmin.f32 v29, v26  }
0x152: {  	v25 =	vsel vm0, $0x7F61B1E6, v25;
	v14 =	vmin.f32 v51, v50  }
0x153: {  	v14 =	vmin.f32 v14, v25  }
0x154: {  	v52 =	vperm.xlane v14, v2;
	_ =	sdelay $0x1  }
0x155: {  	v14 =	vmin.f32 v14, v52  }
0x156: {  	v29 =	vperm.xlane v14, v3;
	_ =	sdelay $0x1  }
0x157: {  	v14 =	vmin.f32 v14, v29  }
0x158: {  	v29 =	vperm.xlane v14, v4;
	_ =	sdelay $0x1  }
0x159: {  	v14 =	vmin.f32 v14, v29  }
0x15a: {  	v29 =	vperm.xlane v14, v5;
	_ =	sdelay $0x1  }
0x15b: {  	v14 =	vmin.f32 v14, v29  }
0x15c: {  	vm0 =	veq.f32 v15, v14;
	vm15 =	veq.f32 v22, v14  }
0x15d: {  	v53 =	vsel vm0, $0x7F61B1E6, v15;
	v22 =	vsel vm15, $0x7F61B1E6, v22;
	vm0 =	veq.f32 v16, v14  }
0x15e: {  	v16 =	vsel vm0, $0x7F61B1E6, v16;
	vm0 =	veq.f32 v20, v14;
	v15 =	vmin.f32 v53, v22  }
0x15f: {  	v20 =	vsel vm0, $0x7F61B1E6, v20;
	vm0 =	veq.f32 v30, v14;
	v15 =	vmin.f32 v15, v16  }
0x160: {  	v30 =	vsel vm0, $0x7F61B1E6, v30;
	vm0 =	veq.f32 v19, v14;
	v15 =	vmin.f32 v15, v20  }
0x161: {  	v19 =	vsel vm0, $0x7F61B1E6, v19;
	vm0 =	veq.f32 v23, v14;
	v15 =	vmin.f32 v15, v30  }
0x162: {  	v23 =	vsel vm0, $0x7F61B1E6, v23;
	vm0 =	veq.f32 v17, v14;
	v15 =	vmin.f32 v15, v19  }
0x163: {  	v17 =	vsel vm0, $0x7F61B1E6, v17;
	vm0 =	veq.f32 v24, v14;
	v15 =	vmin.f32 v15, v23  }
0x164: {  	v24 =	vsel vm0, $0x7F61B1E6, v24;
	vm0 =	veq.f32 v28, v14;
	v15 =	vmin.f32 v15, v17  }
0x165: {  	v28 =	vsel vm0, $0x7F61B1E6, v28;
	vm0 =	veq.f32 v18, v14;
	v15 =	vmin.f32 v15, v24  }
0x166: {  	v18 =	vsel vm0, $0x7F61B1E6, v18;
	vm0 =	veq.f32 v21, v14;
	v15 =	vmin.f32 v15, v28  }
0x167: {  	v21 =	vsel vm0, $0x7F61B1E6, v21;
	vm0 =	veq.f32 v27, v14;
	v15 =	vmin.f32 v15, v18  }
0x168: {  	v27 =	vsel vm0, $0x7F61B1E6, v27;
	vm0 =	veq.f32 v26, v14;
	v15 =	vmin.f32 v15, v21  }
0x169: {  	v26 =	vsel vm0, $0x7F61B1E6, v26;
	vm0 =	veq.f32 v50, v14;
	v15 =	vmin.f32 v15, v27  }
0x16a: {  	v31 =	vsel vm0, $0x7F61B1E6, v50;
	vm0 =	veq.f32 v25, v14;
	v15 =	vmin.f32 v15, v26  }
0x16b: {  	v25 =	vsel vm0, $0x7F61B1E6, v25;
	v15 =	vmin.f32 v15, v31  }
0x16c: {  	v15 =	vmin.f32 v15, v25  }
0x16d: {  	v54 =	vperm.xlane v15, v2;
	_ =	sdelay $0x1  }
0x16e: {  	v15 =	vmin.f32 v15, v54  }
0x16f: {  	v32 =	vperm.xlane v15, v3;
	_ =	sdelay $0x1  }
0x170: {  	v15 =	vmin.f32 v15, v32  }
0x171: {  	v32 =	vperm.xlane v15, v4;
	_ =	sdelay $0x1  }
0x172: {  	v15 =	vmin.f32 v15, v32  }
0x173: {  	v32 =	vperm.xlane v15, v5;
	_ =	sdelay $0x1  }
0x174: {  	v15 =	vmin.f32 v15, v32  }
0x175: {  	vm0 =	veq.f32 v53, v15;
	vm15 =	veq.f32 v22, v15  }
0x176: {  	v29 =	vsel vm0, $0x7F61B1E6, v53;
	v22 =	vsel vm15, $0x7F61B1E6, v22;
	vm0 =	veq.f32 v16, v15  }
0x177: {  	v55 =	vsel vm0, $0x7F61B1E6, v16;
	vm0 =	veq.f32 v20, v15;
	v56 =	vmin.f32 v29, v22  }
0x178: {  	v20 =	vsel vm0, $0x7F61B1E6, v20;
	vm0 =	veq.f32 v30, v15;
	v16 =	vmin.f32 v56, v55  }
0x179: {  	v30 =	vsel vm0, $0x7F61B1E6, v30;
	vm0 =	veq.f32 v19, v15;
	v16 =	vmin.f32 v16, v20  }
0x17a: {  	v19 =	vsel vm0, $0x7F61B1E6, v19;
	vm0 =	veq.f32 v23, v15;
	v16 =	vmin.f32 v16, v30  }
0x17b: {  	v23 =	vsel vm0, $0x7F61B1E6, v23;
	vm0 =	veq.f32 v17, v15;
	v16 =	vmin.f32 v16, v19  }
0x17c: {  	v17 =	vsel vm0, $0x7F61B1E6, v17;
	vm0 =	veq.f32 v24, v15;
	v16 =	vmin.f32 v16, v23  }
0x17d: {  	v24 =	vsel vm0, $0x7F61B1E6, v24;
	vm0 =	veq.f32 v28, v15;
	v16 =	vmin.f32 v16, v17  }
0x17e: {  	v28 =	vsel vm0, $0x7F61B1E6, v28;
	vm0 =	veq.f32 v18, v15;
	v16 =	vmin.f32 v16, v24  }
0x17f: {  	v18 =	vsel vm0, $0x7F61B1E6, v18;
	vm0 =	veq.f32 v21, v15;
	v16 =	vmin.f32 v16, v28  }
0x180: {  	v21 =	vsel vm0, $0x7F61B1E6, v21;
	vm0 =	veq.f32 v27, v15;
	v16 =	vmin.f32 v16, v18  }
0x181: {  	v27 =	vsel vm0, $0x7F61B1E6, v27;
	vm0 =	veq.f32 v26, v15;
	v16 =	vmin.f32 v16, v21  }
0x182: {  	v26 =	vsel vm0, $0x7F61B1E6, v26;
	vm0 =	veq.f32 v31, v15;
	v16 =	vmin.f32 v16, v27  }
0x183: {  	v31 =	vsel vm0, $0x7F61B1E6, v31;
	vm0 =	veq.f32 v25, v15;
	v16 =	vmin.f32 v16, v26  }
0x184: {  	v25 =	vsel vm0, $0x7F61B1E6, v25;
	v16 =	vmin.f32 v16, v31  }
0x185: {  	v16 =	vmin.f32 v16, v25  }
0x186: {  	v57 =	vperm.xlane v16, v2;
	_ =	sdelay $0x1  }
0x187: {  	v16 =	vmin.f32 v16, v57  }
0x188: {  	v33 =	vperm.xlane v16, v3;
	_ =	sdelay $0x1  }
0x189: {  	v16 =	vmin.f32 v16, v33  }
0x18a: {  	v33 =	vperm.xlane v16, v4;
	_ =	sdelay $0x1  }
0x18b: {  	v16 =	vmin.f32 v16, v33  }
0x18c: {  	v33 =	vperm.xlane v16, v5;
	_ =	sdelay $0x1  }
0x18d: {  	v16 =	vmin.f32 v16, v33  }
0x18e: {  	vm0 =	veq.f32 v29, v16;
	vm15 =	veq.f32 v22, v16  }
0x18f: {  	v29 =	vsel vm0, $0x7F61B1E6, v29;
	v22 =	vsel vm15, $0x7F61B1E6, v22;
	vm0 =	veq.f32 v55, v16  }
0x190: {  	v32 =	vsel vm0, $0x7F61B1E6, v55;
	vm0 =	veq.f32 v20, v16;
	v58 =	vmin.f32 v29, v22  }
0x191: {  	v20 =	vsel vm0, $0x7F61B1E6, v20;
	vm0 =	veq.f32 v30, v16;
	v33 =	vmin.f32 v58, v32  }
0x192: {  	v30 =	vsel vm0, $0x7F61B1E6, v30;
	vm0 =	veq.f32 v19, v16;
	v33 =	vmin.f32 v33, v20  }
0x193: {  	v19 =	vsel vm0, $0x7F61B1E6, v19;
	vm0 =	veq.f32 v23, v16;
	v33 =	vmin.f32 v33, v30  }
0x194: {  	v23 =	vsel vm0, $0x7F61B1E6, v23;
	vm0 =	veq.f32 v17, v16;
	v33 =	vmin.f32 v33, v19  }
0x195: {  	v59 =	vsel vm0, $0x7F61B1E6, v17;
	vm0 =	veq.f32 v24, v16;
	v60 =	vmin.f32 v33, v23  }
0x196: {  	v24 =	vsel vm0, $0x7F61B1E6, v24;
	vm0 =	veq.f32 v28, v16;
	v17 =	vmin.f32 v60, v59  }
0x197: {  	v28 =	vsel vm0, $0x7F61B1E6, v28;
	vm0 =	veq.f32 v18, v16;
	v17 =	vmin.f32 v17, v24  }
0x198: {  	v18 =	vsel vm0, $0x7F61B1E6, v18;
	vm0 =	veq.f32 v21, v16;
	v17 =	vmin.f32 v17, v28  }
0x199: {  	v21 =	vsel vm0, $0x7F61B1E6, v21;
	vm0 =	veq.f32 v27, v16;
	v17 =	vmin.f32 v17, v18  }
0x19a: {  	v27 =	vsel vm0, $0x7F61B1E6, v27;
	vm0 =	veq.f32 v26, v16;
	v17 =	vmin.f32 v17, v21  }
0x19b: {  	v26 =	vsel vm0, $0x7F61B1E6, v26;
	vm0 =	veq.f32 v31, v16;
	v17 =	vmin.f32 v17, v27  }
0x19c: {  	v31 =	vsel vm0, $0x7F61B1E6, v31;
	vm0 =	veq.f32 v25, v16;
	v17 =	vmin.f32 v17, v26  }
0x19d: {  	v25 =	vsel vm0, $0x7F61B1E6, v25;
	v17 =	vmin.f32 v17, v31  }
0x19e: {  	v17 =	vmin.f32 v17, v25  }
0x19f: {  	v61 =	vperm.xlane v17, v2;
	_ =	sdelay $0x1  }
0x1a0: {  	v17 =	vmin.f32 v17, v61  }
0x1a1: {  	v33 =	vperm.xlane v17, v3;
	_ =	sdelay $0x1  }
0x1a2: {  	v17 =	vmin.f32 v17, v33  }
0x1a3: {  	v33 =	vperm.xlane v17, v4;
	_ =	sdelay $0x1  }
0x1a4: {  	v17 =	vmin.f32 v17, v33  }
0x1a5: {  	v33 =	vperm.xlane v17, v5;
	_ =	sdelay $0x1  }
0x1a6: {  	v17 =	vmin.f32 v17, v33  }
0x1a7: {  	vm0 =	veq.f32 v29, v17;
	vm15 =	veq.f32 v22, v17  }
0x1a8: {  	v29 =	vsel vm0, $0x7F61B1E6, v29;
	v22 =	vsel vm15, $0x7F61B1E6, v22;
	vm0 =	veq.f32 v32, v17  }
0x1a9: {  	v32 =	vsel vm0, $0x7F61B1E6, v32;
	vm0 =	veq.f32 v20, v17;
	v62 =	vmin.f32 v29, v22  }
0x1aa: {  	v20 =	vsel vm0, $0x7F61B1E6, v20;
	vm0 =	veq.f32 v30, v17;
	v33 =	vmin.f32 v62, v32  }
0x1ab: {  	v30 =	vsel vm0, $0x7F61B1E6, v30;
	vm0 =	veq.f32 v19, v17;
	v33 =	vmin.f32 v33, v20  }
0x1ac: {  	v19 =	vsel vm0, $0x7F61B1E6, v19;
	vm0 =	veq.f32 v23, v17;
	v33 =	vmin.f32 v33, v30  }
0x1ad: {  	v23 =	vsel vm0, $0x7F61B1E6, v23;
	vm0 =	veq.f32 v59, v17;
	v33 =	vmin.f32 v33, v19  }
0x1ae: {  	v34 =	vsel vm0, $0x7F61B1E6, v59;
	vm0 =	veq.f32 v24, v17;
	v33 =	vmin.f32 v33, v23  }
0x1af: {  	v24 =	vsel vm0, $0x7F61B1E6, v24;
	vm0 =	veq.f32 v28, v17;
	v33 =	vmin.f32 v33, v34  }
0x1b0: {  	v28 =	vsel vm0, $0x7F61B1E6, v28;
	vm0 =	veq.f32 v18, v17;
	v33 =	vmin.f32 v33, v24  }
0x1b1: {  	v63 =	vsel vm0, $0x7F61B1E6, v18;
	vm0 =	veq.f32 v21, v17;
	v40 =	vmin.f32 v33, v28  }
0x1b2: {  	v21 =	vsel vm0, $0x7F61B1E6, v21;
	vm0 =	veq.f32 v27, v17;
	v18 =	vmin.f32 v40, v63  }
0x1b3: {  	v27 =	vsel vm0, $0x7F61B1E6, v27;
	vm0 =	veq.f32 v26, v17;
	v18 =	vmin.f32 v18, v21  }
0x1b4: {  	v26 =	vsel vm0, $0x7F61B1E6, v26;
	vm0 =	veq.f32 v31, v17;
	v18 =	vmin.f32 v18, v27  }
0x1b5: {  	v31 =	vsel vm0, $0x7F61B1E6, v31;
	vm0 =	veq.f32 v25, v17;
	v18 =	vmin.f32 v18, v26  }
0x1b6: {  	v25 =	vsel vm0, $0x7F61B1E6, v25;
	v18 =	vmin.f32 v18, v31  }
0x1b7: {  	v18 =	vmin.f32 v18, v25  }
0x1b8: {  	v41 =	vperm.xlane v18, v2;
	_ =	sdelay $0x1  }
0x1b9: {  	v18 =	vmin.f32 v18, v41  }
0x1ba: {  	v33 =	vperm.xlane v18, v3;
	_ =	sdelay $0x1  }
0x1bb: {  	v18 =	vmin.f32 v18, v33  }
0x1bc: {  	v33 =	vperm.xlane v18, v4;
	_ =	sdelay $0x1  }
0x1bd: {  	v18 =	vmin.f32 v18, v33  }
0x1be: {  	v33 =	vperm.xlane v18, v5;
	_ =	sdelay $0x1  }
0x1bf: {  	v18 =	vmin.f32 v18, v33  }
0x1c0: {  	vm0 =	veq.f32 v29, v18;
	vm15 =	veq.f32 v22, v18  }
0x1c1: {  	v29 =	vsel vm0, $0x7F61B1E6, v29;
	v22 =	vsel vm15, $0x7F61B1E6, v22;
	vm0 =	veq.f32 v32, v18  }
0x1c2: {  	v32 =	vsel vm0, $0x7F61B1E6, v32;
	vm0 =	veq.f32 v20, v18;
	v42 =	vmin.f32 v29, v22  }
0x1c3: {  	v20 =	vsel vm0, $0x7F61B1E6, v20;
	vm0 =	veq.f32 v30, v18;
	v33 =	vmin.f32 v42, v32  }
0x1c4: {  	v30 =	vsel vm0, $0x7F61B1E6, v30;
	vm0 =	veq.f32 v19, v18;
	v33 =	vmin.f32 v33, v20  }
0x1c5: {  	v43 =	vsel vm0, $0x7F61B1E6, v19;
	vm0 =	veq.f32 v23, v18;
	v44 =	vmin.f32 v33, v30  }
0x1c6: {  	v23 =	vsel vm0, $0x7F61B1E6, v23;
	vm0 =	veq.f32 v34, v18;
	v19 =	vmin.f32 v44, v43  }
0x1c7: {  	v45 =	vsel vm0, $0x7F61B1E6, v34;
	vm0 =	veq.f32 v24, v18;
	v19 =	vmin.f32 v19, v23  }
0x1c8: {  	v24 =	vsel vm0, $0x7F61B1E6, v24;
	vm0 =	veq.f32 v28, v18;
	v19 =	vmin.f32 v19, v45  }
0x1c9: {  	v28 =	vsel vm0, $0x7F61B1E6, v28;
	vm0 =	veq.f32 v63, v18;
	v19 =	vmin.f32 v19, v24  }
0x1ca: {  	v46 =	vsel vm0, $0x7F61B1E6, v63;
	vm0 =	veq.f32 v21, v18;
	v19 =	vmin.f32 v19, v28  }
0x1cb: {  	v21 =	vsel vm0, $0x7F61B1E6, v21;
	vm0 =	veq.f32 v27, v18;
	v19 =	vmin.f32 v19, v46  }
0x1cc: {  	v27 =	vsel vm0, $0x7F61B1E6, v27;
	vm0 =	veq.f32 v26, v18;
	v19 =	vmin.f32 v19, v21  }
0x1cd: {  	v26 =	vsel vm0, $0x7F61B1E6, v26;
	vm0 =	veq.f32 v31, v18;
	v19 =	vmin.f32 v19, v27  }
0x1ce: {  	v31 =	vsel vm0, $0x7F61B1E6, v31;
	vm0 =	veq.f32 v25, v18;
	v19 =	vmin.f32 v19, v26  }
0x1cf: {  	v25 =	vsel vm0, $0x7F61B1E6, v25;
	v19 =	vmin.f32 v19, v31  }
0x1d0: {  	v19 =	vmin.f32 v19, v25  }
0x1d1: {  	v47 =	vperm.xlane v19, v2;
	_ =	sdelay $0x1  }
0x1d2: {  	v19 =	vmin.f32 v19, v47  }
0x1d3: {  	v35 =	vperm.xlane v19, v3;
	_ =	sdelay $0x1  }
0x1d4: {  	v19 =	vmin.f32 v19, v35  }
0x1d5: {  	v35 =	vperm.xlane v19, v4;
	_ =	sdelay $0x1  }
0x1d6: {  	v19 =	vmin.f32 v19, v35  }
0x1d7: {  	v35 =	vperm.xlane v19, v5;
	_ =	sdelay $0x1  }
0x1d8: {  	v19 =	vmin.f32 v19, v35  }
0x1d9: {  	vm0 =	veq.f32 v29, v19;
	vm15 =	veq.f32 v22, v19  }
0x1da: {  	v29 =	vsel vm0, $0x7F61B1E6, v29;
	v22 =	vsel vm15, $0x7F61B1E6, v22;
	vm0 =	veq.f32 v32, v19  }
0x1db: {  	v32 =	vsel vm0, $0x7F61B1E6, v32;
	vm0 =	veq.f32 v20, v19;
	v48 =	vmin.f32 v29, v22  }
0x1dc: {  	v20 =	vsel vm0, $0x7F61B1E6, v20;
	vm0 =	veq.f32 v30, v19;
	v35 =	vmin.f32 v48, v32  }
0x1dd: {  	v30 =	vsel vm0, $0x7F61B1E6, v30;
	vm0 =	veq.f32 v43, v19;
	v35 =	vmin.f32 v35, v20  }
0x1de: {  	v36 =	vsel vm0, $0x7F61B1E6, v43;
	vm0 =	veq.f32 v23, v19;
	v35 =	vmin.f32 v35, v30  }
0x1df: {  	v23 =	vsel vm0, $0x7F61B1E6, v23;
	vm0 =	veq.f32 v45, v19;
	v35 =	vmin.f32 v35, v36  }
0x1e0: {  	v33 =	vsel vm0, $0x7F61B1E6, v45;
	vm0 =	veq.f32 v24, v19;
	v35 =	vmin.f32 v35, v23  }
0x1e1: {  	v24 =	vsel vm0, $0x7F61B1E6, v24;
	vm0 =	veq.f32 v28, v19;
	v35 =	vmin.f32 v35, v33  }
0x1e2: {  	v28 =	vsel vm0, $0x7F61B1E6, v28;
	vm0 =	veq.f32 v46, v19;
	v35 =	vmin.f32 v35, v24  }
0x1e3: {  	v34 =	vsel vm0, $0x7F61B1E6, v46;
	vm0 =	veq.f32 v21, v19;
	v35 =	vmin.f32 v35, v28  }
0x1e4: {  	v21 =	vsel vm0, $0x7F61B1E6, v21;
	vm0 =	veq.f32 v27, v19;
	v35 =	vmin.f32 v35, v34  }
0x1e5: {  	v27 =	vsel vm0, $0x7F61B1E6, v27;
	vm0 =	veq.f32 v26, v19;
	v35 =	vmin.f32 v35, v21  }
0x1e6: {  	v26 =	vsel vm0, $0x7F61B1E6, v26;
	vm0 =	veq.f32 v31, v19;
	v35 =	vmin.f32 v35, v27  }
0x1e7: {  	v31 =	vsel vm0, $0x7F61B1E6, v31;
	vm0 =	veq.f32 v25, v19;
	v35 =	vmin.f32 v35, v26  }
0x1e8: {  	v25 =	vsel vm0, $0x7F61B1E6, v25;
	v35 =	vmin.f32 v35, v31  }
0x1e9: {  	v35 =	vmin.f32 v35, v25  }
0x1ea: {  	v49 =	vperm.xlane v35, v2;
	_ =	sdelay $0x1  }
0x1eb: {  	v35 =	vmin.f32 v35, v49  }
0x1ec: {  	v37 =	vperm.xlane v35, v3;
	_ =	sdelay $0x1  }
0x1ed: {  	v35 =	vmin.f32 v35, v37  }
0x1ee: {  	v37 =	vperm.xlane v35, v4;
	_ =	sdelay $0x1  }
0x1ef: {  	v35 =	vmin.f32 v35, v37  }
0x1f0: {  	v37 =	vperm.xlane v35, v5;
	_ =	sdelay $0x1  }
0x1f1: {  	v35 =	vmin.f32 v35, v37  }
0x1f2: {  	vm0 =	veq.f32 v29, v35;
	vm15 =	veq.f32 v22, v35  }
0x1f3: {  	v29 =	vsel vm0, $0x7F61B1E6, v29;
	v22 =	vsel vm15, $0x7F61B1E6, v22;
	vm0 =	veq.f32 v32, v35  }
0x1f4: {  	v32 =	vsel vm0, $0x7F61B1E6, v32;
	vm0 =	veq.f32 v20, v35;
	v50 =	vmin.f32 v29, v22  }
0x1f5: {  	v20 =	vsel vm0, $0x7F61B1E6, v20;
	vm0 =	veq.f32 v30, v35;
	v37 =	vmin.f32 v50, v32  }
0x1f6: {  	v30 =	vsel vm0, $0x7F61B1E6, v30;
	vm0 =	veq.f32 v36, v35;
	v37 =	vmin.f32 v37, v20  }
0x1f7: {  	v36 =	vsel vm0, $0x7F61B1E6, v36;
	vm0 =	veq.f32 v23, v35;
	v37 =	vmin.f32 v37, v30  }
0x1f8: {  	v23 =	vsel vm0, $0x7F61B1E6, v23;
	vm0 =	veq.f32 v33, v35;
	v37 =	vmin.f32 v37, v36  }
0x1f9: {  	v33 =	vsel vm0, $0x7F61B1E6, v33;
	vm0 =	veq.f32 v24, v35;
	v37 =	vmin.f32 v37, v23  }
0x1fa: {  	v24 =	vsel vm0, $0x7F61B1E6, v24;
	vm0 =	veq.f32 v28, v35;
	v37 =	vmin.f32 v37, v33  }
0x1fb: {  	v28 =	vsel vm0, $0x7F61B1E6, v28;
	vm0 =	veq.f32 v34, v35;
	v37 =	vmin.f32 v37, v24  }
0x1fc: {  	v34 =	vsel vm0, $0x7F61B1E6, v34;
	vm0 =	veq.f32 v21, v35;
	v37 =	vmin.f32 v37, v28  }
0x1fd: {  	v21 =	vsel vm0, $0x7F61B1E6, v21;
	vm0 =	veq.f32 v27, v35;
	v37 =	vmin.f32 v37, v34  }
0x1fe: {  	v27 =	vsel vm0, $0x7F61B1E6, v27;
	vm0 =	veq.f32 v26, v35;
	v37 =	vmin.f32 v37, v21  }
0x1ff: {  	v26 =	vsel vm0, $0x7F61B1E6, v26;
	vm0 =	veq.f32 v31, v35;
	v37 =	vmin.f32 v37, v27  }
0x200: {  	v31 =	vsel vm0, $0x7F61B1E6, v31;
	vm0 =	veq.f32 v25, v35;
	v37 =	vmin.f32 v37, v26  }
0x201: {  	v25 =	vsel vm0, $0x7F61B1E6, v25;
	v37 =	vmin.f32 v37, v31  }
0x202: {  	v37 =	vmin.f32 v37, v25  }
0x203: {  	v51 =	vperm.xlane v37, v2;
	_ =	sdelay $0x1  }
0x204: {  	v37 =	vmin.f32 v37, v51  }
0x205: {  	v38 =	vperm.xlane v37, v3;
	_ =	sdelay $0x1  }
0x206: {  	v37 =	vmin.f32 v37, v38  }
0x207: {  	v38 =	vperm.xlane v37, v4;
	_ =	sdelay $0x1  }
0x208: {  	v37 =	vmin.f32 v37, v38  }
0x209: {  	v61 =	vld [tilespmem:$0x1FFF0];
	v38 =	vperm.xlane v37, v5;
	_ =	sdelay $0x1  }
0x20a: {  	v37 =	vmin.f32 v37, v38  }
0x20b: {  	vm0 =	veq.f32 v29, v37  }
0x20c: {  	vm15 =	veq.f32 v22, v37;
	v29 =	vsel vm0, $0x7F61B1E6, v29  }
0x20d: {  	v22 =	vsel vm15, $0x7F61B1E6, v22;
	vm0 =	veq.f32 v32, v37;
	vm15 =	vnez.u8 v61  }
0x20e: {  	v32 =	vsel vm0, $0x7F61B1E6, v32;
	vm0 =	veq.f32 v20, v37;
	v22 =	vmin.f32 v29, v22  }
0x20f: {  	v20 =	vsel vm0, $0x7F61B1E6, v20;
	vm0 =	veq.f32 v30, v37;
	v22 =	vmin.f32 v22, v32  }
0x210: {  	v52 =	vsel vm0, $0x7F61B1E6, v30;
	vm0 =	veq.f32 v36, v37;
	v20 =	vmin.f32 v22, v20  }
0x211: {  	v53 =	vsel vm0, $0x7F61B1E6, v36;
	vm0 =	veq.f32 v23, v37;
	v20 =	vmin.f32 v20, v52  }
0x212: {  	v23 =	vsel vm0, $0x7F61B1E6, v23;
	vm0 =	veq.f32 v33, v37;
	v20 =	vmin.f32 v20, v53  }
0x213: {  	v54 =	vsel vm0, $0x7F61B1E6, v33;
	vm0 =	veq.f32 v24, v37;
	v20 =	vmin.f32 v20, v23  }
0x214: {  	v55 =	vsel vm0, $0x7F61B1E6, v24;
	vm0 =	veq.f32 v28, v37;
	v20 =	vmin.f32 v20, v54  }
0x215: {  	v56 =	vsel vm0, $0x7F61B1E6, v28;
	vm0 =	veq.f32 v34, v37;
	v20 =	vmin.f32 v20, v55  }
0x216: {  	v57 =	vsel vm0, $0x7F61B1E6, v34;
	vm0 =	veq.f32 v21, v37;
	v20 =	vmin.f32 v20, v56  }
0x217: {  	v21 =	vsel vm0, $0x7F61B1E6, v21;
	vm0 =	veq.f32 v27, v37;
	v20 =	vmin.f32 v20, v57  }
0x218: {  	v58 =	vsel vm0, $0x7F61B1E6, v27;
	vm0 =	veq.f32 v26, v37;
	v20 =	vmin.f32 v20, v21  }
0x219: {  	v59 =	vsel vm0, $0x7F61B1E6, v26;
	vm0 =	veq.f32 v31, v37;
	v20 =	vmin.f32 v20, v58  }
0x21a: {  	v60 =	vsel vm0, $0x7F61B1E6, v31;
	vm0 =	veq.f32 v25, v37;
	v20 =	vmin.f32 v20, v59  }
0x21b: {  	v7 =	vsel vm15, v7, v8;
	v8 =	vsel vm0, $0x7F61B1E6, v25;
	v20 =	vmin.f32 v20, v60  }
0x21c: {  	v7 =	vsel vm1, v7, v9;
	v8 =	vmin.f32 v20, v8  }
0x21d: {  	v7 =	vsel vm2, v7, v10;
	v62 =	vperm.xlane v8, v2  }
0x21e: {  	v7 =	vsel vm3, v7, v11  }
0x21f: {  	v7 =	vsel vm4, v7, v12;
	v8 =	vmin.f32 v8, v62  }
0x220: {  	v7 =	vsel vm5, v7, v13;
	v9 =	vperm.xlane v8, v3  }
0x221: {  	v7 =	vsel vm6, v7, v14  }
0x222: {  	v7 =	vsel vm7, v7, v15;
	v8 =	vmin.f32 v8, v9  }
0x223: {  	v7 =	vsel vm8, v7, v16;
	v9 =	vperm.xlane v8, v4  }
0x224: {  	v7 =	vsel vm9, v7, v17  }
0x225: {  	v7 =	vsel vm10, v7, v18;
	v8 =	vmin.f32 v8, v9  }
0x226: {  	v7 =	vsel vm11, v7, v19;
	v9 =	vperm.xlane v8, v5  }
0x227: {  	v7 =	vsel vm12, v7, v35  }
0x228: {  	v7 =	vsel vm13, v7, v37;
	v8 =	vmin.f32 v8, v9  }
0x229: {  	v7 =	vsel vm14, v7, v8  }
0x22a: {  	s31 =	sshll.u32 s13, $0x4;
	s13 =	sadd.s32 $0x1, s13;
	v8 =	vand.u32 $0xFFFFF800, v7  }
0x22b: {  	p0 =	sne.s32 s13, $0x80;
	v63 =	vmul.f32 v8, v6  }
.Ltmp2:
0x22c: {  	v7 =	vand.u32 $0x7FF, v7;
	(pc) =	sbr.rel @p0 .LBB2_4-.Ltmp2, $4  }
0x22d: {  	vm0 =	vgt.f32 v8, $0.0e+00;
	vm15 =	vlt.f32 v8, $1.000000000e-30;
	v9 =	vadd.f32 $-1.250000000e-01, v63  }
0x22e: {  	v7 =	vor.u32 v0, v7;
	vm0 =	vmand vm0, vm15  }
0x22f: {  	[tilespmem:s31+$0x5000] =	vst v7;
	v8 =	vsel vm0, v9, v8  }
0x230: {  	[tilespmem:s31+$0x4800] =	vst v8  }
0x231: {  	[hbm4b:s5+s1] =	stream.linear.scatter [tilespmem:s9], [sflag:$0x1], $0x800, $0x38;
	[tilespmem:$0x5800] =	vst v63  }
0x232: {  	s11 =	sadd.s32 $0x1, s11;
	_ =	swait.ge [sflag:s8], $0x800  }
0x233: {  	p0 =	sne.s32 s11, s7;
	[sflag:s8] =	ssyncset.done $0x0  }
.Ltmp3:
0x234: {  	[sflag:s8] =	ssyncadd.s32 $0xFFFFF800;
	(pc) =	sbr.rel @p0 .LBB2_1-.Ltmp3, $4  }
0x235: {  	[hbm4b:s6+s1] =	stream.linear.scatter [tilespmem:s10], [sflag:$0x1], $0x800, $0x38;
	[tilespmem:$0x5800] =	vst v63  }
0x236: {  	_ =	swait.ge [sflag:s8], $0x800  }
0x237: {  	[sflag:s8] =	ssyncset.done $0x0  }
0x238: {  	[sflag:s8] =	ssyncadd.s32 $0xFFFFF800  }
0x239: {  	_ =	sfence.sel $0x180000  }
0x23a: {  	[bflag:$0x0] =	sbarrier.arrive $0xFFFF  }
0x23b: {  	p0 =	sne.s32 s2, $0x0;
	_ =	strace $0x90000047  }
0x23c: {  	s0 =	sadd.s32 @!p0 $0x100000, s0;
	[bflag:$0x2] =	sbarrier.arrive $0xFFFF  }
0x23d: {  	[sflag:s0] =	ssyncadd.tile.s32 @!p0 $0x1;
	_ =	shalt  }
.Lfunc_end2:
_tile_overlayer_lowered:
.L_overlay_start_2:
0x23e: {  	(tag) =	ssettag $0x2  }
0x23f: {  	s0 =	rddreg [dreg:$0x0];
	s2 =	stileid.u32  }
0x240: {  	s1 =	rddreg [dreg:$0x1];
	p0 =	sne.s32 s2, $0x0  }
0x241: {  	s3 =	rddreg [dreg:$0x2];
	[bflag:$0x3] =	sbarrier.arrive $0xFFFF;
	s2 =	simm.s32 @!p0 $0x1C01  }
0x242: {  	[timem:s3], [sflag:s2] =	dma.local @!p0 [hbm:s0], s1  }
0x243: {  	s0 =	simm.s32 @!p0 $0x1  }
0x244: {  	_ =	swait.ge @!p0 [sflag:s0], s1  }
0x245: {  	s1 =	ssub.s32 @!p0 $0x0, s1;
	[sflag:s0] =	ssyncset.done @!p0 $0x0  }
0x246: {  	[sflag:s0] =	ssyncadd.s32 @!p0 s1  }
0x247: {  	[bflag:$0x3] =	sbarrier.arrive $0xFFFF  }
0x248: {  	_ =	shalt  }

</sc_bundles>
